<compile_context>
chip_gen: v7x
topology: tpu7x:2x2x1
jax: 0.10.2.dev20260603
libtpu: 0.0.44.dev20260713+nightly
codegen_flags: <defaults>
</compile_context>

<pallas_src>
import jax
import jax.numpy as jnp
from jax import lax
from jax.experimental import pallas as pl
from jax.experimental.pallas import tpu as pltpu
from jax.experimental.pallas import tpu_sc as plsc

N = 10000
E = 320000
EA = 192000
EB = E - EA
ND = 128
DE = 16

NC = 2
NS = 16
NW = NC * NS
CH = E // NW
GC = 200
DC = 160
ZR = 4
TOT = NS * ZR * DC
WCH = 624
NEG = -1e30

BA = 1000
BE = 2048
BN = 1000


def _ln_relu(h, g, b):
    mu = jnp.mean(h, axis=-1, keepdims=True)
    d = h - mu
    var = jnp.mean(d * d, axis=-1, keepdims=True)
    return jnp.maximum(d * lax.rsqrt(var + 1e-5) * g + b, 0.0)



def _prep_body(x_ref, wa_ref, wb_ref, ab_ref, ws_ref, bs_ref, gs_ref, bes_ref,
               xn_ref, pc_ref, pr_ref, s_ref):
    xn = x_ref[:, :ND]
    xn_ref[...] = xn
    pc_ref[...] = jnp.dot(xn, wa_ref[...], preferred_element_type=jnp.float32) + ab_ref[0]
    pr_ref[...] = jnp.dot(xn, wb_ref[...], preferred_element_type=jnp.float32)
    h = jnp.dot(xn, ws_ref[...], preferred_element_type=jnp.float32) + bs_ref[...]
    s_ref[...] = _ln_relu(h, gs_ref[...], bes_ref[...])


_prep = pl.pallas_call(
    _prep_body,
    grid=(N // BA,),
    in_specs=[
        pl.BlockSpec((BA, ND + DE), lambda i: (i, 0)),
        pl.BlockSpec((ND, 1), lambda i: (0, 0)),
        pl.BlockSpec((ND, 1), lambda i: (0, 0)),
        pl.BlockSpec(memory_space=pltpu.SMEM),
        pl.BlockSpec((ND, ND), lambda i: (0, 0)),
        pl.BlockSpec((1, ND), lambda i: (0, 0)),
        pl.BlockSpec((1, ND), lambda i: (0, 0)),
        pl.BlockSpec((1, ND), lambda i: (0, 0)),
    ],
    out_specs=[
        pl.BlockSpec((BA, ND), lambda i: (i, 0)),
        pl.BlockSpec((BA, 1), lambda i: (i, 0)),
        pl.BlockSpec((BA, 1), lambda i: (i, 0)),
        pl.BlockSpec((BA, ND), lambda i: (i, 0)),
    ],
    out_shape=[
        jax.ShapeDtypeStruct((N, ND), jnp.float32),
        jax.ShapeDtypeStruct((N, 1), jnp.float32),
        jax.ShapeDtypeStruct((N, 1), jnp.float32),
        jax.ShapeDtypeStruct((N, ND), jnp.float32),
    ],
)



def _logits_body(row_hbm, col_hbm, pc_hbm, pr_hbm,
                 l1_out, l2_out, idx_out, stats_out,
                 pc_v, pr_v, r_v, c_v, l1_v, l2_v, idx_v, stat_v):
    wid = lax.axis_index("s") * NC + lax.axis_index("c")
    base = wid * CH
    pltpu.sync_copy(pc_hbm, pc_v)
    pltpu.sync_copy(pr_hbm, pr_v)
    pltpu.sync_copy(row_hbm.at[pl.ds(base, CH)], r_v)
    pltpu.sync_copy(col_hbm.at[pl.ds(base, CH)], c_v)

    negv = jnp.full((16,), NEG, jnp.float32)

    def body(i, carry):
        m1v, m2v = carry
        for k in range(4):
            o = pl.multiple_of(i * 64 + k * 16, 16)
            r = r_v[pl.ds(o, 16)]
            c = c_v[pl.ds(o, 16)]
            lc = plsc.load_gather(pc_v, [c])
            lr = plsc.load_gather(pr_v, [r])
            s = lc + lr
            l = jnp.where(s >= 0.0, s, s * 0.01)
            m1 = r < c
            m2 = r > c
            l1 = jnp.where(m1, l, NEG)
            l2 = jnp.where(m2, l, NEG)
            l1_v[pl.ds(o, 16)] = l1
            l2_v[pl.ds(o, 16)] = l2
            idx_v[pl.ds(o, 16)] = jnp.where(m1, r + N, jnp.where(m2, r, 2 * N))
            m1v = jnp.maximum(m1v, l1)
            m2v = jnp.maximum(m2v, l2)
        return (m1v, m2v)

    m1v, m2v = lax.fori_loop(0, CH // 64, body, (negv, negv))
    m1w = jnp.max(m1v)
    m2w = jnp.max(m2v)
    zv16 = jnp.zeros((16,), jnp.float32)

    def sbody(i, carry):
        s1v, s2v = carry
        for k in range(4):
            o = pl.multiple_of(i * 64 + k * 16, 16)
            s1v = s1v + jnp.exp(l1_v[pl.ds(o, 16)] - m1w)
            s2v = s2v + jnp.exp(l2_v[pl.ds(o, 16)] - m2w)
        return (s1v, s2v)

    s1v, s2v = lax.fori_loop(0, CH // 64, sbody, (zv16, zv16))
    s1w = jnp.sum(s1v)
    s2w = jnp.sum(s2v)
    lane = lax.iota(jnp.int32, 16)
    stat_v[...] = jnp.where(
        lane == 0, m1w,
        jnp.where(lane == 1, s1w,
                  jnp.where(lane == 2, m2w,
                            jnp.where(lane == 3, s2w, 0.0))))
    pltpu.sync_copy(stat_v, stats_out.at[wid])

    pltpu.sync_copy(l1_v, l1_out.at[pl.ds(base, CH)])
    pltpu.sync_copy(l2_v, l2_out.at[pl.ds(base, CH)])
    pltpu.sync_copy(idx_v, idx_out.at[pl.ds(base, CH)])


def _make_logits():
    return pl.kernel(
        _logits_body,
        out_type=[
            jax.ShapeDtypeStruct((E,), jnp.float32),
            jax.ShapeDtypeStruct((E,), jnp.float32),
            jax.ShapeDtypeStruct((E,), jnp.int32),
            jax.ShapeDtypeStruct((NW, 16), jnp.float32),
        ],
        mesh=plsc.VectorSubcoreMesh(core_axis_name="c", subcore_axis_name="s"),
        compiler_params=pltpu.CompilerParams(needs_layout_passes=False, disable_bounds_checks=True),
        scratch_types=[
            pltpu.VMEM((N,), jnp.float32),
            pltpu.VMEM((N,), jnp.float32),
            pltpu.VMEM((CH,), jnp.int32),
            pltpu.VMEM((CH,), jnp.int32),
            pltpu.VMEM((CH,), jnp.float32),
            pltpu.VMEM((CH,), jnp.float32),
            pltpu.VMEM((CH,), jnp.int32),
            pltpu.VMEM((16,), jnp.float32),
        ],
    )



def _make_bgather(m):
    chw = m // NW
    ng = chw // GC

    def _bgather_body(xn_hbm, col_hbm, x1_out, c_v, rows0, rows1, sem0, sem1):
        wid = lax.axis_index("s") * NC + lax.axis_index("c")
        base = wid * chw
        pltpu.sync_copy(col_hbm.at[pl.ds(base, chw)], c_v)

        def gstart(j, buf, sem):
            go = pl.multiple_of(j * GC, 8)
            pltpu.async_copy(xn_hbm.at[c_v.at[pl.ds(go, GC)]], buf, sem)

        def gfinish(j, buf, sem):
            pltpu.make_async_copy(xn_hbm.at[c_v.at[pl.ds(0, GC)]], buf, sem).wait()
            go = pl.multiple_of(j * GC, 8)
            pltpu.sync_copy(buf, x1_out.at[pl.ds(base + go, GC)])

        gstart(0, rows0, sem0)

        def gbody(p, carry):
            j0 = 2 * p
            gstart(j0 + 1, rows1, sem1)
            gfinish(j0, rows0, sem0)
            gstart(j0 + 2, rows0, sem0)
            gfinish(j0 + 1, rows1, sem1)
            return carry

        lax.fori_loop(0, (ng - 1) // 2, gbody, 0)
        if ng % 2 == 1:
            gfinish(ng - 1, rows0, sem0)
        else:
            gstart(ng - 1, rows1, sem1)
            gfinish(ng - 2, rows0, sem0)
            gfinish(ng - 1, rows1, sem1)

    return pl.kernel(
        _bgather_body,
        out_type=jax.ShapeDtypeStruct((m, ND), jnp.float32),
        mesh=plsc.VectorSubcoreMesh(core_axis_name="c", subcore_axis_name="s"),
        compiler_params=pltpu.CompilerParams(needs_layout_passes=False, disable_bounds_checks=True),
        scratch_types=[
            pltpu.VMEM((chw,), jnp.int32),
            pltpu.VMEM((GC, ND), jnp.float32),
            pltpu.VMEM((GC, ND), jnp.float32),
            pltpu.SemaphoreType.DMA,
            pltpu.SemaphoreType.DMA,
        ],
    )



def _stats_body(p_ref, o_ref):
    p = p_ref[...]
    m1w = p[:, 0:1]
    s1w = p[:, 1:2]
    m2w = p[:, 2:3]
    s2w = p[:, 3:4]
    m1 = jnp.max(m1w)
    m2 = jnp.max(m2w)
    s1 = jnp.sum(s1w * jnp.exp(m1w - m1))
    s2 = jnp.sum(s2w * jnp.exp(m2w - m2))
    o_ref[0] = m1
    o_ref[1] = jnp.where(m1 < -1e29, 0.0, 1.0 / s1)
    o_ref[2] = m2
    o_ref[3] = jnp.where(m2 < -1e29, 0.0, 1.0 / s2)


_stats = pl.pallas_call(
    _stats_body,
    out_specs=pl.BlockSpec(memory_space=pltpu.SMEM),
    out_shape=jax.ShapeDtypeStruct((4,), jnp.float32),
)



def _mlp_body(x1_ref, ea_ref, l1_ref, l2_ref, st_ref,
              w1n_ref, w1e_ref, b1_ref, g1_ref, be1_ref,
              w2_ref, b2_ref, g2_ref, be2_ref, f_ref):
    av = (jnp.exp(l1_ref[...] - st_ref[0]) * st_ref[1]
          + jnp.exp(l2_ref[...] - st_ref[2]) * st_ref[3])
    a = av.reshape(BE, 1)
    x1 = x1_ref[...]
    ea = ea_ref[...]
    h = (jnp.dot(x1 * a, w1n_ref[...], preferred_element_type=jnp.float32)
         + jnp.dot(ea * a, w1e_ref[...], preferred_element_type=jnp.float32)
         + b1_ref[...])
    h = _ln_relu(h, g1_ref[...], be1_ref[...])
    h = jnp.dot(h, w2_ref[...], preferred_element_type=jnp.float32) + b2_ref[...]
    f_ref[...] = _ln_relu(h, g2_ref[...], be2_ref[...])


def _make_mlp(m):
    return pl.pallas_call(
        _mlp_body,
        grid=(pl.cdiv(m, BE),),
        in_specs=[
        pl.BlockSpec((BE, ND), lambda i: (i, 0)),
        pl.BlockSpec((BE, DE), lambda i: (i, 0)),
        pl.BlockSpec((BE,), lambda i: (i,)),
        pl.BlockSpec((BE,), lambda i: (i,)),
        pl.BlockSpec(memory_space=pltpu.SMEM),
        pl.BlockSpec((ND, ND), lambda i: (0, 0)),
        pl.BlockSpec((DE, ND), lambda i: (0, 0)),
        pl.BlockSpec((1, ND), lambda i: (0, 0)),
        pl.BlockSpec((1, ND), lambda i: (0, 0)),
        pl.BlockSpec((1, ND), lambda i: (0, 0)),
        pl.BlockSpec((ND, ND), lambda i: (0, 0)),
        pl.BlockSpec((1, ND), lambda i: (0, 0)),
        pl.BlockSpec((1, ND), lambda i: (0, 0)),
        pl.BlockSpec((1, ND), lambda i: (0, 0)),
        ],
        out_specs=pl.BlockSpec((BE, ND), lambda i: (i, 0)),
        out_shape=jax.ShapeDtypeStruct((m, ND), jnp.float32),
    )



def _make_scatter(m):
    tch = m // NS
    ndc = tch // DC

    def _scatter_body(f_hbm, idx_hbm, agg_out, f_v0, f_v1, idx_v0, idx_v1,
                      sidx_v, acc_sh, sem0, sem1):
        cid = lax.axis_index("c")
        sid = lax.axis_index("s")

        zv = jnp.zeros((16,), jnp.float32)

        def zb(i, carry):
            for k in range(ND // 16):
                f_v0[i, pl.ds(k * 16, 16)] = zv
            return carry

        lax.fori_loop(0, DC, zb, 0)
        for q in range(ZR):
            pltpu.sync_copy(f_v0, acc_sh.at[pl.ds((sid * ZR + q) * DC, DC)])
        plsc.subcore_barrier()

        tb = sid * tch

        def start(j, fv, iv, sem):
            off = pl.multiple_of(tb + j * DC, 8)
            pltpu.async_copy(idx_hbm.at[pl.ds(off, DC)], iv, sem)
            pltpu.async_copy(f_hbm.at[pl.ds(off, DC)], fv, sem)

        def process(fv, iv, sem):
            pltpu.make_async_copy(idx_hbm.at[pl.ds(0, DC)], iv, sem).wait()
            pltpu.make_async_copy(f_hbm.at[pl.ds(0, DC)], fv, sem).wait()

            def ib(k, c2):
                o = pl.multiple_of(k * 16, 16)
                v = iv[pl.ds(o, 16)]
                lo = v - cid * N
                ok = jnp.logical_and(lo >= 0, lo < N)
                sidx_v[pl.ds(o, 16)] = jnp.where(ok, lo, N)
                return c2

            lax.fori_loop(0, DC // 16, ib, 0)
            pltpu.sync_copy(fv, acc_sh.at[sidx_v], add=True)

        start(0, f_v0, idx_v0, sem0)

        def body(p, carry):
            j0 = 2 * p
            start(j0 + 1, f_v1, idx_v1, sem1)
            process(f_v0, idx_v0, sem0)

            @pl.when(p < ndc // 2 - 1)
            def _next():
                start(j0 + 2, f_v0, idx_v0, sem0)

            process(f_v1, idx_v1, sem1)
            return carry

        lax.fori_loop(0, ndc // 2, body, 0)
        if ndc % 2 == 1:
            start(ndc - 1, f_v0, idx_v0, sem0)
            process(f_v0, idx_v0, sem0)
        plsc.subcore_barrier()
        wb = sid * WCH
        pltpu.sync_copy(acc_sh.at[pl.ds(wb, WCH)],
                        agg_out.at[pl.ds(cid * N + wb, WCH)])

        @pl.when(sid == NS - 1)
        def _tail():
            pltpu.sync_copy(acc_sh.at[pl.ds(NS * WCH, N - NS * WCH)],
                            agg_out.at[pl.ds(cid * N + NS * WCH, N - NS * WCH)])

    return pl.kernel(
        _scatter_body,
        out_type=jax.ShapeDtypeStruct((2 * N, ND), jnp.float32),
        mesh=plsc.VectorSubcoreMesh(core_axis_name="c", subcore_axis_name="s"),
        compiler_params=pltpu.CompilerParams(needs_layout_passes=False, disable_bounds_checks=True),
        scratch_types=[
            pltpu.VMEM((DC, ND), jnp.float32),
            pltpu.VMEM((DC, ND), jnp.float32),
            pltpu.VMEM((DC,), jnp.int32),
            pltpu.VMEM((DC,), jnp.int32),
            pltpu.VMEM((DC,), jnp.int32),
            pltpu.VMEM_SHARED((TOT, ND), jnp.float32),
            pltpu.SemaphoreType.DMA,
            pltpu.SemaphoreType.DMA,
        ],
    )



def _upd_body(aT0_ref, aT1_ref, aD0_ref, aD1_ref, x_ref, s_ref,
              wnT_ref, wnD_ref, bn_ref, gn_ref, ben_ref, o_ref):
    aT = aT0_ref[...] + aT1_ref[...]
    aD = aD0_ref[...] + aD1_ref[...]
    h = (jnp.dot(aT, wnT_ref[...], preferred_element_type=jnp.float32)
         + jnp.dot(aD, wnD_ref[...], preferred_element_type=jnp.float32)
         + bn_ref[...])
    upd = _ln_relu(h, gn_ref[...], ben_ref[...]) + s_ref[...]
    o_ref[...] = jnp.concatenate([upd, x_ref[:, ND:]], axis=1)


_upd = pl.pallas_call(
    _upd_body,
    grid=(N // BN,),
    in_specs=[
        pl.BlockSpec((BN, ND), lambda i: (i, 0)),
        pl.BlockSpec((BN, ND), lambda i: (i, 0)),
        pl.BlockSpec((BN, ND), lambda i: (i + N // BN, 0)),
        pl.BlockSpec((BN, ND), lambda i: (i + N // BN, 0)),
        pl.BlockSpec((BN, ND + DE), lambda i: (i, 0)),
        pl.BlockSpec((BN, ND), lambda i: (i, 0)),
        pl.BlockSpec((ND, ND), lambda i: (0, 0)),
        pl.BlockSpec((ND, ND), lambda i: (0, 0)),
        pl.BlockSpec((1, ND), lambda i: (0, 0)),
        pl.BlockSpec((1, ND), lambda i: (0, 0)),
        pl.BlockSpec((1, ND), lambda i: (0, 0)),
    ],
    out_specs=pl.BlockSpec((BN, ND + DE), lambda i: (i, 0)),
    out_shape=jax.ShapeDtypeStruct((N, ND + DE), jnp.float32),
)


def kernel(x, edge_index, edge_attr, att_W, att_b, W1, b1, g1, be1,
           W2, b2, g2, be2, Wn, bn, gn, ben, Ws, bs, gs, bes):
    x = x.astype(jnp.float32)
    ei = edge_index.astype(jnp.int32)
    row = ei[0]
    col = ei[1]

    xn_c, pc, pr, S = _prep(
        x, att_W[:ND], att_W[ND:], att_b, Ws,
        bs.reshape(1, ND), gs.reshape(1, ND), bes.reshape(1, ND))

    l1, l2, eidx, stp = _make_logits()(row, col, pc.reshape(N), pr.reshape(N))
    st = _stats(stp)

    x1a = _make_bgather(EA)(xn_c, col[:EA])
    x1b = _make_bgather(EB)(xn_c, col[EA:])

    w_args = (W1[:ND], W1[ND:], b1.reshape(1, ND), g1.reshape(1, ND),
              be1.reshape(1, ND), W2, b2.reshape(1, ND), g2.reshape(1, ND),
              be2.reshape(1, ND))
    fa = _make_mlp(EA)(x1a, edge_attr[:EA], l1[:EA], l2[:EA], st, *w_args)
    fb = _make_mlp(EB)(x1b, edge_attr[EA:], l1[EA:], l2[EA:], st, *w_args)

    agg_a = _make_scatter(EA)(fa, eidx[:EA])
    agg_b = _make_scatter(EB)(fb, eidx[EA:])

    return _upd(agg_a, agg_b, agg_a, agg_b, x, S, Wn[:ND], Wn[ND:],
                bn.reshape(1, ND), gn.reshape(1, ND), ben.reshape(1, ND))

# --- scband reference (transcript-rebuilt; emitter-appended) ---
"""Pipeline reference for scband-attention-node-update-net-74826920231621 (READ-ONLY COPY).

The authoritative reference and input builder live on the scoring server;
editing this copy changes nothing except your own understanding.
"""

import jax, jax.numpy as jnp
import numpy as np

N = 10000
E = 320000
NODE_DIM = 128
D_EDGE = 16
IN_DIM = NODE_DIM + D_EDGE  # node_model_in_dim = 144


def _ln(h, g, b):
    mu = jnp.mean(h, axis=-1, keepdims=True)
    var = jnp.mean((h - mu) ** 2, axis=-1, keepdims=True)
    return (h - mu) / jnp.sqrt(var + 1e-5) * g + b


def _block(h, W, b, g, be):
    return jax.nn.relu(_ln(h @ W + b, g, be))


def _shared_mlp(h, W1, b1, g1, be1, W2, b2, g2, be2):
    h = _block(h, W1, b1, g1, be1)
    h = _block(h, W2, b2, g2, be2)
    return h


def setup_inputs(seed: int = 0):
    key = jax.random.key(seed)
    ks = jax.random.split(key, 16)

    def lin(k, fi, fo):
        kw, kb = jax.random.split(k)
        s = 1.0 / np.sqrt(fi)
        W = jax.random.uniform(kw, (fi, fo), minval=-s, maxval=s, dtype=jnp.float32)
        b = jax.random.uniform(kb, (fo,), minval=-s, maxval=s, dtype=jnp.float32)
        return W, b

    x = jax.random.normal(ks[0], (N, NODE_DIM + D_EDGE), dtype=jnp.float32)
    edge_index = jax.random.randint(ks[1], (2, E), 0, N)
    edge_attr = jax.random.normal(ks[2], (E, D_EDGE), dtype=jnp.float32)
    att_W, att_b = lin(ks[3], 2 * NODE_DIM, 1)
    W1, b1 = lin(ks[4], IN_DIM, 128)
    W2, b2 = lin(ks[5], 128, NODE_DIM)
    Wn, bn = lin(ks[6], 2 * NODE_DIM, NODE_DIM)
    Ws, bs = lin(ks[7], NODE_DIM, NODE_DIM)
    ones = lambda d: jnp.ones((d,), jnp.float32)
    zeros = lambda d: jnp.zeros((d,), jnp.float32)
    return {
        'x': x, 'edge_index': edge_index, 'edge_attr': edge_attr,
        'att_W': att_W, 'att_b': att_b,
        'W1': W1, 'b1': b1, 'g1': ones(128), 'be1': zeros(128),
        'W2': W2, 'b2': b2, 'g2': ones(NODE_DIM), 'be2': zeros(NODE_DIM),
        'Wn': Wn, 'bn': bn, 'gn': ones(NODE_DIM), 'ben': zeros(NODE_DIM),
        'Ws': Ws, 'bs': bs, 'gs': ones(NODE_DIM), 'bes': zeros(NODE_DIM),
    }


def reference(x, edge_index, edge_attr, att_W, att_b, W1, b1, g1, be1, W2, b2, g2, be2, Wn, bn, gn, ben, Ws, bs, gs, bes):
    x_split = x[:, NODE_DIM:]
    xn = x[:, :NODE_DIM]
    row, col = edge_index[0], edge_index[1]

    inp_all = jnp.concatenate([xn[col], edge_attr], axis=1)
    cat_all = jnp.concatenate([xn[col], xn[row]], axis=-1)
    logits_all = jax.nn.leaky_relu(cat_all @ att_W + att_b, 0.01)

    # det -> trk flow (row < col)
    m1 = (row < col)[:, None]
    a1 = jax.nn.softmax(jnp.where(m1, logits_all, -jnp.inf), axis=0)
    f1 = _shared_mlp(a1 * inp_all, W1, b1, g1, be1, W2, b2, g2, be2)
    f1 = jnp.where(m1, f1, 0.0)

    # trk -> det flow (row > col)
    m2 = (row > col)[:, None]
    a2 = jax.nn.softmax(jnp.where(m2, logits_all, -jnp.inf), axis=0)
    f2 = _shared_mlp(a2 * inp_all, W1, b1, g1, be1, W2, b2, g2, be2)
    f2 = jnp.where(m2, f2, 0.0)

    # node_agg_fn = scatter-sum by destination row
    agg_d2t = jax.ops.segment_sum(f1, row, num_segments=N)
    agg_t2d = jax.ops.segment_sum(f2, row, num_segments=N)

    # TMPNN_FLAG=True -> concat [trk2det, det2trk]
    flow_total = jnp.concatenate([agg_t2d, agg_d2t], axis=1)
    upd = _block(flow_total, Wn, bn, gn, ben)
    # SELF_LOOP=True
    upd = upd + _block(xn, Ws, bs, gs, bes)
    return jnp.concatenate([upd, x_split], axis=1)


if False:  # reference __main__ guard neutralized (emitter)
    out = reference(**setup_inputs())
    print(out.shape)

if __name__ == "__main__":
    import jax
    _d = setup_inputs()
    print(jax.jit(kernel)(*tuple(_d.values())))

</pallas_src>

<mosaic_0001>
#map = affine_map<(d0, d1) -> (0, 0)>
#map1 = affine_map<(d0, d1) -> (0)>
module attributes {stable_mosaic.version = 14 : i64} {
  func.func @_bgather_body(%arg0: i32, %arg1: i32, %arg2: memref<10000x128xf32, #tpu.memory_space<hbm>>, %arg3: memref<128000xi32, #tpu.memory_space<hbm>>, %arg4: memref<128000x128xf32, #tpu.memory_space<hbm>>, %arg5: memref<4000xi32, #tpu.memory_space<vmem>>, %arg6: memref<200x128xf32, #tpu.memory_space<vmem>>, %arg7: memref<200x128xf32, #tpu.memory_space<vmem>>, %arg8: memref<!tpu.dma_semaphore, #tpu.memory_space<semaphore_mem>>, %arg9: memref<!tpu.dma_semaphore, #tpu.memory_space<semaphore_mem>>) attributes {dimension_semantics = [#tpu.dimension_semantics<core_parallel>, #tpu.dimension_semantics<subcore_parallel>], iteration_bounds = array<i64: 2, 16>, scalar_prefetch = 0 : i64, scratch_operands = 5 : i64, tpu.core_type = #tpu.core_type<sc_vector_subcore>, window_params = [{transform_indices = #map}, {transform_indices = #map1}, {transform_indices = #map}]} {
    %mul3A = arith.constant 2 : i32
    %mul3A_0 = arith.muli %arg1, %mul3A : i32
    %add3A = arith.addi %mul3A_0, %arg0 : i32
    %mul3A_1 = arith.constant 4000 : i32
    %mul3A_2 = arith.muli %add3A, %mul3A_1 : i32
    "tpu.region"() ({
      %run_scoped3A = tpu.sem_alloc : memref<!tpu.dma_semaphore, #tpu.memory_space<semaphore_mem>>
      %dma_start3A_33 = tpu.memref_slice %arg3[%mul3A_2] : memref<128000xi32, #tpu.memory_space<hbm>> -> memref<4000xi32, #tpu.memory_space<hbm>>
      %dma_start3A_34 = tpu.memref_slice %arg3[%mul3A_2] : memref<128000xi32, #tpu.memory_space<hbm>> -> memref<4000xi32, #tpu.memory_space<hbm>>
      tpu.enqueue_dma source(%dma_start3A_34 : memref<4000xi32, #tpu.memory_space<hbm>>) target(%arg5 : memref<4000xi32, #tpu.memory_space<vmem>>) target_semaphore(%run_scoped3A : memref<!tpu.dma_semaphore, #tpu.memory_space<semaphore_mem>>)
      %dma_wait3A_35 = tpu.memref_slice %arg3[%mul3A_2] : memref<128000xi32, #tpu.memory_space<hbm>> -> memref<4000xi32, #tpu.memory_space<hbm>>
      %dma_wait3A_36 = tpu.memref_slice %arg3[%mul3A_2] : memref<128000xi32, #tpu.memory_space<hbm>> -> memref<4000xi32, #tpu.memory_space<hbm>>
      tpu.wait_dma2 semaphore(%run_scoped3A : memref<!tpu.dma_semaphore, #tpu.memory_space<semaphore_mem>>) src(%dma_wait3A_36 : memref<4000xi32, #tpu.memory_space<hbm>>) dst(%arg5 : memref<4000xi32, #tpu.memory_space<vmem>>)
      tpu.yield
    }) : () -> ()
    %multiple_of3A = arith.constant 0 : i32
    %multiple_of3A_3 = tpu.assume_multiple %multiple_of3A, 8 : i32
    %dma_start3A = tpu.memref_slice %arg5[%multiple_of3A_3] : memref<4000xi32, #tpu.memory_space<vmem>> -> memref<200xi32, #tpu.memory_space<vmem>>
    %dma_start3A_4 = arith.constant 0 : i32
    %dma_start3A_5 = arith.constant 0 : i32
    %dma_start3A_6 = tpu.memref_slice %arg2[%dma_start3A_4, %dma_start3A_5] : memref<10000x128xf32, #tpu.memory_space<hbm>> -> memref<10000x128xf32, #tpu.memory_space<hbm>>
    tpu.enqueue_indirect_dma source(%dma_start3A_6 : memref<10000x128xf32, #tpu.memory_space<hbm>>) target(%arg6 : memref<200x128xf32, #tpu.memory_space<vmem>>) offsets(%dma_start3A : memref<200xi32, #tpu.memory_space<vmem>>) semaphore(%arg8 : memref<!tpu.dma_semaphore, #tpu.memory_space<semaphore_mem>>)
    %scan3A = arith.constant 0 : i32
    %scan3A_7 = arith.constant 0 : i32
    %scan3A_8 = arith.constant 9 : i32
    %scan3A_9 = arith.addi %scan3A_7, %scan3A_8 : i32
    %scan3A_10 = arith.constant 1 : i32
    scf.for %scan3A_33 = %scan3A_7 to %scan3A_9 step %scan3A_10  : i32 {
      %mul3A_34 = arith.constant 2 : i32
      %mul3A_35 = arith.muli %mul3A_34, %scan3A_33 : i32
      %add3A_36 = arith.constant 1 : i32
      %add3A_37 = arith.addi %mul3A_35, %add3A_36 : i32
      %mul3A_38 = arith.constant 200 : i32
      %mul3A_39 = arith.muli %add3A_37, %mul3A_38 : i32
      %multiple_of3A_40 = tpu.assume_multiple %mul3A_39, 8 : i32
      %dma_start3A_41 = tpu.memref_slice %arg5[%multiple_of3A_40] : memref<4000xi32, #tpu.memory_space<vmem>> -> memref<200xi32, #tpu.memory_space<vmem>>
      %dma_start3A_42 = arith.constant 0 : i32
      %dma_start3A_43 = arith.constant 0 : i32
      %dma_start3A_44 = tpu.memref_slice %arg2[%dma_start3A_42, %dma_start3A_43] : memref<10000x128xf32, #tpu.memory_space<hbm>> -> memref<10000x128xf32, #tpu.memory_space<hbm>>
      tpu.enqueue_indirect_dma source(%dma_start3A_44 : memref<10000x128xf32, #tpu.memory_space<hbm>>) target(%arg7 : memref<200x128xf32, #tpu.memory_space<vmem>>) offsets(%dma_start3A_41 : memref<200xi32, #tpu.memory_space<vmem>>) semaphore(%arg9 : memref<!tpu.dma_semaphore, #tpu.memory_space<semaphore_mem>>)
      %dma_wait3A_45 = arith.constant 0 : i32
      %dma_wait3A_46 = tpu.memref_slice %arg5[%dma_wait3A_45] : memref<4000xi32, #tpu.memory_space<vmem>> -> memref<200xi32, #tpu.memory_space<vmem>>
      %dma_wait3A_47 = arith.constant 0 : i32
      %dma_wait3A_48 = arith.constant 0 : i32
      %dma_wait3A_49 = tpu.memref_slice %arg2[%dma_wait3A_47, %dma_wait3A_48] : memref<10000x128xf32, #tpu.memory_space<hbm>> -> memref<10000x128xf32, #tpu.memory_space<hbm>>
      tpu.wait_indirect_dma semaphore(%arg8 : memref<!tpu.dma_semaphore, #tpu.memory_space<semaphore_mem>>) src(%dma_wait3A_49 : memref<10000x128xf32, #tpu.memory_space<hbm>>) dst(%arg6 : memref<200x128xf32, #tpu.memory_space<vmem>>)
      %mul3A_50 = arith.constant 200 : i32
      %mul3A_51 = arith.muli %mul3A_35, %mul3A_50 : i32
      %multiple_of3A_52 = tpu.assume_multiple %mul3A_51, 8 : i32
      %add3A_53 = arith.addi %mul3A_2, %multiple_of3A_52 : i32
      "tpu.region"() ({
        %run_scoped3A = tpu.sem_alloc : memref<!tpu.dma_semaphore, #tpu.memory_space<semaphore_mem>>
        %dma_start3A_74 = arith.constant 0 : i32
        %dma_start3A_75 = tpu.memref_slice %arg4[%add3A_53, %dma_start3A_74] : memref<128000x128xf32, #tpu.memory_space<hbm>> -> memref<200x128xf32, #tpu.memory_space<hbm>>
        %dma_start3A_76 = arith.constant 0 : i32
        %dma_start3A_77 = tpu.memref_slice %arg4[%add3A_53, %dma_start3A_76] : memref<128000x128xf32, #tpu.memory_space<hbm>> -> memref<200x128xf32, #tpu.memory_space<hbm>>
        tpu.enqueue_dma source(%arg6 : memref<200x128xf32, #tpu.memory_space<vmem>>) target(%dma_start3A_77 : memref<200x128xf32, #tpu.memory_space<hbm>>) target_semaphore(%run_scoped3A : memref<!tpu.dma_semaphore, #tpu.memory_space<semaphore_mem>>)
        %dma_wait3A_78 = arith.constant 0 : i32
        %dma_wait3A_79 = tpu.memref_slice %arg4[%add3A_53, %dma_wait3A_78] : memref<128000x128xf32, #tpu.memory_space<hbm>> -> memref<200x128xf32, #tpu.memory_space<hbm>>
        %dma_wait3A_80 = arith.constant 0 : i32
        %dma_wait3A_81 = tpu.memref_slice %arg4[%add3A_53, %dma_wait3A_80] : memref<128000x128xf32, #tpu.memory_space<hbm>> -> memref<200x128xf32, #tpu.memory_space<hbm>>
        tpu.wait_dma2 semaphore(%run_scoped3A : memref<!tpu.dma_semaphore, #tpu.memory_space<semaphore_mem>>) src(%arg6 : memref<200x128xf32, #tpu.memory_space<vmem>>) dst(%dma_wait3A_81 : memref<200x128xf32, #tpu.memory_space<hbm>>)
        tpu.yield
      }) : () -> ()
      %add3A_54 = arith.constant 2 : i32
      %add3A_55 = arith.addi %mul3A_35, %add3A_54 : i32
      %mul3A_56 = arith.constant 200 : i32
      %mul3A_57 = arith.muli %add3A_55, %mul3A_56 : i32
      %multiple_of3A_58 = tpu.assume_multiple %mul3A_57, 8 : i32
      %dma_start3A_59 = tpu.memref_slice %arg5[%multiple_of3A_58] : memref<4000xi32, #tpu.memory_space<vmem>> -> memref<200xi32, #tpu.memory_space<vmem>>
      %dma_start3A_60 = arith.constant 0 : i32
      %dma_start3A_61 = arith.constant 0 : i32
      %dma_start3A_62 = tpu.memref_slice %arg2[%dma_start3A_60, %dma_start3A_61] : memref<10000x128xf32, #tpu.memory_space<hbm>> -> memref<10000x128xf32, #tpu.memory_space<hbm>>
      tpu.enqueue_indirect_dma source(%dma_start3A_62 : memref<10000x128xf32, #tpu.memory_space<hbm>>) target(%arg6 : memref<200x128xf32, #tpu.memory_space<vmem>>) offsets(%dma_start3A_59 : memref<200xi32, #tpu.memory_space<vmem>>) semaphore(%arg8 : memref<!tpu.dma_semaphore, #tpu.memory_space<semaphore_mem>>)
      %add3A_63 = arith.constant 1 : i32
      %add3A_64 = arith.addi %mul3A_35, %add3A_63 : i32
      %dma_wait3A_65 = arith.constant 0 : i32
      %dma_wait3A_66 = tpu.memref_slice %arg5[%dma_wait3A_65] : memref<4000xi32, #tpu.memory_space<vmem>> -> memref<200xi32, #tpu.memory_space<vmem>>
      %dma_wait3A_67 = arith.constant 0 : i32
      %dma_wait3A_68 = arith.constant 0 : i32
      %dma_wait3A_69 = tpu.memref_slice %arg2[%dma_wait3A_67, %dma_wait3A_68] : memref<10000x128xf32, #tpu.memory_space<hbm>> -> memref<10000x128xf32, #tpu.memory_space<hbm>>
      tpu.wait_indirect_dma semaphore(%arg9 : memref<!tpu.dma_semaphore, #tpu.memory_space<semaphore_mem>>) src(%dma_wait3A_69 : memref<10000x128xf32, #tpu.memory_space<hbm>>) dst(%arg7 : memref<200x128xf32, #tpu.memory_space<vmem>>)
      %mul3A_70 = arith.constant 200 : i32
      %mul3A_71 = arith.muli %add3A_64, %mul3A_70 : i32
      %multiple_of3A_72 = tpu.assume_multiple %mul3A_71, 8 : i32
      %add3A_73 = arith.addi %mul3A_2, %multiple_of3A_72 : i32
      "tpu.region"() ({
        %run_scoped3A = tpu.sem_alloc : memref<!tpu.dma_semaphore, #tpu.memory_space<semaphore_mem>>
        %dma_start3A_74 = arith.constant 0 : i32
        %dma_start3A_75 = tpu.memref_slice %arg4[%add3A_73, %dma_start3A_74] : memref<128000x128xf32, #tpu.memory_space<hbm>> -> memref<200x128xf32, #tpu.memory_space<hbm>>
        %dma_start3A_76 = arith.constant 0 : i32
        %dma_start3A_77 = tpu.memref_slice %arg4[%add3A_73, %dma_start3A_76] : memref<128000x128xf32, #tpu.memory_space<hbm>> -> memref<200x128xf32, #tpu.memory_space<hbm>>
        tpu.enqueue_dma source(%arg7 : memref<200x128xf32, #tpu.memory_space<vmem>>) target(%dma_start3A_77 : memref<200x128xf32, #tpu.memory_space<hbm>>) target_semaphore(%run_scoped3A : memref<!tpu.dma_semaphore, #tpu.memory_space<semaphore_mem>>)
        %dma_wait3A_78 = arith.constant 0 : i32
        %dma_wait3A_79 = tpu.memref_slice %arg4[%add3A_73, %dma_wait3A_78] : memref<128000x128xf32, #tpu.memory_space<hbm>> -> memref<200x128xf32, #tpu.memory_space<hbm>>
        %dma_wait3A_80 = arith.constant 0 : i32
        %dma_wait3A_81 = tpu.memref_slice %arg4[%add3A_73, %dma_wait3A_80] : memref<128000x128xf32, #tpu.memory_space<hbm>> -> memref<200x128xf32, #tpu.memory_space<hbm>>
        tpu.wait_dma2 semaphore(%run_scoped3A : memref<!tpu.dma_semaphore, #tpu.memory_space<semaphore_mem>>) src(%arg7 : memref<200x128xf32, #tpu.memory_space<vmem>>) dst(%dma_wait3A_81 : memref<200x128xf32, #tpu.memory_space<hbm>>)
        tpu.yield
      }) : () -> ()
    }
    %scan3A_11 = arith.constant 9 : i32
    %multiple_of3A_12 = arith.constant 3800 : i32
    %multiple_of3A_13 = tpu.assume_multiple %multiple_of3A_12, 8 : i32
    %dma_start3A_14 = tpu.memref_slice %arg5[%multiple_of3A_13] : memref<4000xi32, #tpu.memory_space<vmem>> -> memref<200xi32, #tpu.memory_space<vmem>>
    %dma_start3A_15 = arith.constant 0 : i32
    %dma_start3A_16 = arith.constant 0 : i32
    %dma_start3A_17 = tpu.memref_slice %arg2[%dma_start3A_15, %dma_start3A_16] : memref<10000x128xf32, #tpu.memory_space<hbm>> -> memref<10000x128xf32, #tpu.memory_space<hbm>>
    tpu.enqueue_indirect_dma source(%dma_start3A_17 : memref<10000x128xf32, #tpu.memory_space<hbm>>) target(%arg7 : memref<200x128xf32, #tpu.memory_space<vmem>>) offsets(%dma_start3A_14 : memref<200xi32, #tpu.memory_space<vmem>>) semaphore(%arg9 : memref<!tpu.dma_semaphore, #tpu.memory_space<semaphore_mem>>)
    %dma_wait3A = arith.constant 0 : i32
    %dma_wait3A_18 = tpu.memref_slice %arg5[%dma_wait3A] : memref<4000xi32, #tpu.memory_space<vmem>> -> memref<200xi32, #tpu.memory_space<vmem>>
    %dma_wait3A_19 = arith.constant 0 : i32
    %dma_wait3A_20 = arith.constant 0 : i32
    %dma_wait3A_21 = tpu.memref_slice %arg2[%dma_wait3A_19, %dma_wait3A_20] : memref<10000x128xf32, #tpu.memory_space<hbm>> -> memref<10000x128xf32, #tpu.memory_space<hbm>>
    tpu.wait_indirect_dma semaphore(%arg8 : memref<!tpu.dma_semaphore, #tpu.memory_space<semaphore_mem>>) src(%dma_wait3A_21 : memref<10000x128xf32, #tpu.memory_space<hbm>>) dst(%arg6 : memref<200x128xf32, #tpu.memory_space<vmem>>)
    %multiple_of3A_22 = arith.constant 3600 : i32
    %multiple_of3A_23 = tpu.assume_multiple %multiple_of3A_22, 8 : i32
    %add3A_24 = arith.addi %mul3A_2, %multiple_of3A_23 : i32
    "tpu.region"() ({
      %run_scoped3A = tpu.sem_alloc : memref<!tpu.dma_semaphore, #tpu.memory_space<semaphore_mem>>
      %dma_start3A_33 = arith.constant 0 : i32
      %dma_start3A_34 = tpu.memref_slice %arg4[%add3A_24, %dma_start3A_33] : memref<128000x128xf32, #tpu.memory_space<hbm>> -> memref<200x128xf32, #tpu.memory_space<hbm>>
      %dma_start3A_35 = arith.constant 0 : i32
      %dma_start3A_36 = tpu.memref_slice %arg4[%add3A_24, %dma_start3A_35] : memref<128000x128xf32, #tpu.memory_space<hbm>> -> memref<200x128xf32, #tpu.memory_space<hbm>>
      tpu.enqueue_dma source(%arg6 : memref<200x128xf32, #tpu.memory_space<vmem>>) target(%dma_start3A_36 : memref<200x128xf32, #tpu.memory_space<hbm>>) target_semaphore(%run_scoped3A : memref<!tpu.dma_semaphore, #tpu.memory_space<semaphore_mem>>)
      %dma_wait3A_37 = arith.constant 0 : i32
      %dma_wait3A_38 = tpu.memref_slice %arg4[%add3A_24, %dma_wait3A_37] : memref<128000x128xf32, #tpu.memory_space<hbm>> -> memref<200x128xf32, #tpu.memory_space<hbm>>
      %dma_wait3A_39 = arith.constant 0 : i32
      %dma_wait3A_40 = tpu.memref_slice %arg4[%add3A_24, %dma_wait3A_39] : memref<128000x128xf32, #tpu.memory_space<hbm>> -> memref<200x128xf32, #tpu.memory_space<hbm>>
      tpu.wait_dma2 semaphore(%run_scoped3A : memref<!tpu.dma_semaphore, #tpu.memory_space<semaphore_mem>>) src(%arg6 : memref<200x128xf32, #tpu.memory_space<vmem>>) dst(%dma_wait3A_40 : memref<200x128xf32, #tpu.memory_space<hbm>>)
      tpu.yield
    }) : () -> ()
    %dma_wait3A_25 = arith.constant 0 : i32
    %dma_wait3A_26 = tpu.memref_slice %arg5[%dma_wait3A_25] : memref<4000xi32, #tpu.memory_space<vmem>> -> memref<200xi32, #tpu.memory_space<vmem>>
    %dma_wait3A_27 = arith.constant 0 : i32
    %dma_wait3A_28 = arith.constant 0 : i32
    %dma_wait3A_29 = tpu.memref_slice %arg2[%dma_wait3A_27, %dma_wait3A_28] : memref<10000x128xf32, #tpu.memory_space<hbm>> -> memref<10000x128xf32, #tpu.memory_space<hbm>>
    tpu.wait_indirect_dma semaphore(%arg9 : memref<!tpu.dma_semaphore, #tpu.memory_space<semaphore_mem>>) src(%dma_wait3A_29 : memref<10000x128xf32, #tpu.memory_space<hbm>>) dst(%arg7 : memref<200x128xf32, #tpu.memory_space<vmem>>)
    %multiple_of3A_30 = arith.constant 3800 : i32
    %multiple_of3A_31 = tpu.assume_multiple %multiple_of3A_30, 8 : i32
    %add3A_32 = arith.addi %mul3A_2, %multiple_of3A_31 : i32
    "tpu.region"() ({
      %run_scoped3A = tpu.sem_alloc : memref<!tpu.dma_semaphore, #tpu.memory_space<semaphore_mem>>
      %dma_start3A_33 = arith.constant 0 : i32
      %dma_start3A_34 = tpu.memref_slice %arg4[%add3A_32, %dma_start3A_33] : memref<128000x128xf32, #tpu.memory_space<hbm>> -> memref<200x128xf32, #tpu.memory_space<hbm>>
      %dma_start3A_35 = arith.constant 0 : i32
      %dma_start3A_36 = tpu.memref_slice %arg4[%add3A_32, %dma_start3A_35] : memref<128000x128xf32, #tpu.memory_space<hbm>> -> memref<200x128xf32, #tpu.memory_space<hbm>>
      tpu.enqueue_dma source(%arg7 : memref<200x128xf32, #tpu.memory_space<vmem>>) target(%dma_start3A_36 : memref<200x128xf32, #tpu.memory_space<hbm>>) target_semaphore(%run_scoped3A : memref<!tpu.dma_semaphore, #tpu.memory_space<semaphore_mem>>)
      %dma_wait3A_37 = arith.constant 0 : i32
      %dma_wait3A_38 = tpu.memref_slice %arg4[%add3A_32, %dma_wait3A_37] : memref<128000x128xf32, #tpu.memory_space<hbm>> -> memref<200x128xf32, #tpu.memory_space<hbm>>
      %dma_wait3A_39 = arith.constant 0 : i32
      %dma_wait3A_40 = tpu.memref_slice %arg4[%add3A_32, %dma_wait3A_39] : memref<128000x128xf32, #tpu.memory_space<hbm>> -> memref<200x128xf32, #tpu.memory_space<hbm>>
      tpu.wait_dma2 semaphore(%run_scoped3A : memref<!tpu.dma_semaphore, #tpu.memory_space<semaphore_mem>>) src(%arg7 : memref<200x128xf32, #tpu.memory_space<vmem>>) dst(%dma_wait3A_40 : memref<200x128xf32, #tpu.memory_space<hbm>>)
      tpu.yield
    }) : () -> ()
    return
  }
}

#map = affine_map<(d0, d1) -> (0)>
#map1 = affine_map<(d0, d1) -> (0, 0)>
module attributes {stable_mosaic.version = 14 : i64} {
  func.func @_logits_body(%arg0: i32, %arg1: i32, %arg2: memref<320000xi32, #tpu.memory_space<hbm>>, %arg3: memref<320000xi32, #tpu.memory_space<hbm>>, %arg4: memref<10000xf32, #tpu.memory_space<hbm>>, %arg5: memref<10000xf32, #tpu.memory_space<hbm>>, %arg6: memref<320000xf32, #tpu.memory_space<hbm>>, %arg7: memref<320000xf32, #tpu.memory_space<hbm>>, %arg8: memref<320000xi32, #tpu.memory_space<hbm>>, %arg9: memref<32x16xf32, #tpu.memory_space<hbm>>, %arg10: memref<10000xf32, #tpu.memory_space<vmem>>, %arg11: memref<10000xf32, #tpu.memory_space<vmem>>, %arg12: memref<10000xi32, #tpu.memory_space<vmem>>, %arg13: memref<10000xi32, #tpu.memory_space<vmem>>, %arg14: memref<10000xf32, #tpu.memory_space<vmem>>, %arg15: memref<10000xf32, #tpu.memory_space<vmem>>, %arg16: memref<10000xi32, #tpu.memory_space<vmem>>, %arg17: memref<16xf32, #tpu.memory_space<vmem>>) attributes {dimension_semantics = [#tpu.dimension_semantics<core_parallel>, #tpu.dimension_semantics<subcore_parallel>], iteration_bounds = array<i64: 2, 16>, scalar_prefetch = 0 : i64, scratch_operands = 8 : i64, tpu.core_type = #tpu.core_type<sc_vector_subcore>, window_params = [{transform_indices = #map}, {transform_indices = #map}, {transform_indices = #map}, {transform_indices = #map}, {transform_indices = #map}, {transform_indices = #map}, {transform_indices = #map}, {transform_indices = #map1}]} {
    %mul3A = arith.constant 2 : i32
    %mul3A_0 = arith.muli %arg1, %mul3A : i32
    %add3A = arith.addi %mul3A_0, %arg0 : i32
    %mul3A_1 = arith.constant 10000 : i32
    %mul3A_2 = arith.muli %add3A, %mul3A_1 : i32
    "tpu.region"() ({
      %run_scoped3A = tpu.sem_alloc : memref<!tpu.dma_semaphore, #tpu.memory_space<semaphore_mem>>
      tpu.enqueue_dma source(%arg4 : memref<10000xf32, #tpu.memory_space<hbm>>) target(%arg10 : memref<10000xf32, #tpu.memory_space<vmem>>) target_semaphore(%run_scoped3A : memref<!tpu.dma_semaphore, #tpu.memory_space<semaphore_mem>>)
      tpu.wait_dma2 semaphore(%run_scoped3A : memref<!tpu.dma_semaphore, #tpu.memory_space<semaphore_mem>>) src(%arg4 : memref<10000xf32, #tpu.memory_space<hbm>>) dst(%arg10 : memref<10000xf32, #tpu.memory_space<vmem>>)
      tpu.yield
    }) : () -> ()
    "tpu.region"() ({
      %run_scoped3A = tpu.sem_alloc : memref<!tpu.dma_semaphore, #tpu.memory_space<semaphore_mem>>
      tpu.enqueue_dma source(%arg5 : memref<10000xf32, #tpu.memory_space<hbm>>) target(%arg11 : memref<10000xf32, #tpu.memory_space<vmem>>) target_semaphore(%run_scoped3A : memref<!tpu.dma_semaphore, #tpu.memory_space<semaphore_mem>>)
      tpu.wait_dma2 semaphore(%run_scoped3A : memref<!tpu.dma_semaphore, #tpu.memory_space<semaphore_mem>>) src(%arg5 : memref<10000xf32, #tpu.memory_space<hbm>>) dst(%arg11 : memref<10000xf32, #tpu.memory_space<vmem>>)
      tpu.yield
    }) : () -> ()
    "tpu.region"() ({
      %run_scoped3A = tpu.sem_alloc : memref<!tpu.dma_semaphore, #tpu.memory_space<semaphore_mem>>
      %dma_start3A = tpu.memref_slice %arg2[%mul3A_2] : memref<320000xi32, #tpu.memory_space<hbm>> -> memref<10000xi32, #tpu.memory_space<hbm>>
      %dma_start3A_51 = tpu.memref_slice %arg2[%mul3A_2] : memref<320000xi32, #tpu.memory_space<hbm>> -> memref<10000xi32, #tpu.memory_space<hbm>>
      tpu.enqueue_dma source(%dma_start3A_51 : memref<10000xi32, #tpu.memory_space<hbm>>) target(%arg12 : memref<10000xi32, #tpu.memory_space<vmem>>) target_semaphore(%run_scoped3A : memref<!tpu.dma_semaphore, #tpu.memory_space<semaphore_mem>>)
      %dma_wait3A = tpu.memref_slice %arg2[%mul3A_2] : memref<320000xi32, #tpu.memory_space<hbm>> -> memref<10000xi32, #tpu.memory_space<hbm>>
      %dma_wait3A_52 = tpu.memref_slice %arg2[%mul3A_2] : memref<320000xi32, #tpu.memory_space<hbm>> -> memref<10000xi32, #tpu.memory_space<hbm>>
      tpu.wait_dma2 semaphore(%run_scoped3A : memref<!tpu.dma_semaphore, #tpu.memory_space<semaphore_mem>>) src(%dma_wait3A_52 : memref<10000xi32, #tpu.memory_space<hbm>>) dst(%arg12 : memref<10000xi32, #tpu.memory_space<vmem>>)
      tpu.yield
    }) : () -> ()
    "tpu.region"() ({
      %run_scoped3A = tpu.sem_alloc : memref<!tpu.dma_semaphore, #tpu.memory_space<semaphore_mem>>
      %dma_start3A = tpu.memref_slice %arg3[%mul3A_2] : memref<320000xi32, #tpu.memory_space<hbm>> -> memref<10000xi32, #tpu.memory_space<hbm>>
      %dma_start3A_51 = tpu.memref_slice %arg3[%mul3A_2] : memref<320000xi32, #tpu.memory_space<hbm>> -> memref<10000xi32, #tpu.memory_space<hbm>>
      tpu.enqueue_dma source(%dma_start3A_51 : memref<10000xi32, #tpu.memory_space<hbm>>) target(%arg13 : memref<10000xi32, #tpu.memory_space<vmem>>) target_semaphore(%run_scoped3A : memref<!tpu.dma_semaphore, #tpu.memory_space<semaphore_mem>>)
      %dma_wait3A = tpu.memref_slice %arg3[%mul3A_2] : memref<320000xi32, #tpu.memory_space<hbm>> -> memref<10000xi32, #tpu.memory_space<hbm>>
      %dma_wait3A_52 = tpu.memref_slice %arg3[%mul3A_2] : memref<320000xi32, #tpu.memory_space<hbm>> -> memref<10000xi32, #tpu.memory_space<hbm>>
      tpu.wait_dma2 semaphore(%run_scoped3A : memref<!tpu.dma_semaphore, #tpu.memory_space<semaphore_mem>>) src(%dma_wait3A_52 : memref<10000xi32, #tpu.memory_space<hbm>>) dst(%arg13 : memref<10000xi32, #tpu.memory_space<vmem>>)
      tpu.yield
    }) : () -> ()
    %broadcast_in_dim3A = arith.constant -1.000000e+30 : f32
    %broadcast_in_dim3A_3 = vector.broadcast %broadcast_in_dim3A : f32 to vector<16xf32>
    %scan3A = arith.constant 0 : i32
    %scan3A_4 = arith.constant 156 : i32
    %scan3A_5 = arith.addi %scan3A, %scan3A_4 : i32
    %scan3A_6 = arith.constant 1 : i32
    %scan3A_7:2 = scf.for %scan3A_51 = %scan3A to %scan3A_5 step %scan3A_6 iter_args(%scan3A_52 = %broadcast_in_dim3A_3, %scan3A_53 = %broadcast_in_dim3A_3) -> (vector<16xf32>, vector<16xf32>)  : i32 {
      %mul3A_54 = arith.constant 64 : i32
      %mul3A_55 = arith.muli %scan3A_51, %mul3A_54 : i32
      %add3A_56 = arith.constant 0 : i32
      %add3A_57 = arith.addi %mul3A_55, %add3A_56 : i32
      %multiple_of3A = tpu.assume_multiple %add3A_57, 16 : i32
      %get3A = arith.index_cast %multiple_of3A : i32 to index
      %get3A_58 = tpu.vector_load %arg12[%get3A] {strides = array<i32>} : memref<10000xi32, #tpu.memory_space<vmem>>, vector<16xi32>,
      %get3A_59 = arith.index_cast %multiple_of3A : i32 to index
      %get3A_60 = tpu.vector_load %arg13[%get3A_59] {strides = array<i32>} : memref<10000xi32, #tpu.memory_space<vmem>>, vector<16xi32>,
      %gather3A = tpu.vector_load_idx %arg10[%get3A_60] : memref<10000xf32, #tpu.memory_space<vmem>>[vector<16xi32>], vector<16xf32>,
      %gather3A_61 = tpu.vector_load_idx %arg11[%get3A_58] : memref<10000xf32, #tpu.memory_space<vmem>>[vector<16xi32>], vector<16xf32>,
      %add3A_62 = arith.addf %gather3A, %gather3A_61 : vector<16xf32>
      %ge3A = arith.constant 0.000000e+00 : f32
      %ge3A_63 = vector.broadcast %ge3A : f32 to vector<16xf32>
      %ge3A_64 = arith.cmpf oge, %add3A_62, %ge3A_63 : vector<16xf32>
      %mul3A_65 = arith.constant 0.00999999977 : f32
      %mul3A_66 = vector.broadcast %mul3A_65 : f32 to vector<16xf32>
      %mul3A_67 = arith.mulf %add3A_62, %mul3A_66 : vector<16xf32>
      %select_n3A_68 = arith.select %ge3A_64, %add3A_62, %mul3A_67 : vector<16xi1>, vector<16xf32>
      %lt3A = arith.cmpi slt, %get3A_58, %get3A_60 : vector<16xi32>
      %gt3A = arith.cmpi sgt, %get3A_58, %get3A_60 : vector<16xi32>
      %jit3A_69 = arith.constant -1.000000e+30 : f32
      %broadcast_in_dim3A_70 = vector.broadcast %jit3A_69 : f32 to vector<16xf32>
      %select_n3A_71 = arith.select %lt3A, %select_n3A_68, %broadcast_in_dim3A_70 : vector<16xi1>, vector<16xf32>
      %jit3A_72 = arith.constant -1.000000e+30 : f32
      %broadcast_in_dim3A_73 = vector.broadcast %jit3A_72 : f32 to vector<16xf32>
      %select_n3A_74 = arith.select %gt3A, %select_n3A_68, %broadcast_in_dim3A_73 : vector<16xi1>, vector<16xf32>
      %swap3A_75 = arith.index_cast %multiple_of3A : i32 to index
      %swap3A_76 = tpu.vector_load %arg14[%swap3A_75] {strides = array<i32>} : memref<10000xf32, #tpu.memory_space<vmem>>, vector<16xf32>,
      tpu.vector_store %arg14[%swap3A_75], %select_n3A_71 {strides = array<i32>} : memref<10000xf32, #tpu.memory_space<vmem>>, vector<16xf32>,
      %swap3A_77 = arith.index_cast %multiple_of3A : i32 to index
      %swap3A_78 = tpu.vector_load %arg15[%swap3A_77] {strides = array<i32>} : memref<10000xf32, #tpu.memory_space<vmem>>, vector<16xf32>,
      tpu.vector_store %arg15[%swap3A_77], %select_n3A_74 {strides = array<i32>} : memref<10000xf32, #tpu.memory_space<vmem>>, vector<16xf32>,
      %add3A_79 = arith.constant 10000 : i32
      %add3A_80 = vector.broadcast %add3A_79 : i32 to vector<16xi32>
      %add3A_81 = arith.addi %get3A_58, %add3A_80 : vector<16xi32>
      %jit3A_82 = arith.constant 20000 : i32
      %broadcast_in_dim3A_83 = vector.broadcast %jit3A_82 : i32 to vector<16xi32>
      %select_n3A_84 = arith.select %gt3A, %get3A_58, %broadcast_in_dim3A_83 : vector<16xi1>, vector<16xi32>
      %select_n3A_85 = arith.select %lt3A, %add3A_81, %select_n3A_84 : vector<16xi1>, vector<16xi32>
      %swap3A_86 = arith.index_cast %multiple_of3A : i32 to index
      %swap3A_87 = tpu.vector_load %arg16[%swap3A_86] {strides = array<i32>} : memref<10000xi32, #tpu.memory_space<vmem>>, vector<16xi32>,
      tpu.vector_store %arg16[%swap3A_86], %select_n3A_85 {strides = array<i32>} : memref<10000xi32, #tpu.memory_space<vmem>>, vector<16xi32>,
      %max3A = arith.maximumf %scan3A_52, %select_n3A_71 : vector<16xf32>
      %max3A_88 = arith.maximumf %scan3A_53, %select_n3A_74 : vector<16xf32>
      %mul3A_89 = arith.constant 64 : i32
      %mul3A_90 = arith.muli %scan3A_51, %mul3A_89 : i32
      %add3A_91 = arith.constant 16 : i32
      %add3A_92 = arith.addi %mul3A_90, %add3A_91 : i32
      %multiple_of3A_93 = tpu.assume_multiple %add3A_92, 16 : i32
      %get3A_94 = arith.index_cast %multiple_of3A_93 : i32 to index
      %get3A_95 = tpu.vector_load %arg12[%get3A_94] {strides = array<i32>} : memref<10000xi32, #tpu.memory_space<vmem>>, vector<16xi32>,
      %get3A_96 = arith.index_cast %multiple_of3A_93 : i32 to index
      %get3A_97 = tpu.vector_load %arg13[%get3A_96] {strides = array<i32>} : memref<10000xi32, #tpu.memory_space<vmem>>, vector<16xi32>,
      %gather3A_98 = tpu.vector_load_idx %arg10[%get3A_97] : memref<10000xf32, #tpu.memory_space<vmem>>[vector<16xi32>], vector<16xf32>,
      %gather3A_99 = tpu.vector_load_idx %arg11[%get3A_95] : memref<10000xf32, #tpu.memory_space<vmem>>[vector<16xi32>], vector<16xf32>,
      %add3A_100 = arith.addf %gather3A_98, %gather3A_99 : vector<16xf32>
      %ge3A_101 = arith.constant 0.000000e+00 : f32
      %ge3A_102 = vector.broadcast %ge3A_101 : f32 to vector<16xf32>
      %ge3A_103 = arith.cmpf oge, %add3A_100, %ge3A_102 : vector<16xf32>
      %mul3A_104 = arith.constant 0.00999999977 : f32
      %mul3A_105 = vector.broadcast %mul3A_104 : f32 to vector<16xf32>
      %mul3A_106 = arith.mulf %add3A_100, %mul3A_105 : vector<16xf32>
      %select_n3A_107 = arith.select %ge3A_103, %add3A_100, %mul3A_106 : vector<16xi1>, vector<16xf32>
      %lt3A_108 = arith.cmpi slt, %get3A_95, %get3A_97 : vector<16xi32>
      %gt3A_109 = arith.cmpi sgt, %get3A_95, %get3A_97 : vector<16xi32>
      %jit3A_110 = arith.constant -1.000000e+30 : f32
      %broadcast_in_dim3A_111 = vector.broadcast %jit3A_110 : f32 to vector<16xf32>
      %select_n3A_112 = arith.select %lt3A_108, %select_n3A_107, %broadcast_in_dim3A_111 : vector<16xi1>, vector<16xf32>
      %jit3A_113 = arith.constant -1.000000e+30 : f32
      %broadcast_in_dim3A_114 = vector.broadcast %jit3A_113 : f32 to vector<16xf32>
      %select_n3A_115 = arith.select %gt3A_109, %select_n3A_107, %broadcast_in_dim3A_114 : vector<16xi1>, vector<16xf32>
      %swap3A_116 = arith.index_cast %multiple_of3A_93 : i32 to index
      %swap3A_117 = tpu.vector_load %arg14[%swap3A_116] {strides = array<i32>} : memref<10000xf32, #tpu.memory_space<vmem>>, vector<16xf32>,
      tpu.vector_store %arg14[%swap3A_116], %select_n3A_112 {strides = array<i32>} : memref<10000xf32, #tpu.memory_space<vmem>>, vector<16xf32>,
      %swap3A_118 = arith.index_cast %multiple_of3A_93 : i32 to index
      %swap3A_119 = tpu.vector_load %arg15[%swap3A_118] {strides = array<i32>} : memref<10000xf32, #tpu.memory_space<vmem>>, vector<16xf32>,
      tpu.vector_store %arg15[%swap3A_118], %select_n3A_115 {strides = array<i32>} : memref<10000xf32, #tpu.memory_space<vmem>>, vector<16xf32>,
      %add3A_120 = arith.constant 10000 : i32
      %add3A_121 = vector.broadcast %add3A_120 : i32 to vector<16xi32>
      %add3A_122 = arith.addi %get3A_95, %add3A_121 : vector<16xi32>
      %jit3A_123 = arith.constant 20000 : i32
      %broadcast_in_dim3A_124 = vector.broadcast %jit3A_123 : i32 to vector<16xi32>
      %select_n3A_125 = arith.select %gt3A_109, %get3A_95, %broadcast_in_dim3A_124 : vector<16xi1>, vector<16xi32>
      %select_n3A_126 = arith.select %lt3A_108, %add3A_122, %select_n3A_125 : vector<16xi1>, vector<16xi32>
      %swap3A_127 = arith.index_cast %multiple_of3A_93 : i32 to index
      %swap3A_128 = tpu.vector_load %arg16[%swap3A_127] {strides = array<i32>} : memref<10000xi32, #tpu.memory_space<vmem>>, vector<16xi32>,
      tpu.vector_store %arg16[%swap3A_127], %select_n3A_126 {strides = array<i32>} : memref<10000xi32, #tpu.memory_space<vmem>>, vector<16xi32>,
      %max3A_129 = arith.maximumf %max3A, %select_n3A_112 : vector<16xf32>
      %max3A_130 = arith.maximumf %max3A_88, %select_n3A_115 : vector<16xf32>
      %mul3A_131 = arith.constant 64 : i32
      %mul3A_132 = arith.muli %scan3A_51, %mul3A_131 : i32
      %add3A_133 = arith.constant 32 : i32
      %add3A_134 = arith.addi %mul3A_132, %add3A_133 : i32
      %multiple_of3A_135 = tpu.assume_multiple %add3A_134, 16 : i32
      %get3A_136 = arith.index_cast %multiple_of3A_135 : i32 to index
      %get3A_137 = tpu.vector_load %arg12[%get3A_136] {strides = array<i32>} : memref<10000xi32, #tpu.memory_space<vmem>>, vector<16xi32>,
      %get3A_138 = arith.index_cast %multiple_of3A_135 : i32 to index
      %get3A_139 = tpu.vector_load %arg13[%get3A_138] {strides = array<i32>} : memref<10000xi32, #tpu.memory_space<vmem>>, vector<16xi32>,
      %gather3A_140 = tpu.vector_load_idx %arg10[%get3A_139] : memref<10000xf32, #tpu.memory_space<vmem>>[vector<16xi32>], vector<16xf32>,
      %gather3A_141 = tpu.vector_load_idx %arg11[%get3A_137] : memref<10000xf32, #tpu.memory_space<vmem>>[vector<16xi32>], vector<16xf32>,
      %add3A_142 = arith.addf %gather3A_140, %gather3A_141 : vector<16xf32>
      %ge3A_143 = arith.constant 0.000000e+00 : f32
      %ge3A_144 = vector.broadcast %ge3A_143 : f32 to vector<16xf32>
      %ge3A_145 = arith.cmpf oge, %add3A_142, %ge3A_144 : vector<16xf32>
      %mul3A_146 = arith.constant 0.00999999977 : f32
      %mul3A_147 = vector.broadcast %mul3A_146 : f32 to vector<16xf32>
      %mul3A_148 = arith.mulf %add3A_142, %mul3A_147 : vector<16xf32>
      %select_n3A_149 = arith.select %ge3A_145, %add3A_142, %mul3A_148 : vector<16xi1>, vector<16xf32>
      %lt3A_150 = arith.cmpi slt, %get3A_137, %get3A_139 : vector<16xi32>
      %gt3A_151 = arith.cmpi sgt, %get3A_137, %get3A_139 : vector<16xi32>
      %jit3A_152 = arith.constant -1.000000e+30 : f32
      %broadcast_in_dim3A_153 = vector.broadcast %jit3A_152 : f32 to vector<16xf32>
      %select_n3A_154 = arith.select %lt3A_150, %select_n3A_149, %broadcast_in_dim3A_153 : vector<16xi1>, vector<16xf32>
      %jit3A_155 = arith.constant -1.000000e+30 : f32
      %broadcast_in_dim3A_156 = vector.broadcast %jit3A_155 : f32 to vector<16xf32>
      %select_n3A_157 = arith.select %gt3A_151, %select_n3A_149, %broadcast_in_dim3A_156 : vector<16xi1>, vector<16xf32>
      %swap3A_158 = arith.index_cast %multiple_of3A_135 : i32 to index
      %swap3A_159 = tpu.vector_load %arg14[%swap3A_158] {strides = array<i32>} : memref<10000xf32, #tpu.memory_space<vmem>>, vector<16xf32>,
      tpu.vector_store %arg14[%swap3A_158], %select_n3A_154 {strides = array<i32>} : memref<10000xf32, #tpu.memory_space<vmem>>, vector<16xf32>,
      %swap3A_160 = arith.index_cast %multiple_of3A_135 : i32 to index
      %swap3A_161 = tpu.vector_load %arg15[%swap3A_160] {strides = array<i32>} : memref<10000xf32, #tpu.memory_space<vmem>>, vector<16xf32>,
      tpu.vector_store %arg15[%swap3A_160], %select_n3A_157 {strides = array<i32>} : memref<10000xf32, #tpu.memory_space<vmem>>, vector<16xf32>,
      %add3A_162 = arith.constant 10000 : i32
      %add3A_163 = vector.broadcast %add3A_162 : i32 to vector<16xi32>
      %add3A_164 = arith.addi %get3A_137, %add3A_163 : vector<16xi32>
      %jit3A_165 = arith.constant 20000 : i32
      %broadcast_in_dim3A_166 = vector.broadcast %jit3A_165 : i32 to vector<16xi32>
      %select_n3A_167 = arith.select %gt3A_151, %get3A_137, %broadcast_in_dim3A_166 : vector<16xi1>, vector<16xi32>
      %select_n3A_168 = arith.select %lt3A_150, %add3A_164, %select_n3A_167 : vector<16xi1>, vector<16xi32>
      %swap3A_169 = arith.index_cast %multiple_of3A_135 : i32 to index
      %swap3A_170 = tpu.vector_load %arg16[%swap3A_169] {strides = array<i32>} : memref<10000xi32, #tpu.memory_space<vmem>>, vector<16xi32>,
      tpu.vector_store %arg16[%swap3A_169], %select_n3A_168 {strides = array<i32>} : memref<10000xi32, #tpu.memory_space<vmem>>, vector<16xi32>,
      %max3A_171 = arith.maximumf %max3A_129, %select_n3A_154 : vector<16xf32>
      %max3A_172 = arith.maximumf %max3A_130, %select_n3A_157 : vector<16xf32>
      %mul3A_173 = arith.constant 64 : i32
      %mul3A_174 = arith.muli %scan3A_51, %mul3A_173 : i32
      %add3A_175 = arith.constant 48 : i32
      %add3A_176 = arith.addi %mul3A_174, %add3A_175 : i32
      %multiple_of3A_177 = tpu.assume_multiple %add3A_176, 16 : i32
      %get3A_178 = arith.index_cast %multiple_of3A_177 : i32 to index
      %get3A_179 = tpu.vector_load %arg12[%get3A_178] {strides = array<i32>} : memref<10000xi32, #tpu.memory_space<vmem>>, vector<16xi32>,
      %get3A_180 = arith.index_cast %multiple_of3A_177 : i32 to index
      %get3A_181 = tpu.vector_load %arg13[%get3A_180] {strides = array<i32>} : memref<10000xi32, #tpu.memory_space<vmem>>, vector<16xi32>,
      %gather3A_182 = tpu.vector_load_idx %arg10[%get3A_181] : memref<10000xf32, #tpu.memory_space<vmem>>[vector<16xi32>], vector<16xf32>,
      %gather3A_183 = tpu.vector_load_idx %arg11[%get3A_179] : memref<10000xf32, #tpu.memory_space<vmem>>[vector<16xi32>], vector<16xf32>,
      %add3A_184 = arith.addf %gather3A_182, %gather3A_183 : vector<16xf32>
      %ge3A_185 = arith.constant 0.000000e+00 : f32
      %ge3A_186 = vector.broadcast %ge3A_185 : f32 to vector<16xf32>
      %ge3A_187 = arith.cmpf oge, %add3A_184, %ge3A_186 : vector<16xf32>
      %mul3A_188 = arith.constant 0.00999999977 : f32
      %mul3A_189 = vector.broadcast %mul3A_188 : f32 to vector<16xf32>
      %mul3A_190 = arith.mulf %add3A_184, %mul3A_189 : vector<16xf32>
      %select_n3A_191 = arith.select %ge3A_187, %add3A_184, %mul3A_190 : vector<16xi1>, vector<16xf32>
      %lt3A_192 = arith.cmpi slt, %get3A_179, %get3A_181 : vector<16xi32>
      %gt3A_193 = arith.cmpi sgt, %get3A_179, %get3A_181 : vector<16xi32>
      %jit3A_194 = arith.constant -1.000000e+30 : f32
      %broadcast_in_dim3A_195 = vector.broadcast %jit3A_194 : f32 to vector<16xf32>
      %select_n3A_196 = arith.select %lt3A_192, %select_n3A_191, %broadcast_in_dim3A_195 : vector<16xi1>, vector<16xf32>
      %jit3A_197 = arith.constant -1.000000e+30 : f32
      %broadcast_in_dim3A_198 = vector.broadcast %jit3A_197 : f32 to vector<16xf32>
      %select_n3A_199 = arith.select %gt3A_193, %select_n3A_191, %broadcast_in_dim3A_198 : vector<16xi1>, vector<16xf32>
      %swap3A_200 = arith.index_cast %multiple_of3A_177 : i32 to index
      %swap3A_201 = tpu.vector_load %arg14[%swap3A_200] {strides = array<i32>} : memref<10000xf32, #tpu.memory_space<vmem>>, vector<16xf32>,
      tpu.vector_store %arg14[%swap3A_200], %select_n3A_196 {strides = array<i32>} : memref<10000xf32, #tpu.memory_space<vmem>>, vector<16xf32>,
      %swap3A_202 = arith.index_cast %multiple_of3A_177 : i32 to index
      %swap3A_203 = tpu.vector_load %arg15[%swap3A_202] {strides = array<i32>} : memref<10000xf32, #tpu.memory_space<vmem>>, vector<16xf32>,
      tpu.vector_store %arg15[%swap3A_202], %select_n3A_199 {strides = array<i32>} : memref<10000xf32, #tpu.memory_space<vmem>>, vector<16xf32>,
      %add3A_204 = arith.constant 10000 : i32
      %add3A_205 = vector.broadcast %add3A_204 : i32 to vector<16xi32>
      %add3A_206 = arith.addi %get3A_179, %add3A_205 : vector<16xi32>
      %jit3A_207 = arith.constant 20000 : i32
      %broadcast_in_dim3A_208 = vector.broadcast %jit3A_207 : i32 to vector<16xi32>
      %select_n3A_209 = arith.select %gt3A_193, %get3A_179, %broadcast_in_dim3A_208 : vector<16xi1>, vector<16xi32>
      %select_n3A_210 = arith.select %lt3A_192, %add3A_206, %select_n3A_209 : vector<16xi1>, vector<16xi32>
      %swap3A_211 = arith.index_cast %multiple_of3A_177 : i32 to index
      %swap3A_212 = tpu.vector_load %arg16[%swap3A_211] {strides = array<i32>} : memref<10000xi32, #tpu.memory_space<vmem>>, vector<16xi32>,
      tpu.vector_store %arg16[%swap3A_211], %select_n3A_210 {strides = array<i32>} : memref<10000xi32, #tpu.memory_space<vmem>>, vector<16xi32>,
      %max3A_213 = arith.maximumf %max3A_171, %select_n3A_196 : vector<16xf32>
      %max3A_214 = arith.maximumf %max3A_172, %select_n3A_199 : vector<16xf32>
      scf.yield %max3A_213, %max3A_214 : vector<16xf32>, vector<16xf32>
    }
    %scan3A_8 = arith.constant 156 : i32
    %reduce_max3A = arith.constant true
    %reduce_max3A_9 = vector.broadcast %reduce_max3A : i1 to vector<16xi1>
    %reduce_max3A_10 = tpu.scan <max>, %scan3A_7#0 masked %reduce_max3A_9 : vector<16xf32>, vector<16xi1> -> vector<16xf32>
    %reduce_max3A_11 = vector.extract %reduce_max3A_10[15] : f32 from vector<16xf32>
    %reduce_max3A_12 = arith.constant true
    %reduce_max3A_13 = vector.broadcast %reduce_max3A_12 : i1 to vector<16xi1>
    %reduce_max3A_14 = tpu.scan <max>, %scan3A_7#1 masked %reduce_max3A_13 : vector<16xf32>, vector<16xi1> -> vector<16xf32>
    %reduce_max3A_15 = vector.extract %reduce_max3A_14[15] : f32 from vector<16xf32>
    %broadcast_in_dim3A_16 = arith.constant 0.000000e+00 : f32
    %broadcast_in_dim3A_17 = vector.broadcast %broadcast_in_dim3A_16 : f32 to vector<16xf32>
    %scan3A_18 = arith.constant 0 : i32
    %scan3A_19 = arith.constant 156 : i32
    %scan3A_20 = arith.addi %scan3A_18, %scan3A_19 : i32
    %scan3A_21 = arith.constant 1 : i32
    %scan3A_22:2 = scf.for %scan3A_51 = %scan3A_18 to %scan3A_20 step %scan3A_21 iter_args(%scan3A_52 = %broadcast_in_dim3A_17, %scan3A_53 = %broadcast_in_dim3A_17) -> (vector<16xf32>, vector<16xf32>)  : i32 {
      %mul3A_54 = arith.constant 64 : i32
      %mul3A_55 = arith.muli %scan3A_51, %mul3A_54 : i32
      %add3A_56 = arith.constant 0 : i32
      %add3A_57 = arith.addi %mul3A_55, %add3A_56 : i32
      %multiple_of3A = tpu.assume_multiple %add3A_57, 16 : i32
      %get3A = arith.index_cast %multiple_of3A : i32 to index
      %get3A_58 = tpu.vector_load %arg14[%get3A] {strides = array<i32>} : memref<10000xf32, #tpu.memory_space<vmem>>, vector<16xf32>,
      %sub3A = vector.broadcast %reduce_max3A_11 : f32 to vector<16xf32>
      %sub3A_59 = arith.subf %get3A_58, %sub3A : vector<16xf32>
      %exp3A = math.exp %sub3A_59 : vector<16xf32>
      %add3A_60 = arith.addf %scan3A_52, %exp3A : vector<16xf32>
      %get3A_61 = arith.index_cast %multiple_of3A : i32 to index
      %get3A_62 = tpu.vector_load %arg15[%get3A_61] {strides = array<i32>} : memref<10000xf32, #tpu.memory_space<vmem>>, vector<16xf32>,
      %sub3A_63 = vector.broadcast %reduce_max3A_15 : f32 to vector<16xf32>
      %sub3A_64 = arith.subf %get3A_62, %sub3A_63 : vector<16xf32>
      %exp3A_65 = math.exp %sub3A_64 : vector<16xf32>
      %add3A_66 = arith.addf %scan3A_53, %exp3A_65 : vector<16xf32>
      %mul3A_67 = arith.constant 64 : i32
      %mul3A_68 = arith.muli %scan3A_51, %mul3A_67 : i32
      %add3A_69 = arith.constant 16 : i32
      %add3A_70 = arith.addi %mul3A_68, %add3A_69 : i32
      %multiple_of3A_71 = tpu.assume_multiple %add3A_70, 16 : i32
      %get3A_72 = arith.index_cast %multiple_of3A_71 : i32 to index
      %get3A_73 = tpu.vector_load %arg14[%get3A_72] {strides = array<i32>} : memref<10000xf32, #tpu.memory_space<vmem>>, vector<16xf32>,
      %sub3A_74 = vector.broadcast %reduce_max3A_11 : f32 to vector<16xf32>
      %sub3A_75 = arith.subf %get3A_73, %sub3A_74 : vector<16xf32>
      %exp3A_76 = math.exp %sub3A_75 : vector<16xf32>
      %add3A_77 = arith.addf %add3A_60, %exp3A_76 : vector<16xf32>
      %get3A_78 = arith.index_cast %multiple_of3A_71 : i32 to index
      %get3A_79 = tpu.vector_load %arg15[%get3A_78] {strides = array<i32>} : memref<10000xf32, #tpu.memory_space<vmem>>, vector<16xf32>,
      %sub3A_80 = vector.broadcast %reduce_max3A_15 : f32 to vector<16xf32>
      %sub3A_81 = arith.subf %get3A_79, %sub3A_80 : vector<16xf32>
      %exp3A_82 = math.exp %sub3A_81 : vector<16xf32>
      %add3A_83 = arith.addf %add3A_66, %exp3A_82 : vector<16xf32>
      %mul3A_84 = arith.constant 64 : i32
      %mul3A_85 = arith.muli %scan3A_51, %mul3A_84 : i32
      %add3A_86 = arith.constant 32 : i32
      %add3A_87 = arith.addi %mul3A_85, %add3A_86 : i32
      %multiple_of3A_88 = tpu.assume_multiple %add3A_87, 16 : i32
      %get3A_89 = arith.index_cast %multiple_of3A_88 : i32 to index
      %get3A_90 = tpu.vector_load %arg14[%get3A_89] {strides = array<i32>} : memref<10000xf32, #tpu.memory_space<vmem>>, vector<16xf32>,
      %sub3A_91 = vector.broadcast %reduce_max3A_11 : f32 to vector<16xf32>
      %sub3A_92 = arith.subf %get3A_90, %sub3A_91 : vector<16xf32>
      %exp3A_93 = math.exp %sub3A_92 : vector<16xf32>
      %add3A_94 = arith.addf %add3A_77, %exp3A_93 : vector<16xf32>
      %get3A_95 = arith.index_cast %multiple_of3A_88 : i32 to index
      %get3A_96 = tpu.vector_load %arg15[%get3A_95] {strides = array<i32>} : memref<10000xf32, #tpu.memory_space<vmem>>, vector<16xf32>,
      %sub3A_97 = vector.broadcast %reduce_max3A_15 : f32 to vector<16xf32>
      %sub3A_98 = arith.subf %get3A_96, %sub3A_97 : vector<16xf32>
      %exp3A_99 = math.exp %sub3A_98 : vector<16xf32>
      %add3A_100 = arith.addf %add3A_83, %exp3A_99 : vector<16xf32>
      %mul3A_101 = arith.constant 64 : i32
      %mul3A_102 = arith.muli %scan3A_51, %mul3A_101 : i32
      %add3A_103 = arith.constant 48 : i32
      %add3A_104 = arith.addi %mul3A_102, %add3A_103 : i32
      %multiple_of3A_105 = tpu.assume_multiple %add3A_104, 16 : i32
      %get3A_106 = arith.index_cast %multiple_of3A_105 : i32 to index
      %get3A_107 = tpu.vector_load %arg14[%get3A_106] {strides = array<i32>} : memref<10000xf32, #tpu.memory_space<vmem>>, vector<16xf32>,
      %sub3A_108 = vector.broadcast %reduce_max3A_11 : f32 to vector<16xf32>
      %sub3A_109 = arith.subf %get3A_107, %sub3A_108 : vector<16xf32>
      %exp3A_110 = math.exp %sub3A_109 : vector<16xf32>
      %add3A_111 = arith.addf %add3A_94, %exp3A_110 : vector<16xf32>
      %get3A_112 = arith.index_cast %multiple_of3A_105 : i32 to index
      %get3A_113 = tpu.vector_load %arg15[%get3A_112] {strides = array<i32>} : memref<10000xf32, #tpu.memory_space<vmem>>, vector<16xf32>,
      %sub3A_114 = vector.broadcast %reduce_max3A_15 : f32 to vector<16xf32>
      %sub3A_115 = arith.subf %get3A_113, %sub3A_114 : vector<16xf32>
      %exp3A_116 = math.exp %sub3A_115 : vector<16xf32>
      %add3A_117 = arith.addf %add3A_100, %exp3A_116 : vector<16xf32>
      scf.yield %add3A_111, %add3A_117 : vector<16xf32>, vector<16xf32>
    }
    %scan3A_23 = arith.constant 156 : i32
    %reduce_sum3A = arith.constant true
    %reduce_sum3A_24 = vector.broadcast %reduce_sum3A : i1 to vector<16xi1>
    %reduce_sum3A_25 = tpu.scan <sum>, %scan3A_22#0 masked %reduce_sum3A_24 : vector<16xf32>, vector<16xi1> -> vector<16xf32>
    %reduce_sum3A_26 = vector.extract %reduce_sum3A_25[15] : f32 from vector<16xf32>
    %reduce_sum3A_27 = arith.constant true
    %reduce_sum3A_28 = vector.broadcast %reduce_sum3A_27 : i1 to vector<16xi1>
    %reduce_sum3A_29 = tpu.scan <sum>, %scan3A_22#1 masked %reduce_sum3A_28 : vector<16xf32>, vector<16xi1> -> vector<16xf32>
    %reduce_sum3A_30 = vector.extract %reduce_sum3A_29[15] : f32 from vector<16xf32>
    %iota3A = tpu.iota {dimensions = array<i32: 0>} : vector<16xi32>
    %eq3A = arith.constant 0 : i32
    %eq3A_31 = vector.broadcast %eq3A : i32 to vector<16xi32>
    %eq3A_32 = arith.cmpi eq, %iota3A, %eq3A_31 : vector<16xi32>
    %eq3A_33 = arith.constant 1 : i32
    %eq3A_34 = vector.broadcast %eq3A_33 : i32 to vector<16xi32>
    %eq3A_35 = arith.cmpi eq, %iota3A, %eq3A_34 : vector<16xi32>
    %eq3A_36 = arith.constant 2 : i32
    %eq3A_37 = vector.broadcast %eq3A_36 : i32 to vector<16xi32>
    %eq3A_38 = arith.cmpi eq, %iota3A, %eq3A_37 : vector<16xi32>
    %eq3A_39 = arith.constant 3 : i32
    %eq3A_40 = vector.broadcast %eq3A_39 : i32 to vector<16xi32>
    %eq3A_41 = arith.cmpi eq, %iota3A, %eq3A_40 : vector<16xi32>
    %jit3A = arith.constant 0.000000e+00 : f32
    %broadcast_in_dim3A_42 = vector.broadcast %reduce_sum3A_30 : f32 to vector<16xf32>
    %broadcast_in_dim3A_43 = vector.broadcast %jit3A : f32 to vector<16xf32>
    %select_n3A = arith.select %eq3A_41, %broadcast_in_dim3A_42, %broadcast_in_dim3A_43 : vector<16xi1>, vector<16xf32>
    %broadcast_in_dim3A_44 = vector.broadcast %reduce_max3A_15 : f32 to vector<16xf32>
    %select_n3A_45 = arith.select %eq3A_38, %broadcast_in_dim3A_44, %select_n3A : vector<16xi1>, vector<16xf32>
    %broadcast_in_dim3A_46 = vector.broadcast %reduce_sum3A_26 : f32 to vector<16xf32>
    %select_n3A_47 = arith.select %eq3A_35, %broadcast_in_dim3A_46, %select_n3A_45 : vector<16xi1>, vector<16xf32>
    %broadcast_in_dim3A_48 = vector.broadcast %reduce_max3A_11 : f32 to vector<16xf32>
    %select_n3A_49 = arith.select %eq3A_32, %broadcast_in_dim3A_48, %select_n3A_47 : vector<16xi1>, vector<16xf32>
    %swap3A = arith.constant 0 : index
    %swap3A_50 = tpu.vector_load %arg17[%swap3A] {strides = array<i32>} : memref<16xf32, #tpu.memory_space<vmem>>, vector<16xf32>,
    tpu.vector_store %arg17[%swap3A], %select_n3A_49 {strides = array<i32>} : memref<16xf32, #tpu.memory_space<vmem>>, vector<16xf32>,
    "tpu.region"() ({
      %run_scoped3A = tpu.sem_alloc : memref<!tpu.dma_semaphore, #tpu.memory_space<semaphore_mem>>
      %dma_start3A = arith.constant 0 : i32
      %dma_start3A_51 = tpu.memref_slice %arg9[%add3A, %dma_start3A] : memref<32x16xf32, #tpu.memory_space<hbm>> -> memref<1x16xf32, #tpu.memory_space<hbm>>
      %dma_start3A_52 = tpu.memref_squeeze %dma_start3A_51 : memref<1x16xf32, #tpu.memory_space<hbm>> -> memref<16xf32, #tpu.memory_space<hbm>>
      %dma_start3A_53 = arith.constant 0 : i32
      %dma_start3A_54 = tpu.memref_slice %arg9[%add3A, %dma_start3A_53] : memref<32x16xf32, #tpu.memory_space<hbm>> -> memref<1x16xf32, #tpu.memory_space<hbm>>
      %dma_start3A_55 = tpu.memref_squeeze %dma_start3A_54 : memref<1x16xf32, #tpu.memory_space<hbm>> -> memref<16xf32, #tpu.memory_space<hbm>>
      tpu.enqueue_dma source(%arg17 : memref<16xf32, #tpu.memory_space<vmem>>) target(%dma_start3A_55 : memref<16xf32, #tpu.memory_space<hbm>>) target_semaphore(%run_scoped3A : memref<!tpu.dma_semaphore, #tpu.memory_space<semaphore_mem>>)
      %dma_wait3A = arith.constant 0 : i32
      %dma_wait3A_56 = tpu.memref_slice %arg9[%add3A, %dma_wait3A] : memref<32x16xf32, #tpu.memory_space<hbm>> -> memref<1x16xf32, #tpu.memory_space<hbm>>
      %dma_wait3A_57 = tpu.memref_squeeze %dma_wait3A_56 : memref<1x16xf32, #tpu.memory_space<hbm>> -> memref<16xf32, #tpu.memory_space<hbm>>
      %dma_wait3A_58 = arith.constant 0 : i32
      %dma_wait3A_59 = tpu.memref_slice %arg9[%add3A, %dma_wait3A_58] : memref<32x16xf32, #tpu.memory_space<hbm>> -> memref<1x16xf32, #tpu.memory_space<hbm>>
      %dma_wait3A_60 = tpu.memref_squeeze %dma_wait3A_59 : memref<1x16xf32, #tpu.memory_space<hbm>> -> memref<16xf32, #tpu.memory_space<hbm>>
      tpu.wait_dma2 semaphore(%run_scoped3A : memref<!tpu.dma_semaphore, #tpu.memory_space<semaphore_mem>>) src(%arg17 : memref<16xf32, #tpu.memory_space<vmem>>) dst(%dma_wait3A_60 : memref<16xf32, #tpu.memory_space<hbm>>)
      tpu.yield
    }) : () -> ()
    "tpu.region"() ({
      %run_scoped3A = tpu.sem_alloc : memref<!tpu.dma_semaphore, #tpu.memory_space<semaphore_mem>>
      %dma_start3A = tpu.memref_slice %arg6[%mul3A_2] : memref<320000xf32, #tpu.memory_space<hbm>> -> memref<10000xf32, #tpu.memory_space<hbm>>
      %dma_start3A_51 = tpu.memref_slice %arg6[%mul3A_2] : memref<320000xf32, #tpu.memory_space<hbm>> -> memref<10000xf32, #tpu.memory_space<hbm>>
      tpu.enqueue_dma source(%arg14 : memref<10000xf32, #tpu.memory_space<vmem>>) target(%dma_start3A_51 : memref<10000xf32, #tpu.memory_space<hbm>>) target_semaphore(%run_scoped3A : memref<!tpu.dma_semaphore, #tpu.memory_space<semaphore_mem>>)
      %dma_wait3A = tpu.memref_slice %arg6[%mul3A_2] : memref<320000xf32, #tpu.memory_space<hbm>> -> memref<10000xf32, #tpu.memory_space<hbm>>
      %dma_wait3A_52 = tpu.memref_slice %arg6[%mul3A_2] : memref<320000xf32, #tpu.memory_space<hbm>> -> memref<10000xf32, #tpu.memory_space<hbm>>
      tpu.wait_dma2 semaphore(%run_scoped3A : memref<!tpu.dma_semaphore, #tpu.memory_space<semaphore_mem>>) src(%arg14 : memref<10000xf32, #tpu.memory_space<vmem>>) dst(%dma_wait3A_52 : memref<10000xf32, #tpu.memory_space<hbm>>)
      tpu.yield
    }) : () -> ()
    "tpu.region"() ({
      %run_scoped3A = tpu.sem_alloc : memref<!tpu.dma_semaphore, #tpu.memory_space<semaphore_mem>>
      %dma_start3A = tpu.memref_slice %arg7[%mul3A_2] : memref<320000xf32, #tpu.memory_space<hbm>> -> memref<10000xf32, #tpu.memory_space<hbm>>
      %dma_start3A_51 = tpu.memref_slice %arg7[%mul3A_2] : memref<320000xf32, #tpu.memory_space<hbm>> -> memref<10000xf32, #tpu.memory_space<hbm>>
      tpu.enqueue_dma source(%arg15 : memref<10000xf32, #tpu.memory_space<vmem>>) target(%dma_start3A_51 : memref<10000xf32, #tpu.memory_space<hbm>>) target_semaphore(%run_scoped3A : memref<!tpu.dma_semaphore, #tpu.memory_space<semaphore_mem>>)
      %dma_wait3A = tpu.memref_slice %arg7[%mul3A_2] : memref<320000xf32, #tpu.memory_space<hbm>> -> memref<10000xf32, #tpu.memory_space<hbm>>
      %dma_wait3A_52 = tpu.memref_slice %arg7[%mul3A_2] : memref<320000xf32, #tpu.memory_space<hbm>> -> memref<10000xf32, #tpu.memory_space<hbm>>
      tpu.wait_dma2 semaphore(%run_scoped3A : memref<!tpu.dma_semaphore, #tpu.memory_space<semaphore_mem>>) src(%arg15 : memref<10000xf32, #tpu.memory_space<vmem>>) dst(%dma_wait3A_52 : memref<10000xf32, #tpu.memory_space<hbm>>)
      tpu.yield
    }) : () -> ()
    "tpu.region"() ({
      %run_scoped3A = tpu.sem_alloc : memref<!tpu.dma_semaphore, #tpu.memory_space<semaphore_mem>>
      %dma_start3A = tpu.memref_slice %arg8[%mul3A_2] : memref<320000xi32, #tpu.memory_space<hbm>> -> memref<10000xi32, #tpu.memory_space<hbm>>
      %dma_start3A_51 = tpu.memref_slice %arg8[%mul3A_2] : memref<320000xi32, #tpu.memory_space<hbm>> -> memref<10000xi32, #tpu.memory_space<hbm>>
      tpu.enqueue_dma source(%arg16 : memref<10000xi32, #tpu.memory_space<vmem>>) target(%dma_start3A_51 : memref<10000xi32, #tpu.memory_space<hbm>>) target_semaphore(%run_scoped3A : memref<!tpu.dma_semaphore, #tpu.memory_space<semaphore_mem>>)
      %dma_wait3A = tpu.memref_slice %arg8[%mul3A_2] : memref<320000xi32, #tpu.memory_space<hbm>> -> memref<10000xi32, #tpu.memory_space<hbm>>
      %dma_wait3A_52 = tpu.memref_slice %arg8[%mul3A_2] : memref<320000xi32, #tpu.memory_space<hbm>> -> memref<10000xi32, #tpu.memory_space<hbm>>
      tpu.wait_dma2 semaphore(%run_scoped3A : memref<!tpu.dma_semaphore, #tpu.memory_space<semaphore_mem>>) src(%arg16 : memref<10000xi32, #tpu.memory_space<vmem>>) dst(%dma_wait3A_52 : memref<10000xi32, #tpu.memory_space<hbm>>)
      tpu.yield
    }) : () -> ()
    return
  }
}

#map = affine_map<(d0, d1) -> (0, 0)>
#map1 = affine_map<(d0, d1) -> (0)>
module attributes {stable_mosaic.version = 14 : i64} {
  func.func @_bgather_body(%arg0: i32, %arg1: i32, %arg2: memref<10000x128xf32, #tpu.memory_space<hbm>>, %arg3: memref<192000xi32, #tpu.memory_space<hbm>>, %arg4: memref<192000x128xf32, #tpu.memory_space<hbm>>, %arg5: memref<6000xi32, #tpu.memory_space<vmem>>, %arg6: memref<200x128xf32, #tpu.memory_space<vmem>>, %arg7: memref<200x128xf32, #tpu.memory_space<vmem>>, %arg8: memref<!tpu.dma_semaphore, #tpu.memory_space<semaphore_mem>>, %arg9: memref<!tpu.dma_semaphore, #tpu.memory_space<semaphore_mem>>) attributes {dimension_semantics = [#tpu.dimension_semantics<core_parallel>, #tpu.dimension_semantics<subcore_parallel>], iteration_bounds = array<i64: 2, 16>, scalar_prefetch = 0 : i64, scratch_operands = 5 : i64, tpu.core_type = #tpu.core_type<sc_vector_subcore>, window_params = [{transform_indices = #map}, {transform_indices = #map1}, {transform_indices = #map}]} {
    %mul3A = arith.constant 2 : i32
    %mul3A_0 = arith.muli %arg1, %mul3A : i32
    %add3A = arith.addi %mul3A_0, %arg0 : i32
    %mul3A_1 = arith.constant 6000 : i32
    %mul3A_2 = arith.muli %add3A, %mul3A_1 : i32
    "tpu.region"() ({
      %run_scoped3A = tpu.sem_alloc : memref<!tpu.dma_semaphore, #tpu.memory_space<semaphore_mem>>
      %dma_start3A_33 = tpu.memref_slice %arg3[%mul3A_2] : memref<192000xi32, #tpu.memory_space<hbm>> -> memref<6000xi32, #tpu.memory_space<hbm>>
      %dma_start3A_34 = tpu.memref_slice %arg3[%mul3A_2] : memref<192000xi32, #tpu.memory_space<hbm>> -> memref<6000xi32, #tpu.memory_space<hbm>>
      tpu.enqueue_dma source(%dma_start3A_34 : memref<6000xi32, #tpu.memory_space<hbm>>) target(%arg5 : memref<6000xi32, #tpu.memory_space<vmem>>) target_semaphore(%run_scoped3A : memref<!tpu.dma_semaphore, #tpu.memory_space<semaphore_mem>>)
      %dma_wait3A_35 = tpu.memref_slice %arg3[%mul3A_2] : memref<192000xi32, #tpu.memory_space<hbm>> -> memref<6000xi32, #tpu.memory_space<hbm>>
      %dma_wait3A_36 = tpu.memref_slice %arg3[%mul3A_2] : memref<192000xi32, #tpu.memory_space<hbm>> -> memref<6000xi32, #tpu.memory_space<hbm>>
      tpu.wait_dma2 semaphore(%run_scoped3A : memref<!tpu.dma_semaphore, #tpu.memory_space<semaphore_mem>>) src(%dma_wait3A_36 : memref<6000xi32, #tpu.memory_space<hbm>>) dst(%arg5 : memref<6000xi32, #tpu.memory_space<vmem>>)
      tpu.yield
    }) : () -> ()
    %multiple_of3A = arith.constant 0 : i32
    %multiple_of3A_3 = tpu.assume_multiple %multiple_of3A, 8 : i32
    %dma_start3A = tpu.memref_slice %arg5[%multiple_of3A_3] : memref<6000xi32, #tpu.memory_space<vmem>> -> memref<200xi32, #tpu.memory_space<vmem>>
    %dma_start3A_4 = arith.constant 0 : i32
    %dma_start3A_5 = arith.constant 0 : i32
    %dma_start3A_6 = tpu.memref_slice %arg2[%dma_start3A_4, %dma_start3A_5] : memref<10000x128xf32, #tpu.memory_space<hbm>> -> memref<10000x128xf32, #tpu.memory_space<hbm>>
    tpu.enqueue_indirect_dma source(%dma_start3A_6 : memref<10000x128xf32, #tpu.memory_space<hbm>>) target(%arg6 : memref<200x128xf32, #tpu.memory_space<vmem>>) offsets(%dma_start3A : memref<200xi32, #tpu.memory_space<vmem>>) semaphore(%arg8 : memref<!tpu.dma_semaphore, #tpu.memory_space<semaphore_mem>>)
    %scan3A = arith.constant 0 : i32
    %scan3A_7 = arith.constant 0 : i32
    %scan3A_8 = arith.constant 14 : i32
    %scan3A_9 = arith.addi %scan3A_7, %scan3A_8 : i32
    %scan3A_10 = arith.constant 1 : i32
    scf.for %scan3A_33 = %scan3A_7 to %scan3A_9 step %scan3A_10  : i32 {
      %mul3A_34 = arith.constant 2 : i32
      %mul3A_35 = arith.muli %mul3A_34, %scan3A_33 : i32
      %add3A_36 = arith.constant 1 : i32
      %add3A_37 = arith.addi %mul3A_35, %add3A_36 : i32
      %mul3A_38 = arith.constant 200 : i32
      %mul3A_39 = arith.muli %add3A_37, %mul3A_38 : i32
      %multiple_of3A_40 = tpu.assume_multiple %mul3A_39, 8 : i32
      %dma_start3A_41 = tpu.memref_slice %arg5[%multiple_of3A_40] : memref<6000xi32, #tpu.memory_space<vmem>> -> memref<200xi32, #tpu.memory_space<vmem>>
      %dma_start3A_42 = arith.constant 0 : i32
      %dma_start3A_43 = arith.constant 0 : i32
      %dma_start3A_44 = tpu.memref_slice %arg2[%dma_start3A_42, %dma_start3A_43] : memref<10000x128xf32, #tpu.memory_space<hbm>> -> memref<10000x128xf32, #tpu.memory_space<hbm>>
      tpu.enqueue_indirect_dma source(%dma_start3A_44 : memref<10000x128xf32, #tpu.memory_space<hbm>>) target(%arg7 : memref<200x128xf32, #tpu.memory_space<vmem>>) offsets(%dma_start3A_41 : memref<200xi32, #tpu.memory_space<vmem>>) semaphore(%arg9 : memref<!tpu.dma_semaphore, #tpu.memory_space<semaphore_mem>>)
      %dma_wait3A_45 = arith.constant 0 : i32
      %dma_wait3A_46 = tpu.memref_slice %arg5[%dma_wait3A_45] : memref<6000xi32, #tpu.memory_space<vmem>> -> memref<200xi32, #tpu.memory_space<vmem>>
      %dma_wait3A_47 = arith.constant 0 : i32
      %dma_wait3A_48 = arith.constant 0 : i32
      %dma_wait3A_49 = tpu.memref_slice %arg2[%dma_wait3A_47, %dma_wait3A_48] : memref<10000x128xf32, #tpu.memory_space<hbm>> -> memref<10000x128xf32, #tpu.memory_space<hbm>>
      tpu.wait_indirect_dma semaphore(%arg8 : memref<!tpu.dma_semaphore, #tpu.memory_space<semaphore_mem>>) src(%dma_wait3A_49 : memref<10000x128xf32, #tpu.memory_space<hbm>>) dst(%arg6 : memref<200x128xf32, #tpu.memory_space<vmem>>)
      %mul3A_50 = arith.constant 200 : i32
      %mul3A_51 = arith.muli %mul3A_35, %mul3A_50 : i32
      %multiple_of3A_52 = tpu.assume_multiple %mul3A_51, 8 : i32
      %add3A_53 = arith.addi %mul3A_2, %multiple_of3A_52 : i32
      "tpu.region"() ({
        %run_scoped3A = tpu.sem_alloc : memref<!tpu.dma_semaphore, #tpu.memory_space<semaphore_mem>>
        %dma_start3A_74 = arith.constant 0 : i32
        %dma_start3A_75 = tpu.memref_slice %arg4[%add3A_53, %dma_start3A_74] : memref<192000x128xf32, #tpu.memory_space<hbm>> -> memref<200x128xf32, #tpu.memory_space<hbm>>
        %dma_start3A_76 = arith.constant 0 : i32
        %dma_start3A_77 = tpu.memref_slice %arg4[%add3A_53, %dma_start3A_76] : memref<192000x128xf32, #tpu.memory_space<hbm>> -> memref<200x128xf32, #tpu.memory_space<hbm>>
        tpu.enqueue_dma source(%arg6 : memref<200x128xf32, #tpu.memory_space<vmem>>) target(%dma_start3A_77 : memref<200x128xf32, #tpu.memory_space<hbm>>) target_semaphore(%run_scoped3A : memref<!tpu.dma_semaphore, #tpu.memory_space<semaphore_mem>>)
        %dma_wait3A_78 = arith.constant 0 : i32
        %dma_wait3A_79 = tpu.memref_slice %arg4[%add3A_53, %dma_wait3A_78] : memref<192000x128xf32, #tpu.memory_space<hbm>> -> memref<200x128xf32, #tpu.memory_space<hbm>>
        %dma_wait3A_80 = arith.constant 0 : i32
        %dma_wait3A_81 = tpu.memref_slice %arg4[%add3A_53, %dma_wait3A_80] : memref<192000x128xf32, #tpu.memory_space<hbm>> -> memref<200x128xf32, #tpu.memory_space<hbm>>
        tpu.wait_dma2 semaphore(%run_scoped3A : memref<!tpu.dma_semaphore, #tpu.memory_space<semaphore_mem>>) src(%arg6 : memref<200x128xf32, #tpu.memory_space<vmem>>) dst(%dma_wait3A_81 : memref<200x128xf32, #tpu.memory_space<hbm>>)
        tpu.yield
      }) : () -> ()
      %add3A_54 = arith.constant 2 : i32
      %add3A_55 = arith.addi %mul3A_35, %add3A_54 : i32
      %mul3A_56 = arith.constant 200 : i32
      %mul3A_57 = arith.muli %add3A_55, %mul3A_56 : i32
      %multiple_of3A_58 = tpu.assume_multiple %mul3A_57, 8 : i32
      %dma_start3A_59 = tpu.memref_slice %arg5[%multiple_of3A_58] : memref<6000xi32, #tpu.memory_space<vmem>> -> memref<200xi32, #tpu.memory_space<vmem>>
      %dma_start3A_60 = arith.constant 0 : i32
      %dma_start3A_61 = arith.constant 0 : i32
      %dma_start3A_62 = tpu.memref_slice %arg2[%dma_start3A_60, %dma_start3A_61] : memref<10000x128xf32, #tpu.memory_space<hbm>> -> memref<10000x128xf32, #tpu.memory_space<hbm>>
      tpu.enqueue_indirect_dma source(%dma_start3A_62 : memref<10000x128xf32, #tpu.memory_space<hbm>>) target(%arg6 : memref<200x128xf32, #tpu.memory_space<vmem>>) offsets(%dma_start3A_59 : memref<200xi32, #tpu.memory_space<vmem>>) semaphore(%arg8 : memref<!tpu.dma_semaphore, #tpu.memory_space<semaphore_mem>>)
      %add3A_63 = arith.constant 1 : i32
      %add3A_64 = arith.addi %mul3A_35, %add3A_63 : i32
      %dma_wait3A_65 = arith.constant 0 : i32
      %dma_wait3A_66 = tpu.memref_slice %arg5[%dma_wait3A_65] : memref<6000xi32, #tpu.memory_space<vmem>> -> memref<200xi32, #tpu.memory_space<vmem>>
      %dma_wait3A_67 = arith.constant 0 : i32
      %dma_wait3A_68 = arith.constant 0 : i32
      %dma_wait3A_69 = tpu.memref_slice %arg2[%dma_wait3A_67, %dma_wait3A_68] : memref<10000x128xf32, #tpu.memory_space<hbm>> -> memref<10000x128xf32, #tpu.memory_space<hbm>>
      tpu.wait_indirect_dma semaphore(%arg9 : memref<!tpu.dma_semaphore, #tpu.memory_space<semaphore_mem>>) src(%dma_wait3A_69 : memref<10000x128xf32, #tpu.memory_space<hbm>>) dst(%arg7 : memref<200x128xf32, #tpu.memory_space<vmem>>)
      %mul3A_70 = arith.constant 200 : i32
      %mul3A_71 = arith.muli %add3A_64, %mul3A_70 : i32
      %multiple_of3A_72 = tpu.assume_multiple %mul3A_71, 8 : i32
      %add3A_73 = arith.addi %mul3A_2, %multiple_of3A_72 : i32
      "tpu.region"() ({
        %run_scoped3A = tpu.sem_alloc : memref<!tpu.dma_semaphore, #tpu.memory_space<semaphore_mem>>
        %dma_start3A_74 = arith.constant 0 : i32
        %dma_start3A_75 = tpu.memref_slice %arg4[%add3A_73, %dma_start3A_74] : memref<192000x128xf32, #tpu.memory_space<hbm>> -> memref<200x128xf32, #tpu.memory_space<hbm>>
        %dma_start3A_76 = arith.constant 0 : i32
        %dma_start3A_77 = tpu.memref_slice %arg4[%add3A_73, %dma_start3A_76] : memref<192000x128xf32, #tpu.memory_space<hbm>> -> memref<200x128xf32, #tpu.memory_space<hbm>>
        tpu.enqueue_dma source(%arg7 : memref<200x128xf32, #tpu.memory_space<vmem>>) target(%dma_start3A_77 : memref<200x128xf32, #tpu.memory_space<hbm>>) target_semaphore(%run_scoped3A : memref<!tpu.dma_semaphore, #tpu.memory_space<semaphore_mem>>)
        %dma_wait3A_78 = arith.constant 0 : i32
        %dma_wait3A_79 = tpu.memref_slice %arg4[%add3A_73, %dma_wait3A_78] : memref<192000x128xf32, #tpu.memory_space<hbm>> -> memref<200x128xf32, #tpu.memory_space<hbm>>
        %dma_wait3A_80 = arith.constant 0 : i32
        %dma_wait3A_81 = tpu.memref_slice %arg4[%add3A_73, %dma_wait3A_80] : memref<192000x128xf32, #tpu.memory_space<hbm>> -> memref<200x128xf32, #tpu.memory_space<hbm>>
        tpu.wait_dma2 semaphore(%run_scoped3A : memref<!tpu.dma_semaphore, #tpu.memory_space<semaphore_mem>>) src(%arg7 : memref<200x128xf32, #tpu.memory_space<vmem>>) dst(%dma_wait3A_81 : memref<200x128xf32, #tpu.memory_space<hbm>>)
        tpu.yield
      }) : () -> ()
    }
    %scan3A_11 = arith.constant 14 : i32
    %multiple_of3A_12 = arith.constant 5800 : i32
    %multiple_of3A_13 = tpu.assume_multiple %multiple_of3A_12, 8 : i32
    %dma_start3A_14 = tpu.memref_slice %arg5[%multiple_of3A_13] : memref<6000xi32, #tpu.memory_space<vmem>> -> memref<200xi32, #tpu.memory_space<vmem>>
    %dma_start3A_15 = arith.constant 0 : i32
    %dma_start3A_16 = arith.constant 0 : i32
    %dma_start3A_17 = tpu.memref_slice %arg2[%dma_start3A_15, %dma_start3A_16] : memref<10000x128xf32, #tpu.memory_space<hbm>> -> memref<10000x128xf32, #tpu.memory_space<hbm>>
    tpu.enqueue_indirect_dma source(%dma_start3A_17 : memref<10000x128xf32, #tpu.memory_space<hbm>>) target(%arg7 : memref<200x128xf32, #tpu.memory_space<vmem>>) offsets(%dma_start3A_14 : memref<200xi32, #tpu.memory_space<vmem>>) semaphore(%arg9 : memref<!tpu.dma_semaphore, #tpu.memory_space<semaphore_mem>>)
    %dma_wait3A = arith.constant 0 : i32
    %dma_wait3A_18 = tpu.memref_slice %arg5[%dma_wait3A] : memref<6000xi32, #tpu.memory_space<vmem>> -> memref<200xi32, #tpu.memory_space<vmem>>
    %dma_wait3A_19 = arith.constant 0 : i32
    %dma_wait3A_20 = arith.constant 0 : i32
    %dma_wait3A_21 = tpu.memref_slice %arg2[%dma_wait3A_19, %dma_wait3A_20] : memref<10000x128xf32, #tpu.memory_space<hbm>> -> memref<10000x128xf32, #tpu.memory_space<hbm>>
    tpu.wait_indirect_dma semaphore(%arg8 : memref<!tpu.dma_semaphore, #tpu.memory_space<semaphore_mem>>) src(%dma_wait3A_21 : memref<10000x128xf32, #tpu.memory_space<hbm>>) dst(%arg6 : memref<200x128xf32, #tpu.memory_space<vmem>>)
    %multiple_of3A_22 = arith.constant 5600 : i32
    %multiple_of3A_23 = tpu.assume_multiple %multiple_of3A_22, 8 : i32
    %add3A_24 = arith.addi %mul3A_2, %multiple_of3A_23 : i32
    "tpu.region"() ({
      %run_scoped3A = tpu.sem_alloc : memref<!tpu.dma_semaphore, #tpu.memory_space<semaphore_mem>>
      %dma_start3A_33 = arith.constant 0 : i32
      %dma_start3A_34 = tpu.memref_slice %arg4[%add3A_24, %dma_start3A_33] : memref<192000x128xf32, #tpu.memory_space<hbm>> -> memref<200x128xf32, #tpu.memory_space<hbm>>
      %dma_start3A_35 = arith.constant 0 : i32
      %dma_start3A_36 = tpu.memref_slice %arg4[%add3A_24, %dma_start3A_35] : memref<192000x128xf32, #tpu.memory_space<hbm>> -> memref<200x128xf32, #tpu.memory_space<hbm>>
      tpu.enqueue_dma source(%arg6 : memref<200x128xf32, #tpu.memory_space<vmem>>) target(%dma_start3A_36 : memref<200x128xf32, #tpu.memory_space<hbm>>) target_semaphore(%run_scoped3A : memref<!tpu.dma_semaphore, #tpu.memory_space<semaphore_mem>>)
      %dma_wait3A_37 = arith.constant 0 : i32
      %dma_wait3A_38 = tpu.memref_slice %arg4[%add3A_24, %dma_wait3A_37] : memref<192000x128xf32, #tpu.memory_space<hbm>> -> memref<200x128xf32, #tpu.memory_space<hbm>>
      %dma_wait3A_39 = arith.constant 0 : i32
      %dma_wait3A_40 = tpu.memref_slice %arg4[%add3A_24, %dma_wait3A_39] : memref<192000x128xf32, #tpu.memory_space<hbm>> -> memref<200x128xf32, #tpu.memory_space<hbm>>
      tpu.wait_dma2 semaphore(%run_scoped3A : memref<!tpu.dma_semaphore, #tpu.memory_space<semaphore_mem>>) src(%arg6 : memref<200x128xf32, #tpu.memory_space<vmem>>) dst(%dma_wait3A_40 : memref<200x128xf32, #tpu.memory_space<hbm>>)
      tpu.yield
    }) : () -> ()
    %dma_wait3A_25 = arith.constant 0 : i32
    %dma_wait3A_26 = tpu.memref_slice %arg5[%dma_wait3A_25] : memref<6000xi32, #tpu.memory_space<vmem>> -> memref<200xi32, #tpu.memory_space<vmem>>
    %dma_wait3A_27 = arith.constant 0 : i32
    %dma_wait3A_28 = arith.constant 0 : i32
    %dma_wait3A_29 = tpu.memref_slice %arg2[%dma_wait3A_27, %dma_wait3A_28] : memref<10000x128xf32, #tpu.memory_space<hbm>> -> memref<10000x128xf32, #tpu.memory_space<hbm>>
    tpu.wait_indirect_dma semaphore(%arg9 : memref<!tpu.dma_semaphore, #tpu.memory_space<semaphore_mem>>) src(%dma_wait3A_29 : memref<10000x128xf32, #tpu.memory_space<hbm>>) dst(%arg7 : memref<200x128xf32, #tpu.memory_space<vmem>>)
    %multiple_of3A_30 = arith.constant 5800 : i32
    %multiple_of3A_31 = tpu.assume_multiple %multiple_of3A_30, 8 : i32
    %add3A_32 = arith.addi %mul3A_2, %multiple_of3A_31 : i32
    "tpu.region"() ({
      %run_scoped3A = tpu.sem_alloc : memref<!tpu.dma_semaphore, #tpu.memory_space<semaphore_mem>>
      %dma_start3A_33 = arith.constant 0 : i32
      %dma_start3A_34 = tpu.memref_slice %arg4[%add3A_32, %dma_start3A_33] : memref<192000x128xf32, #tpu.memory_space<hbm>> -> memref<200x128xf32, #tpu.memory_space<hbm>>
      %dma_start3A_35 = arith.constant 0 : i32
      %dma_start3A_36 = tpu.memref_slice %arg4[%add3A_32, %dma_start3A_35] : memref<192000x128xf32, #tpu.memory_space<hbm>> -> memref<200x128xf32, #tpu.memory_space<hbm>>
      tpu.enqueue_dma source(%arg7 : memref<200x128xf32, #tpu.memory_space<vmem>>) target(%dma_start3A_36 : memref<200x128xf32, #tpu.memory_space<hbm>>) target_semaphore(%run_scoped3A : memref<!tpu.dma_semaphore, #tpu.memory_space<semaphore_mem>>)
      %dma_wait3A_37 = arith.constant 0 : i32
      %dma_wait3A_38 = tpu.memref_slice %arg4[%add3A_32, %dma_wait3A_37] : memref<192000x128xf32, #tpu.memory_space<hbm>> -> memref<200x128xf32, #tpu.memory_space<hbm>>
      %dma_wait3A_39 = arith.constant 0 : i32
      %dma_wait3A_40 = tpu.memref_slice %arg4[%add3A_32, %dma_wait3A_39] : memref<192000x128xf32, #tpu.memory_space<hbm>> -> memref<200x128xf32, #tpu.memory_space<hbm>>
      tpu.wait_dma2 semaphore(%run_scoped3A : memref<!tpu.dma_semaphore, #tpu.memory_space<semaphore_mem>>) src(%arg7 : memref<200x128xf32, #tpu.memory_space<vmem>>) dst(%dma_wait3A_40 : memref<200x128xf32, #tpu.memory_space<hbm>>)
      tpu.yield
    }) : () -> ()
    return
  }
}

#map = affine_map<(d0, d1) -> (0, 0)>
#map1 = affine_map<(d0, d1) -> (0)>
module attributes {stable_mosaic.version = 14 : i64} {
  func.func @_scatter_body(%arg0: i32, %arg1: i32, %arg2: memref<192000x128xf32, #tpu.memory_space<hbm>>, %arg3: memref<192000xi32, #tpu.memory_space<hbm>>, %arg4: memref<20000x128xf32, #tpu.memory_space<hbm>>, %arg5: memref<160x128xf32, #tpu.memory_space<vmem>>, %arg6: memref<160x128xf32, #tpu.memory_space<vmem>>, %arg7: memref<160xi32, #tpu.memory_space<vmem>>, %arg8: memref<160xi32, #tpu.memory_space<vmem>>, %arg9: memref<160xi32, #tpu.memory_space<vmem>>, %arg10: memref<10240x128xf32, #tpu.memory_space<vmem_shared>>, %arg11: memref<!tpu.dma_semaphore, #tpu.memory_space<semaphore_mem>>, %arg12: memref<!tpu.dma_semaphore, #tpu.memory_space<semaphore_mem>>) attributes {dimension_semantics = [#tpu.dimension_semantics<core_parallel>, #tpu.dimension_semantics<subcore_parallel>], iteration_bounds = array<i64: 2, 16>, scalar_prefetch = 0 : i64, scratch_operands = 8 : i64, tpu.core_type = #tpu.core_type<sc_vector_subcore>, window_params = [{transform_indices = #map}, {transform_indices = #map1}, {transform_indices = #map}]} {
    %broadcast_in_dim3A = arith.constant 0.000000e+00 : f32
    %broadcast_in_dim3A_0 = vector.broadcast %broadcast_in_dim3A : f32 to vector<16xf32>
    %scan3A = arith.constant 0 : i32
    %scan3A_1 = arith.constant 0 : i32
    %scan3A_2 = arith.constant 160 : i32
    %scan3A_3 = arith.addi %scan3A_1, %scan3A_2 : i32
    %scan3A_4 = arith.constant 1 : i32
    scf.for %scan3A_75 = %scan3A_1 to %scan3A_3 step %scan3A_4  : i32 {
      %swap3A = arith.index_cast %scan3A_75 : i32 to index
      %swap3A_76 = arith.constant 0 : index
      %swap3A_77 = tpu.vector_load %arg5[%swap3A, %swap3A_76] {strides = array<i32>} : memref<160x128xf32, #tpu.memory_space<vmem>>, vector<16xf32>,
      tpu.vector_store %arg5[%swap3A, %swap3A_76], %broadcast_in_dim3A_0 {strides = array<i32>} : memref<160x128xf32, #tpu.memory_space<vmem>>, vector<16xf32>,
      %swap3A_78 = arith.index_cast %scan3A_75 : i32 to index
      %swap3A_79 = arith.constant 16 : index
      %swap3A_80 = tpu.vector_load %arg5[%swap3A_78, %swap3A_79] {strides = array<i32>} : memref<160x128xf32, #tpu.memory_space<vmem>>, vector<16xf32>,
      tpu.vector_store %arg5[%swap3A_78, %swap3A_79], %broadcast_in_dim3A_0 {strides = array<i32>} : memref<160x128xf32, #tpu.memory_space<vmem>>, vector<16xf32>,
      %swap3A_81 = arith.index_cast %scan3A_75 : i32 to index
      %swap3A_82 = arith.constant 32 : index
      %swap3A_83 = tpu.vector_load %arg5[%swap3A_81, %swap3A_82] {strides = array<i32>} : memref<160x128xf32, #tpu.memory_space<vmem>>, vector<16xf32>,
      tpu.vector_store %arg5[%swap3A_81, %swap3A_82], %broadcast_in_dim3A_0 {strides = array<i32>} : memref<160x128xf32, #tpu.memory_space<vmem>>, vector<16xf32>,
      %swap3A_84 = arith.index_cast %scan3A_75 : i32 to index
      %swap3A_85 = arith.constant 48 : index
      %swap3A_86 = tpu.vector_load %arg5[%swap3A_84, %swap3A_85] {strides = array<i32>} : memref<160x128xf32, #tpu.memory_space<vmem>>, vector<16xf32>,
      tpu.vector_store %arg5[%swap3A_84, %swap3A_85], %broadcast_in_dim3A_0 {strides = array<i32>} : memref<160x128xf32, #tpu.memory_space<vmem>>, vector<16xf32>,
      %swap3A_87 = arith.index_cast %scan3A_75 : i32 to index
      %swap3A_88 = arith.constant 64 : index
      %swap3A_89 = tpu.vector_load %arg5[%swap3A_87, %swap3A_88] {strides = array<i32>} : memref<160x128xf32, #tpu.memory_space<vmem>>, vector<16xf32>,
      tpu.vector_store %arg5[%swap3A_87, %swap3A_88], %broadcast_in_dim3A_0 {strides = array<i32>} : memref<160x128xf32, #tpu.memory_space<vmem>>, vector<16xf32>,
      %swap3A_90 = arith.index_cast %scan3A_75 : i32 to index
      %swap3A_91 = arith.constant 80 : index
      %swap3A_92 = tpu.vector_load %arg5[%swap3A_90, %swap3A_91] {strides = array<i32>} : memref<160x128xf32, #tpu.memory_space<vmem>>, vector<16xf32>,
      tpu.vector_store %arg5[%swap3A_90, %swap3A_91], %broadcast_in_dim3A_0 {strides = array<i32>} : memref<160x128xf32, #tpu.memory_space<vmem>>, vector<16xf32>,
      %swap3A_93 = arith.index_cast %scan3A_75 : i32 to index
      %swap3A_94 = arith.constant 96 : index
      %swap3A_95 = tpu.vector_load %arg5[%swap3A_93, %swap3A_94] {strides = array<i32>} : memref<160x128xf32, #tpu.memory_space<vmem>>, vector<16xf32>,
      tpu.vector_store %arg5[%swap3A_93, %swap3A_94], %broadcast_in_dim3A_0 {strides = array<i32>} : memref<160x128xf32, #tpu.memory_space<vmem>>, vector<16xf32>,
      %swap3A_96 = arith.index_cast %scan3A_75 : i32 to index
      %swap3A_97 = arith.constant 112 : index
      %swap3A_98 = tpu.vector_load %arg5[%swap3A_96, %swap3A_97] {strides = array<i32>} : memref<160x128xf32, #tpu.memory_space<vmem>>, vector<16xf32>,
      tpu.vector_store %arg5[%swap3A_96, %swap3A_97], %broadcast_in_dim3A_0 {strides = array<i32>} : memref<160x128xf32, #tpu.memory_space<vmem>>, vector<16xf32>,
    }
    %scan3A_5 = arith.constant 160 : i32
    %mul3A = arith.constant 4 : i32
    %mul3A_6 = arith.muli %arg1, %mul3A : i32
    %add3A = arith.constant 0 : i32
    %add3A_7 = arith.addi %mul3A_6, %add3A : i32
    %mul3A_8 = arith.constant 160 : i32
    %mul3A_9 = arith.muli %add3A_7, %mul3A_8 : i32
    "tpu.region"() ({
      %run_scoped3A = tpu.sem_alloc : memref<!tpu.dma_semaphore, #tpu.memory_space<semaphore_mem>>
      %dma_start3A_75 = arith.constant 0 : i32
      %dma_start3A_76 = tpu.memref_slice %arg10[%mul3A_9, %dma_start3A_75] : memref<10240x128xf32, #tpu.memory_space<vmem_shared>> -> memref<160x128xf32, #tpu.memory_space<vmem_shared>>
      %dma_start3A_77 = arith.constant 0 : i32
      %dma_start3A_78 = tpu.memref_slice %arg10[%mul3A_9, %dma_start3A_77] : memref<10240x128xf32, #tpu.memory_space<vmem_shared>> -> memref<160x128xf32, #tpu.memory_space<vmem_shared>>
      tpu.enqueue_dma source(%arg5 : memref<160x128xf32, #tpu.memory_space<vmem>>) target(%dma_start3A_78 : memref<160x128xf32, #tpu.memory_space<vmem_shared>>) target_semaphore(%run_scoped3A : memref<!tpu.dma_semaphore, #tpu.memory_space<semaphore_mem>>)
      %dma_wait3A_79 = arith.constant 0 : i32
      %dma_wait3A_80 = tpu.memref_slice %arg10[%mul3A_9, %dma_wait3A_79] : memref<10240x128xf32, #tpu.memory_space<vmem_shared>> -> memref<160x128xf32, #tpu.memory_space<vmem_shared>>
      %dma_wait3A_81 = arith.constant 0 : i32
      %dma_wait3A_82 = tpu.memref_slice %arg10[%mul3A_9, %dma_wait3A_81] : memref<10240x128xf32, #tpu.memory_space<vmem_shared>> -> memref<160x128xf32, #tpu.memory_space<vmem_shared>>
      tpu.wait_dma2 semaphore(%run_scoped3A : memref<!tpu.dma_semaphore, #tpu.memory_space<semaphore_mem>>) src(%arg5 : memref<160x128xf32, #tpu.memory_space<vmem>>) dst(%dma_wait3A_82 : memref<160x128xf32, #tpu.memory_space<vmem_shared>>)
      tpu.yield
    }) : () -> ()
    %mul3A_10 = arith.constant 4 : i32
    %mul3A_11 = arith.muli %arg1, %mul3A_10 : i32
    %add3A_12 = arith.constant 1 : i32
    %add3A_13 = arith.addi %mul3A_11, %add3A_12 : i32
    %mul3A_14 = arith.constant 160 : i32
    %mul3A_15 = arith.muli %add3A_13, %mul3A_14 : i32
    "tpu.region"() ({
      %run_scoped3A = tpu.sem_alloc : memref<!tpu.dma_semaphore, #tpu.memory_space<semaphore_mem>>
      %dma_start3A_75 = arith.constant 0 : i32
      %dma_start3A_76 = tpu.memref_slice %arg10[%mul3A_15, %dma_start3A_75] : memref<10240x128xf32, #tpu.memory_space<vmem_shared>> -> memref<160x128xf32, #tpu.memory_space<vmem_shared>>
      %dma_start3A_77 = arith.constant 0 : i32
      %dma_start3A_78 = tpu.memref_slice %arg10[%mul3A_15, %dma_start3A_77] : memref<10240x128xf32, #tpu.memory_space<vmem_shared>> -> memref<160x128xf32, #tpu.memory_space<vmem_shared>>
      tpu.enqueue_dma source(%arg5 : memref<160x128xf32, #tpu.memory_space<vmem>>) target(%dma_start3A_78 : memref<160x128xf32, #tpu.memory_space<vmem_shared>>) target_semaphore(%run_scoped3A : memref<!tpu.dma_semaphore, #tpu.memory_space<semaphore_mem>>)
      %dma_wait3A_79 = arith.constant 0 : i32
      %dma_wait3A_80 = tpu.memref_slice %arg10[%mul3A_15, %dma_wait3A_79] : memref<10240x128xf32, #tpu.memory_space<vmem_shared>> -> memref<160x128xf32, #tpu.memory_space<vmem_shared>>
      %dma_wait3A_81 = arith.constant 0 : i32
      %dma_wait3A_82 = tpu.memref_slice %arg10[%mul3A_15, %dma_wait3A_81] : memref<10240x128xf32, #tpu.memory_space<vmem_shared>> -> memref<160x128xf32, #tpu.memory_space<vmem_shared>>
      tpu.wait_dma2 semaphore(%run_scoped3A : memref<!tpu.dma_semaphore, #tpu.memory_space<semaphore_mem>>) src(%arg5 : memref<160x128xf32, #tpu.memory_space<vmem>>) dst(%dma_wait3A_82 : memref<160x128xf32, #tpu.memory_space<vmem_shared>>)
      tpu.yield
    }) : () -> ()
    %mul3A_16 = arith.constant 4 : i32
    %mul3A_17 = arith.muli %arg1, %mul3A_16 : i32
    %add3A_18 = arith.constant 2 : i32
    %add3A_19 = arith.addi %mul3A_17, %add3A_18 : i32
    %mul3A_20 = arith.constant 160 : i32
    %mul3A_21 = arith.muli %add3A_19, %mul3A_20 : i32
    "tpu.region"() ({
      %run_scoped3A = tpu.sem_alloc : memref<!tpu.dma_semaphore, #tpu.memory_space<semaphore_mem>>
      %dma_start3A_75 = arith.constant 0 : i32
      %dma_start3A_76 = tpu.memref_slice %arg10[%mul3A_21, %dma_start3A_75] : memref<10240x128xf32, #tpu.memory_space<vmem_shared>> -> memref<160x128xf32, #tpu.memory_space<vmem_shared>>
      %dma_start3A_77 = arith.constant 0 : i32
      %dma_start3A_78 = tpu.memref_slice %arg10[%mul3A_21, %dma_start3A_77] : memref<10240x128xf32, #tpu.memory_space<vmem_shared>> -> memref<160x128xf32, #tpu.memory_space<vmem_shared>>
      tpu.enqueue_dma source(%arg5 : memref<160x128xf32, #tpu.memory_space<vmem>>) target(%dma_start3A_78 : memref<160x128xf32, #tpu.memory_space<vmem_shared>>) target_semaphore(%run_scoped3A : memref<!tpu.dma_semaphore, #tpu.memory_space<semaphore_mem>>)
      %dma_wait3A_79 = arith.constant 0 : i32
      %dma_wait3A_80 = tpu.memref_slice %arg10[%mul3A_21, %dma_wait3A_79] : memref<10240x128xf32, #tpu.memory_space<vmem_shared>> -> memref<160x128xf32, #tpu.memory_space<vmem_shared>>
      %dma_wait3A_81 = arith.constant 0 : i32
      %dma_wait3A_82 = tpu.memref_slice %arg10[%mul3A_21, %dma_wait3A_81] : memref<10240x128xf32, #tpu.memory_space<vmem_shared>> -> memref<160x128xf32, #tpu.memory_space<vmem_shared>>
      tpu.wait_dma2 semaphore(%run_scoped3A : memref<!tpu.dma_semaphore, #tpu.memory_space<semaphore_mem>>) src(%arg5 : memref<160x128xf32, #tpu.memory_space<vmem>>) dst(%dma_wait3A_82 : memref<160x128xf32, #tpu.memory_space<vmem_shared>>)
      tpu.yield
    }) : () -> ()
    %mul3A_22 = arith.constant 4 : i32
    %mul3A_23 = arith.muli %arg1, %mul3A_22 : i32
    %add3A_24 = arith.constant 3 : i32
    %add3A_25 = arith.addi %mul3A_23, %add3A_24 : i32
    %mul3A_26 = arith.constant 160 : i32
    %mul3A_27 = arith.muli %add3A_25, %mul3A_26 : i32
    "tpu.region"() ({
      %run_scoped3A = tpu.sem_alloc : memref<!tpu.dma_semaphore, #tpu.memory_space<semaphore_mem>>
      %dma_start3A_75 = arith.constant 0 : i32
      %dma_start3A_76 = tpu.memref_slice %arg10[%mul3A_27, %dma_start3A_75] : memref<10240x128xf32, #tpu.memory_space<vmem_shared>> -> memref<160x128xf32, #tpu.memory_space<vmem_shared>>
      %dma_start3A_77 = arith.constant 0 : i32
      %dma_start3A_78 = tpu.memref_slice %arg10[%mul3A_27, %dma_start3A_77] : memref<10240x128xf32, #tpu.memory_space<vmem_shared>> -> memref<160x128xf32, #tpu.memory_space<vmem_shared>>
      tpu.enqueue_dma source(%arg5 : memref<160x128xf32, #tpu.memory_space<vmem>>) target(%dma_start3A_78 : memref<160x128xf32, #tpu.memory_space<vmem_shared>>) target_semaphore(%run_scoped3A : memref<!tpu.dma_semaphore, #tpu.memory_space<semaphore_mem>>)
      %dma_wait3A_79 = arith.constant 0 : i32
      %dma_wait3A_80 = tpu.memref_slice %arg10[%mul3A_27, %dma_wait3A_79] : memref<10240x128xf32, #tpu.memory_space<vmem_shared>> -> memref<160x128xf32, #tpu.memory_space<vmem_shared>>
      %dma_wait3A_81 = arith.constant 0 : i32
      %dma_wait3A_82 = tpu.memref_slice %arg10[%mul3A_27, %dma_wait3A_81] : memref<10240x128xf32, #tpu.memory_space<vmem_shared>> -> memref<160x128xf32, #tpu.memory_space<vmem_shared>>
      tpu.wait_dma2 semaphore(%run_scoped3A : memref<!tpu.dma_semaphore, #tpu.memory_space<semaphore_mem>>) src(%arg5 : memref<160x128xf32, #tpu.memory_space<vmem>>) dst(%dma_wait3A_82 : memref<160x128xf32, #tpu.memory_space<vmem_shared>>)
      tpu.yield
    }) : () -> ()
    %barrier3A = arith.constant 0 : index
    tpu.barrier barrier_id(%barrier3A)
    %mul3A_28 = arith.constant 12000 : i32
    %mul3A_29 = arith.muli %arg1, %mul3A_28 : i32
    %add3A_30 = arith.constant 0 : i32
    %add3A_31 = arith.addi %mul3A_29, %add3A_30 : i32
    %multiple_of3A = tpu.assume_multiple %add3A_31, 8 : i32
    %dma_start3A = tpu.memref_slice %arg3[%multiple_of3A] : memref<192000xi32, #tpu.memory_space<hbm>> -> memref<160xi32, #tpu.memory_space<hbm>>
    %dma_start3A_32 = tpu.memref_slice %arg3[%multiple_of3A] : memref<192000xi32, #tpu.memory_space<hbm>> -> memref<160xi32, #tpu.memory_space<hbm>>
    tpu.enqueue_dma source(%dma_start3A_32 : memref<160xi32, #tpu.memory_space<hbm>>) target(%arg7 : memref<160xi32, #tpu.memory_space<vmem>>) target_semaphore(%arg11 : memref<!tpu.dma_semaphore, #tpu.memory_space<semaphore_mem>>)
    %dma_start3A_33 = arith.constant 0 : i32
    %dma_start3A_34 = tpu.memref_slice %arg2[%multiple_of3A, %dma_start3A_33] : memref<192000x128xf32, #tpu.memory_space<hbm>> -> memref<160x128xf32, #tpu.memory_space<hbm>>
    %dma_start3A_35 = arith.constant 0 : i32
    %dma_start3A_36 = tpu.memref_slice %arg2[%multiple_of3A, %dma_start3A_35] : memref<192000x128xf32, #tpu.memory_space<hbm>> -> memref<160x128xf32, #tpu.memory_space<hbm>>
    tpu.enqueue_dma source(%dma_start3A_36 : memref<160x128xf32, #tpu.memory_space<hbm>>) target(%arg5 : memref<160x128xf32, #tpu.memory_space<vmem>>) target_semaphore(%arg11 : memref<!tpu.dma_semaphore, #tpu.memory_space<semaphore_mem>>)
    %scan3A_37 = arith.constant 0 : i32
    %scan3A_38 = arith.constant 0 : i32
    %scan3A_39 = arith.constant 37 : i32
    %scan3A_40 = arith.addi %scan3A_38, %scan3A_39 : i32
    %scan3A_41 = arith.constant 1 : i32
    scf.for %scan3A_75 = %scan3A_38 to %scan3A_40 step %scan3A_41  : i32 {
      %mul3A_76 = arith.constant 2 : i32
      %mul3A_77 = arith.muli %mul3A_76, %scan3A_75 : i32
      %add3A_78 = arith.constant 1 : i32
      %add3A_79 = arith.addi %mul3A_77, %add3A_78 : i32
      %mul3A_80 = arith.constant 160 : i32
      %mul3A_81 = arith.muli %add3A_79, %mul3A_80 : i32
      %add3A_82 = arith.addi %mul3A_29, %mul3A_81 : i32
      %multiple_of3A_83 = tpu.assume_multiple %add3A_82, 8 : i32
      %dma_start3A_84 = tpu.memref_slice %arg3[%multiple_of3A_83] : memref<192000xi32, #tpu.memory_space<hbm>> -> memref<160xi32, #tpu.memory_space<hbm>>
      %dma_start3A_85 = tpu.memref_slice %arg3[%multiple_of3A_83] : memref<192000xi32, #tpu.memory_space<hbm>> -> memref<160xi32, #tpu.memory_space<hbm>>
      tpu.enqueue_dma source(%dma_start3A_85 : memref<160xi32, #tpu.memory_space<hbm>>) target(%arg8 : memref<160xi32, #tpu.memory_space<vmem>>) target_semaphore(%arg12 : memref<!tpu.dma_semaphore, #tpu.memory_space<semaphore_mem>>)
      %dma_start3A_86 = arith.constant 0 : i32
      %dma_start3A_87 = tpu.memref_slice %arg2[%multiple_of3A_83, %dma_start3A_86] : memref<192000x128xf32, #tpu.memory_space<hbm>> -> memref<160x128xf32, #tpu.memory_space<hbm>>
      %dma_start3A_88 = arith.constant 0 : i32
      %dma_start3A_89 = tpu.memref_slice %arg2[%multiple_of3A_83, %dma_start3A_88] : memref<192000x128xf32, #tpu.memory_space<hbm>> -> memref<160x128xf32, #tpu.memory_space<hbm>>
      tpu.enqueue_dma source(%dma_start3A_89 : memref<160x128xf32, #tpu.memory_space<hbm>>) target(%arg6 : memref<160x128xf32, #tpu.memory_space<vmem>>) target_semaphore(%arg12 : memref<!tpu.dma_semaphore, #tpu.memory_space<semaphore_mem>>)
      %dma_wait3A_90 = arith.constant 0 : i32
      %dma_wait3A_91 = tpu.memref_slice %arg3[%dma_wait3A_90] : memref<192000xi32, #tpu.memory_space<hbm>> -> memref<160xi32, #tpu.memory_space<hbm>>
      %dma_wait3A_92 = arith.constant 0 : i32
      %dma_wait3A_93 = tpu.memref_slice %arg3[%dma_wait3A_92] : memref<192000xi32, #tpu.memory_space<hbm>> -> memref<160xi32, #tpu.memory_space<hbm>>
      tpu.wait_dma2 semaphore(%arg11 : memref<!tpu.dma_semaphore, #tpu.memory_space<semaphore_mem>>) src(%dma_wait3A_93 : memref<160xi32, #tpu.memory_space<hbm>>) dst(%arg7 : memref<160xi32, #tpu.memory_space<vmem>>)
      %dma_wait3A_94 = arith.constant 0 : i32
      %dma_wait3A_95 = arith.constant 0 : i32
      %dma_wait3A_96 = tpu.memref_slice %arg2[%dma_wait3A_94, %dma_wait3A_95] : memref<192000x128xf32, #tpu.memory_space<hbm>> -> memref<160x128xf32, #tpu.memory_space<hbm>>
      %dma_wait3A_97 = arith.constant 0 : i32
      %dma_wait3A_98 = arith.constant 0 : i32
      %dma_wait3A_99 = tpu.memref_slice %arg2[%dma_wait3A_97, %dma_wait3A_98] : memref<192000x128xf32, #tpu.memory_space<hbm>> -> memref<160x128xf32, #tpu.memory_space<hbm>>
      tpu.wait_dma2 semaphore(%arg11 : memref<!tpu.dma_semaphore, #tpu.memory_space<semaphore_mem>>) src(%dma_wait3A_99 : memref<160x128xf32, #tpu.memory_space<hbm>>) dst(%arg5 : memref<160x128xf32, #tpu.memory_space<vmem>>)
      %scan3A_100 = arith.constant 0 : i32
      %scan3A_101 = arith.constant 0 : i32
      %scan3A_102 = arith.constant 10 : i32
      %scan3A_103 = arith.addi %scan3A_101, %scan3A_102 : i32
      %scan3A_104 = arith.constant 1 : i32
      scf.for %scan3A_126 = %scan3A_101 to %scan3A_103 step %scan3A_104  : i32 {
        %mul3A_127 = arith.constant 16 : i32
        %mul3A_128 = arith.muli %scan3A_126, %mul3A_127 : i32
        %multiple_of3A_129 = tpu.assume_multiple %mul3A_128, 16 : i32
        %get3A = arith.index_cast %multiple_of3A_129 : i32 to index
        %get3A_130 = tpu.vector_load %arg7[%get3A] {strides = array<i32>} : memref<160xi32, #tpu.memory_space<vmem>>, vector<16xi32>,
        %mul3A_131 = arith.constant 10000 : i32
        %mul3A_132 = arith.muli %arg0, %mul3A_131 : i32
        %sub3A = vector.broadcast %mul3A_132 : i32 to vector<16xi32>
        %sub3A_133 = arith.subi %get3A_130, %sub3A : vector<16xi32>
        %ge3A = arith.constant 0 : i32
        %ge3A_134 = vector.broadcast %ge3A : i32 to vector<16xi32>
        %ge3A_135 = arith.cmpi sge, %sub3A_133, %ge3A_134 : vector<16xi32>
        %lt3A_136 = arith.constant 10000 : i32
        %lt3A_137 = vector.broadcast %lt3A_136 : i32 to vector<16xi32>
        %lt3A_138 = arith.cmpi slt, %sub3A_133, %lt3A_137 : vector<16xi32>
        %and3A = arith.andi %ge3A_135, %lt3A_138 : vector<16xi1>
        %jit3A = arith.constant 10000 : i32
        %broadcast_in_dim3A_139 = vector.broadcast %jit3A : i32 to vector<16xi32>
        %select_n3A = arith.select %and3A, %sub3A_133, %broadcast_in_dim3A_139 : vector<16xi1>, vector<16xi32>
        %swap3A = arith.index_cast %multiple_of3A_129 : i32 to index
        %swap3A_140 = tpu.vector_load %arg9[%swap3A] {strides = array<i32>} : memref<160xi32, #tpu.memory_space<vmem>>, vector<16xi32>,
        tpu.vector_store %arg9[%swap3A], %select_n3A {strides = array<i32>} : memref<160xi32, #tpu.memory_space<vmem>>, vector<16xi32>,
      }
      %scan3A_105 = arith.constant 10 : i32
      "tpu.region"() ({
        %run_scoped3A = tpu.sem_alloc : memref<!tpu.dma_semaphore, #tpu.memory_space<semaphore_mem>>
        %dma_start3A_126 = arith.constant 0 : i32
        %dma_start3A_127 = arith.constant 0 : i32
        %dma_start3A_128 = tpu.memref_slice %arg10[%dma_start3A_126, %dma_start3A_127] : memref<10240x128xf32, #tpu.memory_space<vmem_shared>> -> memref<10240x128xf32, #tpu.memory_space<vmem_shared>>
        tpu.enqueue_indirect_dma source(%arg5 : memref<160x128xf32, #tpu.memory_space<vmem>>) target(%dma_start3A_128 : memref<10240x128xf32, #tpu.memory_space<vmem_shared>>) offsets(%arg9 : memref<160xi32, #tpu.memory_space<vmem>>) semaphore(%run_scoped3A : memref<!tpu.dma_semaphore, #tpu.memory_space<semaphore_mem>>) {add = true}
        %dma_wait3A_129 = arith.constant 0 : i32
        %dma_wait3A_130 = arith.constant 0 : i32
        %dma_wait3A_131 = tpu.memref_slice %arg10[%dma_wait3A_129, %dma_wait3A_130] : memref<10240x128xf32, #tpu.memory_space<vmem_shared>> -> memref<10240x128xf32, #tpu.memory_space<vmem_shared>>
        tpu.wait_indirect_dma semaphore(%run_scoped3A : memref<!tpu.dma_semaphore, #tpu.memory_space<semaphore_mem>>) src(%arg5 : memref<160x128xf32, #tpu.memory_space<vmem>>) dst(%dma_wait3A_131 : memref<10240x128xf32, #tpu.memory_space<vmem_shared>>)
        tpu.yield
      }) : () -> ()
      %lt3A = arith.constant 36 : i32
      %lt3A_106 = arith.cmpi slt, %scan3A_75, %lt3A : i32
      %convert_element_type3A_107 = arith.extui %lt3A_106 : i1 to i32
      %cond3A_108 = arith.constant 0 : i32
      %cond3A_109 = arith.cmpi ne, %convert_element_type3A_107, %cond3A_108 : i32
      scf.if %cond3A_109 {
        %add3A_126 = arith.constant 2 : i32
        %add3A_127 = arith.addi %mul3A_77, %add3A_126 : i32
        %mul3A_128 = arith.constant 160 : i32
        %mul3A_129 = arith.muli %add3A_127, %mul3A_128 : i32
        %add3A_130 = arith.addi %mul3A_29, %mul3A_129 : i32
        %multiple_of3A_131 = tpu.assume_multiple %add3A_130, 8 : i32
        %dma_start3A_132 = tpu.memref_slice %arg3[%multiple_of3A_131] : memref<192000xi32, #tpu.memory_space<hbm>> -> memref<160xi32, #tpu.memory_space<hbm>>
        %dma_start3A_133 = tpu.memref_slice %arg3[%multiple_of3A_131] : memref<192000xi32, #tpu.memory_space<hbm>> -> memref<160xi32, #tpu.memory_space<hbm>>
        tpu.enqueue_dma source(%dma_start3A_133 : memref<160xi32, #tpu.memory_space<hbm>>) target(%arg7 : memref<160xi32, #tpu.memory_space<vmem>>) target_semaphore(%arg11 : memref<!tpu.dma_semaphore, #tpu.memory_space<semaphore_mem>>)
        %dma_start3A_134 = arith.constant 0 : i32
        %dma_start3A_135 = tpu.memref_slice %arg2[%multiple_of3A_131, %dma_start3A_134] : memref<192000x128xf32, #tpu.memory_space<hbm>> -> memref<160x128xf32, #tpu.memory_space<hbm>>
        %dma_start3A_136 = arith.constant 0 : i32
        %dma_start3A_137 = tpu.memref_slice %arg2[%multiple_of3A_131, %dma_start3A_136] : memref<192000x128xf32, #tpu.memory_space<hbm>> -> memref<160x128xf32, #tpu.memory_space<hbm>>
        tpu.enqueue_dma source(%dma_start3A_137 : memref<160x128xf32, #tpu.memory_space<hbm>>) target(%arg5 : memref<160x128xf32, #tpu.memory_space<vmem>>) target_semaphore(%arg11 : memref<!tpu.dma_semaphore, #tpu.memory_space<semaphore_mem>>)
      } else {
      }
      %dma_wait3A_110 = arith.constant 0 : i32
      %dma_wait3A_111 = tpu.memref_slice %arg3[%dma_wait3A_110] : memref<192000xi32, #tpu.memory_space<hbm>> -> memref<160xi32, #tpu.memory_space<hbm>>
      %dma_wait3A_112 = arith.constant 0 : i32
      %dma_wait3A_113 = tpu.memref_slice %arg3[%dma_wait3A_112] : memref<192000xi32, #tpu.memory_space<hbm>> -> memref<160xi32, #tpu.memory_space<hbm>>
      tpu.wait_dma2 semaphore(%arg12 : memref<!tpu.dma_semaphore, #tpu.memory_space<semaphore_mem>>) src(%dma_wait3A_113 : memref<160xi32, #tpu.memory_space<hbm>>) dst(%arg8 : memref<160xi32, #tpu.memory_space<vmem>>)
      %dma_wait3A_114 = arith.constant 0 : i32
      %dma_wait3A_115 = arith.constant 0 : i32
      %dma_wait3A_116 = tpu.memref_slice %arg2[%dma_wait3A_114, %dma_wait3A_115] : memref<192000x128xf32, #tpu.memory_space<hbm>> -> memref<160x128xf32, #tpu.memory_space<hbm>>
      %dma_wait3A_117 = arith.constant 0 : i32
      %dma_wait3A_118 = arith.constant 0 : i32
      %dma_wait3A_119 = tpu.memref_slice %arg2[%dma_wait3A_117, %dma_wait3A_118] : memref<192000x128xf32, #tpu.memory_space<hbm>> -> memref<160x128xf32, #tpu.memory_space<hbm>>
      tpu.wait_dma2 semaphore(%arg12 : memref<!tpu.dma_semaphore, #tpu.memory_space<semaphore_mem>>) src(%dma_wait3A_119 : memref<160x128xf32, #tpu.memory_space<hbm>>) dst(%arg6 : memref<160x128xf32, #tpu.memory_space<vmem>>)
      %scan3A_120 = arith.constant 0 : i32
      %scan3A_121 = arith.constant 0 : i32
      %scan3A_122 = arith.constant 10 : i32
      %scan3A_123 = arith.addi %scan3A_121, %scan3A_122 : i32
      %scan3A_124 = arith.constant 1 : i32
      scf.for %scan3A_126 = %scan3A_121 to %scan3A_123 step %scan3A_124  : i32 {
        %mul3A_127 = arith.constant 16 : i32
        %mul3A_128 = arith.muli %scan3A_126, %mul3A_127 : i32
        %multiple_of3A_129 = tpu.assume_multiple %mul3A_128, 16 : i32
        %get3A = arith.index_cast %multiple_of3A_129 : i32 to index
        %get3A_130 = tpu.vector_load %arg8[%get3A] {strides = array<i32>} : memref<160xi32, #tpu.memory_space<vmem>>, vector<16xi32>,
        %mul3A_131 = arith.constant 10000 : i32
        %mul3A_132 = arith.muli %arg0, %mul3A_131 : i32
        %sub3A = vector.broadcast %mul3A_132 : i32 to vector<16xi32>
        %sub3A_133 = arith.subi %get3A_130, %sub3A : vector<16xi32>
        %ge3A = arith.constant 0 : i32
        %ge3A_134 = vector.broadcast %ge3A : i32 to vector<16xi32>
        %ge3A_135 = arith.cmpi sge, %sub3A_133, %ge3A_134 : vector<16xi32>
        %lt3A_136 = arith.constant 10000 : i32
        %lt3A_137 = vector.broadcast %lt3A_136 : i32 to vector<16xi32>
        %lt3A_138 = arith.cmpi slt, %sub3A_133, %lt3A_137 : vector<16xi32>
        %and3A = arith.andi %ge3A_135, %lt3A_138 : vector<16xi1>
        %jit3A = arith.constant 10000 : i32
        %broadcast_in_dim3A_139 = vector.broadcast %jit3A : i32 to vector<16xi32>
        %select_n3A = arith.select %and3A, %sub3A_133, %broadcast_in_dim3A_139 : vector<16xi1>, vector<16xi32>
        %swap3A = arith.index_cast %multiple_of3A_129 : i32 to index
        %swap3A_140 = tpu.vector_load %arg9[%swap3A] {strides = array<i32>} : memref<160xi32, #tpu.memory_space<vmem>>, vector<16xi32>,
        tpu.vector_store %arg9[%swap3A], %select_n3A {strides = array<i32>} : memref<160xi32, #tpu.memory_space<vmem>>, vector<16xi32>,
      }
      %scan3A_125 = arith.constant 10 : i32
      "tpu.region"() ({
        %run_scoped3A = tpu.sem_alloc : memref<!tpu.dma_semaphore, #tpu.memory_space<semaphore_mem>>
        %dma_start3A_126 = arith.constant 0 : i32
        %dma_start3A_127 = arith.constant 0 : i32
        %dma_start3A_128 = tpu.memref_slice %arg10[%dma_start3A_126, %dma_start3A_127] : memref<10240x128xf32, #tpu.memory_space<vmem_shared>> -> memref<10240x128xf32, #tpu.memory_space<vmem_shared>>
        tpu.enqueue_indirect_dma source(%arg6 : memref<160x128xf32, #tpu.memory_space<vmem>>) target(%dma_start3A_128 : memref<10240x128xf32, #tpu.memory_space<vmem_shared>>) offsets(%arg9 : memref<160xi32, #tpu.memory_space<vmem>>) semaphore(%run_scoped3A : memref<!tpu.dma_semaphore, #tpu.memory_space<semaphore_mem>>) {add = true}
        %dma_wait3A_129 = arith.constant 0 : i32
        %dma_wait3A_130 = arith.constant 0 : i32
        %dma_wait3A_131 = tpu.memref_slice %arg10[%dma_wait3A_129, %dma_wait3A_130] : memref<10240x128xf32, #tpu.memory_space<vmem_shared>> -> memref<10240x128xf32, #tpu.memory_space<vmem_shared>>
        tpu.wait_indirect_dma semaphore(%run_scoped3A : memref<!tpu.dma_semaphore, #tpu.memory_space<semaphore_mem>>) src(%arg6 : memref<160x128xf32, #tpu.memory_space<vmem>>) dst(%dma_wait3A_131 : memref<10240x128xf32, #tpu.memory_space<vmem_shared>>)
        tpu.yield
      }) : () -> ()
    }
    %scan3A_42 = arith.constant 37 : i32
    %add3A_43 = arith.constant 11840 : i32
    %add3A_44 = arith.addi %mul3A_29, %add3A_43 : i32
    %multiple_of3A_45 = tpu.assume_multiple %add3A_44, 8 : i32
    %dma_start3A_46 = tpu.memref_slice %arg3[%multiple_of3A_45] : memref<192000xi32, #tpu.memory_space<hbm>> -> memref<160xi32, #tpu.memory_space<hbm>>
    %dma_start3A_47 = tpu.memref_slice %arg3[%multiple_of3A_45] : memref<192000xi32, #tpu.memory_space<hbm>> -> memref<160xi32, #tpu.memory_space<hbm>>
    tpu.enqueue_dma source(%dma_start3A_47 : memref<160xi32, #tpu.memory_space<hbm>>) target(%arg7 : memref<160xi32, #tpu.memory_space<vmem>>) target_semaphore(%arg11 : memref<!tpu.dma_semaphore, #tpu.memory_space<semaphore_mem>>)
    %dma_start3A_48 = arith.constant 0 : i32
    %dma_start3A_49 = tpu.memref_slice %arg2[%multiple_of3A_45, %dma_start3A_48] : memref<192000x128xf32, #tpu.memory_space<hbm>> -> memref<160x128xf32, #tpu.memory_space<hbm>>
    %dma_start3A_50 = arith.constant 0 : i32
    %dma_start3A_51 = tpu.memref_slice %arg2[%multiple_of3A_45, %dma_start3A_50] : memref<192000x128xf32, #tpu.memory_space<hbm>> -> memref<160x128xf32, #tpu.memory_space<hbm>>
    tpu.enqueue_dma source(%dma_start3A_51 : memref<160x128xf32, #tpu.memory_space<hbm>>) target(%arg5 : memref<160x128xf32, #tpu.memory_space<vmem>>) target_semaphore(%arg11 : memref<!tpu.dma_semaphore, #tpu.memory_space<semaphore_mem>>)
    %dma_wait3A = arith.constant 0 : i32
    %dma_wait3A_52 = tpu.memref_slice %arg3[%dma_wait3A] : memref<192000xi32, #tpu.memory_space<hbm>> -> memref<160xi32, #tpu.memory_space<hbm>>
    %dma_wait3A_53 = arith.constant 0 : i32
    %dma_wait3A_54 = tpu.memref_slice %arg3[%dma_wait3A_53] : memref<192000xi32, #tpu.memory_space<hbm>> -> memref<160xi32, #tpu.memory_space<hbm>>
    tpu.wait_dma2 semaphore(%arg11 : memref<!tpu.dma_semaphore, #tpu.memory_space<semaphore_mem>>) src(%dma_wait3A_54 : memref<160xi32, #tpu.memory_space<hbm>>) dst(%arg7 : memref<160xi32, #tpu.memory_space<vmem>>)
    %dma_wait3A_55 = arith.constant 0 : i32
    %dma_wait3A_56 = arith.constant 0 : i32
    %dma_wait3A_57 = tpu.memref_slice %arg2[%dma_wait3A_55, %dma_wait3A_56] : memref<192000x128xf32, #tpu.memory_space<hbm>> -> memref<160x128xf32, #tpu.memory_space<hbm>>
    %dma_wait3A_58 = arith.constant 0 : i32
    %dma_wait3A_59 = arith.constant 0 : i32
    %dma_wait3A_60 = tpu.memref_slice %arg2[%dma_wait3A_58, %dma_wait3A_59] : memref<192000x128xf32, #tpu.memory_space<hbm>> -> memref<160x128xf32, #tpu.memory_space<hbm>>
    tpu.wait_dma2 semaphore(%arg11 : memref<!tpu.dma_semaphore, #tpu.memory_space<semaphore_mem>>) src(%dma_wait3A_60 : memref<160x128xf32, #tpu.memory_space<hbm>>) dst(%arg5 : memref<160x128xf32, #tpu.memory_space<vmem>>)
    %scan3A_61 = arith.constant 0 : i32
    %scan3A_62 = arith.constant 0 : i32
    %scan3A_63 = arith.constant 10 : i32
    %scan3A_64 = arith.addi %scan3A_62, %scan3A_63 : i32
    %scan3A_65 = arith.constant 1 : i32
    scf.for %scan3A_75 = %scan3A_62 to %scan3A_64 step %scan3A_65  : i32 {
      %mul3A_76 = arith.constant 16 : i32
      %mul3A_77 = arith.muli %scan3A_75, %mul3A_76 : i32
      %multiple_of3A_78 = tpu.assume_multiple %mul3A_77, 16 : i32
      %get3A = arith.index_cast %multiple_of3A_78 : i32 to index
      %get3A_79 = tpu.vector_load %arg7[%get3A] {strides = array<i32>} : memref<160xi32, #tpu.memory_space<vmem>>, vector<16xi32>,
      %mul3A_80 = arith.constant 10000 : i32
      %mul3A_81 = arith.muli %arg0, %mul3A_80 : i32
      %sub3A = vector.broadcast %mul3A_81 : i32 to vector<16xi32>
      %sub3A_82 = arith.subi %get3A_79, %sub3A : vector<16xi32>
      %ge3A = arith.constant 0 : i32
      %ge3A_83 = vector.broadcast %ge3A : i32 to vector<16xi32>
      %ge3A_84 = arith.cmpi sge, %sub3A_82, %ge3A_83 : vector<16xi32>
      %lt3A = arith.constant 10000 : i32
      %lt3A_85 = vector.broadcast %lt3A : i32 to vector<16xi32>
      %lt3A_86 = arith.cmpi slt, %sub3A_82, %lt3A_85 : vector<16xi32>
      %and3A = arith.andi %ge3A_84, %lt3A_86 : vector<16xi1>
      %jit3A = arith.constant 10000 : i32
      %broadcast_in_dim3A_87 = vector.broadcast %jit3A : i32 to vector<16xi32>
      %select_n3A = arith.select %and3A, %sub3A_82, %broadcast_in_dim3A_87 : vector<16xi1>, vector<16xi32>
      %swap3A = arith.index_cast %multiple_of3A_78 : i32 to index
      %swap3A_88 = tpu.vector_load %arg9[%swap3A] {strides = array<i32>} : memref<160xi32, #tpu.memory_space<vmem>>, vector<16xi32>,
      tpu.vector_store %arg9[%swap3A], %select_n3A {strides = array<i32>} : memref<160xi32, #tpu.memory_space<vmem>>, vector<16xi32>,
    }
    %scan3A_66 = arith.constant 10 : i32
    "tpu.region"() ({
      %run_scoped3A = tpu.sem_alloc : memref<!tpu.dma_semaphore, #tpu.memory_space<semaphore_mem>>
      %dma_start3A_75 = arith.constant 0 : i32
      %dma_start3A_76 = arith.constant 0 : i32
      %dma_start3A_77 = tpu.memref_slice %arg10[%dma_start3A_75, %dma_start3A_76] : memref<10240x128xf32, #tpu.memory_space<vmem_shared>> -> memref<10240x128xf32, #tpu.memory_space<vmem_shared>>
      tpu.enqueue_indirect_dma source(%arg5 : memref<160x128xf32, #tpu.memory_space<vmem>>) target(%dma_start3A_77 : memref<10240x128xf32, #tpu.memory_space<vmem_shared>>) offsets(%arg9 : memref<160xi32, #tpu.memory_space<vmem>>) semaphore(%run_scoped3A : memref<!tpu.dma_semaphore, #tpu.memory_space<semaphore_mem>>) {add = true}
      %dma_wait3A_78 = arith.constant 0 : i32
      %dma_wait3A_79 = arith.constant 0 : i32
      %dma_wait3A_80 = tpu.memref_slice %arg10[%dma_wait3A_78, %dma_wait3A_79] : memref<10240x128xf32, #tpu.memory_space<vmem_shared>> -> memref<10240x128xf32, #tpu.memory_space<vmem_shared>>
      tpu.wait_indirect_dma semaphore(%run_scoped3A : memref<!tpu.dma_semaphore, #tpu.memory_space<semaphore_mem>>) src(%arg5 : memref<160x128xf32, #tpu.memory_space<vmem>>) dst(%dma_wait3A_80 : memref<10240x128xf32, #tpu.memory_space<vmem_shared>>)
      tpu.yield
    }) : () -> ()
    %barrier3A_67 = arith.constant 0 : index
    tpu.barrier barrier_id(%barrier3A_67)
    %mul3A_68 = arith.constant 624 : i32
    %mul3A_69 = arith.muli %arg1, %mul3A_68 : i32
    %mul3A_70 = arith.constant 10000 : i32
    %mul3A_71 = arith.muli %arg0, %mul3A_70 : i32
    %add3A_72 = arith.addi %mul3A_71, %mul3A_69 : i32
    "tpu.region"() ({
      %run_scoped3A = tpu.sem_alloc : memref<!tpu.dma_semaphore, #tpu.memory_space<semaphore_mem>>
      %dma_start3A_75 = arith.constant 0 : i32
      %dma_start3A_76 = tpu.memref_slice %arg4[%add3A_72, %dma_start3A_75] : memref<20000x128xf32, #tpu.memory_space<hbm>> -> memref<624x128xf32, #tpu.memory_space<hbm>>
      %dma_start3A_77 = arith.constant 0 : i32
      %dma_start3A_78 = tpu.memref_slice %arg10[%mul3A_69, %dma_start3A_77] : memref<10240x128xf32, #tpu.memory_space<vmem_shared>> -> memref<624x128xf32, #tpu.memory_space<vmem_shared>>
      tpu.enqueue_dma source(%dma_start3A_78 : memref<624x128xf32, #tpu.memory_space<vmem_shared>>) target(%dma_start3A_76 : memref<624x128xf32, #tpu.memory_space<hbm>>) target_semaphore(%run_scoped3A : memref<!tpu.dma_semaphore, #tpu.memory_space<semaphore_mem>>)
      %dma_wait3A_79 = arith.constant 0 : i32
      %dma_wait3A_80 = tpu.memref_slice %arg4[%add3A_72, %dma_wait3A_79] : memref<20000x128xf32, #tpu.memory_space<hbm>> -> memref<624x128xf32, #tpu.memory_space<hbm>>
      %dma_wait3A_81 = arith.constant 0 : i32
      %dma_wait3A_82 = tpu.memref_slice %arg10[%mul3A_69, %dma_wait3A_81] : memref<10240x128xf32, #tpu.memory_space<vmem_shared>> -> memref<624x128xf32, #tpu.memory_space<vmem_shared>>
      tpu.wait_dma2 semaphore(%run_scoped3A : memref<!tpu.dma_semaphore, #tpu.memory_space<semaphore_mem>>) src(%dma_wait3A_82 : memref<624x128xf32, #tpu.memory_space<vmem_shared>>) dst(%dma_wait3A_80 : memref<624x128xf32, #tpu.memory_space<hbm>>)
      tpu.yield
    }) : () -> ()
    %eq3A = arith.constant 15 : i32
    %eq3A_73 = arith.cmpi eq, %arg1, %eq3A : i32
    %convert_element_type3A = arith.extui %eq3A_73 : i1 to i32
    %cond3A = arith.constant 0 : i32
    %cond3A_74 = arith.cmpi ne, %convert_element_type3A, %cond3A : i32
    scf.if %cond3A_74 {
      %mul3A_75 = arith.constant 10000 : i32
      %mul3A_76 = arith.muli %arg0, %mul3A_75 : i32
      %add3A_77 = arith.constant 9984 : i32
      %add3A_78 = arith.addi %mul3A_76, %add3A_77 : i32
      "tpu.region"() ({
        %run_scoped3A = tpu.sem_alloc : memref<!tpu.dma_semaphore, #tpu.memory_space<semaphore_mem>>
        %dma_start3A_79 = arith.constant 0 : i32
        %dma_start3A_80 = tpu.memref_slice %arg4[%add3A_78, %dma_start3A_79] : memref<20000x128xf32, #tpu.memory_space<hbm>> -> memref<16x128xf32, #tpu.memory_space<hbm>>
        %dma_start3A_81 = arith.constant 9984 : i32
        %dma_start3A_82 = arith.constant 0 : i32
        %dma_start3A_83 = tpu.memref_slice %arg10[%dma_start3A_81, %dma_start3A_82] : memref<10240x128xf32, #tpu.memory_space<vmem_shared>> -> memref<16x128xf32, #tpu.memory_space<vmem_shared>>
        tpu.enqueue_dma source(%dma_start3A_83 : memref<16x128xf32, #tpu.memory_space<vmem_shared>>) target(%dma_start3A_80 : memref<16x128xf32, #tpu.memory_space<hbm>>) target_semaphore(%run_scoped3A : memref<!tpu.dma_semaphore, #tpu.memory_space<semaphore_mem>>)
        %dma_wait3A_84 = arith.constant 0 : i32
        %dma_wait3A_85 = tpu.memref_slice %arg4[%add3A_78, %dma_wait3A_84] : memref<20000x128xf32, #tpu.memory_space<hbm>> -> memref<16x128xf32, #tpu.memory_space<hbm>>
        %dma_wait3A_86 = arith.constant 9984 : i32
        %dma_wait3A_87 = arith.constant 0 : i32
        %dma_wait3A_88 = tpu.memref_slice %arg10[%dma_wait3A_86, %dma_wait3A_87] : memref<10240x128xf32, #tpu.memory_space<vmem_shared>> -> memref<16x128xf32, #tpu.memory_space<vmem_shared>>
        tpu.wait_dma2 semaphore(%run_scoped3A : memref<!tpu.dma_semaphore, #tpu.memory_space<semaphore_mem>>) src(%dma_wait3A_88 : memref<16x128xf32, #tpu.memory_space<vmem_shared>>) dst(%dma_wait3A_85 : memref<16x128xf32, #tpu.memory_space<hbm>>)
        tpu.yield
      }) : () -> ()
    } else {
    }
    return
  }
}

#map = affine_map<(d0, d1) -> (0, 0)>
#map1 = affine_map<(d0, d1) -> (0)>
module attributes {stable_mosaic.version = 14 : i64} {
  func.func @_scatter_body(%arg0: i32, %arg1: i32, %arg2: memref<128000x128xf32, #tpu.memory_space<hbm>>, %arg3: memref<128000xi32, #tpu.memory_space<hbm>>, %arg4: memref<20000x128xf32, #tpu.memory_space<hbm>>, %arg5: memref<160x128xf32, #tpu.memory_space<vmem>>, %arg6: memref<160x128xf32, #tpu.memory_space<vmem>>, %arg7: memref<160xi32, #tpu.memory_space<vmem>>, %arg8: memref<160xi32, #tpu.memory_space<vmem>>, %arg9: memref<160xi32, #tpu.memory_space<vmem>>, %arg10: memref<10240x128xf32, #tpu.memory_space<vmem_shared>>, %arg11: memref<!tpu.dma_semaphore, #tpu.memory_space<semaphore_mem>>, %arg12: memref<!tpu.dma_semaphore, #tpu.memory_space<semaphore_mem>>) attributes {dimension_semantics = [#tpu.dimension_semantics<core_parallel>, #tpu.dimension_semantics<subcore_parallel>], iteration_bounds = array<i64: 2, 16>, scalar_prefetch = 0 : i64, scratch_operands = 8 : i64, tpu.core_type = #tpu.core_type<sc_vector_subcore>, window_params = [{transform_indices = #map}, {transform_indices = #map1}, {transform_indices = #map}]} {
    %broadcast_in_dim3A = arith.constant 0.000000e+00 : f32
    %broadcast_in_dim3A_0 = vector.broadcast %broadcast_in_dim3A : f32 to vector<16xf32>
    %scan3A = arith.constant 0 : i32
    %scan3A_1 = arith.constant 0 : i32
    %scan3A_2 = arith.constant 160 : i32
    %scan3A_3 = arith.addi %scan3A_1, %scan3A_2 : i32
    %scan3A_4 = arith.constant 1 : i32
    scf.for %scan3A_51 = %scan3A_1 to %scan3A_3 step %scan3A_4  : i32 {
      %swap3A = arith.index_cast %scan3A_51 : i32 to index
      %swap3A_52 = arith.constant 0 : index
      %swap3A_53 = tpu.vector_load %arg5[%swap3A, %swap3A_52] {strides = array<i32>} : memref<160x128xf32, #tpu.memory_space<vmem>>, vector<16xf32>,
      tpu.vector_store %arg5[%swap3A, %swap3A_52], %broadcast_in_dim3A_0 {strides = array<i32>} : memref<160x128xf32, #tpu.memory_space<vmem>>, vector<16xf32>,
      %swap3A_54 = arith.index_cast %scan3A_51 : i32 to index
      %swap3A_55 = arith.constant 16 : index
      %swap3A_56 = tpu.vector_load %arg5[%swap3A_54, %swap3A_55] {strides = array<i32>} : memref<160x128xf32, #tpu.memory_space<vmem>>, vector<16xf32>,
      tpu.vector_store %arg5[%swap3A_54, %swap3A_55], %broadcast_in_dim3A_0 {strides = array<i32>} : memref<160x128xf32, #tpu.memory_space<vmem>>, vector<16xf32>,
      %swap3A_57 = arith.index_cast %scan3A_51 : i32 to index
      %swap3A_58 = arith.constant 32 : index
      %swap3A_59 = tpu.vector_load %arg5[%swap3A_57, %swap3A_58] {strides = array<i32>} : memref<160x128xf32, #tpu.memory_space<vmem>>, vector<16xf32>,
      tpu.vector_store %arg5[%swap3A_57, %swap3A_58], %broadcast_in_dim3A_0 {strides = array<i32>} : memref<160x128xf32, #tpu.memory_space<vmem>>, vector<16xf32>,
      %swap3A_60 = arith.index_cast %scan3A_51 : i32 to index
      %swap3A_61 = arith.constant 48 : index
      %swap3A_62 = tpu.vector_load %arg5[%swap3A_60, %swap3A_61] {strides = array<i32>} : memref<160x128xf32, #tpu.memory_space<vmem>>, vector<16xf32>,
      tpu.vector_store %arg5[%swap3A_60, %swap3A_61], %broadcast_in_dim3A_0 {strides = array<i32>} : memref<160x128xf32, #tpu.memory_space<vmem>>, vector<16xf32>,
      %swap3A_63 = arith.index_cast %scan3A_51 : i32 to index
      %swap3A_64 = arith.constant 64 : index
      %swap3A_65 = tpu.vector_load %arg5[%swap3A_63, %swap3A_64] {strides = array<i32>} : memref<160x128xf32, #tpu.memory_space<vmem>>, vector<16xf32>,
      tpu.vector_store %arg5[%swap3A_63, %swap3A_64], %broadcast_in_dim3A_0 {strides = array<i32>} : memref<160x128xf32, #tpu.memory_space<vmem>>, vector<16xf32>,
      %swap3A_66 = arith.index_cast %scan3A_51 : i32 to index
      %swap3A_67 = arith.constant 80 : index
      %swap3A_68 = tpu.vector_load %arg5[%swap3A_66, %swap3A_67] {strides = array<i32>} : memref<160x128xf32, #tpu.memory_space<vmem>>, vector<16xf32>,
      tpu.vector_store %arg5[%swap3A_66, %swap3A_67], %broadcast_in_dim3A_0 {strides = array<i32>} : memref<160x128xf32, #tpu.memory_space<vmem>>, vector<16xf32>,
      %swap3A_69 = arith.index_cast %scan3A_51 : i32 to index
      %swap3A_70 = arith.constant 96 : index
      %swap3A_71 = tpu.vector_load %arg5[%swap3A_69, %swap3A_70] {strides = array<i32>} : memref<160x128xf32, #tpu.memory_space<vmem>>, vector<16xf32>,
      tpu.vector_store %arg5[%swap3A_69, %swap3A_70], %broadcast_in_dim3A_0 {strides = array<i32>} : memref<160x128xf32, #tpu.memory_space<vmem>>, vector<16xf32>,
      %swap3A_72 = arith.index_cast %scan3A_51 : i32 to index
      %swap3A_73 = arith.constant 112 : index
      %swap3A_74 = tpu.vector_load %arg5[%swap3A_72, %swap3A_73] {strides = array<i32>} : memref<160x128xf32, #tpu.memory_space<vmem>>, vector<16xf32>,
      tpu.vector_store %arg5[%swap3A_72, %swap3A_73], %broadcast_in_dim3A_0 {strides = array<i32>} : memref<160x128xf32, #tpu.memory_space<vmem>>, vector<16xf32>,
    }
    %scan3A_5 = arith.constant 160 : i32
    %mul3A = arith.constant 4 : i32
    %mul3A_6 = arith.muli %arg1, %mul3A : i32
    %add3A = arith.constant 0 : i32
    %add3A_7 = arith.addi %mul3A_6, %add3A : i32
    %mul3A_8 = arith.constant 160 : i32
    %mul3A_9 = arith.muli %add3A_7, %mul3A_8 : i32
    "tpu.region"() ({
      %run_scoped3A = tpu.sem_alloc : memref<!tpu.dma_semaphore, #tpu.memory_space<semaphore_mem>>
      %dma_start3A_51 = arith.constant 0 : i32
      %dma_start3A_52 = tpu.memref_slice %arg10[%mul3A_9, %dma_start3A_51] : memref<10240x128xf32, #tpu.memory_space<vmem_shared>> -> memref<160x128xf32, #tpu.memory_space<vmem_shared>>
      %dma_start3A_53 = arith.constant 0 : i32
      %dma_start3A_54 = tpu.memref_slice %arg10[%mul3A_9, %dma_start3A_53] : memref<10240x128xf32, #tpu.memory_space<vmem_shared>> -> memref<160x128xf32, #tpu.memory_space<vmem_shared>>
      tpu.enqueue_dma source(%arg5 : memref<160x128xf32, #tpu.memory_space<vmem>>) target(%dma_start3A_54 : memref<160x128xf32, #tpu.memory_space<vmem_shared>>) target_semaphore(%run_scoped3A : memref<!tpu.dma_semaphore, #tpu.memory_space<semaphore_mem>>)
      %dma_wait3A = arith.constant 0 : i32
      %dma_wait3A_55 = tpu.memref_slice %arg10[%mul3A_9, %dma_wait3A] : memref<10240x128xf32, #tpu.memory_space<vmem_shared>> -> memref<160x128xf32, #tpu.memory_space<vmem_shared>>
      %dma_wait3A_56 = arith.constant 0 : i32
      %dma_wait3A_57 = tpu.memref_slice %arg10[%mul3A_9, %dma_wait3A_56] : memref<10240x128xf32, #tpu.memory_space<vmem_shared>> -> memref<160x128xf32, #tpu.memory_space<vmem_shared>>
      tpu.wait_dma2 semaphore(%run_scoped3A : memref<!tpu.dma_semaphore, #tpu.memory_space<semaphore_mem>>) src(%arg5 : memref<160x128xf32, #tpu.memory_space<vmem>>) dst(%dma_wait3A_57 : memref<160x128xf32, #tpu.memory_space<vmem_shared>>)
      tpu.yield
    }) : () -> ()
    %mul3A_10 = arith.constant 4 : i32
    %mul3A_11 = arith.muli %arg1, %mul3A_10 : i32
    %add3A_12 = arith.constant 1 : i32
    %add3A_13 = arith.addi %mul3A_11, %add3A_12 : i32
    %mul3A_14 = arith.constant 160 : i32
    %mul3A_15 = arith.muli %add3A_13, %mul3A_14 : i32
    "tpu.region"() ({
      %run_scoped3A = tpu.sem_alloc : memref<!tpu.dma_semaphore, #tpu.memory_space<semaphore_mem>>
      %dma_start3A_51 = arith.constant 0 : i32
      %dma_start3A_52 = tpu.memref_slice %arg10[%mul3A_15, %dma_start3A_51] : memref<10240x128xf32, #tpu.memory_space<vmem_shared>> -> memref<160x128xf32, #tpu.memory_space<vmem_shared>>
      %dma_start3A_53 = arith.constant 0 : i32
      %dma_start3A_54 = tpu.memref_slice %arg10[%mul3A_15, %dma_start3A_53] : memref<10240x128xf32, #tpu.memory_space<vmem_shared>> -> memref<160x128xf32, #tpu.memory_space<vmem_shared>>
      tpu.enqueue_dma source(%arg5 : memref<160x128xf32, #tpu.memory_space<vmem>>) target(%dma_start3A_54 : memref<160x128xf32, #tpu.memory_space<vmem_shared>>) target_semaphore(%run_scoped3A : memref<!tpu.dma_semaphore, #tpu.memory_space<semaphore_mem>>)
      %dma_wait3A = arith.constant 0 : i32
      %dma_wait3A_55 = tpu.memref_slice %arg10[%mul3A_15, %dma_wait3A] : memref<10240x128xf32, #tpu.memory_space<vmem_shared>> -> memref<160x128xf32, #tpu.memory_space<vmem_shared>>
      %dma_wait3A_56 = arith.constant 0 : i32
      %dma_wait3A_57 = tpu.memref_slice %arg10[%mul3A_15, %dma_wait3A_56] : memref<10240x128xf32, #tpu.memory_space<vmem_shared>> -> memref<160x128xf32, #tpu.memory_space<vmem_shared>>
      tpu.wait_dma2 semaphore(%run_scoped3A : memref<!tpu.dma_semaphore, #tpu.memory_space<semaphore_mem>>) src(%arg5 : memref<160x128xf32, #tpu.memory_space<vmem>>) dst(%dma_wait3A_57 : memref<160x128xf32, #tpu.memory_space<vmem_shared>>)
      tpu.yield
    }) : () -> ()
    %mul3A_16 = arith.constant 4 : i32
    %mul3A_17 = arith.muli %arg1, %mul3A_16 : i32
    %add3A_18 = arith.constant 2 : i32
    %add3A_19 = arith.addi %mul3A_17, %add3A_18 : i32
    %mul3A_20 = arith.constant 160 : i32
    %mul3A_21 = arith.muli %add3A_19, %mul3A_20 : i32
    "tpu.region"() ({
      %run_scoped3A = tpu.sem_alloc : memref<!tpu.dma_semaphore, #tpu.memory_space<semaphore_mem>>
      %dma_start3A_51 = arith.constant 0 : i32
      %dma_start3A_52 = tpu.memref_slice %arg10[%mul3A_21, %dma_start3A_51] : memref<10240x128xf32, #tpu.memory_space<vmem_shared>> -> memref<160x128xf32, #tpu.memory_space<vmem_shared>>
      %dma_start3A_53 = arith.constant 0 : i32
      %dma_start3A_54 = tpu.memref_slice %arg10[%mul3A_21, %dma_start3A_53] : memref<10240x128xf32, #tpu.memory_space<vmem_shared>> -> memref<160x128xf32, #tpu.memory_space<vmem_shared>>
      tpu.enqueue_dma source(%arg5 : memref<160x128xf32, #tpu.memory_space<vmem>>) target(%dma_start3A_54 : memref<160x128xf32, #tpu.memory_space<vmem_shared>>) target_semaphore(%run_scoped3A : memref<!tpu.dma_semaphore, #tpu.memory_space<semaphore_mem>>)
      %dma_wait3A = arith.constant 0 : i32
      %dma_wait3A_55 = tpu.memref_slice %arg10[%mul3A_21, %dma_wait3A] : memref<10240x128xf32, #tpu.memory_space<vmem_shared>> -> memref<160x128xf32, #tpu.memory_space<vmem_shared>>
      %dma_wait3A_56 = arith.constant 0 : i32
      %dma_wait3A_57 = tpu.memref_slice %arg10[%mul3A_21, %dma_wait3A_56] : memref<10240x128xf32, #tpu.memory_space<vmem_shared>> -> memref<160x128xf32, #tpu.memory_space<vmem_shared>>
      tpu.wait_dma2 semaphore(%run_scoped3A : memref<!tpu.dma_semaphore, #tpu.memory_space<semaphore_mem>>) src(%arg5 : memref<160x128xf32, #tpu.memory_space<vmem>>) dst(%dma_wait3A_57 : memref<160x128xf32, #tpu.memory_space<vmem_shared>>)
      tpu.yield
    }) : () -> ()
    %mul3A_22 = arith.constant 4 : i32
    %mul3A_23 = arith.muli %arg1, %mul3A_22 : i32
    %add3A_24 = arith.constant 3 : i32
    %add3A_25 = arith.addi %mul3A_23, %add3A_24 : i32
    %mul3A_26 = arith.constant 160 : i32
    %mul3A_27 = arith.muli %add3A_25, %mul3A_26 : i32
    "tpu.region"() ({
      %run_scoped3A = tpu.sem_alloc : memref<!tpu.dma_semaphore, #tpu.memory_space<semaphore_mem>>
      %dma_start3A_51 = arith.constant 0 : i32
      %dma_start3A_52 = tpu.memref_slice %arg10[%mul3A_27, %dma_start3A_51] : memref<10240x128xf32, #tpu.memory_space<vmem_shared>> -> memref<160x128xf32, #tpu.memory_space<vmem_shared>>
      %dma_start3A_53 = arith.constant 0 : i32
      %dma_start3A_54 = tpu.memref_slice %arg10[%mul3A_27, %dma_start3A_53] : memref<10240x128xf32, #tpu.memory_space<vmem_shared>> -> memref<160x128xf32, #tpu.memory_space<vmem_shared>>
      tpu.enqueue_dma source(%arg5 : memref<160x128xf32, #tpu.memory_space<vmem>>) target(%dma_start3A_54 : memref<160x128xf32, #tpu.memory_space<vmem_shared>>) target_semaphore(%run_scoped3A : memref<!tpu.dma_semaphore, #tpu.memory_space<semaphore_mem>>)
      %dma_wait3A = arith.constant 0 : i32
      %dma_wait3A_55 = tpu.memref_slice %arg10[%mul3A_27, %dma_wait3A] : memref<10240x128xf32, #tpu.memory_space<vmem_shared>> -> memref<160x128xf32, #tpu.memory_space<vmem_shared>>
      %dma_wait3A_56 = arith.constant 0 : i32
      %dma_wait3A_57 = tpu.memref_slice %arg10[%mul3A_27, %dma_wait3A_56] : memref<10240x128xf32, #tpu.memory_space<vmem_shared>> -> memref<160x128xf32, #tpu.memory_space<vmem_shared>>
      tpu.wait_dma2 semaphore(%run_scoped3A : memref<!tpu.dma_semaphore, #tpu.memory_space<semaphore_mem>>) src(%arg5 : memref<160x128xf32, #tpu.memory_space<vmem>>) dst(%dma_wait3A_57 : memref<160x128xf32, #tpu.memory_space<vmem_shared>>)
      tpu.yield
    }) : () -> ()
    %barrier3A = arith.constant 0 : index
    tpu.barrier barrier_id(%barrier3A)
    %mul3A_28 = arith.constant 8000 : i32
    %mul3A_29 = arith.muli %arg1, %mul3A_28 : i32
    %add3A_30 = arith.constant 0 : i32
    %add3A_31 = arith.addi %mul3A_29, %add3A_30 : i32
    %multiple_of3A = tpu.assume_multiple %add3A_31, 8 : i32
    %dma_start3A = tpu.memref_slice %arg3[%multiple_of3A] : memref<128000xi32, #tpu.memory_space<hbm>> -> memref<160xi32, #tpu.memory_space<hbm>>
    %dma_start3A_32 = tpu.memref_slice %arg3[%multiple_of3A] : memref<128000xi32, #tpu.memory_space<hbm>> -> memref<160xi32, #tpu.memory_space<hbm>>
    tpu.enqueue_dma source(%dma_start3A_32 : memref<160xi32, #tpu.memory_space<hbm>>) target(%arg7 : memref<160xi32, #tpu.memory_space<vmem>>) target_semaphore(%arg11 : memref<!tpu.dma_semaphore, #tpu.memory_space<semaphore_mem>>)
    %dma_start3A_33 = arith.constant 0 : i32
    %dma_start3A_34 = tpu.memref_slice %arg2[%multiple_of3A, %dma_start3A_33] : memref<128000x128xf32, #tpu.memory_space<hbm>> -> memref<160x128xf32, #tpu.memory_space<hbm>>
    %dma_start3A_35 = arith.constant 0 : i32
    %dma_start3A_36 = tpu.memref_slice %arg2[%multiple_of3A, %dma_start3A_35] : memref<128000x128xf32, #tpu.memory_space<hbm>> -> memref<160x128xf32, #tpu.memory_space<hbm>>
    tpu.enqueue_dma source(%dma_start3A_36 : memref<160x128xf32, #tpu.memory_space<hbm>>) target(%arg5 : memref<160x128xf32, #tpu.memory_space<vmem>>) target_semaphore(%arg11 : memref<!tpu.dma_semaphore, #tpu.memory_space<semaphore_mem>>)
    %scan3A_37 = arith.constant 0 : i32
    %scan3A_38 = arith.constant 0 : i32
    %scan3A_39 = arith.constant 25 : i32
    %scan3A_40 = arith.addi %scan3A_38, %scan3A_39 : i32
    %scan3A_41 = arith.constant 1 : i32
    scf.for %scan3A_51 = %scan3A_38 to %scan3A_40 step %scan3A_41  : i32 {
      %mul3A_52 = arith.constant 2 : i32
      %mul3A_53 = arith.muli %mul3A_52, %scan3A_51 : i32
      %add3A_54 = arith.constant 1 : i32
      %add3A_55 = arith.addi %mul3A_53, %add3A_54 : i32
      %mul3A_56 = arith.constant 160 : i32
      %mul3A_57 = arith.muli %add3A_55, %mul3A_56 : i32
      %add3A_58 = arith.addi %mul3A_29, %mul3A_57 : i32
      %multiple_of3A_59 = tpu.assume_multiple %add3A_58, 8 : i32
      %dma_start3A_60 = tpu.memref_slice %arg3[%multiple_of3A_59] : memref<128000xi32, #tpu.memory_space<hbm>> -> memref<160xi32, #tpu.memory_space<hbm>>
      %dma_start3A_61 = tpu.memref_slice %arg3[%multiple_of3A_59] : memref<128000xi32, #tpu.memory_space<hbm>> -> memref<160xi32, #tpu.memory_space<hbm>>
      tpu.enqueue_dma source(%dma_start3A_61 : memref<160xi32, #tpu.memory_space<hbm>>) target(%arg8 : memref<160xi32, #tpu.memory_space<vmem>>) target_semaphore(%arg12 : memref<!tpu.dma_semaphore, #tpu.memory_space<semaphore_mem>>)
      %dma_start3A_62 = arith.constant 0 : i32
      %dma_start3A_63 = tpu.memref_slice %arg2[%multiple_of3A_59, %dma_start3A_62] : memref<128000x128xf32, #tpu.memory_space<hbm>> -> memref<160x128xf32, #tpu.memory_space<hbm>>
      %dma_start3A_64 = arith.constant 0 : i32
      %dma_start3A_65 = tpu.memref_slice %arg2[%multiple_of3A_59, %dma_start3A_64] : memref<128000x128xf32, #tpu.memory_space<hbm>> -> memref<160x128xf32, #tpu.memory_space<hbm>>
      tpu.enqueue_dma source(%dma_start3A_65 : memref<160x128xf32, #tpu.memory_space<hbm>>) target(%arg6 : memref<160x128xf32, #tpu.memory_space<vmem>>) target_semaphore(%arg12 : memref<!tpu.dma_semaphore, #tpu.memory_space<semaphore_mem>>)
      %dma_wait3A = arith.constant 0 : i32
      %dma_wait3A_66 = tpu.memref_slice %arg3[%dma_wait3A] : memref<128000xi32, #tpu.memory_space<hbm>> -> memref<160xi32, #tpu.memory_space<hbm>>
      %dma_wait3A_67 = arith.constant 0 : i32
      %dma_wait3A_68 = tpu.memref_slice %arg3[%dma_wait3A_67] : memref<128000xi32, #tpu.memory_space<hbm>> -> memref<160xi32, #tpu.memory_space<hbm>>
      tpu.wait_dma2 semaphore(%arg11 : memref<!tpu.dma_semaphore, #tpu.memory_space<semaphore_mem>>) src(%dma_wait3A_68 : memref<160xi32, #tpu.memory_space<hbm>>) dst(%arg7 : memref<160xi32, #tpu.memory_space<vmem>>)
      %dma_wait3A_69 = arith.constant 0 : i32
      %dma_wait3A_70 = arith.constant 0 : i32
      %dma_wait3A_71 = tpu.memref_slice %arg2[%dma_wait3A_69, %dma_wait3A_70] : memref<128000x128xf32, #tpu.memory_space<hbm>> -> memref<160x128xf32, #tpu.memory_space<hbm>>
      %dma_wait3A_72 = arith.constant 0 : i32
      %dma_wait3A_73 = arith.constant 0 : i32
      %dma_wait3A_74 = tpu.memref_slice %arg2[%dma_wait3A_72, %dma_wait3A_73] : memref<128000x128xf32, #tpu.memory_space<hbm>> -> memref<160x128xf32, #tpu.memory_space<hbm>>
      tpu.wait_dma2 semaphore(%arg11 : memref<!tpu.dma_semaphore, #tpu.memory_space<semaphore_mem>>) src(%dma_wait3A_74 : memref<160x128xf32, #tpu.memory_space<hbm>>) dst(%arg5 : memref<160x128xf32, #tpu.memory_space<vmem>>)
      %scan3A_75 = arith.constant 0 : i32
      %scan3A_76 = arith.constant 0 : i32
      %scan3A_77 = arith.constant 10 : i32
      %scan3A_78 = arith.addi %scan3A_76, %scan3A_77 : i32
      %scan3A_79 = arith.constant 1 : i32
      scf.for %scan3A_101 = %scan3A_76 to %scan3A_78 step %scan3A_79  : i32 {
        %mul3A_102 = arith.constant 16 : i32
        %mul3A_103 = arith.muli %scan3A_101, %mul3A_102 : i32
        %multiple_of3A_104 = tpu.assume_multiple %mul3A_103, 16 : i32
        %get3A = arith.index_cast %multiple_of3A_104 : i32 to index
        %get3A_105 = tpu.vector_load %arg7[%get3A] {strides = array<i32>} : memref<160xi32, #tpu.memory_space<vmem>>, vector<16xi32>,
        %mul3A_106 = arith.constant 10000 : i32
        %mul3A_107 = arith.muli %arg0, %mul3A_106 : i32
        %sub3A = vector.broadcast %mul3A_107 : i32 to vector<16xi32>
        %sub3A_108 = arith.subi %get3A_105, %sub3A : vector<16xi32>
        %ge3A = arith.constant 0 : i32
        %ge3A_109 = vector.broadcast %ge3A : i32 to vector<16xi32>
        %ge3A_110 = arith.cmpi sge, %sub3A_108, %ge3A_109 : vector<16xi32>
        %lt3A_111 = arith.constant 10000 : i32
        %lt3A_112 = vector.broadcast %lt3A_111 : i32 to vector<16xi32>
        %lt3A_113 = arith.cmpi slt, %sub3A_108, %lt3A_112 : vector<16xi32>
        %and3A = arith.andi %ge3A_110, %lt3A_113 : vector<16xi1>
        %jit3A = arith.constant 10000 : i32
        %broadcast_in_dim3A_114 = vector.broadcast %jit3A : i32 to vector<16xi32>
        %select_n3A = arith.select %and3A, %sub3A_108, %broadcast_in_dim3A_114 : vector<16xi1>, vector<16xi32>
        %swap3A = arith.index_cast %multiple_of3A_104 : i32 to index
        %swap3A_115 = tpu.vector_load %arg9[%swap3A] {strides = array<i32>} : memref<160xi32, #tpu.memory_space<vmem>>, vector<16xi32>,
        tpu.vector_store %arg9[%swap3A], %select_n3A {strides = array<i32>} : memref<160xi32, #tpu.memory_space<vmem>>, vector<16xi32>,
      }
      %scan3A_80 = arith.constant 10 : i32
      "tpu.region"() ({
        %run_scoped3A = tpu.sem_alloc : memref<!tpu.dma_semaphore, #tpu.memory_space<semaphore_mem>>
        %dma_start3A_101 = arith.constant 0 : i32
        %dma_start3A_102 = arith.constant 0 : i32
        %dma_start3A_103 = tpu.memref_slice %arg10[%dma_start3A_101, %dma_start3A_102] : memref<10240x128xf32, #tpu.memory_space<vmem_shared>> -> memref<10240x128xf32, #tpu.memory_space<vmem_shared>>
        tpu.enqueue_indirect_dma source(%arg5 : memref<160x128xf32, #tpu.memory_space<vmem>>) target(%dma_start3A_103 : memref<10240x128xf32, #tpu.memory_space<vmem_shared>>) offsets(%arg9 : memref<160xi32, #tpu.memory_space<vmem>>) semaphore(%run_scoped3A : memref<!tpu.dma_semaphore, #tpu.memory_space<semaphore_mem>>) {add = true}
        %dma_wait3A_104 = arith.constant 0 : i32
        %dma_wait3A_105 = arith.constant 0 : i32
        %dma_wait3A_106 = tpu.memref_slice %arg10[%dma_wait3A_104, %dma_wait3A_105] : memref<10240x128xf32, #tpu.memory_space<vmem_shared>> -> memref<10240x128xf32, #tpu.memory_space<vmem_shared>>
        tpu.wait_indirect_dma semaphore(%run_scoped3A : memref<!tpu.dma_semaphore, #tpu.memory_space<semaphore_mem>>) src(%arg5 : memref<160x128xf32, #tpu.memory_space<vmem>>) dst(%dma_wait3A_106 : memref<10240x128xf32, #tpu.memory_space<vmem_shared>>)
        tpu.yield
      }) : () -> ()
      %lt3A = arith.constant 24 : i32
      %lt3A_81 = arith.cmpi slt, %scan3A_51, %lt3A : i32
      %convert_element_type3A_82 = arith.extui %lt3A_81 : i1 to i32
      %cond3A_83 = arith.constant 0 : i32
      %cond3A_84 = arith.cmpi ne, %convert_element_type3A_82, %cond3A_83 : i32
      scf.if %cond3A_84 {
        %add3A_101 = arith.constant 2 : i32
        %add3A_102 = arith.addi %mul3A_53, %add3A_101 : i32
        %mul3A_103 = arith.constant 160 : i32
        %mul3A_104 = arith.muli %add3A_102, %mul3A_103 : i32
        %add3A_105 = arith.addi %mul3A_29, %mul3A_104 : i32
        %multiple_of3A_106 = tpu.assume_multiple %add3A_105, 8 : i32
        %dma_start3A_107 = tpu.memref_slice %arg3[%multiple_of3A_106] : memref<128000xi32, #tpu.memory_space<hbm>> -> memref<160xi32, #tpu.memory_space<hbm>>
        %dma_start3A_108 = tpu.memref_slice %arg3[%multiple_of3A_106] : memref<128000xi32, #tpu.memory_space<hbm>> -> memref<160xi32, #tpu.memory_space<hbm>>
        tpu.enqueue_dma source(%dma_start3A_108 : memref<160xi32, #tpu.memory_space<hbm>>) target(%arg7 : memref<160xi32, #tpu.memory_space<vmem>>) target_semaphore(%arg11 : memref<!tpu.dma_semaphore, #tpu.memory_space<semaphore_mem>>)
        %dma_start3A_109 = arith.constant 0 : i32
        %dma_start3A_110 = tpu.memref_slice %arg2[%multiple_of3A_106, %dma_start3A_109] : memref<128000x128xf32, #tpu.memory_space<hbm>> -> memref<160x128xf32, #tpu.memory_space<hbm>>
        %dma_start3A_111 = arith.constant 0 : i32
        %dma_start3A_112 = tpu.memref_slice %arg2[%multiple_of3A_106, %dma_start3A_111] : memref<128000x128xf32, #tpu.memory_space<hbm>> -> memref<160x128xf32, #tpu.memory_space<hbm>>
        tpu.enqueue_dma source(%dma_start3A_112 : memref<160x128xf32, #tpu.memory_space<hbm>>) target(%arg5 : memref<160x128xf32, #tpu.memory_space<vmem>>) target_semaphore(%arg11 : memref<!tpu.dma_semaphore, #tpu.memory_space<semaphore_mem>>)
      } else {
      }
      %dma_wait3A_85 = arith.constant 0 : i32
      %dma_wait3A_86 = tpu.memref_slice %arg3[%dma_wait3A_85] : memref<128000xi32, #tpu.memory_space<hbm>> -> memref<160xi32, #tpu.memory_space<hbm>>
      %dma_wait3A_87 = arith.constant 0 : i32
      %dma_wait3A_88 = tpu.memref_slice %arg3[%dma_wait3A_87] : memref<128000xi32, #tpu.memory_space<hbm>> -> memref<160xi32, #tpu.memory_space<hbm>>
      tpu.wait_dma2 semaphore(%arg12 : memref<!tpu.dma_semaphore, #tpu.memory_space<semaphore_mem>>) src(%dma_wait3A_88 : memref<160xi32, #tpu.memory_space<hbm>>) dst(%arg8 : memref<160xi32, #tpu.memory_space<vmem>>)
      %dma_wait3A_89 = arith.constant 0 : i32
      %dma_wait3A_90 = arith.constant 0 : i32
      %dma_wait3A_91 = tpu.memref_slice %arg2[%dma_wait3A_89, %dma_wait3A_90] : memref<128000x128xf32, #tpu.memory_space<hbm>> -> memref<160x128xf32, #tpu.memory_space<hbm>>
      %dma_wait3A_92 = arith.constant 0 : i32
      %dma_wait3A_93 = arith.constant 0 : i32
      %dma_wait3A_94 = tpu.memref_slice %arg2[%dma_wait3A_92, %dma_wait3A_93] : memref<128000x128xf32, #tpu.memory_space<hbm>> -> memref<160x128xf32, #tpu.memory_space<hbm>>
      tpu.wait_dma2 semaphore(%arg12 : memref<!tpu.dma_semaphore, #tpu.memory_space<semaphore_mem>>) src(%dma_wait3A_94 : memref<160x128xf32, #tpu.memory_space<hbm>>) dst(%arg6 : memref<160x128xf32, #tpu.memory_space<vmem>>)
      %scan3A_95 = arith.constant 0 : i32
      %scan3A_96 = arith.constant 0 : i32
      %scan3A_97 = arith.constant 10 : i32
      %scan3A_98 = arith.addi %scan3A_96, %scan3A_97 : i32
      %scan3A_99 = arith.constant 1 : i32
      scf.for %scan3A_101 = %scan3A_96 to %scan3A_98 step %scan3A_99  : i32 {
        %mul3A_102 = arith.constant 16 : i32
        %mul3A_103 = arith.muli %scan3A_101, %mul3A_102 : i32
        %multiple_of3A_104 = tpu.assume_multiple %mul3A_103, 16 : i32
        %get3A = arith.index_cast %multiple_of3A_104 : i32 to index
        %get3A_105 = tpu.vector_load %arg8[%get3A] {strides = array<i32>} : memref<160xi32, #tpu.memory_space<vmem>>, vector<16xi32>,
        %mul3A_106 = arith.constant 10000 : i32
        %mul3A_107 = arith.muli %arg0, %mul3A_106 : i32
        %sub3A = vector.broadcast %mul3A_107 : i32 to vector<16xi32>
        %sub3A_108 = arith.subi %get3A_105, %sub3A : vector<16xi32>
        %ge3A = arith.constant 0 : i32
        %ge3A_109 = vector.broadcast %ge3A : i32 to vector<16xi32>
        %ge3A_110 = arith.cmpi sge, %sub3A_108, %ge3A_109 : vector<16xi32>
        %lt3A_111 = arith.constant 10000 : i32
        %lt3A_112 = vector.broadcast %lt3A_111 : i32 to vector<16xi32>
        %lt3A_113 = arith.cmpi slt, %sub3A_108, %lt3A_112 : vector<16xi32>
        %and3A = arith.andi %ge3A_110, %lt3A_113 : vector<16xi1>
        %jit3A = arith.constant 10000 : i32
        %broadcast_in_dim3A_114 = vector.broadcast %jit3A : i32 to vector<16xi32>
        %select_n3A = arith.select %and3A, %sub3A_108, %broadcast_in_dim3A_114 : vector<16xi1>, vector<16xi32>
        %swap3A = arith.index_cast %multiple_of3A_104 : i32 to index
        %swap3A_115 = tpu.vector_load %arg9[%swap3A] {strides = array<i32>} : memref<160xi32, #tpu.memory_space<vmem>>, vector<16xi32>,
        tpu.vector_store %arg9[%swap3A], %select_n3A {strides = array<i32>} : memref<160xi32, #tpu.memory_space<vmem>>, vector<16xi32>,
      }
      %scan3A_100 = arith.constant 10 : i32
      "tpu.region"() ({
        %run_scoped3A = tpu.sem_alloc : memref<!tpu.dma_semaphore, #tpu.memory_space<semaphore_mem>>
        %dma_start3A_101 = arith.constant 0 : i32
        %dma_start3A_102 = arith.constant 0 : i32
        %dma_start3A_103 = tpu.memref_slice %arg10[%dma_start3A_101, %dma_start3A_102] : memref<10240x128xf32, #tpu.memory_space<vmem_shared>> -> memref<10240x128xf32, #tpu.memory_space<vmem_shared>>
        tpu.enqueue_indirect_dma source(%arg6 : memref<160x128xf32, #tpu.memory_space<vmem>>) target(%dma_start3A_103 : memref<10240x128xf32, #tpu.memory_space<vmem_shared>>) offsets(%arg9 : memref<160xi32, #tpu.memory_space<vmem>>) semaphore(%run_scoped3A : memref<!tpu.dma_semaphore, #tpu.memory_space<semaphore_mem>>) {add = true}
        %dma_wait3A_104 = arith.constant 0 : i32
        %dma_wait3A_105 = arith.constant 0 : i32
        %dma_wait3A_106 = tpu.memref_slice %arg10[%dma_wait3A_104, %dma_wait3A_105] : memref<10240x128xf32, #tpu.memory_space<vmem_shared>> -> memref<10240x128xf32, #tpu.memory_space<vmem_shared>>
        tpu.wait_indirect_dma semaphore(%run_scoped3A : memref<!tpu.dma_semaphore, #tpu.memory_space<semaphore_mem>>) src(%arg6 : memref<160x128xf32, #tpu.memory_space<vmem>>) dst(%dma_wait3A_106 : memref<10240x128xf32, #tpu.memory_space<vmem_shared>>)
        tpu.yield
      }) : () -> ()
    }
    %scan3A_42 = arith.constant 25 : i32
    %barrier3A_43 = arith.constant 0 : index
    tpu.barrier barrier_id(%barrier3A_43)
    %mul3A_44 = arith.constant 624 : i32
    %mul3A_45 = arith.muli %arg1, %mul3A_44 : i32
    %mul3A_46 = arith.constant 10000 : i32
    %mul3A_47 = arith.muli %arg0, %mul3A_46 : i32
    %add3A_48 = arith.addi %mul3A_47, %mul3A_45 : i32
    "tpu.region"() ({
      %run_scoped3A = tpu.sem_alloc : memref<!tpu.dma_semaphore, #tpu.memory_space<semaphore_mem>>
      %dma_start3A_51 = arith.constant 0 : i32
      %dma_start3A_52 = tpu.memref_slice %arg4[%add3A_48, %dma_start3A_51] : memref<20000x128xf32, #tpu.memory_space<hbm>> -> memref<624x128xf32, #tpu.memory_space<hbm>>
      %dma_start3A_53 = arith.constant 0 : i32
      %dma_start3A_54 = tpu.memref_slice %arg10[%mul3A_45, %dma_start3A_53] : memref<10240x128xf32, #tpu.memory_space<vmem_shared>> -> memref<624x128xf32, #tpu.memory_space<vmem_shared>>
      tpu.enqueue_dma source(%dma_start3A_54 : memref<624x128xf32, #tpu.memory_space<vmem_shared>>) target(%dma_start3A_52 : memref<624x128xf32, #tpu.memory_space<hbm>>) target_semaphore(%run_scoped3A : memref<!tpu.dma_semaphore, #tpu.memory_space<semaphore_mem>>)
      %dma_wait3A = arith.constant 0 : i32
      %dma_wait3A_55 = tpu.memref_slice %arg4[%add3A_48, %dma_wait3A] : memref<20000x128xf32, #tpu.memory_space<hbm>> -> memref<624x128xf32, #tpu.memory_space<hbm>>
      %dma_wait3A_56 = arith.constant 0 : i32
      %dma_wait3A_57 = tpu.memref_slice %arg10[%mul3A_45, %dma_wait3A_56] : memref<10240x128xf32, #tpu.memory_space<vmem_shared>> -> memref<624x128xf32, #tpu.memory_space<vmem_shared>>
      tpu.wait_dma2 semaphore(%run_scoped3A : memref<!tpu.dma_semaphore, #tpu.memory_space<semaphore_mem>>) src(%dma_wait3A_57 : memref<624x128xf32, #tpu.memory_space<vmem_shared>>) dst(%dma_wait3A_55 : memref<624x128xf32, #tpu.memory_space<hbm>>)
      tpu.yield
    }) : () -> ()
    %eq3A = arith.constant 15 : i32
    %eq3A_49 = arith.cmpi eq, %arg1, %eq3A : i32
    %convert_element_type3A = arith.extui %eq3A_49 : i1 to i32
    %cond3A = arith.constant 0 : i32
    %cond3A_50 = arith.cmpi ne, %convert_element_type3A, %cond3A : i32
    scf.if %cond3A_50 {
      %mul3A_51 = arith.constant 10000 : i32
      %mul3A_52 = arith.muli %arg0, %mul3A_51 : i32
      %add3A_53 = arith.constant 9984 : i32
      %add3A_54 = arith.addi %mul3A_52, %add3A_53 : i32
      "tpu.region"() ({
        %run_scoped3A = tpu.sem_alloc : memref<!tpu.dma_semaphore, #tpu.memory_space<semaphore_mem>>
        %dma_start3A_55 = arith.constant 0 : i32
        %dma_start3A_56 = tpu.memref_slice %arg4[%add3A_54, %dma_start3A_55] : memref<20000x128xf32, #tpu.memory_space<hbm>> -> memref<16x128xf32, #tpu.memory_space<hbm>>
        %dma_start3A_57 = arith.constant 9984 : i32
        %dma_start3A_58 = arith.constant 0 : i32
        %dma_start3A_59 = tpu.memref_slice %arg10[%dma_start3A_57, %dma_start3A_58] : memref<10240x128xf32, #tpu.memory_space<vmem_shared>> -> memref<16x128xf32, #tpu.memory_space<vmem_shared>>
        tpu.enqueue_dma source(%dma_start3A_59 : memref<16x128xf32, #tpu.memory_space<vmem_shared>>) target(%dma_start3A_56 : memref<16x128xf32, #tpu.memory_space<hbm>>) target_semaphore(%run_scoped3A : memref<!tpu.dma_semaphore, #tpu.memory_space<semaphore_mem>>)
        %dma_wait3A = arith.constant 0 : i32
        %dma_wait3A_60 = tpu.memref_slice %arg4[%add3A_54, %dma_wait3A] : memref<20000x128xf32, #tpu.memory_space<hbm>> -> memref<16x128xf32, #tpu.memory_space<hbm>>
        %dma_wait3A_61 = arith.constant 9984 : i32
        %dma_wait3A_62 = arith.constant 0 : i32
        %dma_wait3A_63 = tpu.memref_slice %arg10[%dma_wait3A_61, %dma_wait3A_62] : memref<10240x128xf32, #tpu.memory_space<vmem_shared>> -> memref<16x128xf32, #tpu.memory_space<vmem_shared>>
        tpu.wait_dma2 semaphore(%run_scoped3A : memref<!tpu.dma_semaphore, #tpu.memory_space<semaphore_mem>>) src(%dma_wait3A_63 : memref<16x128xf32, #tpu.memory_space<vmem_shared>>) dst(%dma_wait3A_60 : memref<16x128xf32, #tpu.memory_space<hbm>>)
        tpu.yield
      }) : () -> ()
    } else {
    }
    return
  }
}

module attributes {stable_mosaic.version = 14 : i64} {
  func.func @_prep_body(%arg0: i32, %arg1: memref<1000x144xf32, #tpu.memory_space<vmem>>, %arg2: memref<128x1xf32, #tpu.memory_space<vmem>>, %arg3: memref<128x1xf32, #tpu.memory_space<vmem>>, %arg4: memref<1xf32, #tpu.memory_space<smem>>, %arg5: memref<128x128xf32, #tpu.memory_space<vmem>>, %arg6: memref<1x128xf32, #tpu.memory_space<vmem>>, %arg7: memref<1x128xf32, #tpu.memory_space<vmem>>, %arg8: memref<1x128xf32, #tpu.memory_space<vmem>>, %arg9: memref<1000x128xf32, #tpu.memory_space<vmem>>, %arg10: memref<1000x1xf32, #tpu.memory_space<vmem>>, %arg11: memref<1000x1xf32, #tpu.memory_space<vmem>>, %arg12: memref<1000x128xf32, #tpu.memory_space<vmem>>) attributes {dimension_semantics = [#tpu.dimension_semantics<arbitrary>], iteration_bounds = array<i64: 10>, scalar_prefetch = 0 : i64, scratch_operands = 0 : i64, tpu.core_type = #tpu.core_type<tc>, window_params = [{transform_indices = @transform_0, window_bounds = array<i64: 1000, 144>}, {pipeline_mode = #tpu.pipeline_mode<synchronous>, transform_indices = @transform_1, window_bounds = array<i64: 128, 1>}, {pipeline_mode = #tpu.pipeline_mode<synchronous>, transform_indices = @transform_2, window_bounds = array<i64: 128, 1>}, {transform_indices = @transform_3, window_bounds = array<i64: 1>}, {pipeline_mode = #tpu.pipeline_mode<synchronous>, transform_indices = @transform_4, window_bounds = array<i64: 128, 128>}, {pipeline_mode = #tpu.pipeline_mode<synchronous>, transform_indices = @transform_5, window_bounds = array<i64: 1, 128>}, {pipeline_mode = #tpu.pipeline_mode<synchronous>, transform_indices = @transform_6, window_bounds = array<i64: 1, 128>}, {pipeline_mode = #tpu.pipeline_mode<synchronous>, transform_indices = @transform_7, window_bounds = array<i64: 1, 128>}, {transform_indices = @transform_8, window_bounds = array<i64: 1000, 128>}, {transform_indices = @transform_9, window_bounds = array<i64: 1000, 1>}, {transform_indices = @transform_10, window_bounds = array<i64: 1000, 1>}, {transform_indices = @transform_11, window_bounds = array<i64: 1000, 128>}]} {
    %get3A = arith.constant 0 : index
    %get3A_0 = arith.constant 0 : index
    %get3A_1 = vector.load %arg1[%get3A, %get3A_0] : memref<1000x144xf32, #tpu.memory_space<vmem>>, vector<1000x128xf32>
    %swap3A = arith.constant 0 : index
    %swap3A_2 = arith.constant 0 : index
    %swap3A_3 = vector.load %arg9[%swap3A, %swap3A_2] : memref<1000x128xf32, #tpu.memory_space<vmem>>, vector<1000x128xf32>
    tpu.vector_store %arg9[%swap3A, %swap3A_2], %get3A_1 {strides = array<i32>} : memref<1000x128xf32, #tpu.memory_space<vmem>>, vector<1000x128xf32>,
    %get3A_4 = arith.constant 0 : index
    %get3A_5 = arith.constant 0 : index
    %get3A_6 = vector.load %arg2[%get3A_4, %get3A_5] : memref<128x1xf32, #tpu.memory_space<vmem>>, vector<128x1xf32>
    %dot_general3A = arith.constant dense<0.000000e+00> : vector<1000x1xf32>
    %dot_general3A_7 = tpu.matmul %get3A_1, %get3A_6, %dot_general3A {dimension_numbers = #tpu.dot_dimension_numbers<[1], [0], [0], [1], [0, 0, 1, 1], [], []>, transpose_lhs_hint = false} : vector<1000x128xf32>, vector<128x1xf32>, vector<1000x1xf32> -> vector<1000x1xf32>
    %get3A_8 = arith.constant 0 : index
    %get3A_9 = memref.load %arg4[%get3A_8] : memref<1xf32, #tpu.memory_space<smem>>
    %add3A = vector.broadcast %get3A_9 : f32 to vector<1000x1xf32>
    %add3A_10 = arith.addf %dot_general3A_7, %add3A : vector<1000x1xf32>
    %swap3A_11 = arith.constant 0 : index
    %swap3A_12 = arith.constant 0 : index
    %swap3A_13 = vector.load %arg10[%swap3A_11, %swap3A_12] : memref<1000x1xf32, #tpu.memory_space<vmem>>, vector<1000x1xf32>
    tpu.vector_store %arg10[%swap3A_11, %swap3A_12], %add3A_10 {strides = array<i32>} : memref<1000x1xf32, #tpu.memory_space<vmem>>, vector<1000x1xf32>,
    %get3A_14 = arith.constant 0 : index
    %get3A_15 = arith.constant 0 : index
    %get3A_16 = vector.load %arg3[%get3A_14, %get3A_15] : memref<128x1xf32, #tpu.memory_space<vmem>>, vector<128x1xf32>
    %dot_general3A_17 = arith.constant dense<0.000000e+00> : vector<1000x1xf32>
    %dot_general3A_18 = tpu.matmul %get3A_1, %get3A_16, %dot_general3A_17 {dimension_numbers = #tpu.dot_dimension_numbers<[1], [0], [0], [1], [0, 0, 1, 1], [], []>, transpose_lhs_hint = false} : vector<1000x128xf32>, vector<128x1xf32>, vector<1000x1xf32> -> vector<1000x1xf32>
    %swap3A_19 = arith.constant 0 : index
    %swap3A_20 = arith.constant 0 : index
    %swap3A_21 = vector.load %arg11[%swap3A_19, %swap3A_20] : memref<1000x1xf32, #tpu.memory_space<vmem>>, vector<1000x1xf32>
    tpu.vector_store %arg11[%swap3A_19, %swap3A_20], %dot_general3A_18 {strides = array<i32>} : memref<1000x1xf32, #tpu.memory_space<vmem>>, vector<1000x1xf32>,
    %get3A_22 = arith.constant 0 : index
    %get3A_23 = arith.constant 0 : index
    %get3A_24 = vector.load %arg5[%get3A_22, %get3A_23] : memref<128x128xf32, #tpu.memory_space<vmem>>, vector<128x128xf32>
    %dot_general3A_25 = arith.constant dense<0.000000e+00> : vector<1000x128xf32>
    %dot_general3A_26 = tpu.matmul %get3A_1, %get3A_24, %dot_general3A_25 {dimension_numbers = #tpu.dot_dimension_numbers<[1], [0], [0], [1], [0, 0, 1, 1], [], []>, transpose_lhs_hint = false} : vector<1000x128xf32>, vector<128x128xf32>, vector<1000x128xf32> -> vector<1000x128xf32>
    %get3A_27 = arith.constant 0 : index
    %get3A_28 = arith.constant 0 : index
    %get3A_29 = vector.load %arg6[%get3A_27, %get3A_28] : memref<1x128xf32, #tpu.memory_space<vmem>>, vector<1x128xf32>
    %add3A_30 = vector.broadcast %get3A_29 : vector<1x128xf32> to vector<1000x128xf32>
    %add3A_31 = arith.addf %dot_general3A_26, %add3A_30 : vector<1000x128xf32>
    %get3A_32 = arith.constant 0 : index
    %get3A_33 = arith.constant 0 : index
    %get3A_34 = vector.load %arg7[%get3A_32, %get3A_33] : memref<1x128xf32, #tpu.memory_space<vmem>>, vector<1x128xf32>
    %get3A_35 = arith.constant 0 : index
    %get3A_36 = arith.constant 0 : index
    %get3A_37 = vector.load %arg8[%get3A_35, %get3A_36] : memref<1x128xf32, #tpu.memory_space<vmem>>, vector<1x128xf32>
    %reduce_sum3A = arith.constant dense<0.000000e+00> : vector<1000xf32>
    %reduce_sum3A_38 = vector.multi_reduction <add>, %add3A_31, %reduce_sum3A [1] : vector<1000x128xf32> to vector<1000xf32>
    %broadcast_in_dim3A = vector.shape_cast %reduce_sum3A_38 : vector<1000xf32> to vector<1000x1xf32>
    %div3A = arith.constant 1.280000e+02 : f32
    %div3A_39 = vector.broadcast %div3A : f32 to vector<1000x1xf32>
    %div3A_40 = arith.divf %broadcast_in_dim3A, %div3A_39 : vector<1000x1xf32>
    %sub3A = vector.broadcast %div3A_40 : vector<1000x1xf32> to vector<1000x128xf32>
    %sub3A_41 = arith.subf %add3A_31, %sub3A : vector<1000x128xf32>
    %mul3A = arith.mulf %sub3A_41, %sub3A_41 : vector<1000x128xf32>
    %reduce_sum3A_42 = arith.constant dense<0.000000e+00> : vector<1000xf32>
    %reduce_sum3A_43 = vector.multi_reduction <add>, %mul3A, %reduce_sum3A_42 [1] : vector<1000x128xf32> to vector<1000xf32>
    %broadcast_in_dim3A_44 = vector.shape_cast %reduce_sum3A_43 : vector<1000xf32> to vector<1000x1xf32>
    %div3A_45 = arith.constant 1.280000e+02 : f32
    %div3A_46 = vector.broadcast %div3A_45 : f32 to vector<1000x1xf32>
    %div3A_47 = arith.divf %broadcast_in_dim3A_44, %div3A_46 : vector<1000x1xf32>
    %add3A_48 = arith.constant 9.99999974E-6 : f32
    %add3A_49 = vector.broadcast %add3A_48 : f32 to vector<1000x1xf32>
    %add3A_50 = arith.addf %div3A_47, %add3A_49 : vector<1000x1xf32>
    %rsqrt3A = math.rsqrt %add3A_50 : vector<1000x1xf32>
    %mul3A_51 = vector.broadcast %rsqrt3A : vector<1000x1xf32> to vector<1000x128xf32>
    %mul3A_52 = arith.mulf %sub3A_41, %mul3A_51 : vector<1000x128xf32>
    %mul3A_53 = vector.broadcast %get3A_34 : vector<1x128xf32> to vector<1000x128xf32>
    %mul3A_54 = arith.mulf %mul3A_52, %mul3A_53 : vector<1000x128xf32>
    %add3A_55 = vector.broadcast %get3A_37 : vector<1x128xf32> to vector<1000x128xf32>
    %add3A_56 = arith.addf %mul3A_54, %add3A_55 : vector<1000x128xf32>
    %max3A = arith.constant 0.000000e+00 : f32
    %max3A_57 = vector.broadcast %max3A : f32 to vector<1000x128xf32>
    %max3A_58 = arith.maximumf %add3A_56, %max3A_57 : vector<1000x128xf32>
    %swap3A_59 = arith.constant 0 : index
    %swap3A_60 = arith.constant 0 : index
    %swap3A_61 = vector.load %arg12[%swap3A_59, %swap3A_60] : memref<1000x128xf32, #tpu.memory_space<vmem>>, vector<1000x128xf32>
    tpu.vector_store %arg12[%swap3A_59, %swap3A_60], %max3A_58 {strides = array<i32>} : memref<1000x128xf32, #tpu.memory_space<vmem>>, vector<1000x128xf32>,
    return
  }
  func.func @transform_0(%arg0: i32) -> (i32, i32) {
    %c0_i32 = arith.constant 0 : i32
    %c0_i32_0 = arith.constant 0 : i32
    return %arg0, %c0_i32 : i32, i32
  }
  func.func @transform_1(%arg0: i32) -> (i32, i32) {
    %c0_i32 = arith.constant 0 : i32
    %c0_i32_0 = arith.constant 0 : i32
    %c0_i32_1 = arith.constant 0 : i32
    return %c0_i32, %c0_i32_0 : i32, i32
  }
  func.func @transform_2(%arg0: i32) -> (i32, i32) {
    %c0_i32 = arith.constant 0 : i32
    %c0_i32_0 = arith.constant 0 : i32
    %c0_i32_1 = arith.constant 0 : i32
    return %c0_i32, %c0_i32_0 : i32, i32
  }
  func.func @transform_3(%arg0: i32) -> i32 {
    %c0_i32 = arith.constant 0 : i32
    %c0_i32_0 = arith.constant 0 : i32
    return %c0_i32 : i32
  }
  func.func @transform_4(%arg0: i32) -> (i32, i32) {
    %c0_i32 = arith.constant 0 : i32
    %c0_i32_0 = arith.constant 0 : i32
    %c0_i32_1 = arith.constant 0 : i32
    return %c0_i32, %c0_i32_0 : i32, i32
  }
  func.func @transform_5(%arg0: i32) -> (i32, i32) {
    %c0_i32 = arith.constant 0 : i32
    %c0_i32_0 = arith.constant 0 : i32
    %c0_i32_1 = arith.constant 0 : i32
    return %c0_i32, %c0_i32_0 : i32, i32
  }
  func.func @transform_6(%arg0: i32) -> (i32, i32) {
    %c0_i32 = arith.constant 0 : i32
    %c0_i32_0 = arith.constant 0 : i32
    %c0_i32_1 = arith.constant 0 : i32
    return %c0_i32, %c0_i32_0 : i32, i32
  }
  func.func @transform_7(%arg0: i32) -> (i32, i32) {
    %c0_i32 = arith.constant 0 : i32
    %c0_i32_0 = arith.constant 0 : i32
    %c0_i32_1 = arith.constant 0 : i32
    return %c0_i32, %c0_i32_0 : i32, i32
  }
  func.func @transform_8(%arg0: i32) -> (i32, i32) {
    %c0_i32 = arith.constant 0 : i32
    %c0_i32_0 = arith.constant 0 : i32
    return %arg0, %c0_i32 : i32, i32
  }
  func.func @transform_9(%arg0: i32) -> (i32, i32) {
    %c0_i32 = arith.constant 0 : i32
    %c0_i32_0 = arith.constant 0 : i32
    return %arg0, %c0_i32 : i32, i32
  }
  func.func @transform_10(%arg0: i32) -> (i32, i32) {
    %c0_i32 = arith.constant 0 : i32
    %c0_i32_0 = arith.constant 0 : i32
    return %arg0, %c0_i32 : i32, i32
  }
  func.func @transform_11(%arg0: i32) -> (i32, i32) {
    %c0_i32 = arith.constant 0 : i32
    %c0_i32_0 = arith.constant 0 : i32
    return %arg0, %c0_i32 : i32, i32
  }
}

module attributes {stable_mosaic.version = 14 : i64} {
  func.func @_stats_body(%arg0: memref<32x16xf32, #tpu.memory_space<vmem>>, %arg1: memref<4xf32, #tpu.memory_space<smem>>) attributes {dimension_semantics = [], scalar_prefetch = 0 : i64, scratch_operands = 0 : i64, tpu.core_type = #tpu.core_type<tc>} {
    %get3A = arith.constant 0 : index
    %get3A_0 = arith.constant 0 : index
    %get3A_1 = vector.load %arg0[%get3A, %get3A_0] : memref<32x16xf32, #tpu.memory_space<vmem>>, vector<32x16xf32>
    %slice3A = vector.extract_strided_slice %get3A_1 {offsets = [0, 0], sizes = [32, 1], strides = [1, 1]} : vector<32x16xf32> to vector<32x1xf32>
    %slice3A_2 = vector.extract_strided_slice %get3A_1 {offsets = [0, 1], sizes = [32, 1], strides = [1, 1]} : vector<32x16xf32> to vector<32x1xf32>
    %slice3A_3 = vector.extract_strided_slice %get3A_1 {offsets = [0, 2], sizes = [32, 1], strides = [1, 1]} : vector<32x16xf32> to vector<32x1xf32>
    %slice3A_4 = vector.extract_strided_slice %get3A_1 {offsets = [0, 3], sizes = [32, 1], strides = [1, 1]} : vector<32x16xf32> to vector<32x1xf32>
    %reduce_max3A = vector.shape_cast %slice3A : vector<32x1xf32> to vector<1x32x1xf32>
    %reduce_max3A_5 = arith.constant dense<0xFF800000> : vector<1xf32>
    %reduce_max3A_6 = vector.multi_reduction <maximumf>, %reduce_max3A, %reduce_max3A_5 [1, 2] : vector<1x32x1xf32> to vector<1xf32>
    %reduce_max3A_7 = vector.shape_cast %reduce_max3A_6 : vector<1xf32> to vector<1x1x1xf32>
    %reduce_max3A_8 = vector.extract %reduce_max3A_7[0, 0, 0] : f32 from vector<1x1x1xf32>
    %reduce_max3A_9 = vector.shape_cast %slice3A_3 : vector<32x1xf32> to vector<1x32x1xf32>
    %reduce_max3A_10 = arith.constant dense<0xFF800000> : vector<1xf32>
    %reduce_max3A_11 = vector.multi_reduction <maximumf>, %reduce_max3A_9, %reduce_max3A_10 [1, 2] : vector<1x32x1xf32> to vector<1xf32>
    %reduce_max3A_12 = vector.shape_cast %reduce_max3A_11 : vector<1xf32> to vector<1x1x1xf32>
    %reduce_max3A_13 = vector.extract %reduce_max3A_12[0, 0, 0] : f32 from vector<1x1x1xf32>
    %sub3A = vector.broadcast %reduce_max3A_8 : f32 to vector<32x1xf32>
    %sub3A_14 = arith.subf %slice3A, %sub3A : vector<32x1xf32>
    %exp3A = math.exp %sub3A_14 : vector<32x1xf32>
    %mul3A = arith.mulf %slice3A_2, %exp3A : vector<32x1xf32>
    %reduce_sum3A = vector.shape_cast %mul3A : vector<32x1xf32> to vector<1x32x1xf32>
    %reduce_sum3A_15 = arith.constant dense<0.000000e+00> : vector<1xf32>
    %reduce_sum3A_16 = vector.multi_reduction <add>, %reduce_sum3A, %reduce_sum3A_15 [1, 2] : vector<1x32x1xf32> to vector<1xf32>
    %reduce_sum3A_17 = vector.shape_cast %reduce_sum3A_16 : vector<1xf32> to vector<1x1x1xf32>
    %reduce_sum3A_18 = vector.extract %reduce_sum3A_17[0, 0, 0] : f32 from vector<1x1x1xf32>
    %sub3A_19 = vector.broadcast %reduce_max3A_13 : f32 to vector<32x1xf32>
    %sub3A_20 = arith.subf %slice3A_3, %sub3A_19 : vector<32x1xf32>
    %exp3A_21 = math.exp %sub3A_20 : vector<32x1xf32>
    %mul3A_22 = arith.mulf %slice3A_4, %exp3A_21 : vector<32x1xf32>
    %reduce_sum3A_23 = vector.shape_cast %mul3A_22 : vector<32x1xf32> to vector<1x32x1xf32>
    %reduce_sum3A_24 = arith.constant dense<0.000000e+00> : vector<1xf32>
    %reduce_sum3A_25 = vector.multi_reduction <add>, %reduce_sum3A_23, %reduce_sum3A_24 [1, 2] : vector<1x32x1xf32> to vector<1xf32>
    %reduce_sum3A_26 = vector.shape_cast %reduce_sum3A_25 : vector<1xf32> to vector<1x1x1xf32>
    %reduce_sum3A_27 = vector.extract %reduce_sum3A_26[0, 0, 0] : f32 from vector<1x1x1xf32>
    %swap3A = arith.constant 0 : index
    %swap3A_28 = memref.load %arg1[%swap3A] : memref<4xf32, #tpu.memory_space<smem>>
    memref.store %reduce_max3A_8, %arg1[%swap3A] : memref<4xf32, #tpu.memory_space<smem>>
    %lt3A = arith.constant -1.000000e+29 : f32
    %lt3A_29 = arith.cmpf olt, %reduce_max3A_8, %lt3A : f32
    %div3A = arith.constant 1.000000e+00 : f32
    %div3A_30 = arith.divf %div3A, %reduce_sum3A_18 : f32
    %jit3A = arith.constant 0.000000e+00 : f32
    %select_n3A = arith.select %lt3A_29, %jit3A, %div3A_30 : f32
    %swap3A_31 = arith.constant 1 : index
    %swap3A_32 = memref.load %arg1[%swap3A_31] : memref<4xf32, #tpu.memory_space<smem>>
    memref.store %select_n3A, %arg1[%swap3A_31] : memref<4xf32, #tpu.memory_space<smem>>
    %swap3A_33 = arith.constant 2 : index
    %swap3A_34 = memref.load %arg1[%swap3A_33] : memref<4xf32, #tpu.memory_space<smem>>
    memref.store %reduce_max3A_13, %arg1[%swap3A_33] : memref<4xf32, #tpu.memory_space<smem>>
    %lt3A_35 = arith.constant -1.000000e+29 : f32
    %lt3A_36 = arith.cmpf olt, %reduce_max3A_13, %lt3A_35 : f32
    %div3A_37 = arith.constant 1.000000e+00 : f32
    %div3A_38 = arith.divf %div3A_37, %reduce_sum3A_27 : f32
    %jit3A_39 = arith.constant 0.000000e+00 : f32
    %select_n3A_40 = arith.select %lt3A_36, %jit3A_39, %div3A_38 : f32
    %swap3A_41 = arith.constant 3 : index
    %swap3A_42 = memref.load %arg1[%swap3A_41] : memref<4xf32, #tpu.memory_space<smem>>
    memref.store %select_n3A_40, %arg1[%swap3A_41] : memref<4xf32, #tpu.memory_space<smem>>
    return
  }
}

module attributes {stable_mosaic.version = 14 : i64} {
  func.func @_mlp_body(%arg0: i32, %arg1: memref<2048x128xf32, #tpu.memory_space<vmem>>, %arg2: memref<2048x16xf32, #tpu.memory_space<vmem>>, %arg3: memref<2048xf32, #tpu.memory_space<vmem>>, %arg4: memref<2048xf32, #tpu.memory_space<vmem>>, %arg5: memref<4xf32, #tpu.memory_space<smem>>, %arg6: memref<128x128xf32, #tpu.memory_space<vmem>>, %arg7: memref<16x128xf32, #tpu.memory_space<vmem>>, %arg8: memref<1x128xf32, #tpu.memory_space<vmem>>, %arg9: memref<1x128xf32, #tpu.memory_space<vmem>>, %arg10: memref<1x128xf32, #tpu.memory_space<vmem>>, %arg11: memref<128x128xf32, #tpu.memory_space<vmem>>, %arg12: memref<1x128xf32, #tpu.memory_space<vmem>>, %arg13: memref<1x128xf32, #tpu.memory_space<vmem>>, %arg14: memref<1x128xf32, #tpu.memory_space<vmem>>, %arg15: memref<2048x128xf32, #tpu.memory_space<vmem>>) attributes {dimension_semantics = [#tpu.dimension_semantics<arbitrary>], iteration_bounds = array<i64: 94>, scalar_prefetch = 0 : i64, scratch_operands = 0 : i64, tpu.core_type = #tpu.core_type<tc>, window_params = [{transform_indices = @transform_0, window_bounds = array<i64: 2048, 128>}, {transform_indices = @transform_1, window_bounds = array<i64: 2048, 16>}, {transform_indices = @transform_2, window_bounds = array<i64: 2048>}, {transform_indices = @transform_3, window_bounds = array<i64: 2048>}, {transform_indices = @transform_4, window_bounds = array<i64: 4>}, {pipeline_mode = #tpu.pipeline_mode<synchronous>, transform_indices = @transform_5, window_bounds = array<i64: 128, 128>}, {pipeline_mode = #tpu.pipeline_mode<synchronous>, transform_indices = @transform_6, window_bounds = array<i64: 16, 128>}, {pipeline_mode = #tpu.pipeline_mode<synchronous>, transform_indices = @transform_7, window_bounds = array<i64: 1, 128>}, {pipeline_mode = #tpu.pipeline_mode<synchronous>, transform_indices = @transform_8, window_bounds = array<i64: 1, 128>}, {pipeline_mode = #tpu.pipeline_mode<synchronous>, transform_indices = @transform_9, window_bounds = array<i64: 1, 128>}, {pipeline_mode = #tpu.pipeline_mode<synchronous>, transform_indices = @transform_10, window_bounds = array<i64: 128, 128>}, {pipeline_mode = #tpu.pipeline_mode<synchronous>, transform_indices = @transform_11, window_bounds = array<i64: 1, 128>}, {pipeline_mode = #tpu.pipeline_mode<synchronous>, transform_indices = @transform_12, window_bounds = array<i64: 1, 128>}, {pipeline_mode = #tpu.pipeline_mode<synchronous>, transform_indices = @transform_13, window_bounds = array<i64: 1, 128>}, {transform_indices = @transform_14, window_bounds = array<i64: 2048, 128>}]} {
    %get3A = arith.constant 0 : index
    %get3A_0 = vector.load %arg3[%get3A] : memref<2048xf32, #tpu.memory_space<vmem>>, vector<2048xf32>
    %get3A_1 = arith.constant 0 : index
    %get3A_2 = memref.load %arg5[%get3A_1] : memref<4xf32, #tpu.memory_space<smem>>
    %sub3A = vector.broadcast %get3A_2 : f32 to vector<2048xf32>
    %sub3A_3 = arith.subf %get3A_0, %sub3A : vector<2048xf32>
    %exp3A = math.exp %sub3A_3 : vector<2048xf32>
    %get3A_4 = arith.constant 1 : index
    %get3A_5 = memref.load %arg5[%get3A_4] : memref<4xf32, #tpu.memory_space<smem>>
    %mul3A = vector.broadcast %get3A_5 : f32 to vector<2048xf32>
    %mul3A_6 = arith.mulf %exp3A, %mul3A : vector<2048xf32>
    %get3A_7 = arith.constant 0 : index
    %get3A_8 = vector.load %arg4[%get3A_7] : memref<2048xf32, #tpu.memory_space<vmem>>, vector<2048xf32>
    %get3A_9 = arith.constant 2 : index
    %get3A_10 = memref.load %arg5[%get3A_9] : memref<4xf32, #tpu.memory_space<smem>>
    %sub3A_11 = vector.broadcast %get3A_10 : f32 to vector<2048xf32>
    %sub3A_12 = arith.subf %get3A_8, %sub3A_11 : vector<2048xf32>
    %exp3A_13 = math.exp %sub3A_12 : vector<2048xf32>
    %get3A_14 = arith.constant 3 : index
    %get3A_15 = memref.load %arg5[%get3A_14] : memref<4xf32, #tpu.memory_space<smem>>
    %mul3A_16 = vector.broadcast %get3A_15 : f32 to vector<2048xf32>
    %mul3A_17 = arith.mulf %exp3A_13, %mul3A_16 : vector<2048xf32>
    %add3A = arith.addf %mul3A_6, %mul3A_17 : vector<2048xf32>
    %reshape3A = vector.shape_cast %add3A : vector<2048xf32> to vector<2048x1xf32>
    %get3A_18 = arith.constant 0 : index
    %get3A_19 = arith.constant 0 : index
    %get3A_20 = vector.load %arg1[%get3A_18, %get3A_19] : memref<2048x128xf32, #tpu.memory_space<vmem>>, vector<2048x128xf32>
    %get3A_21 = arith.constant 0 : index
    %get3A_22 = arith.constant 0 : index
    %get3A_23 = vector.load %arg2[%get3A_21, %get3A_22] : memref<2048x16xf32, #tpu.memory_space<vmem>>, vector<2048x16xf32>
    %mul3A_24 = vector.broadcast %reshape3A : vector<2048x1xf32> to vector<2048x128xf32>
    %mul3A_25 = arith.mulf %get3A_20, %mul3A_24 : vector<2048x128xf32>
    %get3A_26 = arith.constant 0 : index
    %get3A_27 = arith.constant 0 : index
    %get3A_28 = vector.load %arg6[%get3A_26, %get3A_27] : memref<128x128xf32, #tpu.memory_space<vmem>>, vector<128x128xf32>
    %dot_general3A = arith.constant dense<0.000000e+00> : vector<2048x128xf32>
    %dot_general3A_29 = tpu.matmul %mul3A_25, %get3A_28, %dot_general3A {dimension_numbers = #tpu.dot_dimension_numbers<[1], [0], [0], [1], [0, 0, 1, 1], [], []>, transpose_lhs_hint = false} : vector<2048x128xf32>, vector<128x128xf32>, vector<2048x128xf32> -> vector<2048x128xf32>
    %mul3A_30 = vector.broadcast %reshape3A : vector<2048x1xf32> to vector<2048x16xf32>
    %mul3A_31 = arith.mulf %get3A_23, %mul3A_30 : vector<2048x16xf32>
    %get3A_32 = arith.constant 0 : index
    %get3A_33 = arith.constant 0 : index
    %get3A_34 = vector.load %arg7[%get3A_32, %get3A_33] : memref<16x128xf32, #tpu.memory_space<vmem>>, vector<16x128xf32>
    %dot_general3A_35 = arith.constant dense<0.000000e+00> : vector<2048x128xf32>
    %dot_general3A_36 = tpu.matmul %mul3A_31, %get3A_34, %dot_general3A_35 {dimension_numbers = #tpu.dot_dimension_numbers<[1], [0], [0], [1], [0, 0, 1, 1], [], []>, transpose_lhs_hint = false} : vector<2048x16xf32>, vector<16x128xf32>, vector<2048x128xf32> -> vector<2048x128xf32>
    %add3A_37 = arith.addf %dot_general3A_29, %dot_general3A_36 : vector<2048x128xf32>
    %get3A_38 = arith.constant 0 : index
    %get3A_39 = arith.constant 0 : index
    %get3A_40 = vector.load %arg8[%get3A_38, %get3A_39] : memref<1x128xf32, #tpu.memory_space<vmem>>, vector<1x128xf32>
    %add3A_41 = vector.broadcast %get3A_40 : vector<1x128xf32> to vector<2048x128xf32>
    %add3A_42 = arith.addf %add3A_37, %add3A_41 : vector<2048x128xf32>
    %get3A_43 = arith.constant 0 : index
    %get3A_44 = arith.constant 0 : index
    %get3A_45 = vector.load %arg9[%get3A_43, %get3A_44] : memref<1x128xf32, #tpu.memory_space<vmem>>, vector<1x128xf32>
    %get3A_46 = arith.constant 0 : index
    %get3A_47 = arith.constant 0 : index
    %get3A_48 = vector.load %arg10[%get3A_46, %get3A_47] : memref<1x128xf32, #tpu.memory_space<vmem>>, vector<1x128xf32>
    %reduce_sum3A = arith.constant dense<0.000000e+00> : vector<2048xf32>
    %reduce_sum3A_49 = vector.multi_reduction <add>, %add3A_42, %reduce_sum3A [1] : vector<2048x128xf32> to vector<2048xf32>
    %broadcast_in_dim3A = vector.shape_cast %reduce_sum3A_49 : vector<2048xf32> to vector<2048x1xf32>
    %div3A = arith.constant 1.280000e+02 : f32
    %div3A_50 = vector.broadcast %div3A : f32 to vector<2048x1xf32>
    %div3A_51 = arith.divf %broadcast_in_dim3A, %div3A_50 : vector<2048x1xf32>
    %sub3A_52 = vector.broadcast %div3A_51 : vector<2048x1xf32> to vector<2048x128xf32>
    %sub3A_53 = arith.subf %add3A_42, %sub3A_52 : vector<2048x128xf32>
    %mul3A_54 = arith.mulf %sub3A_53, %sub3A_53 : vector<2048x128xf32>
    %reduce_sum3A_55 = arith.constant dense<0.000000e+00> : vector<2048xf32>
    %reduce_sum3A_56 = vector.multi_reduction <add>, %mul3A_54, %reduce_sum3A_55 [1] : vector<2048x128xf32> to vector<2048xf32>
    %broadcast_in_dim3A_57 = vector.shape_cast %reduce_sum3A_56 : vector<2048xf32> to vector<2048x1xf32>
    %div3A_58 = arith.constant 1.280000e+02 : f32
    %div3A_59 = vector.broadcast %div3A_58 : f32 to vector<2048x1xf32>
    %div3A_60 = arith.divf %broadcast_in_dim3A_57, %div3A_59 : vector<2048x1xf32>
    %add3A_61 = arith.constant 9.99999974E-6 : f32
    %add3A_62 = vector.broadcast %add3A_61 : f32 to vector<2048x1xf32>
    %add3A_63 = arith.addf %div3A_60, %add3A_62 : vector<2048x1xf32>
    %rsqrt3A = math.rsqrt %add3A_63 : vector<2048x1xf32>
    %mul3A_64 = vector.broadcast %rsqrt3A : vector<2048x1xf32> to vector<2048x128xf32>
    %mul3A_65 = arith.mulf %sub3A_53, %mul3A_64 : vector<2048x128xf32>
    %mul3A_66 = vector.broadcast %get3A_45 : vector<1x128xf32> to vector<2048x128xf32>
    %mul3A_67 = arith.mulf %mul3A_65, %mul3A_66 : vector<2048x128xf32>
    %add3A_68 = vector.broadcast %get3A_48 : vector<1x128xf32> to vector<2048x128xf32>
    %add3A_69 = arith.addf %mul3A_67, %add3A_68 : vector<2048x128xf32>
    %max3A = arith.constant 0.000000e+00 : f32
    %max3A_70 = vector.broadcast %max3A : f32 to vector<2048x128xf32>
    %max3A_71 = arith.maximumf %add3A_69, %max3A_70 : vector<2048x128xf32>
    %get3A_72 = arith.constant 0 : index
    %get3A_73 = arith.constant 0 : index
    %get3A_74 = vector.load %arg11[%get3A_72, %get3A_73] : memref<128x128xf32, #tpu.memory_space<vmem>>, vector<128x128xf32>
    %dot_general3A_75 = arith.constant dense<0.000000e+00> : vector<2048x128xf32>
    %dot_general3A_76 = tpu.matmul %max3A_71, %get3A_74, %dot_general3A_75 {dimension_numbers = #tpu.dot_dimension_numbers<[1], [0], [0], [1], [0, 0, 1, 1], [], []>, transpose_lhs_hint = false} : vector<2048x128xf32>, vector<128x128xf32>, vector<2048x128xf32> -> vector<2048x128xf32>
    %get3A_77 = arith.constant 0 : index
    %get3A_78 = arith.constant 0 : index
    %get3A_79 = vector.load %arg12[%get3A_77, %get3A_78] : memref<1x128xf32, #tpu.memory_space<vmem>>, vector<1x128xf32>
    %add3A_80 = vector.broadcast %get3A_79 : vector<1x128xf32> to vector<2048x128xf32>
    %add3A_81 = arith.addf %dot_general3A_76, %add3A_80 : vector<2048x128xf32>
    %get3A_82 = arith.constant 0 : index
    %get3A_83 = arith.constant 0 : index
    %get3A_84 = vector.load %arg13[%get3A_82, %get3A_83] : memref<1x128xf32, #tpu.memory_space<vmem>>, vector<1x128xf32>
    %get3A_85 = arith.constant 0 : index
    %get3A_86 = arith.constant 0 : index
    %get3A_87 = vector.load %arg14[%get3A_85, %get3A_86] : memref<1x128xf32, #tpu.memory_space<vmem>>, vector<1x128xf32>
    %reduce_sum3A_88 = arith.constant dense<0.000000e+00> : vector<2048xf32>
    %reduce_sum3A_89 = vector.multi_reduction <add>, %add3A_81, %reduce_sum3A_88 [1] : vector<2048x128xf32> to vector<2048xf32>
    %broadcast_in_dim3A_90 = vector.shape_cast %reduce_sum3A_89 : vector<2048xf32> to vector<2048x1xf32>
    %div3A_91 = arith.constant 1.280000e+02 : f32
    %div3A_92 = vector.broadcast %div3A_91 : f32 to vector<2048x1xf32>
    %div3A_93 = arith.divf %broadcast_in_dim3A_90, %div3A_92 : vector<2048x1xf32>
    %sub3A_94 = vector.broadcast %div3A_93 : vector<2048x1xf32> to vector<2048x128xf32>
    %sub3A_95 = arith.subf %add3A_81, %sub3A_94 : vector<2048x128xf32>
    %mul3A_96 = arith.mulf %sub3A_95, %sub3A_95 : vector<2048x128xf32>
    %reduce_sum3A_97 = arith.constant dense<0.000000e+00> : vector<2048xf32>
    %reduce_sum3A_98 = vector.multi_reduction <add>, %mul3A_96, %reduce_sum3A_97 [1] : vector<2048x128xf32> to vector<2048xf32>
    %broadcast_in_dim3A_99 = vector.shape_cast %reduce_sum3A_98 : vector<2048xf32> to vector<2048x1xf32>
    %div3A_100 = arith.constant 1.280000e+02 : f32
    %div3A_101 = vector.broadcast %div3A_100 : f32 to vector<2048x1xf32>
    %div3A_102 = arith.divf %broadcast_in_dim3A_99, %div3A_101 : vector<2048x1xf32>
    %add3A_103 = arith.constant 9.99999974E-6 : f32
    %add3A_104 = vector.broadcast %add3A_103 : f32 to vector<2048x1xf32>
    %add3A_105 = arith.addf %div3A_102, %add3A_104 : vector<2048x1xf32>
    %rsqrt3A_106 = math.rsqrt %add3A_105 : vector<2048x1xf32>
    %mul3A_107 = vector.broadcast %rsqrt3A_106 : vector<2048x1xf32> to vector<2048x128xf32>
    %mul3A_108 = arith.mulf %sub3A_95, %mul3A_107 : vector<2048x128xf32>
    %mul3A_109 = vector.broadcast %get3A_84 : vector<1x128xf32> to vector<2048x128xf32>
    %mul3A_110 = arith.mulf %mul3A_108, %mul3A_109 : vector<2048x128xf32>
    %add3A_111 = vector.broadcast %get3A_87 : vector<1x128xf32> to vector<2048x128xf32>
    %add3A_112 = arith.addf %mul3A_110, %add3A_111 : vector<2048x128xf32>
    %max3A_113 = arith.constant 0.000000e+00 : f32
    %max3A_114 = vector.broadcast %max3A_113 : f32 to vector<2048x128xf32>
    %max3A_115 = arith.maximumf %add3A_112, %max3A_114 : vector<2048x128xf32>
    %swap3A = arith.constant 0 : index
    %swap3A_116 = arith.constant 0 : index
    %swap3A_117 = vector.load %arg15[%swap3A, %swap3A_116] : memref<2048x128xf32, #tpu.memory_space<vmem>>, vector<2048x128xf32>
    tpu.vector_store %arg15[%swap3A, %swap3A_116], %max3A_115 {strides = array<i32>} : memref<2048x128xf32, #tpu.memory_space<vmem>>, vector<2048x128xf32>,
    return
  }
  func.func @transform_0(%arg0: i32) -> (i32, i32) {
    %c0_i32 = arith.constant 0 : i32
    %c0_i32_0 = arith.constant 0 : i32
    return %arg0, %c0_i32 : i32, i32
  }
  func.func @transform_1(%arg0: i32) -> (i32, i32) {
    %c0_i32 = arith.constant 0 : i32
    %c0_i32_0 = arith.constant 0 : i32
    return %arg0, %c0_i32 : i32, i32
  }
  func.func @transform_2(%arg0: i32) -> i32 {
    %c0_i32 = arith.constant 0 : i32
    return %arg0 : i32
  }
  func.func @transform_3(%arg0: i32) -> i32 {
    %c0_i32 = arith.constant 0 : i32
    return %arg0 : i32
  }
  func.func @transform_4(%arg0: i32) -> i32 {
    %c0_i32 = arith.constant 0 : i32
    %c0_i32_0 = arith.constant 0 : i32
    return %c0_i32 : i32
  }
  func.func @transform_5(%arg0: i32) -> (i32, i32) {
    %c0_i32 = arith.constant 0 : i32
    %c0_i32_0 = arith.constant 0 : i32
    %c0_i32_1 = arith.constant 0 : i32
    return %c0_i32, %c0_i32_0 : i32, i32
  }
  func.func @transform_6(%arg0: i32) -> (i32, i32) {
    %c0_i32 = arith.constant 0 : i32
    %c0_i32_0 = arith.constant 0 : i32
    %c0_i32_1 = arith.constant 0 : i32
    return %c0_i32, %c0_i32_0 : i32, i32
  }
  func.func @transform_7(%arg0: i32) -> (i32, i32) {
    %c0_i32 = arith.constant 0 : i32
    %c0_i32_0 = arith.constant 0 : i32
    %c0_i32_1 = arith.constant 0 : i32
    return %c0_i32, %c0_i32_0 : i32, i32
  }
  func.func @transform_8(%arg0: i32) -> (i32, i32) {
    %c0_i32 = arith.constant 0 : i32
    %c0_i32_0 = arith.constant 0 : i32
    %c0_i32_1 = arith.constant 0 : i32
    return %c0_i32, %c0_i32_0 : i32, i32
  }
  func.func @transform_9(%arg0: i32) -> (i32, i32) {
    %c0_i32 = arith.constant 0 : i32
    %c0_i32_0 = arith.constant 0 : i32
    %c0_i32_1 = arith.constant 0 : i32
    return %c0_i32, %c0_i32_0 : i32, i32
  }
  func.func @transform_10(%arg0: i32) -> (i32, i32) {
    %c0_i32 = arith.constant 0 : i32
    %c0_i32_0 = arith.constant 0 : i32
    %c0_i32_1 = arith.constant 0 : i32
    return %c0_i32, %c0_i32_0 : i32, i32
  }
  func.func @transform_11(%arg0: i32) -> (i32, i32) {
    %c0_i32 = arith.constant 0 : i32
    %c0_i32_0 = arith.constant 0 : i32
    %c0_i32_1 = arith.constant 0 : i32
    return %c0_i32, %c0_i32_0 : i32, i32
  }
  func.func @transform_12(%arg0: i32) -> (i32, i32) {
    %c0_i32 = arith.constant 0 : i32
    %c0_i32_0 = arith.constant 0 : i32
    %c0_i32_1 = arith.constant 0 : i32
    return %c0_i32, %c0_i32_0 : i32, i32
  }
  func.func @transform_13(%arg0: i32) -> (i32, i32) {
    %c0_i32 = arith.constant 0 : i32
    %c0_i32_0 = arith.constant 0 : i32
    %c0_i32_1 = arith.constant 0 : i32
    return %c0_i32, %c0_i32_0 : i32, i32
  }
  func.func @transform_14(%arg0: i32) -> (i32, i32) {
    %c0_i32 = arith.constant 0 : i32
    %c0_i32_0 = arith.constant 0 : i32
    return %arg0, %c0_i32 : i32, i32
  }
}

module attributes {stable_mosaic.version = 14 : i64} {
  func.func @_mlp_body(%arg0: i32, %arg1: memref<2048x128xf32, #tpu.memory_space<vmem>>, %arg2: memref<2048x16xf32, #tpu.memory_space<vmem>>, %arg3: memref<2048xf32, #tpu.memory_space<vmem>>, %arg4: memref<2048xf32, #tpu.memory_space<vmem>>, %arg5: memref<4xf32, #tpu.memory_space<smem>>, %arg6: memref<128x128xf32, #tpu.memory_space<vmem>>, %arg7: memref<16x128xf32, #tpu.memory_space<vmem>>, %arg8: memref<1x128xf32, #tpu.memory_space<vmem>>, %arg9: memref<1x128xf32, #tpu.memory_space<vmem>>, %arg10: memref<1x128xf32, #tpu.memory_space<vmem>>, %arg11: memref<128x128xf32, #tpu.memory_space<vmem>>, %arg12: memref<1x128xf32, #tpu.memory_space<vmem>>, %arg13: memref<1x128xf32, #tpu.memory_space<vmem>>, %arg14: memref<1x128xf32, #tpu.memory_space<vmem>>, %arg15: memref<2048x128xf32, #tpu.memory_space<vmem>>) attributes {dimension_semantics = [#tpu.dimension_semantics<arbitrary>], iteration_bounds = array<i64: 63>, scalar_prefetch = 0 : i64, scratch_operands = 0 : i64, tpu.core_type = #tpu.core_type<tc>, window_params = [{transform_indices = @transform_0, window_bounds = array<i64: 2048, 128>}, {transform_indices = @transform_1, window_bounds = array<i64: 2048, 16>}, {transform_indices = @transform_2, window_bounds = array<i64: 2048>}, {transform_indices = @transform_3, window_bounds = array<i64: 2048>}, {transform_indices = @transform_4, window_bounds = array<i64: 4>}, {pipeline_mode = #tpu.pipeline_mode<synchronous>, transform_indices = @transform_5, window_bounds = array<i64: 128, 128>}, {pipeline_mode = #tpu.pipeline_mode<synchronous>, transform_indices = @transform_6, window_bounds = array<i64: 16, 128>}, {pipeline_mode = #tpu.pipeline_mode<synchronous>, transform_indices = @transform_7, window_bounds = array<i64: 1, 128>}, {pipeline_mode = #tpu.pipeline_mode<synchronous>, transform_indices = @transform_8, window_bounds = array<i64: 1, 128>}, {pipeline_mode = #tpu.pipeline_mode<synchronous>, transform_indices = @transform_9, window_bounds = array<i64: 1, 128>}, {pipeline_mode = #tpu.pipeline_mode<synchronous>, transform_indices = @transform_10, window_bounds = array<i64: 128, 128>}, {pipeline_mode = #tpu.pipeline_mode<synchronous>, transform_indices = @transform_11, window_bounds = array<i64: 1, 128>}, {pipeline_mode = #tpu.pipeline_mode<synchronous>, transform_indices = @transform_12, window_bounds = array<i64: 1, 128>}, {pipeline_mode = #tpu.pipeline_mode<synchronous>, transform_indices = @transform_13, window_bounds = array<i64: 1, 128>}, {transform_indices = @transform_14, window_bounds = array<i64: 2048, 128>}]} {
    %get3A = arith.constant 0 : index
    %get3A_0 = vector.load %arg3[%get3A] : memref<2048xf32, #tpu.memory_space<vmem>>, vector<2048xf32>
    %get3A_1 = arith.constant 0 : index
    %get3A_2 = memref.load %arg5[%get3A_1] : memref<4xf32, #tpu.memory_space<smem>>
    %sub3A = vector.broadcast %get3A_2 : f32 to vector<2048xf32>
    %sub3A_3 = arith.subf %get3A_0, %sub3A : vector<2048xf32>
    %exp3A = math.exp %sub3A_3 : vector<2048xf32>
    %get3A_4 = arith.constant 1 : index
    %get3A_5 = memref.load %arg5[%get3A_4] : memref<4xf32, #tpu.memory_space<smem>>
    %mul3A = vector.broadcast %get3A_5 : f32 to vector<2048xf32>
    %mul3A_6 = arith.mulf %exp3A, %mul3A : vector<2048xf32>
    %get3A_7 = arith.constant 0 : index
    %get3A_8 = vector.load %arg4[%get3A_7] : memref<2048xf32, #tpu.memory_space<vmem>>, vector<2048xf32>
    %get3A_9 = arith.constant 2 : index
    %get3A_10 = memref.load %arg5[%get3A_9] : memref<4xf32, #tpu.memory_space<smem>>
    %sub3A_11 = vector.broadcast %get3A_10 : f32 to vector<2048xf32>
    %sub3A_12 = arith.subf %get3A_8, %sub3A_11 : vector<2048xf32>
    %exp3A_13 = math.exp %sub3A_12 : vector<2048xf32>
    %get3A_14 = arith.constant 3 : index
    %get3A_15 = memref.load %arg5[%get3A_14] : memref<4xf32, #tpu.memory_space<smem>>
    %mul3A_16 = vector.broadcast %get3A_15 : f32 to vector<2048xf32>
    %mul3A_17 = arith.mulf %exp3A_13, %mul3A_16 : vector<2048xf32>
    %add3A = arith.addf %mul3A_6, %mul3A_17 : vector<2048xf32>
    %reshape3A = vector.shape_cast %add3A : vector<2048xf32> to vector<2048x1xf32>
    %get3A_18 = arith.constant 0 : index
    %get3A_19 = arith.constant 0 : index
    %get3A_20 = vector.load %arg1[%get3A_18, %get3A_19] : memref<2048x128xf32, #tpu.memory_space<vmem>>, vector<2048x128xf32>
    %get3A_21 = arith.constant 0 : index
    %get3A_22 = arith.constant 0 : index
    %get3A_23 = vector.load %arg2[%get3A_21, %get3A_22] : memref<2048x16xf32, #tpu.memory_space<vmem>>, vector<2048x16xf32>
    %mul3A_24 = vector.broadcast %reshape3A : vector<2048x1xf32> to vector<2048x128xf32>
    %mul3A_25 = arith.mulf %get3A_20, %mul3A_24 : vector<2048x128xf32>
    %get3A_26 = arith.constant 0 : index
    %get3A_27 = arith.constant 0 : index
    %get3A_28 = vector.load %arg6[%get3A_26, %get3A_27] : memref<128x128xf32, #tpu.memory_space<vmem>>, vector<128x128xf32>
    %dot_general3A = arith.constant dense<0.000000e+00> : vector<2048x128xf32>
    %dot_general3A_29 = tpu.matmul %mul3A_25, %get3A_28, %dot_general3A {dimension_numbers = #tpu.dot_dimension_numbers<[1], [0], [0], [1], [0, 0, 1, 1], [], []>, transpose_lhs_hint = false} : vector<2048x128xf32>, vector<128x128xf32>, vector<2048x128xf32> -> vector<2048x128xf32>
    %mul3A_30 = vector.broadcast %reshape3A : vector<2048x1xf32> to vector<2048x16xf32>
    %mul3A_31 = arith.mulf %get3A_23, %mul3A_30 : vector<2048x16xf32>
    %get3A_32 = arith.constant 0 : index
    %get3A_33 = arith.constant 0 : index
    %get3A_34 = vector.load %arg7[%get3A_32, %get3A_33] : memref<16x128xf32, #tpu.memory_space<vmem>>, vector<16x128xf32>
    %dot_general3A_35 = arith.constant dense<0.000000e+00> : vector<2048x128xf32>
    %dot_general3A_36 = tpu.matmul %mul3A_31, %get3A_34, %dot_general3A_35 {dimension_numbers = #tpu.dot_dimension_numbers<[1], [0], [0], [1], [0, 0, 1, 1], [], []>, transpose_lhs_hint = false} : vector<2048x16xf32>, vector<16x128xf32>, vector<2048x128xf32> -> vector<2048x128xf32>
    %add3A_37 = arith.addf %dot_general3A_29, %dot_general3A_36 : vector<2048x128xf32>
    %get3A_38 = arith.constant 0 : index
    %get3A_39 = arith.constant 0 : index
    %get3A_40 = vector.load %arg8[%get3A_38, %get3A_39] : memref<1x128xf32, #tpu.memory_space<vmem>>, vector<1x128xf32>
    %add3A_41 = vector.broadcast %get3A_40 : vector<1x128xf32> to vector<2048x128xf32>
    %add3A_42 = arith.addf %add3A_37, %add3A_41 : vector<2048x128xf32>
    %get3A_43 = arith.constant 0 : index
    %get3A_44 = arith.constant 0 : index
    %get3A_45 = vector.load %arg9[%get3A_43, %get3A_44] : memref<1x128xf32, #tpu.memory_space<vmem>>, vector<1x128xf32>
    %get3A_46 = arith.constant 0 : index
    %get3A_47 = arith.constant 0 : index
    %get3A_48 = vector.load %arg10[%get3A_46, %get3A_47] : memref<1x128xf32, #tpu.memory_space<vmem>>, vector<1x128xf32>
    %reduce_sum3A = arith.constant dense<0.000000e+00> : vector<2048xf32>
    %reduce_sum3A_49 = vector.multi_reduction <add>, %add3A_42, %reduce_sum3A [1] : vector<2048x128xf32> to vector<2048xf32>
    %broadcast_in_dim3A = vector.shape_cast %reduce_sum3A_49 : vector<2048xf32> to vector<2048x1xf32>
    %div3A = arith.constant 1.280000e+02 : f32
    %div3A_50 = vector.broadcast %div3A : f32 to vector<2048x1xf32>
    %div3A_51 = arith.divf %broadcast_in_dim3A, %div3A_50 : vector<2048x1xf32>
    %sub3A_52 = vector.broadcast %div3A_51 : vector<2048x1xf32> to vector<2048x128xf32>
    %sub3A_53 = arith.subf %add3A_42, %sub3A_52 : vector<2048x128xf32>
    %mul3A_54 = arith.mulf %sub3A_53, %sub3A_53 : vector<2048x128xf32>
    %reduce_sum3A_55 = arith.constant dense<0.000000e+00> : vector<2048xf32>
    %reduce_sum3A_56 = vector.multi_reduction <add>, %mul3A_54, %reduce_sum3A_55 [1] : vector<2048x128xf32> to vector<2048xf32>
    %broadcast_in_dim3A_57 = vector.shape_cast %reduce_sum3A_56 : vector<2048xf32> to vector<2048x1xf32>
    %div3A_58 = arith.constant 1.280000e+02 : f32
    %div3A_59 = vector.broadcast %div3A_58 : f32 to vector<2048x1xf32>
    %div3A_60 = arith.divf %broadcast_in_dim3A_57, %div3A_59 : vector<2048x1xf32>
    %add3A_61 = arith.constant 9.99999974E-6 : f32
    %add3A_62 = vector.broadcast %add3A_61 : f32 to vector<2048x1xf32>
    %add3A_63 = arith.addf %div3A_60, %add3A_62 : vector<2048x1xf32>
    %rsqrt3A = math.rsqrt %add3A_63 : vector<2048x1xf32>
    %mul3A_64 = vector.broadcast %rsqrt3A : vector<2048x1xf32> to vector<2048x128xf32>
    %mul3A_65 = arith.mulf %sub3A_53, %mul3A_64 : vector<2048x128xf32>
    %mul3A_66 = vector.broadcast %get3A_45 : vector<1x128xf32> to vector<2048x128xf32>
    %mul3A_67 = arith.mulf %mul3A_65, %mul3A_66 : vector<2048x128xf32>
    %add3A_68 = vector.broadcast %get3A_48 : vector<1x128xf32> to vector<2048x128xf32>
    %add3A_69 = arith.addf %mul3A_67, %add3A_68 : vector<2048x128xf32>
    %max3A = arith.constant 0.000000e+00 : f32
    %max3A_70 = vector.broadcast %max3A : f32 to vector<2048x128xf32>
    %max3A_71 = arith.maximumf %add3A_69, %max3A_70 : vector<2048x128xf32>
    %get3A_72 = arith.constant 0 : index
    %get3A_73 = arith.constant 0 : index
    %get3A_74 = vector.load %arg11[%get3A_72, %get3A_73] : memref<128x128xf32, #tpu.memory_space<vmem>>, vector<128x128xf32>
    %dot_general3A_75 = arith.constant dense<0.000000e+00> : vector<2048x128xf32>
    %dot_general3A_76 = tpu.matmul %max3A_71, %get3A_74, %dot_general3A_75 {dimension_numbers = #tpu.dot_dimension_numbers<[1], [0], [0], [1], [0, 0, 1, 1], [], []>, transpose_lhs_hint = false} : vector<2048x128xf32>, vector<128x128xf32>, vector<2048x128xf32> -> vector<2048x128xf32>
    %get3A_77 = arith.constant 0 : index
    %get3A_78 = arith.constant 0 : index
    %get3A_79 = vector.load %arg12[%get3A_77, %get3A_78] : memref<1x128xf32, #tpu.memory_space<vmem>>, vector<1x128xf32>
    %add3A_80 = vector.broadcast %get3A_79 : vector<1x128xf32> to vector<2048x128xf32>
    %add3A_81 = arith.addf %dot_general3A_76, %add3A_80 : vector<2048x128xf32>
    %get3A_82 = arith.constant 0 : index
    %get3A_83 = arith.constant 0 : index
    %get3A_84 = vector.load %arg13[%get3A_82, %get3A_83] : memref<1x128xf32, #tpu.memory_space<vmem>>, vector<1x128xf32>
    %get3A_85 = arith.constant 0 : index
    %get3A_86 = arith.constant 0 : index
    %get3A_87 = vector.load %arg14[%get3A_85, %get3A_86] : memref<1x128xf32, #tpu.memory_space<vmem>>, vector<1x128xf32>
    %reduce_sum3A_88 = arith.constant dense<0.000000e+00> : vector<2048xf32>
    %reduce_sum3A_89 = vector.multi_reduction <add>, %add3A_81, %reduce_sum3A_88 [1] : vector<2048x128xf32> to vector<2048xf32>
    %broadcast_in_dim3A_90 = vector.shape_cast %reduce_sum3A_89 : vector<2048xf32> to vector<2048x1xf32>
    %div3A_91 = arith.constant 1.280000e+02 : f32
    %div3A_92 = vector.broadcast %div3A_91 : f32 to vector<2048x1xf32>
    %div3A_93 = arith.divf %broadcast_in_dim3A_90, %div3A_92 : vector<2048x1xf32>
    %sub3A_94 = vector.broadcast %div3A_93 : vector<2048x1xf32> to vector<2048x128xf32>
    %sub3A_95 = arith.subf %add3A_81, %sub3A_94 : vector<2048x128xf32>
    %mul3A_96 = arith.mulf %sub3A_95, %sub3A_95 : vector<2048x128xf32>
    %reduce_sum3A_97 = arith.constant dense<0.000000e+00> : vector<2048xf32>
    %reduce_sum3A_98 = vector.multi_reduction <add>, %mul3A_96, %reduce_sum3A_97 [1] : vector<2048x128xf32> to vector<2048xf32>
    %broadcast_in_dim3A_99 = vector.shape_cast %reduce_sum3A_98 : vector<2048xf32> to vector<2048x1xf32>
    %div3A_100 = arith.constant 1.280000e+02 : f32
    %div3A_101 = vector.broadcast %div3A_100 : f32 to vector<2048x1xf32>
    %div3A_102 = arith.divf %broadcast_in_dim3A_99, %div3A_101 : vector<2048x1xf32>
    %add3A_103 = arith.constant 9.99999974E-6 : f32
    %add3A_104 = vector.broadcast %add3A_103 : f32 to vector<2048x1xf32>
    %add3A_105 = arith.addf %div3A_102, %add3A_104 : vector<2048x1xf32>
    %rsqrt3A_106 = math.rsqrt %add3A_105 : vector<2048x1xf32>
    %mul3A_107 = vector.broadcast %rsqrt3A_106 : vector<2048x1xf32> to vector<2048x128xf32>
    %mul3A_108 = arith.mulf %sub3A_95, %mul3A_107 : vector<2048x128xf32>
    %mul3A_109 = vector.broadcast %get3A_84 : vector<1x128xf32> to vector<2048x128xf32>
    %mul3A_110 = arith.mulf %mul3A_108, %mul3A_109 : vector<2048x128xf32>
    %add3A_111 = vector.broadcast %get3A_87 : vector<1x128xf32> to vector<2048x128xf32>
    %add3A_112 = arith.addf %mul3A_110, %add3A_111 : vector<2048x128xf32>
    %max3A_113 = arith.constant 0.000000e+00 : f32
    %max3A_114 = vector.broadcast %max3A_113 : f32 to vector<2048x128xf32>
    %max3A_115 = arith.maximumf %add3A_112, %max3A_114 : vector<2048x128xf32>
    %swap3A = arith.constant 0 : index
    %swap3A_116 = arith.constant 0 : index
    %swap3A_117 = vector.load %arg15[%swap3A, %swap3A_116] : memref<2048x128xf32, #tpu.memory_space<vmem>>, vector<2048x128xf32>
    tpu.vector_store %arg15[%swap3A, %swap3A_116], %max3A_115 {strides = array<i32>} : memref<2048x128xf32, #tpu.memory_space<vmem>>, vector<2048x128xf32>,
    return
  }
  func.func @transform_0(%arg0: i32) -> (i32, i32) {
    %c0_i32 = arith.constant 0 : i32
    %c0_i32_0 = arith.constant 0 : i32
    return %arg0, %c0_i32 : i32, i32
  }
  func.func @transform_1(%arg0: i32) -> (i32, i32) {
    %c0_i32 = arith.constant 0 : i32
    %c0_i32_0 = arith.constant 0 : i32
    return %arg0, %c0_i32 : i32, i32
  }
  func.func @transform_2(%arg0: i32) -> i32 {
    %c0_i32 = arith.constant 0 : i32
    return %arg0 : i32
  }
  func.func @transform_3(%arg0: i32) -> i32 {
    %c0_i32 = arith.constant 0 : i32
    return %arg0 : i32
  }
  func.func @transform_4(%arg0: i32) -> i32 {
    %c0_i32 = arith.constant 0 : i32
    %c0_i32_0 = arith.constant 0 : i32
    return %c0_i32 : i32
  }
  func.func @transform_5(%arg0: i32) -> (i32, i32) {
    %c0_i32 = arith.constant 0 : i32
    %c0_i32_0 = arith.constant 0 : i32
    %c0_i32_1 = arith.constant 0 : i32
    return %c0_i32, %c0_i32_0 : i32, i32
  }
  func.func @transform_6(%arg0: i32) -> (i32, i32) {
    %c0_i32 = arith.constant 0 : i32
    %c0_i32_0 = arith.constant 0 : i32
    %c0_i32_1 = arith.constant 0 : i32
    return %c0_i32, %c0_i32_0 : i32, i32
  }
  func.func @transform_7(%arg0: i32) -> (i32, i32) {
    %c0_i32 = arith.constant 0 : i32
    %c0_i32_0 = arith.constant 0 : i32
    %c0_i32_1 = arith.constant 0 : i32
    return %c0_i32, %c0_i32_0 : i32, i32
  }
  func.func @transform_8(%arg0: i32) -> (i32, i32) {
    %c0_i32 = arith.constant 0 : i32
    %c0_i32_0 = arith.constant 0 : i32
    %c0_i32_1 = arith.constant 0 : i32
    return %c0_i32, %c0_i32_0 : i32, i32
  }
  func.func @transform_9(%arg0: i32) -> (i32, i32) {
    %c0_i32 = arith.constant 0 : i32
    %c0_i32_0 = arith.constant 0 : i32
    %c0_i32_1 = arith.constant 0 : i32
    return %c0_i32, %c0_i32_0 : i32, i32
  }
  func.func @transform_10(%arg0: i32) -> (i32, i32) {
    %c0_i32 = arith.constant 0 : i32
    %c0_i32_0 = arith.constant 0 : i32
    %c0_i32_1 = arith.constant 0 : i32
    return %c0_i32, %c0_i32_0 : i32, i32
  }
  func.func @transform_11(%arg0: i32) -> (i32, i32) {
    %c0_i32 = arith.constant 0 : i32
    %c0_i32_0 = arith.constant 0 : i32
    %c0_i32_1 = arith.constant 0 : i32
    return %c0_i32, %c0_i32_0 : i32, i32
  }
  func.func @transform_12(%arg0: i32) -> (i32, i32) {
    %c0_i32 = arith.constant 0 : i32
    %c0_i32_0 = arith.constant 0 : i32
    %c0_i32_1 = arith.constant 0 : i32
    return %c0_i32, %c0_i32_0 : i32, i32
  }
  func.func @transform_13(%arg0: i32) -> (i32, i32) {
    %c0_i32 = arith.constant 0 : i32
    %c0_i32_0 = arith.constant 0 : i32
    %c0_i32_1 = arith.constant 0 : i32
    return %c0_i32, %c0_i32_0 : i32, i32
  }
  func.func @transform_14(%arg0: i32) -> (i32, i32) {
    %c0_i32 = arith.constant 0 : i32
    %c0_i32_0 = arith.constant 0 : i32
    return %arg0, %c0_i32 : i32, i32
  }
}

module attributes {stable_mosaic.version = 14 : i64} {
  func.func @_upd_body(%arg0: i32, %arg1: memref<1000x128xf32, #tpu.memory_space<vmem>>, %arg2: memref<1000x128xf32, #tpu.memory_space<vmem>>, %arg3: memref<1000x128xf32, #tpu.memory_space<vmem>>, %arg4: memref<1000x128xf32, #tpu.memory_space<vmem>>, %arg5: memref<1000x144xf32, #tpu.memory_space<vmem>>, %arg6: memref<1000x128xf32, #tpu.memory_space<vmem>>, %arg7: memref<128x128xf32, #tpu.memory_space<vmem>>, %arg8: memref<128x128xf32, #tpu.memory_space<vmem>>, %arg9: memref<1x128xf32, #tpu.memory_space<vmem>>, %arg10: memref<1x128xf32, #tpu.memory_space<vmem>>, %arg11: memref<1x128xf32, #tpu.memory_space<vmem>>, %arg12: memref<1000x144xf32, #tpu.memory_space<vmem>>) attributes {dimension_semantics = [#tpu.dimension_semantics<arbitrary>], iteration_bounds = array<i64: 10>, scalar_prefetch = 0 : i64, scratch_operands = 0 : i64, tpu.core_type = #tpu.core_type<tc>, window_params = [{transform_indices = @transform_0, window_bounds = array<i64: 1000, 128>}, {transform_indices = @transform_1, window_bounds = array<i64: 1000, 128>}, {transform_indices = @transform_2, window_bounds = array<i64: 1000, 128>}, {transform_indices = @transform_3, window_bounds = array<i64: 1000, 128>}, {transform_indices = @transform_4, window_bounds = array<i64: 1000, 144>}, {transform_indices = @transform_5, window_bounds = array<i64: 1000, 128>}, {pipeline_mode = #tpu.pipeline_mode<synchronous>, transform_indices = @transform_6, window_bounds = array<i64: 128, 128>}, {pipeline_mode = #tpu.pipeline_mode<synchronous>, transform_indices = @transform_7, window_bounds = array<i64: 128, 128>}, {pipeline_mode = #tpu.pipeline_mode<synchronous>, transform_indices = @transform_8, window_bounds = array<i64: 1, 128>}, {pipeline_mode = #tpu.pipeline_mode<synchronous>, transform_indices = @transform_9, window_bounds = array<i64: 1, 128>}, {pipeline_mode = #tpu.pipeline_mode<synchronous>, transform_indices = @transform_10, window_bounds = array<i64: 1, 128>}, {transform_indices = @transform_11, window_bounds = array<i64: 1000, 144>}]} {
    %get3A = arith.constant 0 : index
    %get3A_0 = arith.constant 0 : index
    %get3A_1 = vector.load %arg1[%get3A, %get3A_0] : memref<1000x128xf32, #tpu.memory_space<vmem>>, vector<1000x128xf32>
    %get3A_2 = arith.constant 0 : index
    %get3A_3 = arith.constant 0 : index
    %get3A_4 = vector.load %arg2[%get3A_2, %get3A_3] : memref<1000x128xf32, #tpu.memory_space<vmem>>, vector<1000x128xf32>
    %add3A = arith.addf %get3A_1, %get3A_4 : vector<1000x128xf32>
    %get3A_5 = arith.constant 0 : index
    %get3A_6 = arith.constant 0 : index
    %get3A_7 = vector.load %arg3[%get3A_5, %get3A_6] : memref<1000x128xf32, #tpu.memory_space<vmem>>, vector<1000x128xf32>
    %get3A_8 = arith.constant 0 : index
    %get3A_9 = arith.constant 0 : index
    %get3A_10 = vector.load %arg4[%get3A_8, %get3A_9] : memref<1000x128xf32, #tpu.memory_space<vmem>>, vector<1000x128xf32>
    %add3A_11 = arith.addf %get3A_7, %get3A_10 : vector<1000x128xf32>
    %get3A_12 = arith.constant 0 : index
    %get3A_13 = arith.constant 0 : index
    %get3A_14 = vector.load %arg7[%get3A_12, %get3A_13] : memref<128x128xf32, #tpu.memory_space<vmem>>, vector<128x128xf32>
    %dot_general3A = arith.constant dense<0.000000e+00> : vector<1000x128xf32>
    %dot_general3A_15 = tpu.matmul %add3A, %get3A_14, %dot_general3A {dimension_numbers = #tpu.dot_dimension_numbers<[1], [0], [0], [1], [0, 0, 1, 1], [], []>, transpose_lhs_hint = false} : vector<1000x128xf32>, vector<128x128xf32>, vector<1000x128xf32> -> vector<1000x128xf32>
    %get3A_16 = arith.constant 0 : index
    %get3A_17 = arith.constant 0 : index
    %get3A_18 = vector.load %arg8[%get3A_16, %get3A_17] : memref<128x128xf32, #tpu.memory_space<vmem>>, vector<128x128xf32>
    %dot_general3A_19 = arith.constant dense<0.000000e+00> : vector<1000x128xf32>
    %dot_general3A_20 = tpu.matmul %add3A_11, %get3A_18, %dot_general3A_19 {dimension_numbers = #tpu.dot_dimension_numbers<[1], [0], [0], [1], [0, 0, 1, 1], [], []>, transpose_lhs_hint = false} : vector<1000x128xf32>, vector<128x128xf32>, vector<1000x128xf32> -> vector<1000x128xf32>
    %add3A_21 = arith.addf %dot_general3A_15, %dot_general3A_20 : vector<1000x128xf32>
    %get3A_22 = arith.constant 0 : index
    %get3A_23 = arith.constant 0 : index
    %get3A_24 = vector.load %arg9[%get3A_22, %get3A_23] : memref<1x128xf32, #tpu.memory_space<vmem>>, vector<1x128xf32>
    %add3A_25 = vector.broadcast %get3A_24 : vector<1x128xf32> to vector<1000x128xf32>
    %add3A_26 = arith.addf %add3A_21, %add3A_25 : vector<1000x128xf32>
    %get3A_27 = arith.constant 0 : index
    %get3A_28 = arith.constant 0 : index
    %get3A_29 = vector.load %arg10[%get3A_27, %get3A_28] : memref<1x128xf32, #tpu.memory_space<vmem>>, vector<1x128xf32>
    %get3A_30 = arith.constant 0 : index
    %get3A_31 = arith.constant 0 : index
    %get3A_32 = vector.load %arg11[%get3A_30, %get3A_31] : memref<1x128xf32, #tpu.memory_space<vmem>>, vector<1x128xf32>
    %reduce_sum3A = arith.constant dense<0.000000e+00> : vector<1000xf32>
    %reduce_sum3A_33 = vector.multi_reduction <add>, %add3A_26, %reduce_sum3A [1] : vector<1000x128xf32> to vector<1000xf32>
    %broadcast_in_dim3A = vector.shape_cast %reduce_sum3A_33 : vector<1000xf32> to vector<1000x1xf32>
    %div3A = arith.constant 1.280000e+02 : f32
    %div3A_34 = vector.broadcast %div3A : f32 to vector<1000x1xf32>
    %div3A_35 = arith.divf %broadcast_in_dim3A, %div3A_34 : vector<1000x1xf32>
    %sub3A = vector.broadcast %div3A_35 : vector<1000x1xf32> to vector<1000x128xf32>
    %sub3A_36 = arith.subf %add3A_26, %sub3A : vector<1000x128xf32>
    %mul3A = arith.mulf %sub3A_36, %sub3A_36 : vector<1000x128xf32>
    %reduce_sum3A_37 = arith.constant dense<0.000000e+00> : vector<1000xf32>
    %reduce_sum3A_38 = vector.multi_reduction <add>, %mul3A, %reduce_sum3A_37 [1] : vector<1000x128xf32> to vector<1000xf32>
    %broadcast_in_dim3A_39 = vector.shape_cast %reduce_sum3A_38 : vector<1000xf32> to vector<1000x1xf32>
    %div3A_40 = arith.constant 1.280000e+02 : f32
    %div3A_41 = vector.broadcast %div3A_40 : f32 to vector<1000x1xf32>
    %div3A_42 = arith.divf %broadcast_in_dim3A_39, %div3A_41 : vector<1000x1xf32>
    %add3A_43 = arith.constant 9.99999974E-6 : f32
    %add3A_44 = vector.broadcast %add3A_43 : f32 to vector<1000x1xf32>
    %add3A_45 = arith.addf %div3A_42, %add3A_44 : vector<1000x1xf32>
    %rsqrt3A = math.rsqrt %add3A_45 : vector<1000x1xf32>
    %mul3A_46 = vector.broadcast %rsqrt3A : vector<1000x1xf32> to vector<1000x128xf32>
    %mul3A_47 = arith.mulf %sub3A_36, %mul3A_46 : vector<1000x128xf32>
    %mul3A_48 = vector.broadcast %get3A_29 : vector<1x128xf32> to vector<1000x128xf32>
    %mul3A_49 = arith.mulf %mul3A_47, %mul3A_48 : vector<1000x128xf32>
    %add3A_50 = vector.broadcast %get3A_32 : vector<1x128xf32> to vector<1000x128xf32>
    %add3A_51 = arith.addf %mul3A_49, %add3A_50 : vector<1000x128xf32>
    %max3A = arith.constant 0.000000e+00 : f32
    %max3A_52 = vector.broadcast %max3A : f32 to vector<1000x128xf32>
    %max3A_53 = arith.maximumf %add3A_51, %max3A_52 : vector<1000x128xf32>
    %get3A_54 = arith.constant 0 : index
    %get3A_55 = arith.constant 0 : index
    %get3A_56 = vector.load %arg6[%get3A_54, %get3A_55] : memref<1000x128xf32, #tpu.memory_space<vmem>>, vector<1000x128xf32>
    %add3A_57 = arith.addf %max3A_53, %get3A_56 : vector<1000x128xf32>
    %get3A_58 = arith.constant 0 : index
    %get3A_59 = arith.constant 128 : index
    %get3A_60 = vector.load %arg5[%get3A_58, %get3A_59] : memref<1000x144xf32, #tpu.memory_space<vmem>>, vector<1000x16xf32>
    %concatenate3A = tpu.concatenate %add3A_57, %get3A_60 in 1 : vector<1000x128xf32>, vector<1000x16xf32> -> vector<1000x144xf32>
    %swap3A = arith.constant 0 : index
    %swap3A_61 = arith.constant 0 : index
    %swap3A_62 = vector.load %arg12[%swap3A, %swap3A_61] : memref<1000x144xf32, #tpu.memory_space<vmem>>, vector<1000x144xf32>
    tpu.vector_store %arg12[%swap3A, %swap3A_61], %concatenate3A {strides = array<i32>} : memref<1000x144xf32, #tpu.memory_space<vmem>>, vector<1000x144xf32>,
    return
  }
  func.func @transform_0(%arg0: i32) -> (i32, i32) {
    %c0_i32 = arith.constant 0 : i32
    %c0_i32_0 = arith.constant 0 : i32
    return %arg0, %c0_i32 : i32, i32
  }
  func.func @transform_1(%arg0: i32) -> (i32, i32) {
    %c0_i32 = arith.constant 0 : i32
    %c0_i32_0 = arith.constant 0 : i32
    return %arg0, %c0_i32 : i32, i32
  }
  func.func @transform_2(%arg0: i32) -> (i32, i32) {
    %add3A = arith.constant 10 : i32
    %add3A_0 = arith.addi %arg0, %add3A : i32
    %c0_i32 = arith.constant 0 : i32
    %c0_i32_1 = arith.constant 0 : i32
    return %add3A_0, %c0_i32 : i32, i32
  }
  func.func @transform_3(%arg0: i32) -> (i32, i32) {
    %add3A = arith.constant 10 : i32
    %add3A_0 = arith.addi %arg0, %add3A : i32
    %c0_i32 = arith.constant 0 : i32
    %c0_i32_1 = arith.constant 0 : i32
    return %add3A_0, %c0_i32 : i32, i32
  }
  func.func @transform_4(%arg0: i32) -> (i32, i32) {
    %c0_i32 = arith.constant 0 : i32
    %c0_i32_0 = arith.constant 0 : i32
    return %arg0, %c0_i32 : i32, i32
  }
  func.func @transform_5(%arg0: i32) -> (i32, i32) {
    %c0_i32 = arith.constant 0 : i32
    %c0_i32_0 = arith.constant 0 : i32
    return %arg0, %c0_i32 : i32, i32
  }
  func.func @transform_6(%arg0: i32) -> (i32, i32) {
    %c0_i32 = arith.constant 0 : i32
    %c0_i32_0 = arith.constant 0 : i32
    %c0_i32_1 = arith.constant 0 : i32
    return %c0_i32, %c0_i32_0 : i32, i32
  }
  func.func @transform_7(%arg0: i32) -> (i32, i32) {
    %c0_i32 = arith.constant 0 : i32
    %c0_i32_0 = arith.constant 0 : i32
    %c0_i32_1 = arith.constant 0 : i32
    return %c0_i32, %c0_i32_0 : i32, i32
  }
  func.func @transform_8(%arg0: i32) -> (i32, i32) {
    %c0_i32 = arith.constant 0 : i32
    %c0_i32_0 = arith.constant 0 : i32
    %c0_i32_1 = arith.constant 0 : i32
    return %c0_i32, %c0_i32_0 : i32, i32
  }
  func.func @transform_9(%arg0: i32) -> (i32, i32) {
    %c0_i32 = arith.constant 0 : i32
    %c0_i32_0 = arith.constant 0 : i32
    %c0_i32_1 = arith.constant 0 : i32
    return %c0_i32, %c0_i32_0 : i32, i32
  }
  func.func @transform_10(%arg0: i32) -> (i32, i32) {
    %c0_i32 = arith.constant 0 : i32
    %c0_i32_0 = arith.constant 0 : i32
    %c0_i32_1 = arith.constant 0 : i32
    return %c0_i32, %c0_i32_0 : i32, i32
  }
  func.func @transform_11(%arg0: i32) -> (i32, i32) {
    %c0_i32 = arith.constant 0 : i32
    %c0_i32_0 = arith.constant 0 : i32
    return %arg0, %c0_i32 : i32, i32
  }
}

</mosaic_0001>

<sc_bundles>
// kernel: kernel.12.cloned.1.call-start
scs
__scs_entry_jumppad:
0x0: {  	(pc) =	sbr.rel $0x88, $3  }
0x1: {  	(tag) =	ssettag $0x0;
	lr =	simm.s32 $0x1  }
0x2: {  	[smem:$0x3F8C] =	sst lr;
	_ =	strace $0xD0000000  }
0x3: {  	_ = 	snop  }
0x4: {  	_ = 	snop  }
0x5: {  	_ = 	snop  }
0x6: {  	_ = 	snop  }
0x7: {  	_ = 	snop  }
__scs_overlays_trampoline_lowered:
0x8: {  	[smem:$0x3F9B] =	sst s0  }
0x9: {  	[smem:$0x3F9C] =	sst s1  }
0xa: {  	[smem:$0x3F9D] =	sst s2  }
0xb: {  	[smem:$0x3F9E] =	sst s3  }
0xc: {  	[smem:$0x3F9F] =	sst s4  }
0xd: {  	[smem:$0x3FA0] =	sst s5  }
0xe: {  	[smem:$0x3FA1] =	sst s6  }
0xf: {  	[smem:$0x3FA2] =	sst s7  }
0x10: {  	[smem:$0x3FA3] =	sst s8  }
0x11: {  	[smem:$0x3FA4] =	sst s9;
	s0 =	simm.s32 @!p0 $0x0  }
0x12: {  	s1 =	sld [smem:$0x3F8A];
	s0 =	simm.s32 @p0 $0x1  }
0x13: {  	[smem:$0x3FA5] =	sst s0;
	s0 =	simm.s32 @!p1 $0x0  }
0x14: {  	s2 =	sld [smem:$0x3F89];
	s0 =	simm.s32 @p1 $0x1  }
0x15: {  	[smem:$0x3FA6] =	sst s0;
	s0 =	simm.s32 @!p2 $0x0  }
0x16: {  	s3 =	sld [smem:$0x3FDB];
	s0 =	simm.s32 @p2 $0x1  }
0x17: {  	s4 =	simm.s32 $0x1BF5;
	[smem:$0x3FA8] =	sst s0  }
0x18: {  	s0 =	sld [smem:$0x3F8B];
	_ =	swait.ge [sflag:s4], $0x0  }
0x19: {  	s7 =	sld [smem:$0x3F8C]  }
0x1a: {  	s8 =	sadd.s32 $0xFFFFE003, lr  }
0x1b: {  	s9 =	sadd.s32 $0xFFFFFEF7, lr;
	s5 =	simm.s32 $0xFFFFFFFF;
	p2 =	slt.u32 s8, $0xFFFFF086  }
0x1c: {  	p1 =	slt.u32 s9, $0xF7A;
	s5 =	simm.s32 @!p2 $0x0  }
0x1d: {  	s5 =	simm.s32 @p1 $0x1;
	p0 =	seq.s32 s7, s2  }
0x1e: {  	s7 =	smul.u32 @!p0 $0xF7A, s2;
	p2 =	seq.s32 @!p0 s5, $0x0  }
0x1f: {  	s9 =	smul.u32 $0xF7A, s1;
	s8 =	simm.s32 @!p0 $0x1BF5;
	p2 =	por !p2, p0  }
0x20: {  	[sflag:s8] =	ssyncset.s32 @!p0 $0xFFFFF086;
	s6 =	sadd.s32 @!p0 s3, s7;
	s7 =	simm.s32 @!p0 $0x108  }
0x21: {  	s3 =	sadd.s32 s3, s9;
	s6 =	sadd.s32 @!p0 $0x88, s6;
	s7 =	simm.s32 @p2 $0x1082  }
0x22: {  	[simem:s7], [sflag:s8] =	dma.local @!p0 [hbm:s6], $0xF7A  }
0x23: {  	s9 =	sor.u32 $0xD0000000, s2;
	s6 =	simm.s32 $0x108;
	_ =	swait.ge @!p0 [sflag:s8], $0x0  }
0x24: {  	s3 =	sadd.s32 $0x88, s3;
	s6 =	simm.s32 @!p1 $0x1082;
	[sflag:s4] =	ssyncset.s32 $0xFFFFF086  }
0x25: {  	[simem:s6], [sflag:s4] =	dma.local [hbm:s3], $0xF7A  }
0x26: {  	[smem:$0x3F8C] =	sst s1;
	(tag) =	ssettag s2;
	_ =	strace s9  }
0x27: {  	s1 =	sld [smem:$0x3F9C]  }
0x28: {  	s2 =	sld [smem:$0x3F9D]  }
0x29: {  	s4 =	sld [smem:$0x3F9F]  }
0x2a: {  	p0 =	seq.s32 s5, $0x0;
	s5 =	sld [smem:$0x3FA0]  }
0x2b: {  	s6 =	sld [smem:$0x3FA1]  }
0x2c: {  	s7 =	sld [smem:$0x3FA2]  }
0x2d: {  	s3 =	simm.s32 $0x108;
	s8 =	sld [smem:$0x3FA3]  }
0x2e: {  	s3 =	simm.s32 @!p0 $0x1082;
	s9 =	sld [smem:$0x3FA4]  }
0x2f: {  	lr =	sadd.s32 s0, s3;
	s0 =	sld [smem:$0x3F9B]  }
0x30: {  	s3 =	sld [smem:$0x3F9E]  }
0x31: {  	[smem:$0x3FA7] =	sst s10  }
0x32: {  	s10 =	sld [smem:$0x3FA5];
	_ =	sdelay $0x3  }
0x33: {  	p0 =	seq.s32 s10, $0x1;
	s10 =	sld [smem:$0x3FA7];
	_ =	sdelay $0x3  }
0x34: {  	[smem:$0x3FA7] =	sst s10  }
0x35: {  	s10 =	sld [smem:$0x3FA6];
	_ =	sdelay $0x3  }
0x36: {  	p1 =	seq.s32 s10, $0x1;
	s10 =	sld [smem:$0x3FA7];
	_ =	sdelay $0x3  }
0x37: {  	[smem:$0x3FA7] =	sst s10  }
0x38: {  	s10 =	sld [smem:$0x3FA8]  }
0x39: {  	_ = 	snop;
	(pc) =	sbr.ind lr, $3  }
0x3a: {  	_ = 	snop  }
0x3b: {  	_ = 	snop  }
0x3c: {  	p2 =	seq.s32 s10, $0x1;
	s10 =	sld [smem:$0x3FA7]  }
0x3d: {  	_ =	shalt  }
0x3e: {  	_ =	shalt  }
0x3f: {  	_ =	shalt  }
0x40: {  	_ =	shalt  }
0x41: {  	_ =	shalt  }
0x42: {  	_ =	shalt  }
0x43: {  	_ =	shalt  }
0x44: {  	_ =	shalt  }
0x45: {  	_ =	shalt  }
0x46: {  	_ =	shalt  }
0x47: {  	_ =	shalt  }
0x48: {  	_ =	shalt  }
0x49: {  	_ =	shalt  }
0x4a: {  	_ =	shalt  }
0x4b: {  	_ =	shalt  }
0x4c: {  	_ =	shalt  }
0x4d: {  	_ =	shalt  }
0x4e: {  	_ =	shalt  }
0x4f: {  	_ =	shalt  }
0x50: {  	_ =	shalt  }
0x51: {  	_ =	shalt  }
0x52: {  	_ =	shalt  }
0x53: {  	_ =	shalt  }
0x54: {  	_ =	shalt  }
0x55: {  	_ =	shalt  }
0x56: {  	_ =	shalt  }
0x57: {  	_ =	shalt  }
0x58: {  	_ =	shalt  }
0x59: {  	_ =	shalt  }
0x5a: {  	_ =	shalt  }
0x5b: {  	_ =	shalt  }
0x5c: {  	_ =	shalt  }
0x5d: {  	_ =	shalt  }
0x5e: {  	_ =	shalt  }
0x5f: {  	_ =	shalt  }
0x60: {  	_ =	shalt  }
0x61: {  	_ =	shalt  }
0x62: {  	_ =	shalt  }
0x63: {  	_ =	shalt  }
0x64: {  	_ =	shalt  }
0x65: {  	_ =	shalt  }
0x66: {  	_ =	shalt  }
0x67: {  	_ =	shalt  }
0x68: {  	_ =	shalt  }
0x69: {  	_ =	shalt  }
0x6a: {  	_ =	shalt  }
0x6b: {  	_ =	shalt  }
0x6c: {  	_ =	shalt  }
0x6d: {  	_ =	shalt  }
0x6e: {  	_ =	shalt  }
0x6f: {  	_ =	shalt  }
0x70: {  	_ =	shalt  }
0x71: {  	_ =	shalt  }
0x72: {  	_ =	shalt  }
0x73: {  	_ =	shalt  }
0x74: {  	_ =	shalt  }
0x75: {  	_ =	shalt  }
0x76: {  	_ =	shalt  }
0x77: {  	_ =	shalt  }
0x78: {  	_ =	shalt  }
0x79: {  	_ =	shalt  }
0x7a: {  	_ =	shalt  }
0x7b: {  	_ =	shalt  }
0x7c: {  	_ =	shalt  }
0x7d: {  	_ =	shalt  }
0x7e: {  	_ =	shalt  }
0x7f: {  	_ =	shalt  }
0x80: {  	_ =	shalt  }
0x81: {  	_ =	shalt  }
0x82: {  	_ =	shalt  }
0x83: {  	_ =	shalt  }
0x84: {  	_ =	shalt  }
0x85: {  	_ =	shalt  }
0x86: {  	_ =	shalt  }
0x87: {  	_ =	shalt  }
.Lfunc_end0:
.L_simem_size_0:
called_computation_lowered:
.L_overlay_start_0:
0x88: {  	s2 =	sld [smem:$0x3FD9]  }
0x89: {  	s3 =	sld [smem:$0x3FFE];
	_ =	sdelay $0x1  }
0x8a: {  	s1 =	srdreg.scid  }
0x8b: {  	s0 =	sand.u32 $0x1, s1  }
0x8c: {  	s16 =	sshll.u32 s0, $0xA;
	s2 =	sadd.s32 s3, s2  }
0x8d: {  	s2 =	sadd.s32 s2, s16  }
0x8e: {  	[smem:$0x3FB3] =	sst s2  }
0x8f: {  	_ = 	snop  }
0x90: {  	(tm) =	ssettm $0x1  }
0x91: {  	s17 =	sld [smem:$0x3FFB];
	_ =	sdelay $0x3  }
0x92: {  	_ =	strace s17  }
0x93: {  	s2 =	sld [smem:$0x3FFC];
	_ =	sdelay $0x3  }
0x94: {  	_ =	strace s2  }
0x95: {  	s2 =	sld [smem:$0x3FFD];
	_ =	sdelay $0x3  }
0x96: {  	_ =	strace s2  }
0x97: {  	_ =	strace $0x8FFFFFFF  }
0x98: {  	s18 =	sld [smem:$0x3FDB];
	_ =	sdelay $0x1  }
0x99: {  	s19 =	simm.s32 $_scs_section_size  }
0x9a: {  	s4 =	simm.s32 $_size__tile_overlayer_lowered;
	s5 =	simm.s32 $_tile_overlayer_lowered  }
0x9b: {  	s22 =	simm.s32 $0x1BFF;
	s21 =	sshll.u32 s5, $0x1;
	s2 =	sadd.s32 s19, s18  }
0x9c: {  	s6 =	simm.s32 $0x0;
	s20 =	sshll.u32 s4, $0x1;
	s4 =	sadd.s32 s21, s2  }
0x9d: {  	[timem:s6], [sflag:s22] =	dma.local [hbm:s4], s20  }
0x9e: {  	_ =	swait.ge [sflag:s22], s20  }
0x9f: {  	s3 =	ssub.s32 $0x0, s20;
	[sflag:s22] =	ssyncset.done $0x0  }
0xa0: {  	[sflag:s22] =	ssyncadd.s32 s3;
	_ =	sdelay $0x1  }
0xa1: {  	s23 =	simm.s32 $0x1B8B  }
0xa2: {  	_ =	swait.ge [sflag:s23], $0x1  }
0xa3: {  	[sflag:s23] =	ssyncset.done $0x0  }
0xa4: {  	s25 =	simm.s32 $0x1B8E;
	s24 =	sld [smem:$0x3FFE];
	[sflag:s23] =	ssyncadd.s32 $0xFFFFFFFF  }
0xa5: {  	s26 =	simm.s32 $execute0_lowered;
	[smem:$0x3FD2] =	sst s25  }
0xa6: {  	s4 =	sshll.u32 s26, $0x1;
	_ =	strace $0x80000046;
	[dreg:$0x1] =	wrdreg $0xFFFFFFFF  }
0xa7: {  	s28 =	simm.s32 $_size_execute0_lowered;
	s2 =	sadd.s32 s2, s4;
	[dreg:$0x0] =	wrdreg $0x0  }
0xa8: {  	s4 =	sshll.u32 s28, $0x1;
	[dreg:$0x2] =	wrdreg s2  }
0xa9: {  	[dreg:$0x3] =	wrdreg s4  }
0xaa: {  	[dreg:$0x4] =	wrdreg $0xC0  }
0xab: {  	_ =	task [dreg:s6], $0x5FFFF  }
0xac: {  	[dreg:$0x1] =	wrdreg $0xFFFFFFFF  }
0xad: {  	[dreg:$0x0] =	wrdreg $0x60  }
0xae: {  	[dreg:$0x2] =	wrdreg s24  }
0xaf: {  	[dreg:$0x3] =	wrdreg $0xA  }
0xb0: {  	_ =	task.clear_ibuf [dreg:s6], $0x4FFFF;
	_ =	strace $0x90000046  }
0xb1: {  	s29 =	simm.s32 $0xA;
	_ =	strace $0x80000048  }
0xb2: {  	_ =	swait.ge [sflag:s29], $0x1  }
0xb3: {  	[sflag:s29] =	ssyncadd.s32 $0xFFFFFFFF  }
0xb4: {  	_ =	strace $0x90000048  }
0xb5: {  	_ =	sfence  }
0xb6: {  	s30 =	sld [smem:$0x0];
	_ =	sdelay $0x2  }
0xb7: {  	s31 =	sshll.u32 s1, $0xD;
	s1 =	sshrl.u32 s1, $0x2  }
0xb8: {  	s3 =	sand.u32 $0x4000, s31;
	s1 =	sadd.s32 s1, s30  }
0xb9: {  	s0 =	sor.u32 s3, s0;
	s1 =	sshll.u32 s1, $0x11  }
0xba: {  	s0 =	sor.u32 s1, s0  }
0xbb: {  	s0 =	sadd.s32 $0x8F2B, s0  }
0xbc: {  	[sflag:s0] =	ssyncadd.remote.s32 $0x1  }
0xbd: {  	_ =	sfence.sel $0xFFFF  }
0xbe: {  	[dreg:$0x0] =	wrdreg $0xFFFFFFFF;
	(pc) =	sbr.abs _section_cstart, $3  }
0xbf: {  	[dreg:$0x1] =	wrdreg $0xFFFFFFFF  }
0xc0: {  	_ =	task.clear_ibuf [dreg:s6], $0x2FFFF;
	_ =	strace $0x9FFFFFFF  }
0xc1: {  	(tm) =	ssettm $0x7FFFFFFF  }
tec
execute0_lowered:
.L_overlay_start_1:
0x0: {  	(tag) =	ssettag $0x1  }
0x1: {  	s5 =	rddreg [dreg:$0x0]  }
0x2: {  	s0 =	rddreg [dreg:$0x1]  }
0x3: {  	s3 =	srdreg.scid;
	s1 =	stileid.u32;
	s2 =	simm.s32 $0x0  }
0x4: {  	s12 =	simm.s32 $0x1;
	s13 =	simm.s32 $0x2780;
	s14 =	simm.s32 $0x4F00  }
0x5: {  	s15 =	simm.s32 $0x7680;
	s16 =	simm.s32 $0x11480;
	s17 =	simm.s32 $0x9E00  }
0x6: {  	s18 =	simm.s32 $0xC580;
	s19 =	simm.s32 $0xED00;
	s20 =	simm.s32 $0x0  }
0x7: {  	s6 =	sand.u32 $0x1, s3;
	s30 =	sshll.u32 s1, $0x1;
	[smem:$0x7FF] =	sst s2  }
0x8: {  	s3 =	sadd.s32 $0x8CE00, s5;
	s4 =	sadd.s32 $0x8D400, s5;
	s7 =	sor.u32 s6, s30  }
0x9: {  	s6 =	ssub.s32 $0x2, s6;
	s8 =	smul.u32 $0x4E2, s7;
	s7 =	sshll.u32 s7, $0x4  }
0xa: {  	_ =	strace $0x80000047;
	s31 =	sshrl.u32 s6, $0x1;
	s7 =	sadd.s32 s7, s5  }
0xb: {  	s11 =	ssub.s32 s6, s31;
	s10 =	sadd.s32 s8, s5;
	s7 =	sadd.s32 $0x8DA00, s7  }
0xc: {  	vm0 =	vcmask $0xF0C;
	s11 =	smax.u32 s11, $0x1;
	s5 =	sadd.s32 $0x5BE00, s10;
	s6 =	sadd.s32 $0x52000, s10  }
0xd: {  	vm1 =	vcmask $0x3F0C;
	vm2 =	vcmask $0x3F08;
	vm3 =	vcmask $0x3F04;
	s8 =	sadd.s32 $0x8DC00, s10;
	s9 =	sadd.s32 $0x97A00, s10;
	s10 =	sadd.s32 $0xA1800, s10  }
.LBB2_1:
0xe: {  	[tilespmem:s2], [sflag:$0x1] =	stream.linear.gather [hbm4b:s3+s2], $0x2780, $0x38;
	[tilespmem:$0x11500] =	vst v63  }
0xf: {  	_ =	swait.ge [sflag:s12], $0x2780  }
0x10: {  	[sflag:s12] =	ssyncset.done $0x0  }
0x11: {  	[sflag:s12] =	ssyncadd.s32 $0xFFFFD880  }
0x12: {  	[tilespmem:s13], [sflag:$0x1] =	stream.linear.gather [hbm4b:s4+s2], $0x2780, $0x38;
	[tilespmem:$0x11500] =	vst v63  }
0x13: {  	_ =	swait.ge [sflag:s12], $0x2780  }
0x14: {  	[sflag:s12] =	ssyncset.done $0x0  }
0x15: {  	[sflag:s12] =	ssyncadd.s32 $0xFFFFD880  }
0x16: {  	[tilespmem:s14], [sflag:$0x1] =	stream.linear.gather [hbm4b:s5+s2], $0x2710, $0x38;
	[tilespmem:$0x11500] =	vst v63  }
0x17: {  	_ =	swait.ge [sflag:s12], $0x2710  }
0x18: {  	[sflag:s12] =	ssyncset.done $0x0  }
0x19: {  	[sflag:s12] =	ssyncadd.s32 $0xFFFFD8F0  }
0x1a: {  	[tilespmem:s15], [sflag:$0x1] =	stream.linear.gather [hbm4b:s6+s2], $0x2710, $0x38;
	[tilespmem:$0x11500] =	vst v63  }
0x1b: {  	_ =	swait.ge [sflag:s12], $0x2710  }
0x1c: {  	[sflag:s12] =	ssyncset.done $0x0  }
0x1d: {  	s21 =	simm.s32 $0x0;
	[sflag:s12] =	ssyncadd.s32 $0xFFFFD8F0  }
0x1e: {  	v0 =	vld [tilespmem:s21+$0x4F00]  }
0x1f: {  	v1 =	vld [tilespmem:s21+$0x7680];
	_ =	sdelay $0x6  }
0x20: {  	v2 =	vld.idx.msk [tilespmem:v0+s13+$0x0], $0xffff  }
0x21: {  	v3 =	vld.idx.msk [tilespmem:v1+s2+$0x0], $0xffff;
	_ =	sdelay $0x4  }
0x22: {  	v4 =	vld [tilespmem:s21+$0x4F10];
	v2 =	vadd.f32 v2, v3  }
0x23: {  	v3 =	vld [tilespmem:s21+$0x7690]  }
0x24: {  	vm4 =	vgt.s32 v0, v1;
	vm6 =	vlt.s32 v0, v1;
	v6 =	vmul.f32 $9.999999770e-03, v2  }
0x25: {  	v5 =	vnsel vm4, $0x4E20, v0;
	v0 =	vadd.s32 $0x2710, v0;
	vm5 =	vge.f32 v2, $0.0e+00  }
0x26: {  	v0 =	vsel vm6, v0, v5;
	v1 =	vsel vm5, v2, v6  }
0x27: {  	[tilespmem:s21+$0xED00] =	vst v0;
	v5 =	vnsel vm6, $0xF149F2CA, v1  }
0x28: {  	v0 =	vnsel vm4, $0xF149F2CA, v1;
	[tilespmem:s21+$0x9E00] =	vst v5  }
0x29: {  	[tilespmem:s21+$0xC580] =	vst v0  }
0x2a: {  	v2 =	vld.idx.msk [tilespmem:v4+s13+$0x0], $0xffff  }
0x2b: {  	v1 =	vld.idx.msk [tilespmem:v3+s2+$0x0], $0xffff;
	_ =	sdelay $0x1  }
0x2c: {  	vm4 =	vgt.s32 v4, v3  }
0x2d: {  	vm5 =	vlt.s32 v4, v3;
	v3 =	vadd.s32 $0x2710, v4;
	v4 =	vnsel vm4, $0x4E20, v4  }
0x2e: {  	v3 =	vsel vm5, v3, v4  }
0x2f: {  	[tilespmem:s21+$0xED10] =	vst v3;
	v3 =	vld [tilespmem:s21+$0x4F20];
	v1 =	vadd.f32 v2, v1  }
0x30: {  	v2 =	vld [tilespmem:s21+$0x76A0]  }
0x31: {  	v4 =	vmul.f32 $9.999999770e-03, v1  }
0x32: {  	vm6 =	vge.f32 v1, $0.0e+00  }
0x33: {  	v1 =	vsel vm6, v1, v4  }
0x34: {  	v4 =	vnsel vm5, $0xF149F2CA, v1  }
0x35: {  	v1 =	vnsel vm4, $0xF149F2CA, v1;
	[tilespmem:s21+$0x9E10] =	vst v4  }
0x36: {  	[tilespmem:s21+$0xC590] =	vst v1  }
0x37: {  	v7 =	vld.idx.msk [tilespmem:v3+s13+$0x0], $0xffff  }
0x38: {  	v60 =	vld.idx.msk [tilespmem:v2+s2+$0x0], $0xffff;
	_ =	sdelay $0x1  }
0x39: {  	vm4 =	vgt.s32 v3, v2  }
0x3a: {  	vm5 =	vlt.s32 v3, v2;
	v8 =	vnsel vm4, $0x4E20, v3;
	v2 =	vadd.s32 $0x2710, v3  }
0x3b: {  	v2 =	vsel vm5, v2, v8  }
0x3c: {  	[tilespmem:s21+$0xED20] =	vst v2;
	v2 =	vld [tilespmem:s21+$0x76B0];
	v3 =	vadd.f32 v7, v60  }
0x3d: {  	v61 =	vld [tilespmem:s21+$0x4F30]  }
0x3e: {  	v7 =	vmul.f32 $9.999999770e-03, v3  }
0x3f: {  	vm6 =	vge.f32 v3, $0.0e+00  }
0x40: {  	v3 =	vsel vm6, v3, v7  }
0x41: {  	v7 =	vnsel vm5, $0xF149F2CA, v3  }
0x42: {  	v9 =	vnsel vm4, $0xF149F2CA, v3;
	[tilespmem:s21+$0x9E20] =	vst v7  }
0x43: {  	v62 =	vimm.f32 $-1.000000020e+30;
	[tilespmem:s21+$0xC5A0] =	vst v9  }
0x44: {  	v10 =	vadd.s32 $0x2710, v61;
	vm4 =	vgt.s32 v61, v2;
	vm5 =	vlt.s32 v61, v2;
	v2 =	vld.idx.msk [tilespmem:v2+s2+$0x0], $0xffff  }
0x45: {  	v5 =	vmax.f32 v62, v5;
	v0 =	vmax.f32 v62, v0;
	v11 =	vnsel vm4, $0x4E20, v61;
	v3 =	vld.idx.msk [tilespmem:v61+s13+$0x0], $0xffff  }
0x46: {  	v4 =	vmax.f32 v5, v4;
	v1 =	vmax.f32 v0, v1;
	v63 =	vsel vm5, v10, v11  }
0x47: {  	s22 =	simm.s32 $0x100;
	s23 =	simm.s32 $0x200;
	v0 =	vmax.f32 v4, v7;
	v1 =	vmax.f32 v1, v9;
	[tilespmem:s21+$0xED30] =	vst v63  }
.LBB2_2:
0x48: {  	p0 =	sne.s32 s23, $0x9B00  }
0x49: {  	s24 =	sshra.s32 s22, $0x2;
	s22 =	smov.u32 s23;
	s23 =	sadd.s32 $0x100, s23  }
0x4a: {  	v2 =	vadd.f32 v3, v2;
	v4 =	vld [tilespmem:s24+$0x4F00]  }
0x4b: {  	v3 =	vld [tilespmem:s24+$0x7680]  }
0x4c: {  	vm6 =	vge.f32 v2, $0.0e+00;
	v5 =	vmul.f32 $9.999999770e-03, v2;
	_ =	sdelay $0x1  }
0x4d: {  	v2 =	vsel vm6, v2, v5  }
0x4e: {  	v5 =	vnsel vm5, $0xF149F2CA, v2;
	v2 =	vnsel vm4, $0xF149F2CA, v2  }
0x4f: {  	v0 =	vmax.f32 v0, v5;
	v1 =	vmax.f32 v1, v2;
	vm4 =	vgt.s32 v4, v3;
	[tilespmem:s21+$0x9E30] =	vst v5  }
0x50: {  	v5 =	vnsel vm4, $0x4E20, v4;
	[tilespmem:s21+$0xC5B0] =	vst v2;
	s21 =	smov.u32 s24  }
0x51: {  	v2 =	vld.idx.msk [tilespmem:v4+s13+$0x0], $0xffff  }
0x52: {  	v6 =	vld.idx.msk [tilespmem:v3+s2+$0x0], $0xffff;
	_ =	sdelay $0x5  }
0x53: {  	v2 =	vadd.f32 v2, v6;
	v6 =	vld [tilespmem:s21+$0x7690]  }
0x54: {  	v7 =	vld [tilespmem:s21+$0x4F10]  }
0x55: {  	vm5 =	vge.f32 v2, $0.0e+00;
	v8 =	vmul.f32 $9.999999770e-03, v2  }
0x56: {  	vm6 =	vlt.s32 v4, v3;
	v3 =	vadd.s32 $0x2710, v4  }
0x57: {  	v3 =	vsel vm6, v3, v5;
	v2 =	vsel vm5, v2, v8  }
0x58: {  	v4 =	vnsel vm6, $0xF149F2CA, v2;
	v5 =	vnsel vm4, $0xF149F2CA, v2;
	[tilespmem:s21+$0xED00] =	vst v3  }
0x59: {  	[tilespmem:s21+$0x9E00] =	vst v4  }
0x5a: {  	vm4 =	vgt.s32 v7, v6;
	[tilespmem:s21+$0xC580] =	vst v5  }
0x5b: {  	vm5 =	vlt.s32 v7, v6;
	v3 =	vadd.s32 $0x2710, v7;
	v2 =	vld.idx.msk [tilespmem:v6+s2+$0x0], $0xffff;
	v6 =	vnsel vm4, $0x4E20, v7  }
0x5c: {  	v7 =	vld.idx.msk [tilespmem:v7+s13+$0x0], $0xffff;
	v3 =	vsel vm5, v3, v6  }
0x5d: {  	[tilespmem:s21+$0xED10] =	vst v3;
	_ =	sdelay $0x3  }
0x5e: {  	v3 =	vld [tilespmem:s21+$0x4F20]  }
0x5f: {  	v2 =	vadd.f32 v7, v2;
	v6 =	vld [tilespmem:s21+$0x76A0];
	_ =	sdelay $0x1  }
0x60: {  	vm6 =	vge.f32 v2, $0.0e+00;
	v7 =	vmul.f32 $9.999999770e-03, v2;
	_ =	sdelay $0x1  }
0x61: {  	v2 =	vsel vm6, v2, v7  }
0x62: {  	v7 =	vnsel vm5, $0xF149F2CA, v2;
	v8 =	vnsel vm4, $0xF149F2CA, v2;
	vm4 =	vgt.s32 v3, v6  }
0x63: {  	[tilespmem:s21+$0x9E10] =	vst v7;
	v2 =	vnsel vm4, $0x4E20, v3  }
0x64: {  	[tilespmem:s21+$0xC590] =	vst v8  }
0x65: {  	vm5 =	vlt.s32 v3, v6;
	v9 =	vld.idx.msk [tilespmem:v6+s2+$0x0], $0xffff;
	v6 =	vadd.s32 $0x2710, v3  }
0x66: {  	v3 =	vld.idx.msk [tilespmem:v3+s13+$0x0], $0xffff;
	v2 =	vsel vm5, v6, v2  }
0x67: {  	[tilespmem:s21+$0xED20] =	vst v2;
	_ =	sdelay $0x3  }
0x68: {  	v6 =	vld [tilespmem:s21+$0x76B0]  }
0x69: {  	v2 =	vadd.f32 v3, v9;
	v3 =	vld [tilespmem:s21+$0x4F30];
	_ =	sdelay $0x1  }
0x6a: {  	vm6 =	vge.f32 v2, $0.0e+00;
	v9 =	vmul.f32 $9.999999770e-03, v2;
	_ =	sdelay $0x1  }
0x6b: {  	v2 =	vsel vm6, v2, v9  }
0x6c: {  	v9 =	vnsel vm5, $0xF149F2CA, v2;
	v10 =	vnsel vm4, $0xF149F2CA, v2  }
0x6d: {  	[tilespmem:s21+$0x9E20] =	vst v9  }
0x6e: {  	vm4 =	vgt.s32 v3, v6;
	[tilespmem:s21+$0xC5A0] =	vst v10  }
0x6f: {  	vm5 =	vlt.s32 v3, v6;
	v11 =	vnsel vm4, $0x4E20, v3;
	v2 =	vld.idx.msk [tilespmem:v6+s2+$0x0], $0xffff;
	v6 =	vadd.s32 $0x2710, v3  }
.Ltmp0:
0x70: {  	v3 =	vld.idx.msk [tilespmem:v3+s13+$0x0], $0xffff;
	v6 =	vsel vm5, v6, v11;
	(pc) =	sbr.rel @p0 .LBB2_2-.Ltmp0, $4  }
0x71: {  	[tilespmem:s21+$0xED30] =	vst v6  }
0x72: {  	v0 =	vmax.f32 v0, v4;
	v1 =	vmax.f32 v1, v5  }
0x73: {  	v0 =	vmax.f32 v0, v7;
	v1 =	vmax.f32 v1, v8  }
0x74: {  	v0 =	vmax.f32 v0, v9;
	v1 =	vmax.f32 v1, v10  }
0x75: {  	s22 =	sshra.s32 s22, $0x2  }
0x76: {  	v2 =	vadd.f32 v3, v2;
	v4 =	vld [tilespmem:s22+$0x4F00]  }
0x77: {  	v3 =	vld [tilespmem:s22+$0x7680]  }
0x78: {  	v5 =	vmul.f32 $9.999999770e-03, v2  }
0x79: {  	vm6 =	vge.f32 v2, $0.0e+00  }
0x7a: {  	v2 =	vsel vm6, v2, v5  }
0x7b: {  	v5 =	vnsel vm5, $0xF149F2CA, v2  }
0x7c: {  	v2 =	vnsel vm4, $0xF149F2CA, v2;
	[tilespmem:s21+$0x9E30] =	vst v5  }
0x7d: {  	[tilespmem:s21+$0xC5B0] =	vst v2  }
0x7e: {  	v6 =	vld.idx.msk [tilespmem:v4+s13+$0x0], $0xffff  }
0x7f: {  	v7 =	vld.idx.msk [tilespmem:v3+s2+$0x0], $0xffff;
	_ =	sdelay $0x4  }
0x80: {  	v8 =	vld [tilespmem:s22+$0x4F10];
	v6 =	vadd.f32 v6, v7  }
0x81: {  	v7 =	vld [tilespmem:s22+$0x7690]  }
0x82: {  	vm4 =	vgt.s32 v4, v3;
	vm12 =	vlt.s32 v4, v3;
	v10 =	vmul.f32 $9.999999770e-03, v6  }
0x83: {  	v9 =	vnsel vm4, $0x4E20, v4;
	v3 =	vadd.s32 $0x2710, v4;
	vm5 =	vge.f32 v6, $0.0e+00  }
0x84: {  	v3 =	vsel vm12, v3, v9;
	v4 =	vsel vm5, v6, v10  }
0x85: {  	[tilespmem:s22+$0xED00] =	vst v3;
	v6 =	vnsel vm12, $0xF149F2CA, v4  }
0x86: {  	v3 =	vnsel vm4, $0xF149F2CA, v4;
	[tilespmem:s22+$0x9E00] =	vst v6  }
0x87: {  	[tilespmem:s22+$0xC580] =	vst v3  }
0x88: {  	v9 =	vld.idx.msk [tilespmem:v8+s13+$0x0], $0xffff  }
0x89: {  	v4 =	vld.idx.msk [tilespmem:v7+s2+$0x0], $0xffff;
	_ =	sdelay $0x4  }
0x8a: {  	v10 =	vld [tilespmem:s22+$0x4F20];
	v4 =	vadd.f32 v9, v4  }
0x8b: {  	v9 =	vld [tilespmem:s22+$0x76A0]  }
0x8c: {  	vm4 =	vgt.s32 v8, v7;
	vm5 =	vlt.s32 v8, v7;
	v7 =	vmul.f32 $9.999999770e-03, v4  }
0x8d: {  	v11 =	vadd.s32 $0x2710, v8;
	v8 =	vnsel vm4, $0x4E20, v8;
	vm13 =	vge.f32 v4, $0.0e+00  }
0x8e: {  	v8 =	vsel vm5, v11, v8;
	v4 =	vsel vm13, v4, v7  }
0x8f: {  	[tilespmem:s22+$0xED10] =	vst v8;
	v7 =	vnsel vm5, $0xF149F2CA, v4  }
0x90: {  	v4 =	vnsel vm4, $0xF149F2CA, v4;
	[tilespmem:s22+$0x9E10] =	vst v7  }
0x91: {  	[tilespmem:s22+$0xC590] =	vst v4  }
0x92: {  	v11 =	vld.idx.msk [tilespmem:v10+s13+$0x0], $0xffff  }
0x93: {  	v8 =	vld.idx.msk [tilespmem:v9+s2+$0x0], $0xffff;
	_ =	sdelay $0x4  }
0x94: {  	v12 =	vld [tilespmem:s22+$0x76B0];
	v8 =	vadd.f32 v11, v8  }
0x95: {  	v11 =	vld [tilespmem:s22+$0x4F30]  }
0x96: {  	vm4 =	vgt.s32 v10, v9;
	vm5 =	vlt.s32 v10, v9;
	v14 =	vmul.f32 $9.999999770e-03, v8  }
0x97: {  	v13 =	vnsel vm4, $0x4E20, v10;
	v9 =	vadd.s32 $0x2710, v10;
	vm14 =	vge.f32 v8, $0.0e+00  }
0x98: {  	v9 =	vsel vm5, v9, v13;
	v8 =	vsel vm14, v8, v14  }
0x99: {  	[tilespmem:s22+$0xED20] =	vst v9;
	v9 =	vnsel vm5, $0xF149F2CA, v8  }
0x9a: {  	v8 =	vnsel vm4, $0xF149F2CA, v8;
	[tilespmem:s22+$0x9E20] =	vst v9  }
0x9b: {  	[tilespmem:s22+$0xC5A0] =	vst v8  }
0x9c: {  	v10 =	vld.idx.msk [tilespmem:v12+s2+$0x0], $0xffff  }
0x9d: {  	v13 =	vld.idx.msk [tilespmem:v11+s13+$0x0], $0xffff;
	_ =	sdelay $0x4  }
0x9e: {  	v0 =	vmax.f32 v0, v5;
	v10 =	vadd.f32 v13, v10  }
0x9f: {  	v1 =	vmax.f32 v1, v2;
	v0 =	vmax.f32 v0, v6  }
0xa0: {  	v1 =	vmax.f32 v1, v3;
	v0 =	vmax.f32 v0, v7;
	v5 =	vmul.f32 $9.999999770e-03, v10  }
0xa1: {  	v1 =	vmax.f32 v1, v4;
	vm4 =	vgt.s32 v11, v12;
	vm15 =	vge.f32 v10, $0.0e+00  }
0xa2: {  	vm5 =	vlt.s32 v11, v12;
	v2 =	vadd.s32 $0x2710, v11;
	v3 =	vsel vm15, v10, v5  }
0xa3: {  	v0 =	vmax.f32 v0, v9;
	v1 =	vmax.f32 v1, v8;
	v4 =	vnsel vm5, $0xF149F2CA, v3  }
0xa4: {  	v11 =	vnsel vm4, $0x4E20, v11;
	v3 =	vnsel vm4, $0xF149F2CA, v3;
	v0 =	vmax.f32 v0, v4  }
0xa5: {  	v2 =	vsel vm5, v2, v11;
	v1 =	vmax.f32 v1, v3;
	(xrf0) =	vmax.scan.msk.f32 $0xffff, v0  }
0xa6: {  	[tilespmem:s22+$0xED30] =	vst v2;
	(xrf0) =	vmax.scan.msk.f32 $0xffff, v1  }
0xa7: {  	[tilespmem:s22+$0x9E30] =	vst v4  }
0xa8: {  	s30 =	simm.s32 $0x0;
	[tilespmem:s22+$0xC5B0] =	vst v3  }
0xa9: {  	v2 =	vld [tilespmem:s30+$0x9E00]  }
0xaa: {  	v3 =	vld [tilespmem:s30+$0xC580]  }
0xab: {  	v4 =	vld [tilespmem:s30+$0x9E10];
	v0, _, _ =	vpop (xrf0)  }
0xac: {  	v1, _, _ =	vpop (xrf0);
	v0 =	vbroadcast v0, $0xF  }
0xad: {  	v5 =	vld [tilespmem:s30+$0xC590];
	v1 =	vbroadcast v1, $0xF  }
0xae: {  	v6 =	vld [tilespmem:s30+$0x9E20];
	v2 =	vsub.f32 v2, v0  }
0xaf: {  	v7 =	vld [tilespmem:s30+$0xC5A0];
	v3 =	vsub.f32 v3, v1  }
0xb0: {  	v8 =	vld [tilespmem:s30+$0x9E30];
	v4 =	vsub.f32 v4, v0;
	v2 =	vmul.f32 $1.442695020e+00, v2  }
0xb1: {  	s31 =	simm.s32 $0x40;
	v9 =	vld [tilespmem:s30+$0xC5B0];
	v3 =	vmul.f32 $1.442695020e+00, v3  }
0xb2: {  	v10 =	vld [tilespmem:s31+$0x9E30];
	v4 =	vmul.f32 $1.442695020e+00, v4;
	(erf) = vpow2.f32 v2  }
0xb3: {  	v11 =	vld [tilespmem:s31+$0x9E20];
	v5 =	vsub.f32 v5, v1;
	(erf) = vpow2.f32 v3  }
0xb4: {  	v6 =	vsub.f32 v6, v0;
	(erf) = vpow2.f32 v4;
	v4 =	vld [tilespmem:s31+$0xC580]  }
0xb5: {  	v7 =	vsub.f32 v7, v1;
	v5 =	vmul.f32 $1.442695020e+00, v5;
	v3 =	vsub.f32 v8, v0;
	v8 =	vld [tilespmem:s31+$0x9E00]  }
0xb6: {  	v6 =	vmul.f32 $1.442695020e+00, v6;
	v2 =	vld [tilespmem:s31+$0x9E10]  }
0xb7: {  	v7 =	vmul.f32 $1.442695020e+00, v7;
	(erf) = vpow2.f32 v5  }
0xb8: {  	v9 =	vsub.f32 v9, v1;
	v3 =	vmul.f32 $1.442695020e+00, v3;
	(erf) = vpow2.f32 v6  }
0xb9: {  	v6 =	vsub.f32 v10, v0;
	(erf) = vpow2.f32 v7;
	v4 =	vsub.f32 v4, v1  }
0xba: {  	v12 =	vld [tilespmem:s31+$0xC590];
	v5 =	vmul.f32 $1.442695020e+00, v9;
	(erf) = vpow2.f32 v3;
	v3 =	vsub.f32 v8, v0  }
0xbb: {  	v7 =	vsub.f32 v11, v0;
	v9 =	vsub.f32 v2, v0;
	v2 =	vmul.f32 $1.442695020e+00, v6  }
0xbc: {  	v8 =	vld [tilespmem:s31+$0xC5A0];
	(erf) = vpow2.f32 v5;
	v11 =	vmul.f32 $1.442695020e+00, v3;
	v13 =	vpop (erf)  }
0xbd: {  	v10 =	vimm.f32 $0.0e+00;
	v6 =	vmul.f32 $1.442695020e+00, v7;
	v14 =	vmul.f32 $1.442695020e+00, v4;
	v4 =	vpop (erf)  }
0xbe: {  	s21 =	simm.s32 $0x80;
	v7 =	vld [tilespmem:s31+$0xC5B0];
	(erf) = vpow2.f32 v11;
	v11 =	vadd.f32 v13, v10;
	v13 =	vadd.f32 v4, v10  }
0xbf: {  	v5 =	vld [tilespmem:s21+$0x9E30];
	v15 =	vmul.f32 $1.442695020e+00, v9;
	v9 =	vsub.f32 v12, v1  }
0xc0: {  	v3 =	vld [tilespmem:s21+$0x9E20];
	v12 =	vpop (erf)  }
0xc1: {  	v9 =	vmul.f32 $1.442695020e+00, v9;
	v4 =	vld [tilespmem:s21+$0x9E10];
	v10 =	vsub.f32 v8, v1;
	(erf) = vpow2.f32 v14;
	v14 =	vpop (erf)  }
0xc2: {  	s22 =	simm.s32 $0x300;
	v8 =	vld [tilespmem:s21+$0x9E00];
	(erf) = vpow2.f32 v15;
	v12 =	vadd.f32 v12, v11;
	v11 =	vadd.f32 v14, v13;
	v13 =	vpop (erf)  }
.LBB2_4:
0xc3: {  	p0 =	sne.s32 s22, $0x9B00;
	v14 =	vld [tilespmem:s21+$0xC580];
	v15 =	vmul.f32 $1.442695020e+00, v10;
	v7 =	vsub.f32 v7, v1;
	(erf) = vpow2.f32 v9;
	v9 =	vpop (erf)  }
0xc4: {  	(erf) = vpow2.f32 v6;
	v6 =	vadd.f32 v13, v12;
	v9 =	vadd.f32 v9, v11;
	v11 =	vpop (erf)  }
0xc5: {  	v5 =	vsub.f32 v5, v0;
	v12 =	vld [tilespmem:s21+$0xC590];
	v7 =	vmul.f32 $1.442695020e+00, v7;
	(erf) = vpow2.f32 v15;
	v10 =	vpop (erf)  }
0xc6: {  	(erf) = vpow2.f32 v2;
	v11 =	vadd.f32 v11, v6;
	v9 =	vadd.f32 v10, v9  }
0xc7: {  	v3 =	vsub.f32 v3, v0;
	v6 =	vsub.f32 v8, v0;
	v8 =	vld [tilespmem:s21+$0xC5A0];
	(erf) = vpow2.f32 v7  }
0xc8: {  	v17 =	vsub.f32 v4, v0;
	v2 =	vmul.f32 $1.442695020e+00, v5;
	v10 =	vsub.f32 v14, v1  }
.Ltmp1:
0xc9: {  	v13 =	vmul.f32 $1.442695020e+00, v6;
	v6 =	vmul.f32 $1.442695020e+00, v3;
	v7 =	vld [tilespmem:s21+$0xC5B0];
	s21 =	sshra.s32 s22, $0x2;
	v14 =	vpop (erf);
	(pc) =	sbr.rel @p0 .LBB2_4-.Ltmp1, $4  }
0xca: {  	v16 =	vmul.f32 $1.442695020e+00, v17;
	v5 =	vld [tilespmem:s21+$0x9E30];
	v15 =	vmul.f32 $1.442695020e+00, v10;
	v10 =	vsub.f32 v12, v1;
	v4 =	vpop (erf)  }
0xcb: {  	v11 =	vadd.f32 v14, v11;
	v3 =	vld [tilespmem:s21+$0x9E20];
	(erf) = vpow2.f32 v13;
	v17 =	vadd.f32 v4, v9;
	v12 =	vpop (erf)  }
0xcc: {  	v4 =	vld [tilespmem:s21+$0x9E10];
	v9 =	vmul.f32 $1.442695020e+00, v10;
	v10 =	vsub.f32 v8, v1;
	(erf) = vpow2.f32 v15;
	v14 =	vpop (erf)  }
0xcd: {  	s22 =	sadd.s32 $0x100, s22;
	v12 =	vadd.f32 v12, v11;
	v8 =	vld [tilespmem:s21+$0x9E00];
	(erf) = vpow2.f32 v16;
	v11 =	vadd.f32 v14, v17;
	v13 =	vpop (erf)  }
0xce: {  	v14 =	vld [tilespmem:s21+$0xC580]  }
0xcf: {  	v7 =	vsub.f32 v7, v1;
	(erf) = vpow2.f32 v9  }
0xd0: {  	v28 =	vmul.f32 $1.442695020e+00, v10;
	v29 =	vpop (erf);
	v31 =	vld [tilespmem:s21+$0xC590];
	(erf) = vpow2.f32 v6;
	v30 =	vadd.f32 v13, v12  }
0xd1: {  	v10 =	vadd.f32 v29, v11;
	v5 =	vsub.f32 v5, v0;
	v7 =	vmul.f32 $1.442695020e+00, v7  }
0xd2: {  	v33 =	vld [tilespmem:s21+$0xC5A0];
	v32 =	vpop (erf);
	(erf) = vpow2.f32 v28;
	v34 =	vsub.f32 v3, v0;
	v8 =	vsub.f32 v8, v0  }
0xd3: {  	v37 =	vld [tilespmem:s21+$0xC5B0];
	v6 =	vadd.f32 v32, v30;
	(erf) = vpow2.f32 v2;
	v35 =	vsub.f32 v14, v1  }
0xd4: {  	v4 =	vsub.f32 v4, v0;
	(erf) = vpow2.f32 v7;
	v36 =	vmul.f32 $1.442695020e+00, v8  }
0xd5: {  	v38 =	vpop (erf);
	v2 =	vmul.f32 $1.442695020e+00, v34;
	v12 =	vsub.f32 v31, v1;
	v3 =	vmul.f32 $1.442695020e+00, v35  }
0xd6: {  	v10 =	vadd.f32 v38, v10;
	v4 =	vmul.f32 $1.442695020e+00, v4;
	(erf) = vpow2.f32 v36  }
0xd7: {  	v9 =	vsub.f32 v33, v1;
	v39 =	vpop (erf);
	v12 =	vmul.f32 $1.442695020e+00, v12;
	(erf) = vpow2.f32 v3  }
0xd8: {  	v8 =	vsub.f32 v37, v1;
	v40 =	vpop (erf);
	v41 =	vadd.f32 v39, v6;
	(erf) = vpow2.f32 v4  }
0xd9: {  	v44 =	vmul.f32 $1.442695020e+00, v9;
	v42 =	vadd.f32 v40, v10;
	v43 =	vpop (erf);
	(erf) = vpow2.f32 v12  }
0xda: {  	v5 =	vmul.f32 $1.442695020e+00, v5;
	v45 =	vpop (erf);
	v3 =	vadd.f32 v43, v41;
	(erf) = vpow2.f32 v2  }
0xdb: {  	v48 =	vmul.f32 $1.442695020e+00, v8;
	v46 =	vadd.f32 v45, v42;
	v47 =	vpop (erf);
	(erf) = vpow2.f32 v44  }
0xdc: {  	v49 =	vpop (erf);
	v3 =	vadd.f32 v47, v3;
	(erf) = vpow2.f32 v5  }
0xdd: {  	v2 =	vadd.f32 v49, v46;
	v50 =	vpop (erf);
	(erf) = vpow2.f32 v48  }
0xde: {  	v51 =	vpop (erf);
	v3 =	vadd.f32 v50, v3  }
0xdf: {  	v2 =	vadd.f32 v51, v2;
	v52 =	vpop (erf)  }
0xe0: {  	v53 =	vpop (erf);
	v3 =	vadd.f32 v52, v3  }
0xe1: {  	v2 =	vadd.f32 v53, v2;
	v54 =	vpop (erf)  }
0xe2: {  	v55 =	vpop (erf);
	v3 =	vadd.f32 v54, v3  }
0xe3: {  	v2 =	vadd.f32 v55, v2;
	v56 =	vpop (erf)  }
0xe4: {  	v57 =	vpop (erf);
	v3 =	vadd.f32 v56, v3  }
0xe5: {  	v2 =	vadd.f32 v57, v2;
	v58 =	vpop (erf)  }
0xe6: {  	v59 =	vpop (erf);
	v3 =	vadd.f32 v58, v3  }
0xe7: {  	v2 =	vadd.f32 v59, v2  }
0xe8: {  	(xrf2) =	vadd.scan.msk.f32 $0xffff, v3  }
0xe9: {  	(xrf2) =	vadd.scan.msk.f32 $0xffff, v2;
	_ =	sdelay $0x8  }
0xea: {  	v60, _, _ =	vpop (xrf2)  }
0xeb: {  	v61, _, _ =	vpop (xrf2)  }
0xec: {  	v3 =	vbroadcast v61, $0xF;
	_ =	sdelay $0x1  }
0xed: {  	v2 =	vbroadcast v60, $0xF;
	v3 =	vnsel vm0, $0x0, v3  }
0xee: {  	v62 =	vsel vm1, v3, v1  }
0xef: {  	v1 =	vsel vm2, v62, v2  }
0xf0: {  	v63 =	vsel vm3, v1, v0  }
0xf1: {  	[tilespmem:$0x11480] =	vst v63  }
0xf2: {  	[hbm4b:s7+s2] =	stream.linear.scatter [tilespmem:s16], [sflag:$0x1], $0x80, $0x38;
	[tilespmem:$0x11500] =	vst v63  }
0xf3: {  	_ =	swait.ge [sflag:s12], $0x80  }
0xf4: {  	[sflag:s12] =	ssyncset.done $0x0  }
0xf5: {  	[sflag:s12] =	ssyncadd.s32 $0xFFFFFF80  }
0xf6: {  	[hbm4b:s8+s2] =	stream.linear.scatter [tilespmem:s17], [sflag:$0x1], $0x2710, $0x38;
	[tilespmem:$0x11500] =	vst v63  }
0xf7: {  	_ =	swait.ge [sflag:s12], $0x2710  }
0xf8: {  	[sflag:s12] =	ssyncset.done $0x0  }
0xf9: {  	[sflag:s12] =	ssyncadd.s32 $0xFFFFD8F0  }
0xfa: {  	[hbm4b:s9+s2] =	stream.linear.scatter [tilespmem:s18], [sflag:$0x1], $0x2710, $0x38;
	[tilespmem:$0x11500] =	vst v63  }
0xfb: {  	s20 =	sadd.s32 $0x1, s20;
	_ =	swait.ge [sflag:s12], $0x2710  }
0xfc: {  	p0 =	sne.s32 s20, s11;
	[sflag:s12] =	ssyncset.done $0x0  }
.Ltmp2:
0xfd: {  	[sflag:s12] =	ssyncadd.s32 $0xFFFFD8F0;
	(pc) =	sbr.rel @p0 .LBB2_1-.Ltmp2, $4  }
0xfe: {  	[hbm4b:s10+s2] =	stream.linear.scatter [tilespmem:s19], [sflag:$0x1], $0x2710, $0x38;
	[tilespmem:$0x11500] =	vst v63  }
0xff: {  	_ =	swait.ge [sflag:s12], $0x2710  }
0x100: {  	[sflag:s12] =	ssyncset.done $0x0  }
0x101: {  	[sflag:s12] =	ssyncadd.s32 $0xFFFFD8F0  }
0x102: {  	_ =	sfence.sel $0x180000  }
0x103: {  	[bflag:$0x0] =	sbarrier.arrive $0xFFFF  }
0x104: {  	p0 =	sne.s32 s1, $0x0;
	_ =	strace $0x90000047  }
0x105: {  	s0 =	sadd.s32 @!p0 $0x100000, s0;
	[bflag:$0x2] =	sbarrier.arrive $0xFFFF  }
0x106: {  	[sflag:s0] =	ssyncadd.tile.s32 @!p0 $0x1;
	_ =	shalt  }
.Lfunc_end2:
_tile_overlayer_lowered:
.L_overlay_start_2:
0x107: {  	(tag) =	ssettag $0x2  }
0x108: {  	s0 =	rddreg [dreg:$0x0];
	s2 =	stileid.u32  }
0x109: {  	s1 =	rddreg [dreg:$0x1];
	p0 =	sne.s32 s2, $0x0  }
0x10a: {  	s3 =	rddreg [dreg:$0x2];
	[bflag:$0x3] =	sbarrier.arrive $0xFFFF;
	s2 =	simm.s32 @!p0 $0x1C01  }
0x10b: {  	[timem:s3], [sflag:s2] =	dma.local @!p0 [hbm:s0], s1  }
0x10c: {  	s0 =	simm.s32 @!p0 $0x1  }
0x10d: {  	_ =	swait.ge @!p0 [sflag:s0], s1  }
0x10e: {  	s1 =	ssub.s32 @!p0 $0x0, s1;
	[sflag:s0] =	ssyncset.done @!p0 $0x0  }
0x10f: {  	[sflag:s0] =	ssyncadd.s32 @!p0 s1  }
0x110: {  	[bflag:$0x3] =	sbarrier.arrive $0xFFFF  }
0x111: {  	_ =	shalt  }

// kernel: kernel.15.cloned.1.call-start
scs
__scs_entry_jumppad:
0x0: {  	(pc) =	sbr.rel $0x88, $3  }
0x1: {  	(tag) =	ssettag $0x0;
	lr =	simm.s32 $0x1  }
0x2: {  	[smem:$0x3F8C] =	sst lr;
	_ =	strace $0xD0000000  }
0x3: {  	_ = 	snop  }
0x4: {  	_ = 	snop  }
0x5: {  	_ = 	snop  }
0x6: {  	_ = 	snop  }
0x7: {  	_ = 	snop  }
__scs_overlays_trampoline_lowered:
0x8: {  	[smem:$0x3F9B] =	sst s0  }
0x9: {  	[smem:$0x3F9C] =	sst s1  }
0xa: {  	[smem:$0x3F9D] =	sst s2  }
0xb: {  	[smem:$0x3F9E] =	sst s3  }
0xc: {  	[smem:$0x3F9F] =	sst s4  }
0xd: {  	[smem:$0x3FA0] =	sst s5  }
0xe: {  	[smem:$0x3FA1] =	sst s6  }
0xf: {  	[smem:$0x3FA2] =	sst s7  }
0x10: {  	[smem:$0x3FA3] =	sst s8  }
0x11: {  	[smem:$0x3FA4] =	sst s9;
	s0 =	simm.s32 @!p0 $0x0  }
0x12: {  	s1 =	sld [smem:$0x3F8A];
	s0 =	simm.s32 @p0 $0x1  }
0x13: {  	[smem:$0x3FA5] =	sst s0;
	s0 =	simm.s32 @!p1 $0x0  }
0x14: {  	s2 =	sld [smem:$0x3F89];
	s0 =	simm.s32 @p1 $0x1  }
0x15: {  	[smem:$0x3FA6] =	sst s0;
	s0 =	simm.s32 @!p2 $0x0  }
0x16: {  	s3 =	sld [smem:$0x3FDB];
	s0 =	simm.s32 @p2 $0x1  }
0x17: {  	s4 =	simm.s32 $0x1BF5;
	[smem:$0x3FA8] =	sst s0  }
0x18: {  	s0 =	sld [smem:$0x3F8B];
	_ =	swait.ge [sflag:s4], $0x0  }
0x19: {  	s7 =	sld [smem:$0x3F8C]  }
0x1a: {  	s8 =	sadd.s32 $0xFFFFE003, lr  }
0x1b: {  	s9 =	sadd.s32 $0xFFFFFEF7, lr;
	s5 =	simm.s32 $0xFFFFFFFF;
	p2 =	slt.u32 s8, $0xFFFFF086  }
0x1c: {  	p1 =	slt.u32 s9, $0xF7A;
	s5 =	simm.s32 @!p2 $0x0  }
0x1d: {  	s5 =	simm.s32 @p1 $0x1;
	p0 =	seq.s32 s7, s2  }
0x1e: {  	s7 =	smul.u32 @!p0 $0xF7A, s2;
	p2 =	seq.s32 @!p0 s5, $0x0  }
0x1f: {  	s9 =	smul.u32 $0xF7A, s1;
	s8 =	simm.s32 @!p0 $0x1BF5;
	p2 =	por !p2, p0  }
0x20: {  	[sflag:s8] =	ssyncset.s32 @!p0 $0xFFFFF086;
	s6 =	sadd.s32 @!p0 s3, s7;
	s7 =	simm.s32 @!p0 $0x108  }
0x21: {  	s3 =	sadd.s32 s3, s9;
	s6 =	sadd.s32 @!p0 $0x88, s6;
	s7 =	simm.s32 @p2 $0x1082  }
0x22: {  	[simem:s7], [sflag:s8] =	dma.local @!p0 [hbm:s6], $0xF7A  }
0x23: {  	s9 =	sor.u32 $0xD0000000, s2;
	s6 =	simm.s32 $0x108;
	_ =	swait.ge @!p0 [sflag:s8], $0x0  }
0x24: {  	s3 =	sadd.s32 $0x88, s3;
	s6 =	simm.s32 @!p1 $0x1082;
	[sflag:s4] =	ssyncset.s32 $0xFFFFF086  }
0x25: {  	[simem:s6], [sflag:s4] =	dma.local [hbm:s3], $0xF7A  }
0x26: {  	[smem:$0x3F8C] =	sst s1;
	(tag) =	ssettag s2;
	_ =	strace s9  }
0x27: {  	s1 =	sld [smem:$0x3F9C]  }
0x28: {  	s2 =	sld [smem:$0x3F9D]  }
0x29: {  	s4 =	sld [smem:$0x3F9F]  }
0x2a: {  	p0 =	seq.s32 s5, $0x0;
	s5 =	sld [smem:$0x3FA0]  }
0x2b: {  	s6 =	sld [smem:$0x3FA1]  }
0x2c: {  	s7 =	sld [smem:$0x3FA2]  }
0x2d: {  	s3 =	simm.s32 $0x108;
	s8 =	sld [smem:$0x3FA3]  }
0x2e: {  	s3 =	simm.s32 @!p0 $0x1082;
	s9 =	sld [smem:$0x3FA4]  }
0x2f: {  	lr =	sadd.s32 s0, s3;
	s0 =	sld [smem:$0x3F9B]  }
0x30: {  	s3 =	sld [smem:$0x3F9E]  }
0x31: {  	[smem:$0x3FA7] =	sst s10  }
0x32: {  	s10 =	sld [smem:$0x3FA5];
	_ =	sdelay $0x3  }
0x33: {  	p0 =	seq.s32 s10, $0x1;
	s10 =	sld [smem:$0x3FA7];
	_ =	sdelay $0x3  }
0x34: {  	[smem:$0x3FA7] =	sst s10  }
0x35: {  	s10 =	sld [smem:$0x3FA6];
	_ =	sdelay $0x3  }
0x36: {  	p1 =	seq.s32 s10, $0x1;
	s10 =	sld [smem:$0x3FA7];
	_ =	sdelay $0x3  }
0x37: {  	[smem:$0x3FA7] =	sst s10  }
0x38: {  	s10 =	sld [smem:$0x3FA8]  }
0x39: {  	_ = 	snop;
	(pc) =	sbr.ind lr, $3  }
0x3a: {  	_ = 	snop  }
0x3b: {  	_ = 	snop  }
0x3c: {  	p2 =	seq.s32 s10, $0x1;
	s10 =	sld [smem:$0x3FA7]  }
0x3d: {  	_ =	shalt  }
0x3e: {  	_ =	shalt  }
0x3f: {  	_ =	shalt  }
0x40: {  	_ =	shalt  }
0x41: {  	_ =	shalt  }
0x42: {  	_ =	shalt  }
0x43: {  	_ =	shalt  }
0x44: {  	_ =	shalt  }
0x45: {  	_ =	shalt  }
0x46: {  	_ =	shalt  }
0x47: {  	_ =	shalt  }
0x48: {  	_ =	shalt  }
0x49: {  	_ =	shalt  }
0x4a: {  	_ =	shalt  }
0x4b: {  	_ =	shalt  }
0x4c: {  	_ =	shalt  }
0x4d: {  	_ =	shalt  }
0x4e: {  	_ =	shalt  }
0x4f: {  	_ =	shalt  }
0x50: {  	_ =	shalt  }
0x51: {  	_ =	shalt  }
0x52: {  	_ =	shalt  }
0x53: {  	_ =	shalt  }
0x54: {  	_ =	shalt  }
0x55: {  	_ =	shalt  }
0x56: {  	_ =	shalt  }
0x57: {  	_ =	shalt  }
0x58: {  	_ =	shalt  }
0x59: {  	_ =	shalt  }
0x5a: {  	_ =	shalt  }
0x5b: {  	_ =	shalt  }
0x5c: {  	_ =	shalt  }
0x5d: {  	_ =	shalt  }
0x5e: {  	_ =	shalt  }
0x5f: {  	_ =	shalt  }
0x60: {  	_ =	shalt  }
0x61: {  	_ =	shalt  }
0x62: {  	_ =	shalt  }
0x63: {  	_ =	shalt  }
0x64: {  	_ =	shalt  }
0x65: {  	_ =	shalt  }
0x66: {  	_ =	shalt  }
0x67: {  	_ =	shalt  }
0x68: {  	_ =	shalt  }
0x69: {  	_ =	shalt  }
0x6a: {  	_ =	shalt  }
0x6b: {  	_ =	shalt  }
0x6c: {  	_ =	shalt  }
0x6d: {  	_ =	shalt  }
0x6e: {  	_ =	shalt  }
0x6f: {  	_ =	shalt  }
0x70: {  	_ =	shalt  }
0x71: {  	_ =	shalt  }
0x72: {  	_ =	shalt  }
0x73: {  	_ =	shalt  }
0x74: {  	_ =	shalt  }
0x75: {  	_ =	shalt  }
0x76: {  	_ =	shalt  }
0x77: {  	_ =	shalt  }
0x78: {  	_ =	shalt  }
0x79: {  	_ =	shalt  }
0x7a: {  	_ =	shalt  }
0x7b: {  	_ =	shalt  }
0x7c: {  	_ =	shalt  }
0x7d: {  	_ =	shalt  }
0x7e: {  	_ =	shalt  }
0x7f: {  	_ =	shalt  }
0x80: {  	_ =	shalt  }
0x81: {  	_ =	shalt  }
0x82: {  	_ =	shalt  }
0x83: {  	_ =	shalt  }
0x84: {  	_ =	shalt  }
0x85: {  	_ =	shalt  }
0x86: {  	_ =	shalt  }
0x87: {  	_ =	shalt  }
.Lfunc_end0:
.L_simem_size_0:
called_computation.1_lowered:
.L_overlay_start_0:
0x88: {  	s2 =	sld [smem:$0x3FD9]  }
0x89: {  	s3 =	sld [smem:$0x3FFE];
	_ =	sdelay $0x1  }
0x8a: {  	s1 =	srdreg.scid  }
0x8b: {  	s0 =	sand.u32 $0x1, s1  }
0x8c: {  	s17 =	sshll.u32 s0, $0xA;
	s2 =	sadd.s32 s3, s2  }
0x8d: {  	s2 =	sadd.s32 s2, s17  }
0x8e: {  	[smem:$0x3FB3] =	sst s2  }
0x8f: {  	_ = 	snop  }
0x90: {  	s18 =	sld [smem:$0x3FD0];
	(tm) =	ssettm $0x1  }
0x91: {  	s19 =	sld [smem:$0x3FFB];
	_ =	sdelay $0x3  }
0x92: {  	_ =	strace s19  }
0x93: {  	s2 =	sld [smem:$0x3FFC];
	_ =	sdelay $0x3  }
0x94: {  	_ =	strace s2  }
0x95: {  	s2 =	sld [smem:$0x3FFD];
	_ =	sdelay $0x3  }
0x96: {  	_ =	strace s2  }
0x97: {  	_ =	strace $0x8FFFFFFF  }
0x98: {  	s20 =	sld [smem:$0x3FDB];
	_ =	sdelay $0x1  }
0x99: {  	s4 =	simm.s32 $_scs_section_size  }
0x9a: {  	s5 =	simm.s32 $_size__tile_overlayer_lowered;
	s6 =	simm.s32 $_tile_overlayer_lowered  }
0x9b: {  	s7 =	simm.s32 $0x1BFF;
	s21 =	sshll.u32 s6, $0x1;
	s4 =	sadd.s32 s4, s20  }
0x9c: {  	s22 =	simm.s32 $0x0;
	s5 =	sshll.u32 s5, $0x1;
	s6 =	sadd.s32 s21, s4  }
0x9d: {  	[timem:s22], [sflag:s7] =	dma.local [hbm:s6], s5  }
0x9e: {  	_ =	swait.ge [sflag:s7], s5  }
0x9f: {  	s5 =	ssub.s32 $0x0, s5;
	[sflag:s7] =	ssyncset.done $0x0  }
0xa0: {  	[sflag:s7] =	ssyncadd.s32 s5;
	_ =	sdelay $0x1  }
0xa1: {  	s23 =	simm.s32 $0x1B8B  }
0xa2: {  	_ =	swait.ge [sflag:s23], $0x1  }
0xa3: {  	[sflag:s23] =	ssyncset.done $0x0  }
0xa4: {  	[sflag:s23] =	ssyncadd.s32 $0xFFFFFFFF  }
0xa5: {  	s5 =	sld [smem:$0x0]  }
0xa6: {  	s6 =	sand.u32 $0xFFFFFFFE, s1  }
0xa7: {  	p0 =	sne.s32 s1, s6  }
0xa8: {  	s6 =	sshll.u32 @p0 s6, $0xE  }
0xa9: {  	s6 =	sadd.s32 @p0 $0x11B8D, s6;
	s7 =	sshll.u32 @p0 s5, $0x11  }
0xaa: {  	s6 =	sor.u32 @p0 s7, s6  }
0xab: {  	[sflag:s6] =	ssyncadd.remote.s32 @p0 $0x1;
	_ =	sdelay $0x1  }
0xac: {  	s6 =	simm.s32 @p0 $0x1B8D  }
0xad: {  	_ =	swait.eq @p0 [sflag:s6], $0x1  }
0xae: {  	[sflag:s6] =	ssyncadd.s32 @p0 $0xFFFFFFFF  }
0xaf: {  	s7 =	sshll.u32 @!p0 s1, $0xE  }
0xb0: {  	s7 =	sor.u32 @!p0 $0x4000, s7;
	s6 =	simm.s32 @!p0 $0x1B8D  }
0xb1: {  	s5 =	sshll.u32 @!p0 s5, $0x11;
	s7 =	sadd.s32 @!p0 $0x11B8D, s7;
	_ =	swait.eq @!p0 [sflag:s6], $0x1  }
0xb2: {  	s5 =	sor.u32 @!p0 s5, s7;
	[sflag:s6] =	ssyncadd.s32 @!p0 $0xFFFFFFFF  }
0xb3: {  	s25 =	simm.s32 $0x1B8E;
	s24 =	sld [smem:$0x3FFE];
	[sflag:s5] =	ssyncadd.remote.s32 @!p0 $0x1  }
0xb4: {  	s26 =	simm.s32 $execute0_lowered;
	[smem:$0x3FD2] =	sst s25  }
0xb5: {  	s6 =	sshll.u32 s26, $0x1;
	_ =	strace $0x80000049;
	[dreg:$0x1] =	wrdreg $0xFFFFFFFF  }
0xb6: {  	s28 =	simm.s32 $_size_execute0_lowered;
	s4 =	sadd.s32 s4, s6;
	[dreg:$0x0] =	wrdreg $0x0  }
0xb7: {  	s6 =	sshll.u32 s28, $0x1;
	[dreg:$0x2] =	wrdreg s4  }
0xb8: {  	[dreg:$0x3] =	wrdreg s6  }
0xb9: {  	[dreg:$0x4] =	wrdreg $0xC0  }
0xba: {  	_ =	task [dreg:s22], $0x5FFFF  }
0xbb: {  	[dreg:$0x1] =	wrdreg $0xFFFFFFFF  }
0xbc: {  	[dreg:$0x0] =	wrdreg $0x60  }
0xbd: {  	[dreg:$0x2] =	wrdreg s18  }
0xbe: {  	[dreg:$0x3] =	wrdreg s24  }
0xbf: {  	[dreg:$0x4] =	wrdreg $0xB  }
0xc0: {  	_ =	task.clear_ibuf [dreg:s22], $0x5FFFF;
	_ =	strace $0x90000049  }
0xc1: {  	s29 =	simm.s32 $0xB;
	_ =	strace $0x8000004B  }
0xc2: {  	_ =	swait.ge [sflag:s29], $0x1  }
0xc3: {  	[sflag:s29] =	ssyncadd.s32 $0xFFFFFFFF  }
0xc4: {  	_ =	strace $0x9000004B  }
0xc5: {  	_ =	sfence  }
0xc6: {  	s30 =	sld [smem:$0x0];
	_ =	sdelay $0x2  }
0xc7: {  	s31 =	sshll.u32 s1, $0xD;
	s1 =	sshrl.u32 s1, $0x2  }
0xc8: {  	s4 =	sand.u32 $0x4000, s31;
	s1 =	sadd.s32 s1, s30  }
0xc9: {  	s0 =	sor.u32 s4, s0;
	s1 =	sshll.u32 s1, $0x11  }
0xca: {  	s0 =	sor.u32 s1, s0  }
0xcb: {  	s0 =	sadd.s32 $0x8F2B, s0  }
0xcc: {  	[sflag:s0] =	ssyncadd.remote.s32 $0x1  }
0xcd: {  	_ =	sfence.sel $0xFFFF  }
0xce: {  	[dreg:$0x0] =	wrdreg $0xFFFFFFFF;
	(pc) =	sbr.abs _section_cstart, $3  }
0xcf: {  	[dreg:$0x1] =	wrdreg $0xFFFFFFFF  }
0xd0: {  	_ =	task.clear_ibuf [dreg:s22], $0x2FFFF;
	_ =	strace $0x9FFFFFFF  }
0xd1: {  	(tm) =	ssettm $0x7FFFFFFF  }
tec
execute0_lowered:
.L_overlay_start_1:
0x0: {  	(tag) =	ssettag $0x1  }
0x1: {  	s1 =	srdreg.scid;
	s2 =	rddreg [dreg:$0x0]  }
0x2: {  	s0 =	stileid.u32;
	s5 =	rddreg [dreg:$0x1]  }
0x3: {  	s3 =	simm.s32 $0x0;
	s13 =	simm.s32 $0x1;
	s14 =	simm.s32 $0x2  }
0x4: {  	s15 =	simm.s32 $0x16A8;
	s16 =	simm.s32 $0x0;
	s6 =	sand.u32 $0x1, s1  }
0x5: {  	s29 =	sshll.u32 s0, $0x1;
	s1 =	rddreg [dreg:$0x2];
	s11 =	smul.u32 $0x2EE00, s0  }
0x6: {  	[smem:$0x7FF] =	sst s3;
	s4 =	sor.u32 s6, s29;
	s12 =	smul.u32 $0x17700, s6  }
0x7: {  	s9 =	sadd.s32 $0xB1400, s5;
	s8 =	ssub.s32 $0x2, s6;
	s7 =	smul.u32 $0x1770, s4  }
0x8: {  	_ =	strace $0x8000004A;
	s4 =	smul.u32 $0xBB800, s4;
	s30 =	sshrl.u32 s8, $0x1  }
0x9: {  	s31 =	sadd.s32 s11, s9;
	s11 =	simm.s32 $0x1780;
	s7 =	sshrl.u32 s7, $0x3  }
0xa: {  	s8 =	ssub.s32 s8, s30;
	s4 =	sshrl.u32 s4, $0x3;
	s7 =	sadd.s32 s7, s5  }
0xb: {  	s10 =	sadd.s32 s9, s4;
	s9 =	simm.s32 $0x3;
	s4 =	sadd.s32 $0xAB600, s7  }
0xc: {  	s5 =	sadd.s32 $0x15E00, s10;
	s6 =	sadd.s32 $0x16A80, s10;
	s7 =	smax.u32 s8, $0x1  }
0xd: {  	s8 =	sadd.s32 s12, s31;
	s10 =	simm.s32 $0xC8;
	s12 =	simm.s32 $0x7B80  }
.LBB2_1:
0xe: {  	[tilespmem:s3], [sflag:$0x3] =	stream.linear.gather [hbm4b:s4+s3], $0x1770, $0x38;
	[tilespmem:$0xDF80] =	vst v63  }
0xf: {  	_ =	swait.ge [sflag:s9], $0x1770  }
0x10: {  	[sflag:s9] =	ssyncset.done $0x0  }
0x11: {  	[sflag:s9] =	ssyncadd.s32 $0xFFFFE890  }
0x12: {  	[tilespmem:s11], [sflag:$0x1] =	stream.indirect.gather [hbm4b:s2+s10], $0x80, s3, s10, $0xb8;
	[tilespmem:$0xDF80] =	vst v63  }
0x13: {  	s17 =	simm.s32 $0xC8  }
0x14: {  	[tilespmem:s12], [sflag:$0x2] =	stream.indirect.gather [hbm4b:s2+s10], $0x80, s17, s10, $0xb8;
	[tilespmem:$0xDF80] =	vst v63  }
0x15: {  	_ =	swait.ge [sflag:s13], $0x6400  }
0x16: {  	[sflag:s13] =	ssyncset.done $0x0  }
0x17: {  	s31 =	sadd.s32 $0x0, s8;
	[sflag:s13] =	ssyncadd.s32 $0xFFFF9C00  }
0x18: {  	[hbm4b:s31+s3] =	stream.linear.scatter [tilespmem:s11], [sflag:$0x3], $0x6400, $0x38;
	[tilespmem:$0xDF80] =	vst v63  }
0x19: {  	_ =	swait.ge [sflag:s9], $0x6400  }
0x1a: {  	[sflag:s9] =	ssyncset.done $0x0  }
0x1b: {  	s18 =	simm.s32 $0x190;
	[sflag:s9] =	ssyncadd.s32 $0xFFFF9C00  }
0x1c: {  	[tilespmem:s11], [sflag:$0x1] =	stream.indirect.gather [hbm4b:s2+s10], $0x80, s18, s10, $0xb8;
	[tilespmem:$0xDF80] =	vst v63  }
0x1d: {  	_ =	swait.ge [sflag:s14], $0x6400  }
0x1e: {  	[sflag:s14] =	ssyncset.done $0x0  }
0x1f: {  	s17 =	sadd.s32 $0xC80, s31;
	[sflag:s14] =	ssyncadd.s32 $0xFFFF9C00  }
0x20: {  	[hbm4b:s17+s3] =	stream.linear.scatter [tilespmem:s12], [sflag:$0x3], $0x6400, $0x38;
	[tilespmem:$0xDF80] =	vst v63  }
0x21: {  	s19 =	simm.s32 $0x3200;
	_ =	swait.ge [sflag:s9], $0x6400  }
0x22: {  	s18 =	simm.s32 $0x1900;
	s17 =	simm.s32 $0x320;
	[sflag:s9] =	ssyncset.done $0x0  }
.LBB2_2:
0x23: {  	p0 =	sne.s32 s19, $0x14500;
	s20 =	sadd.s32 $0xFFFFFF38, s17;
	[sflag:s9] =	ssyncadd.s32 $0xFFFF9C00  }
0x24: {  	[tilespmem:s12], [sflag:$0x2] =	stream.indirect.gather [hbm4b:s2+s10], $0x80, s20, s10, $0xb8;
	[tilespmem:$0xDF80] =	vst v63  }
0x25: {  	s20 =	smov.u32 s19;
	s19 =	sadd.s32 $0x1900, s19;
	_ =	swait.ge [sflag:s13], $0x6400  }
0x26: {  	[sflag:s13] =	ssyncset.done $0x0  }
0x27: {  	s21 =	sadd.s32 s18, s8;
	s18 =	smov.u32 s20;
	[sflag:s13] =	ssyncadd.s32 $0xFFFF9C00  }
0x28: {  	[hbm4b:s21+s3] =	stream.linear.scatter [tilespmem:s11], [sflag:$0x3], $0x6400, $0x38;
	[tilespmem:$0xDF80] =	vst v63  }
0x29: {  	_ =	swait.ge [sflag:s9], $0x6400  }
0x2a: {  	[sflag:s9] =	ssyncset.done $0x0  }
0x2b: {  	[sflag:s9] =	ssyncadd.s32 $0xFFFF9C00  }
0x2c: {  	[tilespmem:s11], [sflag:$0x1] =	stream.indirect.gather [hbm4b:s2+s10], $0x80, s17, s10, $0xb8;
	[tilespmem:$0xDF80] =	vst v63  }
0x2d: {  	_ =	swait.ge [sflag:s14], $0x6400  }
.Ltmp0:
0x2e: {  	[sflag:s14] =	ssyncset.done $0x0;
	(pc) =	sbr.rel @p0 .LBB2_2-.Ltmp0, $4  }
0x2f: {  	s20 =	sadd.s32 $0xC80, s21;
	[sflag:s14] =	ssyncadd.s32 $0xFFFF9C00  }
0x30: {  	[hbm4b:s20+s3] =	stream.linear.scatter [tilespmem:s12], [sflag:$0x3], $0x6400, $0x38;
	[tilespmem:$0xDF80] =	vst v63  }
0x31: {  	_ =	swait.ge [sflag:s9], $0x6400  }
0x32: {  	s17 =	sadd.s32 $0x190, s17;
	[sflag:s9] =	ssyncset.done $0x0  }
0x33: {  	s19 =	sadd.s32 $0xFFFFFF38, s17;
	[sflag:s9] =	ssyncadd.s32 $0xFFFF9C00  }
0x34: {  	[tilespmem:s12], [sflag:$0x2] =	stream.indirect.gather [hbm4b:s2+s10], $0x80, s19, s10, $0xb8;
	[tilespmem:$0xDF80] =	vst v63  }
0x35: {  	_ =	swait.ge [sflag:s13], $0x6400  }
0x36: {  	[sflag:s13] =	ssyncset.done $0x0  }
0x37: {  	s18 =	sadd.s32 s18, s8;
	[sflag:s13] =	ssyncadd.s32 $0xFFFF9C00  }
0x38: {  	[hbm4b:s18+s3] =	stream.linear.scatter [tilespmem:s11], [sflag:$0x3], $0x6400, $0x38;
	[tilespmem:$0xDF80] =	vst v63  }
0x39: {  	_ =	swait.ge [sflag:s9], $0x6400  }
0x3a: {  	[sflag:s9] =	ssyncset.done $0x0  }
0x3b: {  	[sflag:s9] =	ssyncadd.s32 $0xFFFF9C00  }
0x3c: {  	[tilespmem:s11], [sflag:$0x1] =	stream.indirect.gather [hbm4b:s2+s10], $0x80, s17, s10, $0xb8;
	[tilespmem:$0xDF80] =	vst v63  }
0x3d: {  	_ =	swait.ge [sflag:s14], $0x6400  }
0x3e: {  	[sflag:s14] =	ssyncset.done $0x0  }
0x3f: {  	s31 =	sadd.s32 $0xC80, s18;
	[sflag:s14] =	ssyncadd.s32 $0xFFFF9C00  }
0x40: {  	[hbm4b:s31+s3] =	stream.linear.scatter [tilespmem:s12], [sflag:$0x3], $0x6400, $0x38;
	[tilespmem:$0xDF80] =	vst v63  }
0x41: {  	_ =	swait.ge [sflag:s9], $0x6400  }
0x42: {  	[sflag:s9] =	ssyncset.done $0x0  }
0x43: {  	[sflag:s9] =	ssyncadd.s32 $0xFFFF9C00  }
0x44: {  	[tilespmem:s12], [sflag:$0x2] =	stream.indirect.gather [hbm4b:s2+s10], $0x80, s15, s10, $0xb8;
	[tilespmem:$0xDF80] =	vst v63  }
0x45: {  	_ =	swait.ge [sflag:s13], $0x6400  }
0x46: {  	[sflag:s13] =	ssyncset.done $0x0  }
0x47: {  	[sflag:s13] =	ssyncadd.s32 $0xFFFF9C00  }
0x48: {  	[hbm4b:s5+s3] =	stream.linear.scatter [tilespmem:s11], [sflag:$0x3], $0x6400, $0x38;
	[tilespmem:$0xDF80] =	vst v63  }
0x49: {  	_ =	swait.ge [sflag:s9], $0x6400  }
0x4a: {  	[sflag:s9] =	ssyncset.done $0x0  }
0x4b: {  	[sflag:s9] =	ssyncadd.s32 $0xFFFF9C00  }
0x4c: {  	s16 =	sadd.s32 $0x1, s16;
	_ =	swait.ge [sflag:s14], $0x6400  }
0x4d: {  	p0 =	sne.s32 s16, s7;
	[sflag:s14] =	ssyncset.done $0x0  }
.Ltmp1:
0x4e: {  	[sflag:s14] =	ssyncadd.s32 $0xFFFF9C00;
	(pc) =	sbr.rel @p0 .LBB2_1-.Ltmp1, $4  }
0x4f: {  	[hbm4b:s6+s3] =	stream.linear.scatter [tilespmem:s12], [sflag:$0x3], $0x6400, $0x38;
	[tilespmem:$0xDF80] =	vst v63  }
0x50: {  	_ =	swait.ge [sflag:s9], $0x6400  }
0x51: {  	[sflag:s9] =	ssyncset.done $0x0  }
0x52: {  	[sflag:s9] =	ssyncadd.s32 $0xFFFF9C00  }
0x53: {  	_ =	sfence.sel $0x180000  }
0x54: {  	[bflag:$0x0] =	sbarrier.arrive $0xFFFF  }
0x55: {  	p0 =	sne.s32 s0, $0x0;
	_ =	strace $0x9000004A  }
0x56: {  	s0 =	sadd.s32 @!p0 $0x100000, s1;
	[bflag:$0x2] =	sbarrier.arrive $0xFFFF  }
0x57: {  	[sflag:s0] =	ssyncadd.tile.s32 @!p0 $0x1;
	_ =	shalt  }
.Lfunc_end2:
_tile_overlayer_lowered:
.L_overlay_start_2:
0x58: {  	(tag) =	ssettag $0x2  }
0x59: {  	s0 =	rddreg [dreg:$0x0];
	s2 =	stileid.u32  }
0x5a: {  	s1 =	rddreg [dreg:$0x1];
	p0 =	sne.s32 s2, $0x0  }
0x5b: {  	s3 =	rddreg [dreg:$0x2];
	[bflag:$0x3] =	sbarrier.arrive $0xFFFF;
	s2 =	simm.s32 @!p0 $0x1C03  }
0x5c: {  	[timem:s3], [sflag:s2] =	dma.local @!p0 [hbm:s0], s1  }
0x5d: {  	s0 =	simm.s32 @!p0 $0x3  }
0x5e: {  	_ =	swait.ge @!p0 [sflag:s0], s1  }
0x5f: {  	s1 =	ssub.s32 @!p0 $0x0, s1;
	[sflag:s0] =	ssyncset.done @!p0 $0x0  }
0x60: {  	[sflag:s0] =	ssyncadd.s32 @!p0 s1  }
0x61: {  	[bflag:$0x3] =	sbarrier.arrive $0xFFFF  }
0x62: {  	_ =	shalt  }

// kernel: kernel.18.cloned.1.call-start
scs
__scs_entry_jumppad:
0x0: {  	(pc) =	sbr.rel $0x88, $3  }
0x1: {  	(tag) =	ssettag $0x0;
	lr =	simm.s32 $0x1  }
0x2: {  	[smem:$0x3F8C] =	sst lr;
	_ =	strace $0xD0000000  }
0x3: {  	_ = 	snop  }
0x4: {  	_ = 	snop  }
0x5: {  	_ = 	snop  }
0x6: {  	_ = 	snop  }
0x7: {  	_ = 	snop  }
__scs_overlays_trampoline_lowered:
0x8: {  	[smem:$0x3F9B] =	sst s0  }
0x9: {  	[smem:$0x3F9C] =	sst s1  }
0xa: {  	[smem:$0x3F9D] =	sst s2  }
0xb: {  	[smem:$0x3F9E] =	sst s3  }
0xc: {  	[smem:$0x3F9F] =	sst s4  }
0xd: {  	[smem:$0x3FA0] =	sst s5  }
0xe: {  	[smem:$0x3FA1] =	sst s6  }
0xf: {  	[smem:$0x3FA2] =	sst s7  }
0x10: {  	[smem:$0x3FA3] =	sst s8  }
0x11: {  	[smem:$0x3FA4] =	sst s9;
	s0 =	simm.s32 @!p0 $0x0  }
0x12: {  	s1 =	sld [smem:$0x3F8A];
	s0 =	simm.s32 @p0 $0x1  }
0x13: {  	[smem:$0x3FA5] =	sst s0;
	s0 =	simm.s32 @!p1 $0x0  }
0x14: {  	s2 =	sld [smem:$0x3F89];
	s0 =	simm.s32 @p1 $0x1  }
0x15: {  	[smem:$0x3FA6] =	sst s0;
	s0 =	simm.s32 @!p2 $0x0  }
0x16: {  	s3 =	sld [smem:$0x3FDB];
	s0 =	simm.s32 @p2 $0x1  }
0x17: {  	s4 =	simm.s32 $0x1BF5;
	[smem:$0x3FA8] =	sst s0  }
0x18: {  	s0 =	sld [smem:$0x3F8B];
	_ =	swait.ge [sflag:s4], $0x0  }
0x19: {  	s7 =	sld [smem:$0x3F8C]  }
0x1a: {  	s8 =	sadd.s32 $0xFFFFE003, lr  }
0x1b: {  	s9 =	sadd.s32 $0xFFFFFEF7, lr;
	s5 =	simm.s32 $0xFFFFFFFF;
	p2 =	slt.u32 s8, $0xFFFFF086  }
0x1c: {  	p1 =	slt.u32 s9, $0xF7A;
	s5 =	simm.s32 @!p2 $0x0  }
0x1d: {  	s5 =	simm.s32 @p1 $0x1;
	p0 =	seq.s32 s7, s2  }
0x1e: {  	s7 =	smul.u32 @!p0 $0xF7A, s2;
	p2 =	seq.s32 @!p0 s5, $0x0  }
0x1f: {  	s9 =	smul.u32 $0xF7A, s1;
	s8 =	simm.s32 @!p0 $0x1BF5;
	p2 =	por !p2, p0  }
0x20: {  	[sflag:s8] =	ssyncset.s32 @!p0 $0xFFFFF086;
	s6 =	sadd.s32 @!p0 s3, s7;
	s7 =	simm.s32 @!p0 $0x108  }
0x21: {  	s3 =	sadd.s32 s3, s9;
	s6 =	sadd.s32 @!p0 $0x88, s6;
	s7 =	simm.s32 @p2 $0x1082  }
0x22: {  	[simem:s7], [sflag:s8] =	dma.local @!p0 [hbm:s6], $0xF7A  }
0x23: {  	s9 =	sor.u32 $0xD0000000, s2;
	s6 =	simm.s32 $0x108;
	_ =	swait.ge @!p0 [sflag:s8], $0x0  }
0x24: {  	s3 =	sadd.s32 $0x88, s3;
	s6 =	simm.s32 @!p1 $0x1082;
	[sflag:s4] =	ssyncset.s32 $0xFFFFF086  }
0x25: {  	[simem:s6], [sflag:s4] =	dma.local [hbm:s3], $0xF7A  }
0x26: {  	[smem:$0x3F8C] =	sst s1;
	(tag) =	ssettag s2;
	_ =	strace s9  }
0x27: {  	s1 =	sld [smem:$0x3F9C]  }
0x28: {  	s2 =	sld [smem:$0x3F9D]  }
0x29: {  	s4 =	sld [smem:$0x3F9F]  }
0x2a: {  	p0 =	seq.s32 s5, $0x0;
	s5 =	sld [smem:$0x3FA0]  }
0x2b: {  	s6 =	sld [smem:$0x3FA1]  }
0x2c: {  	s7 =	sld [smem:$0x3FA2]  }
0x2d: {  	s3 =	simm.s32 $0x108;
	s8 =	sld [smem:$0x3FA3]  }
0x2e: {  	s3 =	simm.s32 @!p0 $0x1082;
	s9 =	sld [smem:$0x3FA4]  }
0x2f: {  	lr =	sadd.s32 s0, s3;
	s0 =	sld [smem:$0x3F9B]  }
0x30: {  	s3 =	sld [smem:$0x3F9E]  }
0x31: {  	[smem:$0x3FA7] =	sst s10  }
0x32: {  	s10 =	sld [smem:$0x3FA5];
	_ =	sdelay $0x3  }
0x33: {  	p0 =	seq.s32 s10, $0x1;
	s10 =	sld [smem:$0x3FA7];
	_ =	sdelay $0x3  }
0x34: {  	[smem:$0x3FA7] =	sst s10  }
0x35: {  	s10 =	sld [smem:$0x3FA6];
	_ =	sdelay $0x3  }
0x36: {  	p1 =	seq.s32 s10, $0x1;
	s10 =	sld [smem:$0x3FA7];
	_ =	sdelay $0x3  }
0x37: {  	[smem:$0x3FA7] =	sst s10  }
0x38: {  	s10 =	sld [smem:$0x3FA8]  }
0x39: {  	_ = 	snop;
	(pc) =	sbr.ind lr, $3  }
0x3a: {  	_ = 	snop  }
0x3b: {  	_ = 	snop  }
0x3c: {  	p2 =	seq.s32 s10, $0x1;
	s10 =	sld [smem:$0x3FA7]  }
0x3d: {  	_ =	shalt  }
0x3e: {  	_ =	shalt  }
0x3f: {  	_ =	shalt  }
0x40: {  	_ =	shalt  }
0x41: {  	_ =	shalt  }
0x42: {  	_ =	shalt  }
0x43: {  	_ =	shalt  }
0x44: {  	_ =	shalt  }
0x45: {  	_ =	shalt  }
0x46: {  	_ =	shalt  }
0x47: {  	_ =	shalt  }
0x48: {  	_ =	shalt  }
0x49: {  	_ =	shalt  }
0x4a: {  	_ =	shalt  }
0x4b: {  	_ =	shalt  }
0x4c: {  	_ =	shalt  }
0x4d: {  	_ =	shalt  }
0x4e: {  	_ =	shalt  }
0x4f: {  	_ =	shalt  }
0x50: {  	_ =	shalt  }
0x51: {  	_ =	shalt  }
0x52: {  	_ =	shalt  }
0x53: {  	_ =	shalt  }
0x54: {  	_ =	shalt  }
0x55: {  	_ =	shalt  }
0x56: {  	_ =	shalt  }
0x57: {  	_ =	shalt  }
0x58: {  	_ =	shalt  }
0x59: {  	_ =	shalt  }
0x5a: {  	_ =	shalt  }
0x5b: {  	_ =	shalt  }
0x5c: {  	_ =	shalt  }
0x5d: {  	_ =	shalt  }
0x5e: {  	_ =	shalt  }
0x5f: {  	_ =	shalt  }
0x60: {  	_ =	shalt  }
0x61: {  	_ =	shalt  }
0x62: {  	_ =	shalt  }
0x63: {  	_ =	shalt  }
0x64: {  	_ =	shalt  }
0x65: {  	_ =	shalt  }
0x66: {  	_ =	shalt  }
0x67: {  	_ =	shalt  }
0x68: {  	_ =	shalt  }
0x69: {  	_ =	shalt  }
0x6a: {  	_ =	shalt  }
0x6b: {  	_ =	shalt  }
0x6c: {  	_ =	shalt  }
0x6d: {  	_ =	shalt  }
0x6e: {  	_ =	shalt  }
0x6f: {  	_ =	shalt  }
0x70: {  	_ =	shalt  }
0x71: {  	_ =	shalt  }
0x72: {  	_ =	shalt  }
0x73: {  	_ =	shalt  }
0x74: {  	_ =	shalt  }
0x75: {  	_ =	shalt  }
0x76: {  	_ =	shalt  }
0x77: {  	_ =	shalt  }
0x78: {  	_ =	shalt  }
0x79: {  	_ =	shalt  }
0x7a: {  	_ =	shalt  }
0x7b: {  	_ =	shalt  }
0x7c: {  	_ =	shalt  }
0x7d: {  	_ =	shalt  }
0x7e: {  	_ =	shalt  }
0x7f: {  	_ =	shalt  }
0x80: {  	_ =	shalt  }
0x81: {  	_ =	shalt  }
0x82: {  	_ =	shalt  }
0x83: {  	_ =	shalt  }
0x84: {  	_ =	shalt  }
0x85: {  	_ =	shalt  }
0x86: {  	_ =	shalt  }
0x87: {  	_ =	shalt  }
.Lfunc_end0:
.L_simem_size_0:
called_computation.2_lowered:
.L_overlay_start_0:
0x88: {  	s2 =	sld [smem:$0x3FD9]  }
0x89: {  	s3 =	sld [smem:$0x3FFE];
	_ =	sdelay $0x1  }
0x8a: {  	s1 =	srdreg.scid  }
0x8b: {  	s0 =	sand.u32 $0x1, s1  }
0x8c: {  	s17 =	sshll.u32 s0, $0xA;
	s2 =	sadd.s32 s3, s2  }
0x8d: {  	s2 =	sadd.s32 s2, s17  }
0x8e: {  	[smem:$0x3FB3] =	sst s2  }
0x8f: {  	_ = 	snop  }
0x90: {  	s18 =	sld [smem:$0x3FD0];
	(tm) =	ssettm $0x1  }
0x91: {  	s19 =	sld [smem:$0x3FFB];
	_ =	sdelay $0x3  }
0x92: {  	_ =	strace s19  }
0x93: {  	s2 =	sld [smem:$0x3FFC];
	_ =	sdelay $0x3  }
0x94: {  	_ =	strace s2  }
0x95: {  	s2 =	sld [smem:$0x3FFD];
	_ =	sdelay $0x3  }
0x96: {  	_ =	strace s2  }
0x97: {  	_ =	strace $0x8FFFFFFF  }
0x98: {  	s20 =	sld [smem:$0x3FDB];
	_ =	sdelay $0x1  }
0x99: {  	s4 =	simm.s32 $_scs_section_size  }
0x9a: {  	s5 =	simm.s32 $_size__tile_overlayer_lowered;
	s6 =	simm.s32 $_tile_overlayer_lowered  }
0x9b: {  	s7 =	simm.s32 $0x1BFF;
	s21 =	sshll.u32 s6, $0x1;
	s4 =	sadd.s32 s4, s20  }
0x9c: {  	s22 =	simm.s32 $0x0;
	s5 =	sshll.u32 s5, $0x1;
	s6 =	sadd.s32 s21, s4  }
0x9d: {  	[timem:s22], [sflag:s7] =	dma.local [hbm:s6], s5  }
0x9e: {  	_ =	swait.ge [sflag:s7], s5  }
0x9f: {  	s5 =	ssub.s32 $0x0, s5;
	[sflag:s7] =	ssyncset.done $0x0  }
0xa0: {  	[sflag:s7] =	ssyncadd.s32 s5;
	_ =	sdelay $0x1  }
0xa1: {  	s23 =	simm.s32 $0x1B8B  }
0xa2: {  	_ =	swait.ge [sflag:s23], $0x1  }
0xa3: {  	[sflag:s23] =	ssyncset.done $0x0  }
0xa4: {  	[sflag:s23] =	ssyncadd.s32 $0xFFFFFFFF  }
0xa5: {  	s5 =	sld [smem:$0x0]  }
0xa6: {  	s6 =	sand.u32 $0xFFFFFFFE, s1  }
0xa7: {  	p0 =	sne.s32 s1, s6  }
0xa8: {  	s6 =	sshll.u32 @p0 s6, $0xE  }
0xa9: {  	s6 =	sadd.s32 @p0 $0x11B8D, s6;
	s7 =	sshll.u32 @p0 s5, $0x11  }
0xaa: {  	s6 =	sor.u32 @p0 s7, s6  }
0xab: {  	[sflag:s6] =	ssyncadd.remote.s32 @p0 $0x1;
	_ =	sdelay $0x1  }
0xac: {  	s6 =	simm.s32 @p0 $0x1B8D  }
0xad: {  	_ =	swait.eq @p0 [sflag:s6], $0x1  }
0xae: {  	[sflag:s6] =	ssyncadd.s32 @p0 $0xFFFFFFFF  }
0xaf: {  	s7 =	sshll.u32 @!p0 s1, $0xE  }
0xb0: {  	s7 =	sor.u32 @!p0 $0x4000, s7;
	s6 =	simm.s32 @!p0 $0x1B8D  }
0xb1: {  	s5 =	sshll.u32 @!p0 s5, $0x11;
	s7 =	sadd.s32 @!p0 $0x11B8D, s7;
	_ =	swait.eq @!p0 [sflag:s6], $0x1  }
0xb2: {  	s5 =	sor.u32 @!p0 s5, s7;
	[sflag:s6] =	ssyncadd.s32 @!p0 $0xFFFFFFFF  }
0xb3: {  	s25 =	simm.s32 $0x1B8E;
	s24 =	sld [smem:$0x3FFE];
	[sflag:s5] =	ssyncadd.remote.s32 @!p0 $0x1  }
0xb4: {  	s26 =	simm.s32 $execute0_lowered;
	[smem:$0x3FD2] =	sst s25  }
0xb5: {  	s6 =	sshll.u32 s26, $0x1;
	_ =	strace $0x8000004C;
	[dreg:$0x1] =	wrdreg $0xFFFFFFFF  }
0xb6: {  	s28 =	simm.s32 $_size_execute0_lowered;
	s4 =	sadd.s32 s4, s6;
	[dreg:$0x0] =	wrdreg $0x0  }
0xb7: {  	s6 =	sshll.u32 s28, $0x1;
	[dreg:$0x2] =	wrdreg s4  }
0xb8: {  	[dreg:$0x3] =	wrdreg s6  }
0xb9: {  	[dreg:$0x4] =	wrdreg $0xC0  }
0xba: {  	_ =	task [dreg:s22], $0x5FFFF  }
0xbb: {  	[dreg:$0x1] =	wrdreg $0xFFFFFFFF  }
0xbc: {  	[dreg:$0x0] =	wrdreg $0x60  }
0xbd: {  	[dreg:$0x2] =	wrdreg s18  }
0xbe: {  	[dreg:$0x3] =	wrdreg s24  }
0xbf: {  	[dreg:$0x4] =	wrdreg $0x9  }
0xc0: {  	_ =	task.clear_ibuf [dreg:s22], $0x5FFFF;
	_ =	strace $0x9000004C  }
0xc1: {  	s29 =	simm.s32 $0x9;
	_ =	strace $0x8000004E  }
0xc2: {  	_ =	swait.ge [sflag:s29], $0x1  }
0xc3: {  	[sflag:s29] =	ssyncadd.s32 $0xFFFFFFFF  }
0xc4: {  	_ =	strace $0x9000004E  }
0xc5: {  	_ =	sfence  }
0xc6: {  	s30 =	sld [smem:$0x0];
	_ =	sdelay $0x2  }
0xc7: {  	s31 =	sshll.u32 s1, $0xD;
	s1 =	sshrl.u32 s1, $0x2  }
0xc8: {  	s4 =	sand.u32 $0x4000, s31;
	s1 =	sadd.s32 s1, s30  }
0xc9: {  	s0 =	sor.u32 s4, s0;
	s1 =	sshll.u32 s1, $0x11  }
0xca: {  	s0 =	sor.u32 s1, s0  }
0xcb: {  	s0 =	sadd.s32 $0x8F2B, s0  }
0xcc: {  	[sflag:s0] =	ssyncadd.remote.s32 $0x1  }
0xcd: {  	_ =	sfence.sel $0xFFFF  }
0xce: {  	[dreg:$0x0] =	wrdreg $0xFFFFFFFF;
	(pc) =	sbr.abs _section_cstart, $3  }
0xcf: {  	[dreg:$0x1] =	wrdreg $0xFFFFFFFF  }
0xd0: {  	_ =	task.clear_ibuf [dreg:s22], $0x2FFFF;
	_ =	strace $0x9FFFFFFF  }
0xd1: {  	(tm) =	ssettm $0x7FFFFFFF  }
tec
execute0_lowered:
.L_overlay_start_1:
0x0: {  	(tag) =	ssettag $0x1  }
0x1: {  	s1 =	srdreg.scid;
	s2 =	rddreg [dreg:$0x0]  }
0x2: {  	s0 =	stileid.u32;
	s5 =	rddreg [dreg:$0x1]  }
0x3: {  	s3 =	simm.s32 $0x0;
	s13 =	simm.s32 $0x1;
	s14 =	simm.s32 $0x2  }
0x4: {  	s15 =	simm.s32 $0xED8;
	s16 =	simm.s32 $0x0;
	s6 =	sand.u32 $0x1, s1  }
0x5: {  	s29 =	sshll.u32 s0, $0x1;
	s1 =	rddreg [dreg:$0x2];
	s11 =	smul.u32 $0x1F400, s0  }
0x6: {  	[smem:$0x7FF] =	sst s3;
	s4 =	sor.u32 s6, s29;
	s12 =	smul.u32 $0xFA00, s6  }
0x7: {  	s9 =	sadd.s32 $0x3A3400, s5;
	s8 =	ssub.s32 $0x2, s6;
	s7 =	smul.u32 $0xFA0, s4  }
0x8: {  	_ =	strace $0x8000004D;
	s4 =	smul.u32 $0x7D000, s4;
	s30 =	sshrl.u32 s8, $0x1  }
0x9: {  	s31 =	sadd.s32 s11, s9;
	s11 =	simm.s32 $0x1000;
	s7 =	sshrl.u32 s7, $0x3  }
0xa: {  	s8 =	ssub.s32 s8, s30;
	s4 =	sshrl.u32 s4, $0x3;
	s7 =	sadd.s32 s7, s5  }
0xb: {  	s10 =	sadd.s32 s9, s4;
	s9 =	simm.s32 $0x3;
	s4 =	sadd.s32 $0x39F400, s7  }
0xc: {  	s5 =	sadd.s32 $0xE100, s10;
	s6 =	sadd.s32 $0xED80, s10;
	s7 =	smax.u32 s8, $0x1  }
0xd: {  	s8 =	sadd.s32 s12, s31;
	s10 =	simm.s32 $0xC8;
	s12 =	simm.s32 $0x7400  }
.LBB2_1:
0xe: {  	[tilespmem:s3], [sflag:$0x3] =	stream.linear.gather [hbm4b:s4+s3], $0xFA0, $0x38;
	[tilespmem:$0xD800] =	vst v63  }
0xf: {  	_ =	swait.ge [sflag:s9], $0xFA0  }
0x10: {  	[sflag:s9] =	ssyncset.done $0x0  }
0x11: {  	[sflag:s9] =	ssyncadd.s32 $0xFFFFF060  }
0x12: {  	[tilespmem:s11], [sflag:$0x1] =	stream.indirect.gather [hbm4b:s2+s10], $0x80, s3, s10, $0xb8;
	[tilespmem:$0xD800] =	vst v63  }
0x13: {  	s17 =	simm.s32 $0xC8  }
0x14: {  	[tilespmem:s12], [sflag:$0x2] =	stream.indirect.gather [hbm4b:s2+s10], $0x80, s17, s10, $0xb8;
	[tilespmem:$0xD800] =	vst v63  }
0x15: {  	_ =	swait.ge [sflag:s13], $0x6400  }
0x16: {  	[sflag:s13] =	ssyncset.done $0x0  }
0x17: {  	s31 =	sadd.s32 $0x0, s8;
	[sflag:s13] =	ssyncadd.s32 $0xFFFF9C00  }
0x18: {  	[hbm4b:s31+s3] =	stream.linear.scatter [tilespmem:s11], [sflag:$0x3], $0x6400, $0x38;
	[tilespmem:$0xD800] =	vst v63  }
0x19: {  	_ =	swait.ge [sflag:s9], $0x6400  }
0x1a: {  	[sflag:s9] =	ssyncset.done $0x0  }
0x1b: {  	s18 =	simm.s32 $0x190;
	[sflag:s9] =	ssyncadd.s32 $0xFFFF9C00  }
0x1c: {  	[tilespmem:s11], [sflag:$0x1] =	stream.indirect.gather [hbm4b:s2+s10], $0x80, s18, s10, $0xb8;
	[tilespmem:$0xD800] =	vst v63  }
0x1d: {  	_ =	swait.ge [sflag:s14], $0x6400  }
0x1e: {  	[sflag:s14] =	ssyncset.done $0x0  }
0x1f: {  	s17 =	sadd.s32 $0xC80, s31;
	[sflag:s14] =	ssyncadd.s32 $0xFFFF9C00  }
0x20: {  	[hbm4b:s17+s3] =	stream.linear.scatter [tilespmem:s12], [sflag:$0x3], $0x6400, $0x38;
	[tilespmem:$0xD800] =	vst v63  }
0x21: {  	s19 =	simm.s32 $0x3200;
	_ =	swait.ge [sflag:s9], $0x6400  }
0x22: {  	s18 =	simm.s32 $0x1900;
	s17 =	simm.s32 $0x320;
	[sflag:s9] =	ssyncset.done $0x0  }
.LBB2_2:
0x23: {  	p0 =	sne.s32 s19, $0xC800;
	s20 =	sadd.s32 $0xFFFFFF38, s17;
	[sflag:s9] =	ssyncadd.s32 $0xFFFF9C00  }
0x24: {  	[tilespmem:s12], [sflag:$0x2] =	stream.indirect.gather [hbm4b:s2+s10], $0x80, s20, s10, $0xb8;
	[tilespmem:$0xD800] =	vst v63  }
0x25: {  	s20 =	smov.u32 s19;
	s19 =	sadd.s32 $0x1900, s19;
	_ =	swait.ge [sflag:s13], $0x6400  }
0x26: {  	[sflag:s13] =	ssyncset.done $0x0  }
0x27: {  	s21 =	sadd.s32 s18, s8;
	s18 =	smov.u32 s20;
	[sflag:s13] =	ssyncadd.s32 $0xFFFF9C00  }
0x28: {  	[hbm4b:s21+s3] =	stream.linear.scatter [tilespmem:s11], [sflag:$0x3], $0x6400, $0x38;
	[tilespmem:$0xD800] =	vst v63  }
0x29: {  	_ =	swait.ge [sflag:s9], $0x6400  }
0x2a: {  	[sflag:s9] =	ssyncset.done $0x0  }
0x2b: {  	[sflag:s9] =	ssyncadd.s32 $0xFFFF9C00  }
0x2c: {  	[tilespmem:s11], [sflag:$0x1] =	stream.indirect.gather [hbm4b:s2+s10], $0x80, s17, s10, $0xb8;
	[tilespmem:$0xD800] =	vst v63  }
0x2d: {  	_ =	swait.ge [sflag:s14], $0x6400  }
.Ltmp0:
0x2e: {  	[sflag:s14] =	ssyncset.done $0x0;
	(pc) =	sbr.rel @p0 .LBB2_2-.Ltmp0, $4  }
0x2f: {  	s20 =	sadd.s32 $0xC80, s21;
	[sflag:s14] =	ssyncadd.s32 $0xFFFF9C00  }
0x30: {  	[hbm4b:s20+s3] =	stream.linear.scatter [tilespmem:s12], [sflag:$0x3], $0x6400, $0x38;
	[tilespmem:$0xD800] =	vst v63  }
0x31: {  	_ =	swait.ge [sflag:s9], $0x6400  }
0x32: {  	s17 =	sadd.s32 $0x190, s17;
	[sflag:s9] =	ssyncset.done $0x0  }
0x33: {  	s19 =	sadd.s32 $0xFFFFFF38, s17;
	[sflag:s9] =	ssyncadd.s32 $0xFFFF9C00  }
0x34: {  	[tilespmem:s12], [sflag:$0x2] =	stream.indirect.gather [hbm4b:s2+s10], $0x80, s19, s10, $0xb8;
	[tilespmem:$0xD800] =	vst v63  }
0x35: {  	_ =	swait.ge [sflag:s13], $0x6400  }
0x36: {  	[sflag:s13] =	ssyncset.done $0x0  }
0x37: {  	s18 =	sadd.s32 s18, s8;
	[sflag:s13] =	ssyncadd.s32 $0xFFFF9C00  }
0x38: {  	[hbm4b:s18+s3] =	stream.linear.scatter [tilespmem:s11], [sflag:$0x3], $0x6400, $0x38;
	[tilespmem:$0xD800] =	vst v63  }
0x39: {  	_ =	swait.ge [sflag:s9], $0x6400  }
0x3a: {  	[sflag:s9] =	ssyncset.done $0x0  }
0x3b: {  	[sflag:s9] =	ssyncadd.s32 $0xFFFF9C00  }
0x3c: {  	[tilespmem:s11], [sflag:$0x1] =	stream.indirect.gather [hbm4b:s2+s10], $0x80, s17, s10, $0xb8;
	[tilespmem:$0xD800] =	vst v63  }
0x3d: {  	_ =	swait.ge [sflag:s14], $0x6400  }
0x3e: {  	[sflag:s14] =	ssyncset.done $0x0  }
0x3f: {  	s31 =	sadd.s32 $0xC80, s18;
	[sflag:s14] =	ssyncadd.s32 $0xFFFF9C00  }
0x40: {  	[hbm4b:s31+s3] =	stream.linear.scatter [tilespmem:s12], [sflag:$0x3], $0x6400, $0x38;
	[tilespmem:$0xD800] =	vst v63  }
0x41: {  	_ =	swait.ge [sflag:s9], $0x6400  }
0x42: {  	[sflag:s9] =	ssyncset.done $0x0  }
0x43: {  	[sflag:s9] =	ssyncadd.s32 $0xFFFF9C00  }
0x44: {  	[tilespmem:s12], [sflag:$0x2] =	stream.indirect.gather [hbm4b:s2+s10], $0x80, s15, s10, $0xb8;
	[tilespmem:$0xD800] =	vst v63  }
0x45: {  	_ =	swait.ge [sflag:s13], $0x6400  }
0x46: {  	[sflag:s13] =	ssyncset.done $0x0  }
0x47: {  	[sflag:s13] =	ssyncadd.s32 $0xFFFF9C00  }
0x48: {  	[hbm4b:s5+s3] =	stream.linear.scatter [tilespmem:s11], [sflag:$0x3], $0x6400, $0x38;
	[tilespmem:$0xD800] =	vst v63  }
0x49: {  	_ =	swait.ge [sflag:s9], $0x6400  }
0x4a: {  	[sflag:s9] =	ssyncset.done $0x0  }
0x4b: {  	[sflag:s9] =	ssyncadd.s32 $0xFFFF9C00  }
0x4c: {  	s16 =	sadd.s32 $0x1, s16;
	_ =	swait.ge [sflag:s14], $0x6400  }
0x4d: {  	p0 =	sne.s32 s16, s7;
	[sflag:s14] =	ssyncset.done $0x0  }
.Ltmp1:
0x4e: {  	[sflag:s14] =	ssyncadd.s32 $0xFFFF9C00;
	(pc) =	sbr.rel @p0 .LBB2_1-.Ltmp1, $4  }
0x4f: {  	[hbm4b:s6+s3] =	stream.linear.scatter [tilespmem:s12], [sflag:$0x3], $0x6400, $0x38;
	[tilespmem:$0xD800] =	vst v63  }
0x50: {  	_ =	swait.ge [sflag:s9], $0x6400  }
0x51: {  	[sflag:s9] =	ssyncset.done $0x0  }
0x52: {  	[sflag:s9] =	ssyncadd.s32 $0xFFFF9C00  }
0x53: {  	_ =	sfence.sel $0x180000  }
0x54: {  	[bflag:$0x0] =	sbarrier.arrive $0xFFFF  }
0x55: {  	p0 =	sne.s32 s0, $0x0;
	_ =	strace $0x9000004D  }
0x56: {  	s0 =	sadd.s32 @!p0 $0x100000, s1;
	[bflag:$0x2] =	sbarrier.arrive $0xFFFF  }
0x57: {  	[sflag:s0] =	ssyncadd.tile.s32 @!p0 $0x1;
	_ =	shalt  }
.Lfunc_end2:
_tile_overlayer_lowered:
.L_overlay_start_2:
0x58: {  	(tag) =	ssettag $0x2  }
0x59: {  	s0 =	rddreg [dreg:$0x0];
	s2 =	stileid.u32  }
0x5a: {  	s1 =	rddreg [dreg:$0x1];
	p0 =	sne.s32 s2, $0x0  }
0x5b: {  	s3 =	rddreg [dreg:$0x2];
	[bflag:$0x3] =	sbarrier.arrive $0xFFFF;
	s2 =	simm.s32 @!p0 $0x1C03  }
0x5c: {  	[timem:s3], [sflag:s2] =	dma.local @!p0 [hbm:s0], s1  }
0x5d: {  	s0 =	simm.s32 @!p0 $0x3  }
0x5e: {  	_ =	swait.ge @!p0 [sflag:s0], s1  }
0x5f: {  	s1 =	ssub.s32 @!p0 $0x0, s1;
	[sflag:s0] =	ssyncset.done @!p0 $0x0  }
0x60: {  	[sflag:s0] =	ssyncadd.s32 @!p0 s1  }
0x61: {  	[bflag:$0x3] =	sbarrier.arrive $0xFFFF  }
0x62: {  	_ =	shalt  }

// kernel: kernel.21.cloned.1.call-start
scs
__scs_entry_jumppad:
0x0: {  	(pc) =	sbr.rel $0x88, $3  }
0x1: {  	(tag) =	ssettag $0x0;
	lr =	simm.s32 $0x1  }
0x2: {  	[smem:$0x3F8C] =	sst lr;
	_ =	strace $0xD0000000  }
0x3: {  	_ = 	snop  }
0x4: {  	_ = 	snop  }
0x5: {  	_ = 	snop  }
0x6: {  	_ = 	snop  }
0x7: {  	_ = 	snop  }
__scs_overlays_trampoline_lowered:
0x8: {  	[smem:$0x3F9B] =	sst s0  }
0x9: {  	[smem:$0x3F9C] =	sst s1  }
0xa: {  	[smem:$0x3F9D] =	sst s2  }
0xb: {  	[smem:$0x3F9E] =	sst s3  }
0xc: {  	[smem:$0x3F9F] =	sst s4  }
0xd: {  	[smem:$0x3FA0] =	sst s5  }
0xe: {  	[smem:$0x3FA1] =	sst s6  }
0xf: {  	[smem:$0x3FA2] =	sst s7  }
0x10: {  	[smem:$0x3FA3] =	sst s8  }
0x11: {  	[smem:$0x3FA4] =	sst s9;
	s0 =	simm.s32 @!p0 $0x0  }
0x12: {  	s1 =	sld [smem:$0x3F8A];
	s0 =	simm.s32 @p0 $0x1  }
0x13: {  	[smem:$0x3FA5] =	sst s0;
	s0 =	simm.s32 @!p1 $0x0  }
0x14: {  	s2 =	sld [smem:$0x3F89];
	s0 =	simm.s32 @p1 $0x1  }
0x15: {  	[smem:$0x3FA6] =	sst s0;
	s0 =	simm.s32 @!p2 $0x0  }
0x16: {  	s3 =	sld [smem:$0x3FDB];
	s0 =	simm.s32 @p2 $0x1  }
0x17: {  	s4 =	simm.s32 $0x1BF5;
	[smem:$0x3FA8] =	sst s0  }
0x18: {  	s0 =	sld [smem:$0x3F8B];
	_ =	swait.ge [sflag:s4], $0x0  }
0x19: {  	s7 =	sld [smem:$0x3F8C]  }
0x1a: {  	s8 =	sadd.s32 $0xFFFFE003, lr  }
0x1b: {  	s9 =	sadd.s32 $0xFFFFFEF7, lr;
	s5 =	simm.s32 $0xFFFFFFFF;
	p2 =	slt.u32 s8, $0xFFFFF086  }
0x1c: {  	p1 =	slt.u32 s9, $0xF7A;
	s5 =	simm.s32 @!p2 $0x0  }
0x1d: {  	s5 =	simm.s32 @p1 $0x1;
	p0 =	seq.s32 s7, s2  }
0x1e: {  	s7 =	smul.u32 @!p0 $0xF7A, s2;
	p2 =	seq.s32 @!p0 s5, $0x0  }
0x1f: {  	s9 =	smul.u32 $0xF7A, s1;
	s8 =	simm.s32 @!p0 $0x1BF5;
	p2 =	por !p2, p0  }
0x20: {  	[sflag:s8] =	ssyncset.s32 @!p0 $0xFFFFF086;
	s6 =	sadd.s32 @!p0 s3, s7;
	s7 =	simm.s32 @!p0 $0x108  }
0x21: {  	s3 =	sadd.s32 s3, s9;
	s6 =	sadd.s32 @!p0 $0x88, s6;
	s7 =	simm.s32 @p2 $0x1082  }
0x22: {  	[simem:s7], [sflag:s8] =	dma.local @!p0 [hbm:s6], $0xF7A  }
0x23: {  	s9 =	sor.u32 $0xD0000000, s2;
	s6 =	simm.s32 $0x108;
	_ =	swait.ge @!p0 [sflag:s8], $0x0  }
0x24: {  	s3 =	sadd.s32 $0x88, s3;
	s6 =	simm.s32 @!p1 $0x1082;
	[sflag:s4] =	ssyncset.s32 $0xFFFFF086  }
0x25: {  	[simem:s6], [sflag:s4] =	dma.local [hbm:s3], $0xF7A  }
0x26: {  	[smem:$0x3F8C] =	sst s1;
	(tag) =	ssettag s2;
	_ =	strace s9  }
0x27: {  	s1 =	sld [smem:$0x3F9C]  }
0x28: {  	s2 =	sld [smem:$0x3F9D]  }
0x29: {  	s4 =	sld [smem:$0x3F9F]  }
0x2a: {  	p0 =	seq.s32 s5, $0x0;
	s5 =	sld [smem:$0x3FA0]  }
0x2b: {  	s6 =	sld [smem:$0x3FA1]  }
0x2c: {  	s7 =	sld [smem:$0x3FA2]  }
0x2d: {  	s3 =	simm.s32 $0x108;
	s8 =	sld [smem:$0x3FA3]  }
0x2e: {  	s3 =	simm.s32 @!p0 $0x1082;
	s9 =	sld [smem:$0x3FA4]  }
0x2f: {  	lr =	sadd.s32 s0, s3;
	s0 =	sld [smem:$0x3F9B]  }
0x30: {  	s3 =	sld [smem:$0x3F9E]  }
0x31: {  	[smem:$0x3FA7] =	sst s10  }
0x32: {  	s10 =	sld [smem:$0x3FA5];
	_ =	sdelay $0x3  }
0x33: {  	p0 =	seq.s32 s10, $0x1;
	s10 =	sld [smem:$0x3FA7];
	_ =	sdelay $0x3  }
0x34: {  	[smem:$0x3FA7] =	sst s10  }
0x35: {  	s10 =	sld [smem:$0x3FA6];
	_ =	sdelay $0x3  }
0x36: {  	p1 =	seq.s32 s10, $0x1;
	s10 =	sld [smem:$0x3FA7];
	_ =	sdelay $0x3  }
0x37: {  	[smem:$0x3FA7] =	sst s10  }
0x38: {  	s10 =	sld [smem:$0x3FA8]  }
0x39: {  	_ = 	snop;
	(pc) =	sbr.ind lr, $3  }
0x3a: {  	_ = 	snop  }
0x3b: {  	_ = 	snop  }
0x3c: {  	p2 =	seq.s32 s10, $0x1;
	s10 =	sld [smem:$0x3FA7]  }
0x3d: {  	_ =	shalt  }
0x3e: {  	_ =	shalt  }
0x3f: {  	_ =	shalt  }
0x40: {  	_ =	shalt  }
0x41: {  	_ =	shalt  }
0x42: {  	_ =	shalt  }
0x43: {  	_ =	shalt  }
0x44: {  	_ =	shalt  }
0x45: {  	_ =	shalt  }
0x46: {  	_ =	shalt  }
0x47: {  	_ =	shalt  }
0x48: {  	_ =	shalt  }
0x49: {  	_ =	shalt  }
0x4a: {  	_ =	shalt  }
0x4b: {  	_ =	shalt  }
0x4c: {  	_ =	shalt  }
0x4d: {  	_ =	shalt  }
0x4e: {  	_ =	shalt  }
0x4f: {  	_ =	shalt  }
0x50: {  	_ =	shalt  }
0x51: {  	_ =	shalt  }
0x52: {  	_ =	shalt  }
0x53: {  	_ =	shalt  }
0x54: {  	_ =	shalt  }
0x55: {  	_ =	shalt  }
0x56: {  	_ =	shalt  }
0x57: {  	_ =	shalt  }
0x58: {  	_ =	shalt  }
0x59: {  	_ =	shalt  }
0x5a: {  	_ =	shalt  }
0x5b: {  	_ =	shalt  }
0x5c: {  	_ =	shalt  }
0x5d: {  	_ =	shalt  }
0x5e: {  	_ =	shalt  }
0x5f: {  	_ =	shalt  }
0x60: {  	_ =	shalt  }
0x61: {  	_ =	shalt  }
0x62: {  	_ =	shalt  }
0x63: {  	_ =	shalt  }
0x64: {  	_ =	shalt  }
0x65: {  	_ =	shalt  }
0x66: {  	_ =	shalt  }
0x67: {  	_ =	shalt  }
0x68: {  	_ =	shalt  }
0x69: {  	_ =	shalt  }
0x6a: {  	_ =	shalt  }
0x6b: {  	_ =	shalt  }
0x6c: {  	_ =	shalt  }
0x6d: {  	_ =	shalt  }
0x6e: {  	_ =	shalt  }
0x6f: {  	_ =	shalt  }
0x70: {  	_ =	shalt  }
0x71: {  	_ =	shalt  }
0x72: {  	_ =	shalt  }
0x73: {  	_ =	shalt  }
0x74: {  	_ =	shalt  }
0x75: {  	_ =	shalt  }
0x76: {  	_ =	shalt  }
0x77: {  	_ =	shalt  }
0x78: {  	_ =	shalt  }
0x79: {  	_ =	shalt  }
0x7a: {  	_ =	shalt  }
0x7b: {  	_ =	shalt  }
0x7c: {  	_ =	shalt  }
0x7d: {  	_ =	shalt  }
0x7e: {  	_ =	shalt  }
0x7f: {  	_ =	shalt  }
0x80: {  	_ =	shalt  }
0x81: {  	_ =	shalt  }
0x82: {  	_ =	shalt  }
0x83: {  	_ =	shalt  }
0x84: {  	_ =	shalt  }
0x85: {  	_ =	shalt  }
0x86: {  	_ =	shalt  }
0x87: {  	_ =	shalt  }
.Lfunc_end0:
.L_simem_size_0:
called_computation.3_lowered:
.L_overlay_start_0:
0x88: {  	s2 =	sld [smem:$0x3FD9]  }
0x89: {  	s3 =	sld [smem:$0x3FFE];
	_ =	sdelay $0x1  }
0x8a: {  	s1 =	srdreg.scid  }
0x8b: {  	s0 =	sand.u32 $0x1, s1  }
0x8c: {  	s17 =	sshll.u32 s0, $0xA;
	s2 =	sadd.s32 s3, s2  }
0x8d: {  	s2 =	sadd.s32 s2, s17  }
0x8e: {  	[smem:$0x3FB3] =	sst s2  }
0x8f: {  	_ = 	snop  }
0x90: {  	(tm) =	ssettm $0x1  }
0x91: {  	s18 =	sld [smem:$0x3FFB];
	_ =	sdelay $0x3  }
0x92: {  	_ =	strace s18  }
0x93: {  	s2 =	sld [smem:$0x3FFC];
	_ =	sdelay $0x3  }
0x94: {  	_ =	strace s2  }
0x95: {  	s2 =	sld [smem:$0x3FFD];
	_ =	sdelay $0x3  }
0x96: {  	_ =	strace s2  }
0x97: {  	_ =	strace $0x8FFFFFFF  }
0x98: {  	s19 =	sld [smem:$0x3FDB];
	_ =	sdelay $0x1  }
0x99: {  	s20 =	simm.s32 $_scs_section_size  }
0x9a: {  	s4 =	simm.s32 $_size__tile_overlayer_lowered;
	s5 =	simm.s32 $_tile_overlayer_lowered  }
0x9b: {  	s6 =	simm.s32 $0x1BFF;
	s21 =	sshll.u32 s5, $0x1;
	s3 =	sadd.s32 s20, s19  }
0x9c: {  	s22 =	simm.s32 $0x0;
	s4 =	sshll.u32 s4, $0x1;
	s5 =	sadd.s32 s21, s3  }
0x9d: {  	[timem:s22], [sflag:s6] =	dma.local [hbm:s5], s4  }
0x9e: {  	_ =	swait.ge [sflag:s6], s4  }
0x9f: {  	s4 =	ssub.s32 $0x0, s4;
	[sflag:s6] =	ssyncset.done $0x0  }
0xa0: {  	[sflag:s6] =	ssyncadd.s32 s4;
	_ =	sdelay $0x1  }
0xa1: {  	s23 =	simm.s32 $0x1B8B  }
0xa2: {  	_ =	swait.ge [sflag:s23], $0x1  }
0xa3: {  	[sflag:s23] =	ssyncset.done $0x0  }
0xa4: {  	[sflag:s23] =	ssyncadd.s32 $0xFFFFFFFF  }
0xa5: {  	s4 =	sld [smem:$0x0]  }
0xa6: {  	s5 =	sand.u32 $0xFFFFFFFE, s1  }
0xa7: {  	p0 =	sne.s32 s1, s5  }
0xa8: {  	s5 =	sshll.u32 @p0 s5, $0xE  }
0xa9: {  	s5 =	sadd.s32 @p0 $0x11B8D, s5;
	s6 =	sshll.u32 @p0 s4, $0x11  }
0xaa: {  	s5 =	sor.u32 @p0 s6, s5  }
0xab: {  	[sflag:s5] =	ssyncadd.remote.s32 @p0 $0x1;
	_ =	sdelay $0x1  }
0xac: {  	s5 =	simm.s32 @p0 $0x1B8D  }
0xad: {  	_ =	swait.eq @p0 [sflag:s5], $0x1  }
0xae: {  	[sflag:s5] =	ssyncadd.s32 @p0 $0xFFFFFFFF  }
0xaf: {  	s6 =	sshll.u32 @!p0 s1, $0xE  }
0xb0: {  	s6 =	sor.u32 @!p0 $0x4000, s6;
	s5 =	simm.s32 @!p0 $0x1B8D  }
0xb1: {  	s4 =	sshll.u32 @!p0 s4, $0x11;
	s6 =	sadd.s32 @!p0 $0x11B8D, s6;
	_ =	swait.eq @!p0 [sflag:s5], $0x1  }
0xb2: {  	s4 =	sor.u32 @!p0 s4, s6;
	[sflag:s5] =	ssyncadd.s32 @!p0 $0xFFFFFFFF  }
0xb3: {  	s25 =	simm.s32 $0x1B8E;
	s24 =	sld [smem:$0x3FFE];
	[sflag:s4] =	ssyncadd.remote.s32 @!p0 $0x1  }
0xb4: {  	s26 =	simm.s32 $execute0_lowered;
	[smem:$0x3FD2] =	sst s25  }
0xb5: {  	s5 =	sshll.u32 s26, $0x1;
	_ =	strace $0x8000004F;
	[dreg:$0x1] =	wrdreg $0xFFFFFFFF  }
0xb6: {  	s28 =	simm.s32 $_size_execute0_lowered;
	s3 =	sadd.s32 s3, s5;
	[dreg:$0x0] =	wrdreg $0x0  }
0xb7: {  	s5 =	sshll.u32 s28, $0x1;
	[dreg:$0x2] =	wrdreg s3  }
0xb8: {  	[dreg:$0x3] =	wrdreg s5  }
0xb9: {  	[dreg:$0x4] =	wrdreg $0xC0  }
0xba: {  	_ =	task [dreg:s22], $0x5FFFF  }
0xbb: {  	[dreg:$0x1] =	wrdreg $0xFFFFFFFF  }
0xbc: {  	[dreg:$0x0] =	wrdreg $0x60  }
0xbd: {  	[dreg:$0x2] =	wrdreg s24  }
0xbe: {  	[dreg:$0x3] =	wrdreg $0xA3000  }
0xbf: {  	[dreg:$0x4] =	wrdreg $0xA  }
0xc0: {  	_ =	task.clear_ibuf [dreg:s22], $0x5FFFF;
	_ =	strace $0x9000004F  }
0xc1: {  	s29 =	simm.s32 $0xA;
	_ =	strace $0x80000051  }
0xc2: {  	_ =	swait.ge [sflag:s29], $0x1  }
0xc3: {  	[sflag:s29] =	ssyncadd.s32 $0xFFFFFFFF  }
0xc4: {  	_ =	strace $0x90000051  }
0xc5: {  	_ =	sfence  }
0xc6: {  	s30 =	sld [smem:$0x0];
	_ =	sdelay $0x2  }
0xc7: {  	s31 =	sshll.u32 s1, $0xD;
	s1 =	sshrl.u32 s1, $0x2  }
0xc8: {  	s4 =	sand.u32 $0x4000, s31;
	s1 =	sadd.s32 s1, s30  }
0xc9: {  	s0 =	sor.u32 s4, s0;
	s1 =	sshll.u32 s1, $0x11  }
0xca: {  	s0 =	sor.u32 s1, s0  }
0xcb: {  	s0 =	sadd.s32 $0x8F2B, s0  }
0xcc: {  	[sflag:s0] =	ssyncadd.remote.s32 $0x1  }
0xcd: {  	_ =	sfence.sel $0xFFFF  }
0xce: {  	[dreg:$0x0] =	wrdreg $0xFFFFFFFF;
	(pc) =	sbr.abs _section_cstart, $3  }
0xcf: {  	[dreg:$0x1] =	wrdreg $0xFFFFFFFF  }
0xd0: {  	_ =	task.clear_ibuf [dreg:s22], $0x2FFFF;
	_ =	strace $0x9FFFFFFF  }
0xd1: {  	(tm) =	ssettm $0x7FFFFFFF  }
tec
execute0_lowered:
.L_overlay_start_1:
0x0: {  	(tag) =	ssettag $0x1  }
0x1: {  	s1 =	stileid.u32  }
0x2: {  	s5 =	smul.u32 $0x50000, s1  }
0x3: {  	s0 =	rddreg [dreg:$0x0];
	s10 =	smul.u32 $0x2EE0, s1  }
0x4: {  	s2 =	rddreg [dreg:$0x1];
	s9 =	smul.u32 $0x2EE00, s1  }
0x5: {  	s3 =	simm.s32 $0x0;
	s4 =	srdreg.scid;
	s15 =	smul.u32 $0x4E000, s1  }
0x6: {  	[smem:$0x7FF] =	sst s3;
	s11 =	sadd.s32 $0x885400, s0;
	s19 =	smul.u32 $0x2700, s1  }
0x7: {  	s13 =	sadd.s32 $0x52000, s0;
	s12 =	sand.u32 $0x1, s4;
	s29 =	smul.u32 $0x5DC, s1  }
0x8: {  	s0 =	sadd.s32 $0x597400, s0;
	p0 =	sne.s32 s1, $0xF;
	s24 =	smul.u32 $0xFFFFD8F0, s12  }
0x9: {  	_ =	strace $0x80000050;
	s6 =	ssub.s32 $0x2, s12;
	s16 =	smul.u32 $0x27100, s12  }
0xa: {  	s23 =	smul.u32 $0x138800, s12;
	s20 =	sshrl.u32 s5, $0x2;
	s21 =	sshrl.u32 s6, $0x1  }
0xb: {  	s8 =	sshrl.u32 s10, $0x3;
	s9 =	sadd.s32 s11, s9;
	s10 =	sadd.s32 $0x2E40, s10  }
0xc: {  	s26 =	sshrl.u32 s15, $0x2;
	s31 =	sadd.s32 s29, s13;
	s4 =	sadd.s32 s20, s2  }
0xd: {  	s14 =	ssub.s32 s6, s21;
	s8 =	sadd.s32 s13, s8;
	s17 =	sshrl.u32 s10, $0x3  }
0xe: {  	s18 =	sshll.u32 s10, $0x4;
	s28 =	sadd.s32 s19, s16;
	s25 =	sadd.s32 s26, s2  }
0xf: {  	s30 =	sshrl.u32 s23, $0x3;
	s26 =	sadd.s32 $0x138000, s2;
	s15 =	sadd.s32 $0x28, s31  }
0x10: {  	s16 =	simm.s32 $0x3;
	s19 =	simm.s32 $0x5000;
	s20 =	simm.s32 $0x1  }
0x11: {  	s21 =	simm.s32 $0xA0;
	s23 =	simm.s32 $0x2;
	s22 =	sadd.s32 $0x5000, s4  }
0x12: {  	s6 =	sadd.s32 $0xA000, s4;
	s7 =	sadd.s32 $0xF000, s4;
	s10 =	sadd.s32 s13, s17  }
0x13: {  	s11 =	sadd.s32 s11, s18;
	s12 =	sadd.s32 s0, s28;
	s0 =	sadd.s32 s0, s30  }
0x14: {  	s14 =	smax.u32 s14, $0x1;
	s17 =	simm.s32 $0xA000;
	s18 =	simm.s32 $0xA100  }
0x15: {  	v0 =	vmov s24;
	s24 =	sshrl.u32 s25, $0x3;
	s25 =	sshrl.u32 @!p0 s26, $0x3;
	s26 =	simm.s32 $0x0  }
0x16: {  	v1 =	vimm.f32 $0.0e+00;
	[dreg:$0x3] =	wrdreg s22;
	s13 =	sadd.s32 $0x27000, s0;
	s22 =	simm.s32 $0xA200  }
.LBB2_1:
0x17: {  	s0 =	simm.s32 $0x0;
	s28 =	simm.s32 $0x200  }
.LBB2_2:
0x18: {  	p1 =	sne.s32 s28, $0x13E00;
	[tilespmem:s0+$0x70] =	vst v1  }
0x19: {  	[tilespmem:s0+$0x0] =	vst v1  }
0x1a: {  	[tilespmem:s0+$0x10] =	vst v1  }
.Ltmp0:
0x1b: {  	[tilespmem:s0+$0x20] =	vst v1;
	(pc) =	sbr.rel @p1 .LBB2_2-.Ltmp0, $4  }
0x1c: {  	[tilespmem:s0+$0x30] =	vst v1  }
0x1d: {  	[tilespmem:s0+$0x40] =	vst v1  }
0x1e: {  	[tilespmem:s0+$0x50] =	vst v1  }
0x1f: {  	[tilespmem:s0+$0x60] =	vst v1;
	s0 =	sshra.s32 s28, $0x2;
	s28 =	sadd.s32 $0x200, s28  }
0x20: {  	[tilespmem:s0+$0x70] =	vst v1  }
0x21: {  	[tilespmem:s0+$0x0] =	vst v1  }
0x22: {  	[tilespmem:s0+$0x10] =	vst v1  }
0x23: {  	[tilespmem:s0+$0x20] =	vst v1  }
0x24: {  	[tilespmem:s0+$0x30] =	vst v1  }
0x25: {  	[tilespmem:s0+$0x40] =	vst v1  }
0x26: {  	[tilespmem:s0+$0x50] =	vst v1  }
0x27: {  	[tilespmem:s0+$0x60] =	vst v1;
	s5 =	simm.s32 $0x0  }
0x28: {  	[spmem:s4] =	stream.linear.scatter [tilespmem:s5], [sflag:$0x3], $0x5000, $0x38;
	[tilespmem:$0x1E300] =	vst v63  }
0x29: {  	_ =	swait.ge [sflag:s16], $0x5000  }
0x2a: {  	[sflag:s16] =	ssyncset.done $0x0  }
0x2b: {  	s1 =	rddreg [dreg:$0x3];
	[sflag:s16] =	ssyncadd.s32 $0xFFFFB000  }
0x2c: {  	[spmem:s1] =	stream.linear.scatter [tilespmem:s5], [sflag:$0x3], $0x5000, $0x38;
	[tilespmem:$0x1E300] =	vst v63  }
0x2d: {  	_ =	swait.ge [sflag:s16], $0x5000  }
0x2e: {  	[sflag:s16] =	ssyncset.done $0x0  }
0x2f: {  	[sflag:s16] =	ssyncadd.s32 $0xFFFFB000  }
0x30: {  	[spmem:s6] =	stream.linear.scatter [tilespmem:s5], [sflag:$0x3], $0x5000, $0x38;
	[tilespmem:$0x1E300] =	vst v63  }
0x31: {  	_ =	swait.ge [sflag:s16], $0x5000  }
0x32: {  	[sflag:s16] =	ssyncset.done $0x0  }
0x33: {  	[sflag:s16] =	ssyncadd.s32 $0xFFFFB000  }
0x34: {  	[spmem:s7] =	stream.linear.scatter [tilespmem:s5], [sflag:$0x3], $0x5000, $0x38;
	[tilespmem:$0x1E300] =	vst v63  }
0x35: {  	_ =	swait.ge [sflag:s16], $0x5000  }
0x36: {  	[sflag:s16] =	ssyncset.done $0x0  }
0x37: {  	[sflag:s16] =	ssyncadd.s32 $0xFFFFB000  }
0x38: {  	[bflag:$0x0] =	sbarrier.arrive $0xFFFF  }
0x39: {  	[tilespmem:s17], [sflag:$0x1] =	stream.linear.gather [hbm4b:s8+s5], $0xA0, $0x38;
	[tilespmem:$0x1E300] =	vst v63  }
0x3a: {  	_ = 	snop  }
0x3b: {  	[tilespmem:s5], [sflag:$0x1] =	stream.linear.gather [hbm4b:s9+s5], $0x5000, $0x38;
	[tilespmem:$0x1E300] =	vst v63  }
0x3c: {  	s28 =	sadd.s32 $0x0, s9;
	s1 =	sadd.s32 $0xFFFFFFEC, s15  }
0x3d: {  	[tilespmem:s18], [sflag:$0x2] =	stream.linear.gather [hbm4b:s1+s3], $0xA0, $0x38;
	[tilespmem:$0x1E300] =	vst v63  }
0x3e: {  	s5 =	sadd.s32 $0xA00, s28  }
0x3f: {  	[tilespmem:s19], [sflag:$0x2] =	stream.linear.gather [hbm4b:s5+s3], $0x5000, $0x38;
	[tilespmem:$0x1E300] =	vst v63  }
0x40: {  	_ =	swait.ge [sflag:s20], $0xA0  }
0x41: {  	[sflag:s20] =	ssyncset.done $0x0  }
0x42: {  	[sflag:s20] =	ssyncadd.s32 $0xFFFFFF60  }
0x43: {  	_ =	swait.ge [sflag:s20], $0x5000  }
0x44: {  	[sflag:s20] =	ssyncset.done $0x0  }
0x45: {  	[sflag:s20] =	ssyncadd.s32 $0xFFFFB000  }
0x46: {  	v2 =	vld [tilespmem:$0xA090]  }
0x47: {  	v3 =	vld [tilespmem:$0xA080]  }
0x48: {  	v4 =	vld [tilespmem:$0xA070]  }
0x49: {  	v5 =	vld [tilespmem:$0xA040]  }
0x4a: {  	v6 =	vld [tilespmem:$0xA050]  }
0x4b: {  	v8 =	vld [tilespmem:$0xA000];
	v2 =	vadd.s32 v0, v2  }
0x4c: {  	v7 =	vld [tilespmem:$0xA030];
	v3 =	vadd.s32 v0, v3;
	v2 =	vmin.u32 v2, $0x2710  }
0x4d: {  	v9 =	vld [tilespmem:$0xA060];
	v4 =	vadd.s32 v0, v4;
	v3 =	vmin.u32 v3, $0x2710;
	[tilespmem:$0xA290] =	vst v2  }
0x4e: {  	v5 =	vadd.s32 v0, v5;
	v4 =	vmin.u32 v4, $0x2710;
	v2 =	vld [tilespmem:$0xA020];
	[tilespmem:$0xA280] =	vst v3  }
0x4f: {  	v6 =	vadd.s32 v0, v6;
	v5 =	vmin.u32 v5, $0x2710;
	v3 =	vld [tilespmem:$0xA010];
	[tilespmem:$0xA270] =	vst v4  }
0x50: {  	v53 =	vadd.s32 v0, v8;
	v52 =	vmin.u32 v6, $0x2710;
	[tilespmem:$0xA240] =	vst v5  }
0x51: {  	v51 =	vadd.s32 v0, v7;
	v54 =	vmin.u32 v53, $0x2710;
	[tilespmem:$0xA250] =	vst v52  }
0x52: {  	v55 =	vadd.s32 v0, v9;
	v4 =	vmin.u32 v51, $0x2710;
	[tilespmem:$0xA200] =	vst v54  }
0x53: {  	[tilespmem:$0xA230] =	vst v4;
	v4 =	vmin.u32 v55, $0x2710;
	v2 =	vadd.s32 v0, v2  }
0x54: {  	[tilespmem:$0xA260] =	vst v4;
	v3 =	vadd.s32 v0, v3;
	v2 =	vmin.u32 v2, $0x2710  }
0x55: {  	v3 =	vmin.u32 v3, $0x2710;
	[tilespmem:$0xA220] =	vst v2  }
0x56: {  	[tilespmem:$0xA210] =	vst v3  }
0x57: {  	[spmem:s2] =	stream.indirect.scatter.add.f32 [tilespmem:s3], [sflag:$0x3], $0x80, s22, s21, $0xb8;
	[tilespmem:$0x1E300] =	vst v63  }
0x58: {  	_ =	swait.ge [sflag:s16], $0x5000  }
0x59: {  	p1 =	por $0x0, $0x0;
	[sflag:s16] =	ssyncset.done $0x0  }
0x5a: {  	s0 =	simm.s32 @!p1 $0x0;
	s28 =	simm.s32 @!p1 $0xA000;
	[sflag:s16] =	ssyncadd.s32 $0xFFFFB000  }
0x5b: {  	[tilespmem:s28], [sflag:$0x1] =	stream.linear.gather @!p1 [hbm4b:s15+s0], $0xA0, $0x38;
	[tilespmem:$0x1E300] =	vst v63  }
0x5c: {  	s28 =	sadd.s32 @!p1 $0x0, s9  }
0x5d: {  	s28 =	sadd.s32 @!p1 $0x1400, s28  }
0x5e: {  	[tilespmem:s0], [sflag:$0x1] =	stream.linear.gather @!p1 [hbm4b:s28+s0], $0x5000, $0x38;
	[tilespmem:$0x1E300] =	vst v63  }
0x5f: {  	_ =	swait.ge [sflag:s23], $0xA0  }
0x60: {  	[sflag:s23] =	ssyncset.done $0x0  }
0x61: {  	[sflag:s23] =	ssyncadd.s32 $0xFFFFFF60  }
0x62: {  	_ =	swait.ge [sflag:s23], $0x5000  }
0x63: {  	[sflag:s23] =	ssyncset.done $0x0  }
0x64: {  	[sflag:s23] =	ssyncadd.s32 $0xFFFFB000  }
0x65: {  	v2 =	vld [tilespmem:$0xA100]  }
0x66: {  	v3 =	vld [tilespmem:$0xA110]  }
0x67: {  	v56 =	vld [tilespmem:$0xA120]  }
0x68: {  	v57 =	vld [tilespmem:$0xA170]  }
0x69: {  	v58 =	vld [tilespmem:$0xA140]  }
0x6a: {  	v59 =	vld [tilespmem:$0xA150];
	v2 =	vadd.s32 v0, v2  }
0x6b: {  	v60 =	vld [tilespmem:$0xA130];
	v3 =	vadd.s32 v0, v3;
	v2 =	vmin.u32 v2, $0x2710  }
0x6c: {  	v61 =	vld [tilespmem:$0xA160];
	[tilespmem:$0xA200] =	vst v2;
	v2 =	vmin.u32 v3, $0x2710;
	v3 =	vadd.s32 v0, v56  }
0x6d: {  	v62 =	vld [tilespmem:$0xA180];
	[tilespmem:$0xA210] =	vst v2;
	v2 =	vmin.u32 v3, $0x2710;
	v3 =	vadd.s32 v0, v57  }
0x6e: {  	v63 =	vld [tilespmem:$0xA190];
	[tilespmem:$0xA220] =	vst v2;
	v2 =	vadd.s32 v0, v58;
	v3 =	vmin.u32 v3, $0x2710  }
0x6f: {  	v7 =	vadd.s32 v0, v59;
	v2 =	vmin.u32 v2, $0x2710;
	[tilespmem:$0xA270] =	vst v3  }
0x70: {  	v3 =	vadd.s32 v0, v60;
	[tilespmem:$0xA240] =	vst v2;
	v2 =	vmin.u32 v7, $0x2710  }
0x71: {  	v3 =	vmin.u32 v3, $0x2710;
	[tilespmem:$0xA250] =	vst v2;
	v2 =	vadd.s32 v0, v61  }
0x72: {  	[tilespmem:$0xA230] =	vst v3;
	v3 =	vadd.s32 v0, v62;
	v2 =	vmin.u32 v2, $0x2710  }
0x73: {  	[tilespmem:$0xA260] =	vst v2;
	v2 =	vmin.u32 v3, $0x2710;
	v3 =	vadd.s32 v0, v63  }
0x74: {  	[tilespmem:$0xA280] =	vst v2;
	v2 =	vmin.u32 v3, $0x2710  }
0x75: {  	[tilespmem:$0xA290] =	vst v2  }
0x76: {  	[spmem:s2] =	stream.indirect.scatter.add.f32 [tilespmem:s19], [sflag:$0x3], $0x80, s22, s21, $0xb8;
	[tilespmem:$0x1E300] =	vst v63  }
0x77: {  	s30 =	sadd.s32 $0x28, s15;
	s31 =	simm.s32 $0x2800;
	_ =	swait.ge [sflag:s16], $0x5000  }
0x78: {  	s29 =	smov.u32 s30;
	s28 =	simm.s32 $0x1400;
	[sflag:s16] =	ssyncset.done $0x0  }
.LBB2_4:
0x79: {  	s30 =	sadd.s32 $0x28, s30  }
0x7a: {  	[sflag:s16] =	ssyncadd.s32 $0xFFFFB000;
	s0 =	smov.u32 s31;
	s31 =	sadd.s32 $0x1400, s31  }
0x7b: {  	s1 =	sadd.s32 $0xFFFFFFEC, s29;
	s5 =	sadd.s32 s28, s9;
	p1 =	sne.s32 s31, $0x2E400  }
0x7c: {  	[tilespmem:s18], [sflag:$0x2] =	stream.linear.gather [hbm4b:s1+s3], $0xA0, $0x38;
	[tilespmem:$0x1E300] =	vst v63  }
0x7d: {  	s1 =	sadd.s32 $0xA00, s5  }
0x7e: {  	[tilespmem:s19], [sflag:$0x2] =	stream.linear.gather [hbm4b:s1+s3], $0x5000, $0x38;
	[tilespmem:$0x1E300] =	vst v63  }
0x7f: {  	_ =	swait.ge [sflag:s20], $0xA0  }
0x80: {  	[sflag:s20] =	ssyncset.done $0x0  }
0x81: {  	[sflag:s20] =	ssyncadd.s32 $0xFFFFFF60  }
0x82: {  	_ =	swait.ge [sflag:s20], $0x5000  }
0x83: {  	[sflag:s20] =	ssyncset.done $0x0  }
0x84: {  	[sflag:s20] =	ssyncadd.s32 $0xFFFFB000  }
0x85: {  	v2 =	vld [tilespmem:$0xA090]  }
0x86: {  	v3 =	vld [tilespmem:$0xA080]  }
0x87: {  	v4 =	vld [tilespmem:$0xA070]  }
0x88: {  	v5 =	vld [tilespmem:$0xA040]  }
0x89: {  	v6 =	vld [tilespmem:$0xA050]  }
0x8a: {  	v7 =	vld [tilespmem:$0xA030];
	v2 =	vadd.s32 v0, v2  }
0x8b: {  	v8 =	vld [tilespmem:$0xA000];
	v3 =	vadd.s32 v0, v3;
	v2 =	vmin.u32 v2, $0x2710  }
0x8c: {  	v9 =	vld [tilespmem:$0xA060];
	v4 =	vadd.s32 v0, v4;
	v3 =	vmin.u32 v3, $0x2710;
	[tilespmem:$0xA290] =	vst v2  }
0x8d: {  	v2 =	vld [tilespmem:$0xA020];
	v5 =	vadd.s32 v0, v5;
	v4 =	vmin.u32 v4, $0x2710;
	[tilespmem:$0xA280] =	vst v3  }
0x8e: {  	v3 =	vld [tilespmem:$0xA010];
	v5 =	vmin.u32 v5, $0x2710;
	v6 =	vadd.s32 v0, v6;
	[tilespmem:$0xA270] =	vst v4  }
0x8f: {  	v4 =	vadd.s32 v0, v7;
	[tilespmem:$0xA240] =	vst v5;
	v5 =	vmin.u32 v6, $0x2710  }
0x90: {  	v6 =	vadd.s32 v0, v8;
	v4 =	vmin.u32 v4, $0x2710;
	[tilespmem:$0xA250] =	vst v5  }
0x91: {  	v5 =	vmin.u32 v6, $0x2710;
	[tilespmem:$0xA230] =	vst v4;
	v4 =	vadd.s32 v0, v9  }
0x92: {  	[tilespmem:$0xA200] =	vst v5;
	v2 =	vadd.s32 v0, v2;
	v4 =	vmin.u32 v4, $0x2710  }
0x93: {  	v3 =	vadd.s32 v0, v3;
	v2 =	vmin.u32 v2, $0x2710;
	[tilespmem:$0xA260] =	vst v4  }
0x94: {  	v3 =	vmin.u32 v3, $0x2710;
	[tilespmem:$0xA220] =	vst v2  }
0x95: {  	[tilespmem:$0xA210] =	vst v3  }
0x96: {  	[spmem:s2] =	stream.indirect.scatter.add.f32 [tilespmem:s3], [sflag:$0x3], $0x80, s22, s21, $0xb8;
	[tilespmem:$0x1E300] =	vst v63  }
0x97: {  	_ =	swait.ge [sflag:s16], $0x5000  }
0x98: {  	p2 =	seq.s32 s28, $0x2D000;
	[sflag:s16] =	ssyncset.done $0x0  }
0x99: {  	s5 =	simm.s32 @!p2 $0xA000;
	s1 =	simm.s32 @!p2 $0x0;
	[sflag:s16] =	ssyncadd.s32 $0xFFFFB000  }
0x9a: {  	[tilespmem:s5], [sflag:$0x1] =	stream.linear.gather @!p2 [hbm4b:s29+s1], $0xA0, $0x38;
	[tilespmem:$0x1E300] =	vst v63  }
0x9b: {  	s5 =	sadd.s32 @!p2 s28, s9;
	s28 =	smov.u32 s0;
	s29 =	smov.u32 s30  }
0x9c: {  	s0 =	sadd.s32 @!p2 $0x1400, s5  }
0x9d: {  	[tilespmem:s1], [sflag:$0x1] =	stream.linear.gather @!p2 [hbm4b:s0+s1], $0x5000, $0x38;
	[tilespmem:$0x1E300] =	vst v63  }
0x9e: {  	_ =	swait.ge [sflag:s23], $0xA0  }
0x9f: {  	[sflag:s23] =	ssyncset.done $0x0  }
0xa0: {  	[sflag:s23] =	ssyncadd.s32 $0xFFFFFF60  }
0xa1: {  	_ =	swait.ge [sflag:s23], $0x5000  }
0xa2: {  	[sflag:s23] =	ssyncset.done $0x0  }
0xa3: {  	[sflag:s23] =	ssyncadd.s32 $0xFFFFB000  }
0xa4: {  	v2 =	vld [tilespmem:$0xA100]  }
0xa5: {  	v3 =	vld [tilespmem:$0xA110]  }
0xa6: {  	v4 =	vld [tilespmem:$0xA120]  }
0xa7: {  	v5 =	vld [tilespmem:$0xA170]  }
0xa8: {  	v6 =	vld [tilespmem:$0xA140]  }
0xa9: {  	v2 =	vadd.s32 v0, v2;
	v7 =	vld [tilespmem:$0xA150]  }
0xaa: {  	v2 =	vmin.u32 v2, $0x2710;
	v3 =	vadd.s32 v0, v3;
	v8 =	vld [tilespmem:$0xA130]  }
0xab: {  	[tilespmem:$0xA200] =	vst v2;
	v2 =	vmin.u32 v3, $0x2710;
	v3 =	vadd.s32 v0, v4;
	v4 =	vld [tilespmem:$0xA160]  }
0xac: {  	[tilespmem:$0xA210] =	vst v2;
	v2 =	vmin.u32 v3, $0x2710;
	v3 =	vadd.s32 v0, v5;
	v5 =	vld [tilespmem:$0xA180]  }
0xad: {  	[tilespmem:$0xA220] =	vst v2;
	v2 =	vadd.s32 v0, v6;
	v3 =	vmin.u32 v3, $0x2710;
	v6 =	vld [tilespmem:$0xA190]  }
0xae: {  	v2 =	vmin.u32 v2, $0x2710;
	v7 =	vadd.s32 v0, v7;
	[tilespmem:$0xA270] =	vst v3  }
0xaf: {  	v3 =	vadd.s32 v0, v8;
	[tilespmem:$0xA240] =	vst v2;
	v2 =	vmin.u32 v7, $0x2710  }
0xb0: {  	v3 =	vmin.u32 v3, $0x2710;
	[tilespmem:$0xA250] =	vst v2;
	v2 =	vadd.s32 v0, v4  }
0xb1: {  	[tilespmem:$0xA230] =	vst v3;
	v2 =	vmin.u32 v2, $0x2710;
	v3 =	vadd.s32 v0, v5  }
0xb2: {  	[tilespmem:$0xA260] =	vst v2;
	v2 =	vmin.u32 v3, $0x2710;
	v3 =	vadd.s32 v0, v6  }
.Ltmp1:
0xb3: {  	[tilespmem:$0xA280] =	vst v2;
	v2 =	vmin.u32 v3, $0x2710;
	(pc) =	sbr.rel @p1 .LBB2_4-.Ltmp1, $4  }
0xb4: {  	[tilespmem:$0xA290] =	vst v2  }
0xb5: {  	[spmem:s2] =	stream.indirect.scatter.add.f32 [tilespmem:s19], [sflag:$0x3], $0x80, s22, s21, $0xb8;
	[tilespmem:$0x1E300] =	vst v63  }
0xb6: {  	_ =	swait.ge [sflag:s16], $0x5000  }
0xb7: {  	[sflag:s16] =	ssyncset.done $0x0  }
0xb8: {  	[sflag:s16] =	ssyncadd.s32 $0xFFFFB000;
	s0 =	sadd.s32 $0xFFFFFFEC, s29;
	s1 =	sadd.s32 s28, s9  }
0xb9: {  	[tilespmem:s18], [sflag:$0x2] =	stream.linear.gather [hbm4b:s0+s3], $0xA0, $0x38;
	[tilespmem:$0x1E300] =	vst v63  }
0xba: {  	s30 =	sadd.s32 $0xA00, s1  }
0xbb: {  	[tilespmem:s19], [sflag:$0x2] =	stream.linear.gather [hbm4b:s30+s3], $0x5000, $0x38;
	[tilespmem:$0x1E300] =	vst v63  }
0xbc: {  	_ =	swait.ge [sflag:s20], $0xA0  }
0xbd: {  	[sflag:s20] =	ssyncset.done $0x0  }
0xbe: {  	[sflag:s20] =	ssyncadd.s32 $0xFFFFFF60  }
0xbf: {  	_ =	swait.ge [sflag:s20], $0x5000  }
0xc0: {  	[sflag:s20] =	ssyncset.done $0x0  }
0xc1: {  	[sflag:s20] =	ssyncadd.s32 $0xFFFFB000  }
0xc2: {  	v2 =	vld [tilespmem:$0xA090]  }
0xc3: {  	v3 =	vld [tilespmem:$0xA080]  }
0xc4: {  	v4 =	vld [tilespmem:$0xA070]  }
0xc5: {  	v5 =	vld [tilespmem:$0xA040]  }
0xc6: {  	v6 =	vld [tilespmem:$0xA050]  }
0xc7: {  	v8 =	vld [tilespmem:$0xA000];
	v2 =	vadd.s32 v0, v2  }
0xc8: {  	v7 =	vld [tilespmem:$0xA030];
	v3 =	vadd.s32 v0, v3;
	v2 =	vmin.u32 v2, $0x2710  }
0xc9: {  	v9 =	vld [tilespmem:$0xA060];
	v4 =	vadd.s32 v0, v4;
	v3 =	vmin.u32 v3, $0x2710;
	[tilespmem:$0xA290] =	vst v2  }
0xca: {  	v5 =	vadd.s32 v0, v5;
	v4 =	vmin.u32 v4, $0x2710;
	v2 =	vld [tilespmem:$0xA020];
	[tilespmem:$0xA280] =	vst v3  }
0xcb: {  	v6 =	vadd.s32 v0, v6;
	v5 =	vmin.u32 v5, $0x2710;
	v3 =	vld [tilespmem:$0xA010];
	[tilespmem:$0xA270] =	vst v4  }
0xcc: {  	v45 =	vadd.s32 v0, v8;
	v44 =	vmin.u32 v6, $0x2710;
	[tilespmem:$0xA240] =	vst v5  }
0xcd: {  	v43 =	vadd.s32 v0, v7;
	v46 =	vmin.u32 v45, $0x2710;
	[tilespmem:$0xA250] =	vst v44  }
0xce: {  	v47 =	vadd.s32 v0, v9;
	v4 =	vmin.u32 v43, $0x2710;
	[tilespmem:$0xA200] =	vst v46  }
0xcf: {  	[tilespmem:$0xA230] =	vst v4;
	v4 =	vmin.u32 v47, $0x2710;
	v2 =	vadd.s32 v0, v2  }
0xd0: {  	[tilespmem:$0xA260] =	vst v4;
	v3 =	vadd.s32 v0, v3;
	v2 =	vmin.u32 v2, $0x2710  }
0xd1: {  	v3 =	vmin.u32 v3, $0x2710;
	[tilespmem:$0xA220] =	vst v2  }
0xd2: {  	[tilespmem:$0xA210] =	vst v3  }
0xd3: {  	[spmem:s2] =	stream.indirect.scatter.add.f32 [tilespmem:s3], [sflag:$0x3], $0x80, s22, s21, $0xb8;
	[tilespmem:$0x1E300] =	vst v63  }
0xd4: {  	_ =	swait.ge [sflag:s16], $0x5000  }
0xd5: {  	p1 =	seq.s32 s28, $0x2D000;
	[sflag:s16] =	ssyncset.done $0x0  }
0xd6: {  	s0 =	simm.s32 @!p1 $0x0;
	s1 =	simm.s32 @!p1 $0xA000;
	[sflag:s16] =	ssyncadd.s32 $0xFFFFB000  }
0xd7: {  	[tilespmem:s1], [sflag:$0x1] =	stream.linear.gather @!p1 [hbm4b:s29+s0], $0xA0, $0x38;
	[tilespmem:$0x1E300] =	vst v63  }
0xd8: {  	s1 =	sadd.s32 @!p1 s28, s9  }
0xd9: {  	s1 =	sadd.s32 @!p1 $0x1400, s1  }
0xda: {  	[tilespmem:s0], [sflag:$0x1] =	stream.linear.gather @!p1 [hbm4b:s1+s0], $0x5000, $0x38;
	[tilespmem:$0x1E300] =	vst v63  }
0xdb: {  	_ =	swait.ge [sflag:s23], $0xA0  }
0xdc: {  	[sflag:s23] =	ssyncset.done $0x0  }
0xdd: {  	[sflag:s23] =	ssyncadd.s32 $0xFFFFFF60  }
0xde: {  	_ =	swait.ge [sflag:s23], $0x5000  }
0xdf: {  	[sflag:s23] =	ssyncset.done $0x0  }
0xe0: {  	[sflag:s23] =	ssyncadd.s32 $0xFFFFB000  }
0xe1: {  	v2 =	vld [tilespmem:$0xA100]  }
0xe2: {  	v3 =	vld [tilespmem:$0xA110]  }
0xe3: {  	v48 =	vld [tilespmem:$0xA120]  }
0xe4: {  	v49 =	vld [tilespmem:$0xA170]  }
0xe5: {  	v50 =	vld [tilespmem:$0xA140]  }
0xe6: {  	v51 =	vld [tilespmem:$0xA150];
	v2 =	vadd.s32 v0, v2  }
0xe7: {  	v52 =	vld [tilespmem:$0xA130];
	v3 =	vadd.s32 v0, v3;
	v2 =	vmin.u32 v2, $0x2710  }
0xe8: {  	v53 =	vld [tilespmem:$0xA160];
	[tilespmem:$0xA200] =	vst v2;
	v2 =	vmin.u32 v3, $0x2710;
	v3 =	vadd.s32 v0, v48  }
0xe9: {  	v54 =	vld [tilespmem:$0xA180];
	[tilespmem:$0xA210] =	vst v2;
	v2 =	vmin.u32 v3, $0x2710;
	v3 =	vadd.s32 v0, v49  }
0xea: {  	v55 =	vld [tilespmem:$0xA190];
	[tilespmem:$0xA220] =	vst v2;
	v2 =	vadd.s32 v0, v50;
	v3 =	vmin.u32 v3, $0x2710  }
0xeb: {  	v7 =	vadd.s32 v0, v51;
	v2 =	vmin.u32 v2, $0x2710;
	[tilespmem:$0xA270] =	vst v3  }
0xec: {  	v3 =	vadd.s32 v0, v52;
	[tilespmem:$0xA240] =	vst v2;
	v2 =	vmin.u32 v7, $0x2710  }
0xed: {  	v3 =	vmin.u32 v3, $0x2710;
	[tilespmem:$0xA250] =	vst v2;
	v2 =	vadd.s32 v0, v53  }
0xee: {  	[tilespmem:$0xA230] =	vst v3;
	v3 =	vadd.s32 v0, v54;
	v2 =	vmin.u32 v2, $0x2710  }
0xef: {  	[tilespmem:$0xA260] =	vst v2;
	v2 =	vmin.u32 v3, $0x2710;
	v3 =	vadd.s32 v0, v55  }
0xf0: {  	[tilespmem:$0xA280] =	vst v2;
	v2 =	vmin.u32 v3, $0x2710  }
0xf1: {  	[tilespmem:$0xA290] =	vst v2  }
0xf2: {  	[spmem:s2] =	stream.indirect.scatter.add.f32 [tilespmem:s19], [sflag:$0x3], $0x80, s22, s21, $0xb8;
	[tilespmem:$0x1E300] =	vst v63  }
0xf3: {  	_ =	swait.ge [sflag:s16], $0x5000  }
0xf4: {  	[sflag:s16] =	ssyncset.done $0x0  }
0xf5: {  	[sflag:s16] =	ssyncadd.s32 $0xFFFFB000  }
0xf6: {  	[tilespmem:s17], [sflag:$0x1] =	stream.linear.gather [hbm4b:s10+s3], $0xA0, $0x38;
	[tilespmem:$0x1E300] =	vst v63  }
0xf7: {  	_ = 	snop  }
0xf8: {  	[tilespmem:s3], [sflag:$0x1] =	stream.linear.gather [hbm4b:s11+s3], $0x5000, $0x38;
	[tilespmem:$0x1E300] =	vst v63  }
0xf9: {  	_ =	swait.ge [sflag:s20], $0xA0  }
0xfa: {  	[sflag:s20] =	ssyncset.done $0x0  }
0xfb: {  	[sflag:s20] =	ssyncadd.s32 $0xFFFFFF60  }
0xfc: {  	_ =	swait.ge [sflag:s20], $0x5000  }
0xfd: {  	[sflag:s20] =	ssyncset.done $0x0  }
0xfe: {  	[sflag:s20] =	ssyncadd.s32 $0xFFFFB000  }
0xff: {  	v2 =	vld [tilespmem:$0xA000]  }
0x100: {  	v3 =	vld [tilespmem:$0xA010]  }
0x101: {  	v56 =	vld [tilespmem:$0xA020]  }
0x102: {  	v57 =	vld [tilespmem:$0xA030]  }
0x103: {  	v58 =	vld [tilespmem:$0xA040]  }
0x104: {  	v59 =	vld [tilespmem:$0xA050];
	v2 =	vadd.s32 v0, v2  }
0x105: {  	v60 =	vld [tilespmem:$0xA060];
	v3 =	vadd.s32 v0, v3;
	v2 =	vmin.u32 v2, $0x2710  }
0x106: {  	v61 =	vld [tilespmem:$0xA070];
	[tilespmem:$0xA200] =	vst v2;
	v2 =	vmin.u32 v3, $0x2710;
	v3 =	vadd.s32 v0, v56  }
0x107: {  	v62 =	vld [tilespmem:$0xA080];
	[tilespmem:$0xA210] =	vst v2;
	v2 =	vmin.u32 v3, $0x2710;
	v3 =	vadd.s32 v0, v57  }
0x108: {  	v63 =	vld [tilespmem:$0xA090];
	[tilespmem:$0xA220] =	vst v2;
	v2 =	vmin.u32 v3, $0x2710;
	v3 =	vadd.s32 v0, v58  }
0x109: {  	[tilespmem:$0xA230] =	vst v2;
	v2 =	vmin.u32 v3, $0x2710;
	v3 =	vadd.s32 v0, v59  }
0x10a: {  	[tilespmem:$0xA240] =	vst v2;
	v2 =	vmin.u32 v3, $0x2710;
	v3 =	vadd.s32 v0, v60  }
0x10b: {  	[tilespmem:$0xA250] =	vst v2;
	v2 =	vmin.u32 v3, $0x2710;
	v3 =	vadd.s32 v0, v61  }
0x10c: {  	[tilespmem:$0xA260] =	vst v2;
	v2 =	vmin.u32 v3, $0x2710;
	v3 =	vadd.s32 v0, v62  }
0x10d: {  	[tilespmem:$0xA270] =	vst v2;
	v2 =	vmin.u32 v3, $0x2710;
	v3 =	vadd.s32 v0, v63  }
0x10e: {  	[tilespmem:$0xA280] =	vst v2;
	v2 =	vmin.u32 v3, $0x2710  }
0x10f: {  	[tilespmem:$0xA290] =	vst v2  }
0x110: {  	[spmem:s2] =	stream.indirect.scatter.add.f32 [tilespmem:s3], [sflag:$0x3], $0x80, s22, s21, $0xb8;
	[tilespmem:$0x1E300] =	vst v63  }
0x111: {  	_ =	swait.ge [sflag:s16], $0x5000  }
0x112: {  	s31 =	stileid.u32;
	[sflag:s16] =	ssyncset.done $0x0  }
0x113: {  	s0 =	sshll.u32 s31, $0x6;
	[sflag:s16] =	ssyncadd.s32 $0xFFFFB000  }
0x114: {  	s0 =	sor.u32 $0x1C03, s0;
	[bflag:$0x0] =	sbarrier.arrive $0xFFFF  }
0x115: {  	[hbm:s12], [sflag:s0] =	dma.local [spmem:s24], $0x2700  }
0x116: {  	_ =	swait.ge [sflag:s16], $0x2700  }
0x117: {  	s26 =	sadd.s32 $0x1, s26;
	[sflag:s16] =	ssyncset.done $0x0  }
0x118: {  	p1 =	sne.s32 s26, s14;
	[sflag:s16] =	ssyncadd.s32 $0xFFFFD900  }
0x119: {  	[hbm:s13], [sflag:s0] =	dma.local @!p0 [spmem:s25], $0x100  }
.Ltmp2:
0x11a: {  	_ = 	snop;
	(pc) =	sbr.rel @p1 .LBB2_1-.Ltmp2, $4  }
0x11b: {  	s0 =	simm.s32 @!p0 $0x3  }
0x11c: {  	_ =	swait.ge @!p0 [sflag:s0], $0x100  }
0x11d: {  	[sflag:s0] =	ssyncset.done @!p0 $0x0  }
0x11e: {  	[sflag:s0] =	ssyncadd.s32 @!p0 $0xFFFFFF00  }
0x11f: {  	_ =	sfence.sel $0x180000  }
0x120: {  	[bflag:$0x0] =	sbarrier.arrive $0xFFFF  }
0x121: {  	_ =	strace $0x90000050  }
0x122: {  	s0 =	stileid.u32;
	[bflag:$0x2] =	sbarrier.arrive $0xFFFF  }
0x123: {  	p0 =	sne.s32 s0, $0x0;
	s0 =	rddreg [dreg:$0x2]  }
0x124: {  	s0 =	sadd.s32 @!p0 $0x100000, s0  }
0x125: {  	[sflag:s0] =	ssyncadd.tile.s32 @!p0 $0x1;
	_ =	shalt  }
.Lfunc_end2:
_tile_overlayer_lowered:
.L_overlay_start_2:
0x126: {  	(tag) =	ssettag $0x2  }
0x127: {  	s0 =	rddreg [dreg:$0x0];
	s2 =	stileid.u32  }
0x128: {  	s1 =	rddreg [dreg:$0x1];
	p0 =	sne.s32 s2, $0x0  }
0x129: {  	s3 =	rddreg [dreg:$0x2];
	[bflag:$0x3] =	sbarrier.arrive $0xFFFF;
	s2 =	simm.s32 @!p0 $0x1C03  }
0x12a: {  	[timem:s3], [sflag:s2] =	dma.local @!p0 [hbm:s0], s1  }
0x12b: {  	s0 =	simm.s32 @!p0 $0x3  }
0x12c: {  	_ =	swait.ge @!p0 [sflag:s0], s1  }
0x12d: {  	s1 =	ssub.s32 @!p0 $0x0, s1;
	[sflag:s0] =	ssyncset.done @!p0 $0x0  }
0x12e: {  	[sflag:s0] =	ssyncadd.s32 @!p0 s1  }
0x12f: {  	[bflag:$0x3] =	sbarrier.arrive $0xFFFF  }
0x130: {  	_ =	shalt  }

// kernel: kernel.24.cloned.1.call-start
scs
__scs_entry_jumppad:
0x0: {  	(pc) =	sbr.rel $0x88, $3  }
0x1: {  	(tag) =	ssettag $0x0;
	lr =	simm.s32 $0x1  }
0x2: {  	[smem:$0x3F8C] =	sst lr;
	_ =	strace $0xD0000000  }
0x3: {  	_ = 	snop  }
0x4: {  	_ = 	snop  }
0x5: {  	_ = 	snop  }
0x6: {  	_ = 	snop  }
0x7: {  	_ = 	snop  }
__scs_overlays_trampoline_lowered:
0x8: {  	[smem:$0x3F9B] =	sst s0  }
0x9: {  	[smem:$0x3F9C] =	sst s1  }
0xa: {  	[smem:$0x3F9D] =	sst s2  }
0xb: {  	[smem:$0x3F9E] =	sst s3  }
0xc: {  	[smem:$0x3F9F] =	sst s4  }
0xd: {  	[smem:$0x3FA0] =	sst s5  }
0xe: {  	[smem:$0x3FA1] =	sst s6  }
0xf: {  	[smem:$0x3FA2] =	sst s7  }
0x10: {  	[smem:$0x3FA3] =	sst s8  }
0x11: {  	[smem:$0x3FA4] =	sst s9;
	s0 =	simm.s32 @!p0 $0x0  }
0x12: {  	s1 =	sld [smem:$0x3F8A];
	s0 =	simm.s32 @p0 $0x1  }
0x13: {  	[smem:$0x3FA5] =	sst s0;
	s0 =	simm.s32 @!p1 $0x0  }
0x14: {  	s2 =	sld [smem:$0x3F89];
	s0 =	simm.s32 @p1 $0x1  }
0x15: {  	[smem:$0x3FA6] =	sst s0;
	s0 =	simm.s32 @!p2 $0x0  }
0x16: {  	s3 =	sld [smem:$0x3FDB];
	s0 =	simm.s32 @p2 $0x1  }
0x17: {  	s4 =	simm.s32 $0x1BF5;
	[smem:$0x3FA8] =	sst s0  }
0x18: {  	s0 =	sld [smem:$0x3F8B];
	_ =	swait.ge [sflag:s4], $0x0  }
0x19: {  	s7 =	sld [smem:$0x3F8C]  }
0x1a: {  	s8 =	sadd.s32 $0xFFFFE003, lr  }
0x1b: {  	s9 =	sadd.s32 $0xFFFFFEF7, lr;
	s5 =	simm.s32 $0xFFFFFFFF;
	p2 =	slt.u32 s8, $0xFFFFF086  }
0x1c: {  	p1 =	slt.u32 s9, $0xF7A;
	s5 =	simm.s32 @!p2 $0x0  }
0x1d: {  	s5 =	simm.s32 @p1 $0x1;
	p0 =	seq.s32 s7, s2  }
0x1e: {  	s7 =	smul.u32 @!p0 $0xF7A, s2;
	p2 =	seq.s32 @!p0 s5, $0x0  }
0x1f: {  	s9 =	smul.u32 $0xF7A, s1;
	s8 =	simm.s32 @!p0 $0x1BF5;
	p2 =	por !p2, p0  }
0x20: {  	[sflag:s8] =	ssyncset.s32 @!p0 $0xFFFFF086;
	s6 =	sadd.s32 @!p0 s3, s7;
	s7 =	simm.s32 @!p0 $0x108  }
0x21: {  	s3 =	sadd.s32 s3, s9;
	s6 =	sadd.s32 @!p0 $0x88, s6;
	s7 =	simm.s32 @p2 $0x1082  }
0x22: {  	[simem:s7], [sflag:s8] =	dma.local @!p0 [hbm:s6], $0xF7A  }
0x23: {  	s9 =	sor.u32 $0xD0000000, s2;
	s6 =	simm.s32 $0x108;
	_ =	swait.ge @!p0 [sflag:s8], $0x0  }
0x24: {  	s3 =	sadd.s32 $0x88, s3;
	s6 =	simm.s32 @!p1 $0x1082;
	[sflag:s4] =	ssyncset.s32 $0xFFFFF086  }
0x25: {  	[simem:s6], [sflag:s4] =	dma.local [hbm:s3], $0xF7A  }
0x26: {  	[smem:$0x3F8C] =	sst s1;
	(tag) =	ssettag s2;
	_ =	strace s9  }
0x27: {  	s1 =	sld [smem:$0x3F9C]  }
0x28: {  	s2 =	sld [smem:$0x3F9D]  }
0x29: {  	s4 =	sld [smem:$0x3F9F]  }
0x2a: {  	p0 =	seq.s32 s5, $0x0;
	s5 =	sld [smem:$0x3FA0]  }
0x2b: {  	s6 =	sld [smem:$0x3FA1]  }
0x2c: {  	s7 =	sld [smem:$0x3FA2]  }
0x2d: {  	s3 =	simm.s32 $0x108;
	s8 =	sld [smem:$0x3FA3]  }
0x2e: {  	s3 =	simm.s32 @!p0 $0x1082;
	s9 =	sld [smem:$0x3FA4]  }
0x2f: {  	lr =	sadd.s32 s0, s3;
	s0 =	sld [smem:$0x3F9B]  }
0x30: {  	s3 =	sld [smem:$0x3F9E]  }
0x31: {  	[smem:$0x3FA7] =	sst s10  }
0x32: {  	s10 =	sld [smem:$0x3FA5];
	_ =	sdelay $0x3  }
0x33: {  	p0 =	seq.s32 s10, $0x1;
	s10 =	sld [smem:$0x3FA7];
	_ =	sdelay $0x3  }
0x34: {  	[smem:$0x3FA7] =	sst s10  }
0x35: {  	s10 =	sld [smem:$0x3FA6];
	_ =	sdelay $0x3  }
0x36: {  	p1 =	seq.s32 s10, $0x1;
	s10 =	sld [smem:$0x3FA7];
	_ =	sdelay $0x3  }
0x37: {  	[smem:$0x3FA7] =	sst s10  }
0x38: {  	s10 =	sld [smem:$0x3FA8]  }
0x39: {  	_ = 	snop;
	(pc) =	sbr.ind lr, $3  }
0x3a: {  	_ = 	snop  }
0x3b: {  	_ = 	snop  }
0x3c: {  	p2 =	seq.s32 s10, $0x1;
	s10 =	sld [smem:$0x3FA7]  }
0x3d: {  	_ =	shalt  }
0x3e: {  	_ =	shalt  }
0x3f: {  	_ =	shalt  }
0x40: {  	_ =	shalt  }
0x41: {  	_ =	shalt  }
0x42: {  	_ =	shalt  }
0x43: {  	_ =	shalt  }
0x44: {  	_ =	shalt  }
0x45: {  	_ =	shalt  }
0x46: {  	_ =	shalt  }
0x47: {  	_ =	shalt  }
0x48: {  	_ =	shalt  }
0x49: {  	_ =	shalt  }
0x4a: {  	_ =	shalt  }
0x4b: {  	_ =	shalt  }
0x4c: {  	_ =	shalt  }
0x4d: {  	_ =	shalt  }
0x4e: {  	_ =	shalt  }
0x4f: {  	_ =	shalt  }
0x50: {  	_ =	shalt  }
0x51: {  	_ =	shalt  }
0x52: {  	_ =	shalt  }
0x53: {  	_ =	shalt  }
0x54: {  	_ =	shalt  }
0x55: {  	_ =	shalt  }
0x56: {  	_ =	shalt  }
0x57: {  	_ =	shalt  }
0x58: {  	_ =	shalt  }
0x59: {  	_ =	shalt  }
0x5a: {  	_ =	shalt  }
0x5b: {  	_ =	shalt  }
0x5c: {  	_ =	shalt  }
0x5d: {  	_ =	shalt  }
0x5e: {  	_ =	shalt  }
0x5f: {  	_ =	shalt  }
0x60: {  	_ =	shalt  }
0x61: {  	_ =	shalt  }
0x62: {  	_ =	shalt  }
0x63: {  	_ =	shalt  }
0x64: {  	_ =	shalt  }
0x65: {  	_ =	shalt  }
0x66: {  	_ =	shalt  }
0x67: {  	_ =	shalt  }
0x68: {  	_ =	shalt  }
0x69: {  	_ =	shalt  }
0x6a: {  	_ =	shalt  }
0x6b: {  	_ =	shalt  }
0x6c: {  	_ =	shalt  }
0x6d: {  	_ =	shalt  }
0x6e: {  	_ =	shalt  }
0x6f: {  	_ =	shalt  }
0x70: {  	_ =	shalt  }
0x71: {  	_ =	shalt  }
0x72: {  	_ =	shalt  }
0x73: {  	_ =	shalt  }
0x74: {  	_ =	shalt  }
0x75: {  	_ =	shalt  }
0x76: {  	_ =	shalt  }
0x77: {  	_ =	shalt  }
0x78: {  	_ =	shalt  }
0x79: {  	_ =	shalt  }
0x7a: {  	_ =	shalt  }
0x7b: {  	_ =	shalt  }
0x7c: {  	_ =	shalt  }
0x7d: {  	_ =	shalt  }
0x7e: {  	_ =	shalt  }
0x7f: {  	_ =	shalt  }
0x80: {  	_ =	shalt  }
0x81: {  	_ =	shalt  }
0x82: {  	_ =	shalt  }
0x83: {  	_ =	shalt  }
0x84: {  	_ =	shalt  }
0x85: {  	_ =	shalt  }
0x86: {  	_ =	shalt  }
0x87: {  	_ =	shalt  }
.Lfunc_end0:
.L_simem_size_0:
called_computation.4_lowered:
.L_overlay_start_0:
0x88: {  	s2 =	sld [smem:$0x3FD9]  }
0x89: {  	s3 =	sld [smem:$0x3FFE];
	_ =	sdelay $0x1  }
0x8a: {  	s1 =	srdreg.scid  }
0x8b: {  	s0 =	sand.u32 $0x1, s1  }
0x8c: {  	s17 =	sshll.u32 s0, $0xA;
	s2 =	sadd.s32 s3, s2  }
0x8d: {  	s2 =	sadd.s32 s2, s17  }
0x8e: {  	[smem:$0x3FB3] =	sst s2  }
0x8f: {  	_ = 	snop  }
0x90: {  	(tm) =	ssettm $0x1  }
0x91: {  	s18 =	sld [smem:$0x3FFB];
	_ =	sdelay $0x3  }
0x92: {  	_ =	strace s18  }
0x93: {  	s2 =	sld [smem:$0x3FFC];
	_ =	sdelay $0x3  }
0x94: {  	_ =	strace s2  }
0x95: {  	s2 =	sld [smem:$0x3FFD];
	_ =	sdelay $0x3  }
0x96: {  	_ =	strace s2  }
0x97: {  	_ =	strace $0x8FFFFFFF  }
0x98: {  	s19 =	sld [smem:$0x3FDB];
	_ =	sdelay $0x1  }
0x99: {  	s20 =	simm.s32 $_scs_section_size  }
0x9a: {  	s4 =	simm.s32 $_size__tile_overlayer_lowered;
	s5 =	simm.s32 $_tile_overlayer_lowered  }
0x9b: {  	s6 =	simm.s32 $0x1BFF;
	s21 =	sshll.u32 s5, $0x1;
	s3 =	sadd.s32 s20, s19  }
0x9c: {  	s22 =	simm.s32 $0x0;
	s4 =	sshll.u32 s4, $0x1;
	s5 =	sadd.s32 s21, s3  }
0x9d: {  	[timem:s22], [sflag:s6] =	dma.local [hbm:s5], s4  }
0x9e: {  	_ =	swait.ge [sflag:s6], s4  }
0x9f: {  	s4 =	ssub.s32 $0x0, s4;
	[sflag:s6] =	ssyncset.done $0x0  }
0xa0: {  	[sflag:s6] =	ssyncadd.s32 s4;
	_ =	sdelay $0x1  }
0xa1: {  	s23 =	simm.s32 $0x1B8B  }
0xa2: {  	_ =	swait.ge [sflag:s23], $0x1  }
0xa3: {  	[sflag:s23] =	ssyncset.done $0x0  }
0xa4: {  	[sflag:s23] =	ssyncadd.s32 $0xFFFFFFFF  }
0xa5: {  	s4 =	sld [smem:$0x0]  }
0xa6: {  	s5 =	sand.u32 $0xFFFFFFFE, s1  }
0xa7: {  	p0 =	sne.s32 s1, s5  }
0xa8: {  	s5 =	sshll.u32 @p0 s5, $0xE  }
0xa9: {  	s5 =	sadd.s32 @p0 $0x11B8D, s5;
	s6 =	sshll.u32 @p0 s4, $0x11  }
0xaa: {  	s5 =	sor.u32 @p0 s6, s5  }
0xab: {  	[sflag:s5] =	ssyncadd.remote.s32 @p0 $0x1;
	_ =	sdelay $0x1  }
0xac: {  	s5 =	simm.s32 @p0 $0x1B8D  }
0xad: {  	_ =	swait.eq @p0 [sflag:s5], $0x1  }
0xae: {  	[sflag:s5] =	ssyncadd.s32 @p0 $0xFFFFFFFF  }
0xaf: {  	s6 =	sshll.u32 @!p0 s1, $0xE  }
0xb0: {  	s6 =	sor.u32 @!p0 $0x4000, s6;
	s5 =	simm.s32 @!p0 $0x1B8D  }
0xb1: {  	s4 =	sshll.u32 @!p0 s4, $0x11;
	s6 =	sadd.s32 @!p0 $0x11B8D, s6;
	_ =	swait.eq @!p0 [sflag:s5], $0x1  }
0xb2: {  	s4 =	sor.u32 @!p0 s4, s6;
	[sflag:s5] =	ssyncadd.s32 @!p0 $0xFFFFFFFF  }
0xb3: {  	s25 =	simm.s32 $0x1B8E;
	s24 =	sld [smem:$0x3FFE];
	[sflag:s4] =	ssyncadd.remote.s32 @!p0 $0x1  }
0xb4: {  	s26 =	simm.s32 $execute0_lowered;
	[smem:$0x3FD2] =	sst s25  }
0xb5: {  	s5 =	sshll.u32 s26, $0x1;
	_ =	strace $0x80000052;
	[dreg:$0x1] =	wrdreg $0xFFFFFFFF  }
0xb6: {  	s28 =	simm.s32 $_size_execute0_lowered;
	s3 =	sadd.s32 s3, s5;
	[dreg:$0x0] =	wrdreg $0x0  }
0xb7: {  	s5 =	sshll.u32 s28, $0x1;
	[dreg:$0x2] =	wrdreg s3  }
0xb8: {  	[dreg:$0x3] =	wrdreg s5  }
0xb9: {  	[dreg:$0x4] =	wrdreg $0xC0  }
0xba: {  	_ =	task [dreg:s22], $0x5FFFF  }
0xbb: {  	[dreg:$0x1] =	wrdreg $0xFFFFFFFF  }
0xbc: {  	[dreg:$0x0] =	wrdreg $0x60  }
0xbd: {  	[dreg:$0x2] =	wrdreg s24  }
0xbe: {  	[dreg:$0x3] =	wrdreg $0xA3000  }
0xbf: {  	[dreg:$0x4] =	wrdreg $0x9  }
0xc0: {  	_ =	task.clear_ibuf [dreg:s22], $0x5FFFF;
	_ =	strace $0x90000052  }
0xc1: {  	s29 =	simm.s32 $0x9;
	_ =	strace $0x80000054  }
0xc2: {  	_ =	swait.ge [sflag:s29], $0x1  }
0xc3: {  	[sflag:s29] =	ssyncadd.s32 $0xFFFFFFFF  }
0xc4: {  	_ =	strace $0x90000054  }
0xc5: {  	_ =	sfence  }
0xc6: {  	s30 =	sld [smem:$0x0];
	_ =	sdelay $0x2  }
0xc7: {  	s31 =	sshll.u32 s1, $0xD;
	s1 =	sshrl.u32 s1, $0x2  }
0xc8: {  	s4 =	sand.u32 $0x4000, s31;
	s1 =	sadd.s32 s1, s30  }
0xc9: {  	s0 =	sor.u32 s4, s0;
	s1 =	sshll.u32 s1, $0x11  }
0xca: {  	s0 =	sor.u32 s1, s0  }
0xcb: {  	s0 =	sadd.s32 $0x8F2B, s0  }
0xcc: {  	[sflag:s0] =	ssyncadd.remote.s32 $0x1  }
0xcd: {  	_ =	sfence.sel $0xFFFF  }
0xce: {  	[dreg:$0x0] =	wrdreg $0xFFFFFFFF;
	(pc) =	sbr.abs _section_cstart, $3  }
0xcf: {  	[dreg:$0x1] =	wrdreg $0xFFFFFFFF  }
0xd0: {  	_ =	task.clear_ibuf [dreg:s22], $0x2FFFF;
	_ =	strace $0x9FFFFFFF  }
0xd1: {  	(tm) =	ssettm $0x7FFFFFFF  }
tec
execute0_lowered:
.L_overlay_start_1:
0x0: {  	(tag) =	ssettag $0x1  }
0x1: {  	s1 =	stileid.u32  }
0x2: {  	s4 =	rddreg [dreg:$0x0];
	s5 =	smul.u32 $0x1F400, s1  }
0x3: {  	s2 =	rddreg [dreg:$0x1];
	s3 =	simm.s32 $0x0;
	s24 =	smul.u32 $0x50000, s1  }
0x4: {  	s23 =	srdreg.scid;
	s18 =	simm.s32 $0x1;
	s8 =	smul.u32 $0x1F40, s1  }
0x5: {  	s19 =	simm.s32 $0xA0;
	s20 =	simm.s32 $0xA200;
	s14 =	smul.u32 $0x4E000, s1  }
0x6: {  	s21 =	simm.s32 $0x2;
	[smem:$0x7FF] =	sst s3;
	s16 =	smul.u32 $0x2700, s1  }
0x7: {  	s11 =	sadd.s32 $0x57E00, s4;
	s10 =	sand.u32 $0x1, s23;
	s29 =	smul.u32 $0x3E8, s1  }
0x8: {  	s12 =	sadd.s32 $0x5E5600, s4;
	p0 =	sne.s32 s1, $0xF;
	s22 =	smul.u32 $0xFFFFD8F0, s10  }
0x9: {  	_ =	strace $0x80000053;
	s25 =	ssub.s32 $0x2, s10;
	s15 =	smul.u32 $0x27100, s10  }
0xa: {  	s17 =	smul.u32 $0x138800, s10;
	s9 =	sadd.s32 s5, s4;
	s6 =	sshrl.u32 s25, $0x1  }
0xb: {  	s5 =	sshrl.u32 s24, $0x2;
	s8 =	sshrl.u32 s8, $0x3;
	s26 =	sshrl.u32 s14, $0x2  }
0xc: {  	s24 =	sadd.s32 $0x138000, s2;
	s31 =	sadd.s32 s29, s11;
	s14 =	simm.s32 $0x3  }
0xd: {  	s13 =	ssub.s32 s25, s6;
	s4 =	sadd.s32 s5, s2;
	s8 =	sadd.s32 s11, s8  }
0xe: {  	s9 =	sadd.s32 $0x8CE00, s9;
	s28 =	sadd.s32 s16, s15;
	s23 =	sadd.s32 s26, s2  }
0xf: {  	s30 =	sshrl.u32 s17, $0x3;
	s15 =	simm.s32 $0xA000;
	s16 =	simm.s32 $0xA100  }
0x10: {  	s17 =	simm.s32 $0x5000;
	s5 =	sadd.s32 $0x5000, s4;
	s6 =	sadd.s32 $0xA000, s4  }
0x11: {  	s7 =	sadd.s32 $0xF000, s4;
	s10 =	sadd.s32 s12, s28;
	s12 =	sadd.s32 s12, s30  }
0x12: {  	v0 =	vmov s22;
	s22 =	sshrl.u32 s23, $0x3;
	s23 =	sshrl.u32 @!p0 s24, $0x3;
	s24 =	simm.s32 $0x0  }
0x13: {  	v1 =	vimm.f32 $0.0e+00;
	s11 =	sadd.s32 $0x27000, s12;
	s12 =	smax.u32 s13, $0x1;
	s13 =	sadd.s32 $0x28, s31  }
.LBB2_1:
0x14: {  	s25 =	simm.s32 $0x0;
	s26 =	simm.s32 $0x200  }
.LBB2_2:
0x15: {  	p1 =	sne.s32 s26, $0x13E00;
	[tilespmem:s25+$0x70] =	vst v1  }
0x16: {  	[tilespmem:s25+$0x0] =	vst v1  }
0x17: {  	[tilespmem:s25+$0x10] =	vst v1  }
.Ltmp0:
0x18: {  	[tilespmem:s25+$0x20] =	vst v1;
	(pc) =	sbr.rel @p1 .LBB2_2-.Ltmp0, $4  }
0x19: {  	[tilespmem:s25+$0x30] =	vst v1  }
0x1a: {  	[tilespmem:s25+$0x40] =	vst v1  }
0x1b: {  	[tilespmem:s25+$0x50] =	vst v1  }
0x1c: {  	[tilespmem:s25+$0x60] =	vst v1;
	s25 =	sshra.s32 s26, $0x2;
	s26 =	sadd.s32 $0x200, s26  }
0x1d: {  	[tilespmem:s25+$0x70] =	vst v1  }
0x1e: {  	[tilespmem:s25+$0x0] =	vst v1  }
0x1f: {  	[tilespmem:s25+$0x10] =	vst v1  }
0x20: {  	[tilespmem:s25+$0x20] =	vst v1  }
0x21: {  	[tilespmem:s25+$0x30] =	vst v1  }
0x22: {  	[tilespmem:s25+$0x40] =	vst v1  }
0x23: {  	[tilespmem:s25+$0x50] =	vst v1  }
0x24: {  	[tilespmem:s25+$0x60] =	vst v1;
	s26 =	simm.s32 $0x0  }
0x25: {  	[spmem:s4] =	stream.linear.scatter [tilespmem:s26], [sflag:$0x3], $0x5000, $0x38;
	[tilespmem:$0x1E300] =	vst v63  }
0x26: {  	_ =	swait.ge [sflag:s14], $0x5000  }
0x27: {  	[sflag:s14] =	ssyncset.done $0x0  }
0x28: {  	[sflag:s14] =	ssyncadd.s32 $0xFFFFB000  }
0x29: {  	[spmem:s5] =	stream.linear.scatter [tilespmem:s26], [sflag:$0x3], $0x5000, $0x38;
	[tilespmem:$0x1E300] =	vst v63  }
0x2a: {  	_ =	swait.ge [sflag:s14], $0x5000  }
0x2b: {  	[sflag:s14] =	ssyncset.done $0x0  }
0x2c: {  	[sflag:s14] =	ssyncadd.s32 $0xFFFFB000  }
0x2d: {  	[spmem:s6] =	stream.linear.scatter [tilespmem:s26], [sflag:$0x3], $0x5000, $0x38;
	[tilespmem:$0x1E300] =	vst v63  }
0x2e: {  	_ =	swait.ge [sflag:s14], $0x5000  }
0x2f: {  	[sflag:s14] =	ssyncset.done $0x0  }
0x30: {  	[sflag:s14] =	ssyncadd.s32 $0xFFFFB000  }
0x31: {  	[spmem:s7] =	stream.linear.scatter [tilespmem:s26], [sflag:$0x3], $0x5000, $0x38;
	[tilespmem:$0x1E300] =	vst v63  }
0x32: {  	_ =	swait.ge [sflag:s14], $0x5000  }
0x33: {  	[sflag:s14] =	ssyncset.done $0x0  }
0x34: {  	[sflag:s14] =	ssyncadd.s32 $0xFFFFB000  }
0x35: {  	[bflag:$0x0] =	sbarrier.arrive $0xFFFF  }
0x36: {  	[tilespmem:s15], [sflag:$0x1] =	stream.linear.gather [hbm4b:s8+s26], $0xA0, $0x38;
	[tilespmem:$0x1E300] =	vst v63  }
0x37: {  	_ = 	snop  }
0x38: {  	[tilespmem:s26], [sflag:$0x1] =	stream.linear.gather [hbm4b:s9+s26], $0x5000, $0x38;
	[tilespmem:$0x1E300] =	vst v63  }
0x39: {  	s30 =	sadd.s32 $0xFFFFFFEC, s13;
	s26 =	sadd.s32 $0x0, s9  }
0x3a: {  	[tilespmem:s16], [sflag:$0x2] =	stream.linear.gather [hbm4b:s30+s3], $0xA0, $0x38;
	[tilespmem:$0x1E300] =	vst v63  }
0x3b: {  	s31 =	sadd.s32 $0xA00, s26  }
0x3c: {  	[tilespmem:s17], [sflag:$0x2] =	stream.linear.gather [hbm4b:s31+s3], $0x5000, $0x38;
	[tilespmem:$0x1E300] =	vst v63  }
0x3d: {  	_ =	swait.ge [sflag:s18], $0xA0  }
0x3e: {  	[sflag:s18] =	ssyncset.done $0x0  }
0x3f: {  	[sflag:s18] =	ssyncadd.s32 $0xFFFFFF60  }
0x40: {  	_ =	swait.ge [sflag:s18], $0x5000  }
0x41: {  	[sflag:s18] =	ssyncset.done $0x0  }
0x42: {  	[sflag:s18] =	ssyncadd.s32 $0xFFFFB000  }
0x43: {  	v2 =	vld [tilespmem:$0xA090]  }
0x44: {  	v3 =	vld [tilespmem:$0xA080]  }
0x45: {  	v4 =	vld [tilespmem:$0xA070]  }
0x46: {  	v5 =	vld [tilespmem:$0xA040]  }
0x47: {  	v6 =	vld [tilespmem:$0xA050]  }
0x48: {  	v8 =	vld [tilespmem:$0xA000];
	v2 =	vadd.s32 v0, v2  }
0x49: {  	v7 =	vld [tilespmem:$0xA030];
	v3 =	vadd.s32 v0, v3;
	v2 =	vmin.u32 v2, $0x2710  }
0x4a: {  	v9 =	vld [tilespmem:$0xA060];
	v4 =	vadd.s32 v0, v4;
	v3 =	vmin.u32 v3, $0x2710;
	[tilespmem:$0xA290] =	vst v2  }
0x4b: {  	v5 =	vadd.s32 v0, v5;
	v4 =	vmin.u32 v4, $0x2710;
	v2 =	vld [tilespmem:$0xA020];
	[tilespmem:$0xA280] =	vst v3  }
0x4c: {  	v6 =	vadd.s32 v0, v6;
	v5 =	vmin.u32 v5, $0x2710;
	v3 =	vld [tilespmem:$0xA010];
	[tilespmem:$0xA270] =	vst v4  }
0x4d: {  	v53 =	vadd.s32 v0, v8;
	v52 =	vmin.u32 v6, $0x2710;
	[tilespmem:$0xA240] =	vst v5  }
0x4e: {  	v51 =	vadd.s32 v0, v7;
	v54 =	vmin.u32 v53, $0x2710;
	[tilespmem:$0xA250] =	vst v52  }
0x4f: {  	v55 =	vadd.s32 v0, v9;
	v4 =	vmin.u32 v51, $0x2710;
	[tilespmem:$0xA200] =	vst v54  }
0x50: {  	[tilespmem:$0xA230] =	vst v4;
	v4 =	vmin.u32 v55, $0x2710;
	v2 =	vadd.s32 v0, v2  }
0x51: {  	[tilespmem:$0xA260] =	vst v4;
	v3 =	vadd.s32 v0, v3;
	v2 =	vmin.u32 v2, $0x2710  }
0x52: {  	v3 =	vmin.u32 v3, $0x2710;
	[tilespmem:$0xA220] =	vst v2  }
0x53: {  	[tilespmem:$0xA210] =	vst v3  }
0x54: {  	[spmem:s2] =	stream.indirect.scatter.add.f32 [tilespmem:s3], [sflag:$0x3], $0x80, s20, s19, $0xb8;
	[tilespmem:$0x1E300] =	vst v63  }
0x55: {  	_ =	swait.ge [sflag:s14], $0x5000  }
0x56: {  	p1 =	por $0x0, $0x0;
	[sflag:s14] =	ssyncset.done $0x0  }
0x57: {  	s25 =	simm.s32 @!p1 $0x0;
	s26 =	simm.s32 @!p1 $0xA000;
	[sflag:s14] =	ssyncadd.s32 $0xFFFFB000  }
0x58: {  	[tilespmem:s26], [sflag:$0x1] =	stream.linear.gather @!p1 [hbm4b:s13+s25], $0xA0, $0x38;
	[tilespmem:$0x1E300] =	vst v63  }
0x59: {  	s26 =	sadd.s32 @!p1 $0x0, s9  }
0x5a: {  	s26 =	sadd.s32 @!p1 $0x1400, s26  }
0x5b: {  	[tilespmem:s25], [sflag:$0x1] =	stream.linear.gather @!p1 [hbm4b:s26+s25], $0x5000, $0x38;
	[tilespmem:$0x1E300] =	vst v63  }
0x5c: {  	_ =	swait.ge [sflag:s21], $0xA0  }
0x5d: {  	[sflag:s21] =	ssyncset.done $0x0  }
0x5e: {  	[sflag:s21] =	ssyncadd.s32 $0xFFFFFF60  }
0x5f: {  	_ =	swait.ge [sflag:s21], $0x5000  }
0x60: {  	[sflag:s21] =	ssyncset.done $0x0  }
0x61: {  	[sflag:s21] =	ssyncadd.s32 $0xFFFFB000  }
0x62: {  	v2 =	vld [tilespmem:$0xA100]  }
0x63: {  	v3 =	vld [tilespmem:$0xA110]  }
0x64: {  	v56 =	vld [tilespmem:$0xA120]  }
0x65: {  	v57 =	vld [tilespmem:$0xA170]  }
0x66: {  	v58 =	vld [tilespmem:$0xA140]  }
0x67: {  	v59 =	vld [tilespmem:$0xA150];
	v2 =	vadd.s32 v0, v2  }
0x68: {  	v60 =	vld [tilespmem:$0xA130];
	v3 =	vadd.s32 v0, v3;
	v2 =	vmin.u32 v2, $0x2710  }
0x69: {  	v61 =	vld [tilespmem:$0xA160];
	[tilespmem:$0xA200] =	vst v2;
	v2 =	vmin.u32 v3, $0x2710;
	v3 =	vadd.s32 v0, v56  }
0x6a: {  	v62 =	vld [tilespmem:$0xA180];
	[tilespmem:$0xA210] =	vst v2;
	v2 =	vmin.u32 v3, $0x2710;
	v3 =	vadd.s32 v0, v57  }
0x6b: {  	v63 =	vld [tilespmem:$0xA190];
	[tilespmem:$0xA220] =	vst v2;
	v2 =	vadd.s32 v0, v58;
	v3 =	vmin.u32 v3, $0x2710  }
0x6c: {  	v7 =	vadd.s32 v0, v59;
	v2 =	vmin.u32 v2, $0x2710;
	[tilespmem:$0xA270] =	vst v3  }
0x6d: {  	v3 =	vadd.s32 v0, v60;
	[tilespmem:$0xA240] =	vst v2;
	v2 =	vmin.u32 v7, $0x2710  }
0x6e: {  	v3 =	vmin.u32 v3, $0x2710;
	[tilespmem:$0xA250] =	vst v2;
	v2 =	vadd.s32 v0, v61  }
0x6f: {  	[tilespmem:$0xA230] =	vst v3;
	v3 =	vadd.s32 v0, v62;
	v2 =	vmin.u32 v2, $0x2710  }
0x70: {  	[tilespmem:$0xA260] =	vst v2;
	v2 =	vmin.u32 v3, $0x2710;
	v3 =	vadd.s32 v0, v63  }
0x71: {  	[tilespmem:$0xA280] =	vst v2;
	v2 =	vmin.u32 v3, $0x2710  }
0x72: {  	[tilespmem:$0xA290] =	vst v2  }
0x73: {  	[spmem:s2] =	stream.indirect.scatter.add.f32 [tilespmem:s17], [sflag:$0x3], $0x80, s20, s19, $0xb8;
	[tilespmem:$0x1E300] =	vst v63  }
0x74: {  	s28 =	sadd.s32 $0x28, s13;
	s29 =	simm.s32 $0x2800;
	_ =	swait.ge [sflag:s14], $0x5000  }
0x75: {  	s25 =	simm.s32 $0x1400;
	s26 =	smov.u32 s28;
	[sflag:s14] =	ssyncset.done $0x0  }
.LBB2_4:
0x76: {  	s28 =	sadd.s32 $0x28, s28  }
0x77: {  	[sflag:s14] =	ssyncadd.s32 $0xFFFFB000;
	s30 =	smov.u32 s29;
	s29 =	sadd.s32 $0x1400, s29  }
0x78: {  	s31 =	sadd.s32 $0xFFFFFFEC, s26;
	s0 =	sadd.s32 s25, s9;
	p1 =	sne.s32 s29, $0x1F400  }
0x79: {  	[tilespmem:s16], [sflag:$0x2] =	stream.linear.gather [hbm4b:s31+s3], $0xA0, $0x38;
	[tilespmem:$0x1E300] =	vst v63  }
0x7a: {  	s0 =	sadd.s32 $0xA00, s0  }
0x7b: {  	[tilespmem:s17], [sflag:$0x2] =	stream.linear.gather [hbm4b:s0+s3], $0x5000, $0x38;
	[tilespmem:$0x1E300] =	vst v63  }
0x7c: {  	_ =	swait.ge [sflag:s18], $0xA0  }
0x7d: {  	[sflag:s18] =	ssyncset.done $0x0  }
0x7e: {  	[sflag:s18] =	ssyncadd.s32 $0xFFFFFF60  }
0x7f: {  	_ =	swait.ge [sflag:s18], $0x5000  }
0x80: {  	[sflag:s18] =	ssyncset.done $0x0  }
0x81: {  	[sflag:s18] =	ssyncadd.s32 $0xFFFFB000  }
0x82: {  	v2 =	vld [tilespmem:$0xA090]  }
0x83: {  	v3 =	vld [tilespmem:$0xA080]  }
0x84: {  	v4 =	vld [tilespmem:$0xA070]  }
0x85: {  	v5 =	vld [tilespmem:$0xA040]  }
0x86: {  	v6 =	vld [tilespmem:$0xA050]  }
0x87: {  	v7 =	vld [tilespmem:$0xA030];
	v2 =	vadd.s32 v0, v2  }
0x88: {  	v8 =	vld [tilespmem:$0xA000];
	v3 =	vadd.s32 v0, v3;
	v2 =	vmin.u32 v2, $0x2710  }
0x89: {  	v9 =	vld [tilespmem:$0xA060];
	v4 =	vadd.s32 v0, v4;
	v3 =	vmin.u32 v3, $0x2710;
	[tilespmem:$0xA290] =	vst v2  }
0x8a: {  	v2 =	vld [tilespmem:$0xA020];
	v5 =	vadd.s32 v0, v5;
	v4 =	vmin.u32 v4, $0x2710;
	[tilespmem:$0xA280] =	vst v3  }
0x8b: {  	v3 =	vld [tilespmem:$0xA010];
	v5 =	vmin.u32 v5, $0x2710;
	v6 =	vadd.s32 v0, v6;
	[tilespmem:$0xA270] =	vst v4  }
0x8c: {  	v4 =	vadd.s32 v0, v7;
	[tilespmem:$0xA240] =	vst v5;
	v5 =	vmin.u32 v6, $0x2710  }
0x8d: {  	v6 =	vadd.s32 v0, v8;
	v4 =	vmin.u32 v4, $0x2710;
	[tilespmem:$0xA250] =	vst v5  }
0x8e: {  	v5 =	vmin.u32 v6, $0x2710;
	[tilespmem:$0xA230] =	vst v4;
	v4 =	vadd.s32 v0, v9  }
0x8f: {  	[tilespmem:$0xA200] =	vst v5;
	v2 =	vadd.s32 v0, v2;
	v4 =	vmin.u32 v4, $0x2710  }
0x90: {  	v3 =	vadd.s32 v0, v3;
	v2 =	vmin.u32 v2, $0x2710;
	[tilespmem:$0xA260] =	vst v4  }
0x91: {  	v3 =	vmin.u32 v3, $0x2710;
	[tilespmem:$0xA220] =	vst v2  }
0x92: {  	[tilespmem:$0xA210] =	vst v3  }
0x93: {  	[spmem:s2] =	stream.indirect.scatter.add.f32 [tilespmem:s3], [sflag:$0x3], $0x80, s20, s19, $0xb8;
	[tilespmem:$0x1E300] =	vst v63  }
0x94: {  	_ =	swait.ge [sflag:s14], $0x5000  }
0x95: {  	p2 =	seq.s32 s25, $0x1E000;
	[sflag:s14] =	ssyncset.done $0x0  }
0x96: {  	s31 =	simm.s32 @!p2 $0xA000;
	s0 =	simm.s32 @!p2 $0x0;
	[sflag:s14] =	ssyncadd.s32 $0xFFFFB000  }
0x97: {  	[tilespmem:s31], [sflag:$0x1] =	stream.linear.gather @!p2 [hbm4b:s26+s0], $0xA0, $0x38;
	[tilespmem:$0x1E300] =	vst v63  }
0x98: {  	s31 =	sadd.s32 @!p2 s25, s9;
	s25 =	smov.u32 s30;
	s26 =	smov.u32 s28  }
0x99: {  	s30 =	sadd.s32 @!p2 $0x1400, s31  }
0x9a: {  	[tilespmem:s0], [sflag:$0x1] =	stream.linear.gather @!p2 [hbm4b:s30+s0], $0x5000, $0x38;
	[tilespmem:$0x1E300] =	vst v63  }
0x9b: {  	_ =	swait.ge [sflag:s21], $0xA0  }
0x9c: {  	[sflag:s21] =	ssyncset.done $0x0  }
0x9d: {  	[sflag:s21] =	ssyncadd.s32 $0xFFFFFF60  }
0x9e: {  	_ =	swait.ge [sflag:s21], $0x5000  }
0x9f: {  	[sflag:s21] =	ssyncset.done $0x0  }
0xa0: {  	[sflag:s21] =	ssyncadd.s32 $0xFFFFB000  }
0xa1: {  	v2 =	vld [tilespmem:$0xA100]  }
0xa2: {  	v3 =	vld [tilespmem:$0xA110]  }
0xa3: {  	v4 =	vld [tilespmem:$0xA120]  }
0xa4: {  	v5 =	vld [tilespmem:$0xA170]  }
0xa5: {  	v6 =	vld [tilespmem:$0xA140]  }
0xa6: {  	v2 =	vadd.s32 v0, v2;
	v7 =	vld [tilespmem:$0xA150]  }
0xa7: {  	v2 =	vmin.u32 v2, $0x2710;
	v3 =	vadd.s32 v0, v3;
	v8 =	vld [tilespmem:$0xA130]  }
0xa8: {  	[tilespmem:$0xA200] =	vst v2;
	v2 =	vmin.u32 v3, $0x2710;
	v3 =	vadd.s32 v0, v4;
	v4 =	vld [tilespmem:$0xA160]  }
0xa9: {  	[tilespmem:$0xA210] =	vst v2;
	v2 =	vmin.u32 v3, $0x2710;
	v3 =	vadd.s32 v0, v5;
	v5 =	vld [tilespmem:$0xA180]  }
0xaa: {  	[tilespmem:$0xA220] =	vst v2;
	v2 =	vadd.s32 v0, v6;
	v3 =	vmin.u32 v3, $0x2710;
	v6 =	vld [tilespmem:$0xA190]  }
0xab: {  	v2 =	vmin.u32 v2, $0x2710;
	v7 =	vadd.s32 v0, v7;
	[tilespmem:$0xA270] =	vst v3  }
0xac: {  	v3 =	vadd.s32 v0, v8;
	[tilespmem:$0xA240] =	vst v2;
	v2 =	vmin.u32 v7, $0x2710  }
0xad: {  	v3 =	vmin.u32 v3, $0x2710;
	[tilespmem:$0xA250] =	vst v2;
	v2 =	vadd.s32 v0, v4  }
0xae: {  	[tilespmem:$0xA230] =	vst v3;
	v2 =	vmin.u32 v2, $0x2710;
	v3 =	vadd.s32 v0, v5  }
0xaf: {  	[tilespmem:$0xA260] =	vst v2;
	v2 =	vmin.u32 v3, $0x2710;
	v3 =	vadd.s32 v0, v6  }
.Ltmp1:
0xb0: {  	[tilespmem:$0xA280] =	vst v2;
	v2 =	vmin.u32 v3, $0x2710;
	(pc) =	sbr.rel @p1 .LBB2_4-.Ltmp1, $4  }
0xb1: {  	[tilespmem:$0xA290] =	vst v2  }
0xb2: {  	[spmem:s2] =	stream.indirect.scatter.add.f32 [tilespmem:s17], [sflag:$0x3], $0x80, s20, s19, $0xb8;
	[tilespmem:$0x1E300] =	vst v63  }
0xb3: {  	_ =	swait.ge [sflag:s14], $0x5000  }
0xb4: {  	[sflag:s14] =	ssyncset.done $0x0  }
0xb5: {  	[sflag:s14] =	ssyncadd.s32 $0xFFFFB000;
	s0 =	sadd.s32 $0xFFFFFFEC, s26;
	s28 =	sadd.s32 s25, s9  }
0xb6: {  	[tilespmem:s16], [sflag:$0x2] =	stream.linear.gather [hbm4b:s0+s3], $0xA0, $0x38;
	[tilespmem:$0x1E300] =	vst v63  }
0xb7: {  	s30 =	sadd.s32 $0xA00, s28  }
0xb8: {  	[tilespmem:s17], [sflag:$0x2] =	stream.linear.gather [hbm4b:s30+s3], $0x5000, $0x38;
	[tilespmem:$0x1E300] =	vst v63  }
0xb9: {  	_ =	swait.ge [sflag:s18], $0xA0  }
0xba: {  	[sflag:s18] =	ssyncset.done $0x0  }
0xbb: {  	[sflag:s18] =	ssyncadd.s32 $0xFFFFFF60  }
0xbc: {  	_ =	swait.ge [sflag:s18], $0x5000  }
0xbd: {  	[sflag:s18] =	ssyncset.done $0x0  }
0xbe: {  	[sflag:s18] =	ssyncadd.s32 $0xFFFFB000  }
0xbf: {  	v2 =	vld [tilespmem:$0xA090]  }
0xc0: {  	v3 =	vld [tilespmem:$0xA080]  }
0xc1: {  	v4 =	vld [tilespmem:$0xA070]  }
0xc2: {  	v5 =	vld [tilespmem:$0xA040]  }
0xc3: {  	v6 =	vld [tilespmem:$0xA050]  }
0xc4: {  	v8 =	vld [tilespmem:$0xA000];
	v2 =	vadd.s32 v0, v2  }
0xc5: {  	v7 =	vld [tilespmem:$0xA030];
	v3 =	vadd.s32 v0, v3;
	v2 =	vmin.u32 v2, $0x2710  }
0xc6: {  	v9 =	vld [tilespmem:$0xA060];
	v4 =	vadd.s32 v0, v4;
	v3 =	vmin.u32 v3, $0x2710;
	[tilespmem:$0xA290] =	vst v2  }
0xc7: {  	v5 =	vadd.s32 v0, v5;
	v4 =	vmin.u32 v4, $0x2710;
	v2 =	vld [tilespmem:$0xA020];
	[tilespmem:$0xA280] =	vst v3  }
0xc8: {  	v6 =	vadd.s32 v0, v6;
	v5 =	vmin.u32 v5, $0x2710;
	v3 =	vld [tilespmem:$0xA010];
	[tilespmem:$0xA270] =	vst v4  }
0xc9: {  	v53 =	vadd.s32 v0, v8;
	v52 =	vmin.u32 v6, $0x2710;
	[tilespmem:$0xA240] =	vst v5  }
0xca: {  	v51 =	vadd.s32 v0, v7;
	v54 =	vmin.u32 v53, $0x2710;
	[tilespmem:$0xA250] =	vst v52  }
0xcb: {  	v55 =	vadd.s32 v0, v9;
	v4 =	vmin.u32 v51, $0x2710;
	[tilespmem:$0xA200] =	vst v54  }
0xcc: {  	[tilespmem:$0xA230] =	vst v4;
	v4 =	vmin.u32 v55, $0x2710;
	v2 =	vadd.s32 v0, v2  }
0xcd: {  	[tilespmem:$0xA260] =	vst v4;
	v3 =	vadd.s32 v0, v3;
	v2 =	vmin.u32 v2, $0x2710  }
0xce: {  	v3 =	vmin.u32 v3, $0x2710;
	[tilespmem:$0xA220] =	vst v2  }
0xcf: {  	[tilespmem:$0xA210] =	vst v3  }
0xd0: {  	[spmem:s2] =	stream.indirect.scatter.add.f32 [tilespmem:s3], [sflag:$0x3], $0x80, s20, s19, $0xb8;
	[tilespmem:$0x1E300] =	vst v63  }
0xd1: {  	p1 =	seq.s32 s25, $0x1E000;
	_ =	swait.ge [sflag:s14], $0x5000  }
0xd2: {  	s0 =	simm.s32 @!p1 $0x0;
	[sflag:s14] =	ssyncset.done $0x0  }
0xd3: {  	s28 =	simm.s32 @!p1 $0xA000;
	s25 =	sadd.s32 @!p1 s25, s9;
	[sflag:s14] =	ssyncadd.s32 $0xFFFFB000  }
0xd4: {  	[tilespmem:s28], [sflag:$0x1] =	stream.linear.gather @!p1 [hbm4b:s26+s0], $0xA0, $0x38;
	[tilespmem:$0x1E300] =	vst v63  }
0xd5: {  	s25 =	sadd.s32 @!p1 $0x1400, s25  }
0xd6: {  	[tilespmem:s0], [sflag:$0x1] =	stream.linear.gather @!p1 [hbm4b:s25+s0], $0x5000, $0x38;
	[tilespmem:$0x1E300] =	vst v63  }
0xd7: {  	_ =	swait.ge [sflag:s21], $0xA0  }
0xd8: {  	[sflag:s21] =	ssyncset.done $0x0  }
0xd9: {  	[sflag:s21] =	ssyncadd.s32 $0xFFFFFF60  }
0xda: {  	_ =	swait.ge [sflag:s21], $0x5000  }
0xdb: {  	[sflag:s21] =	ssyncset.done $0x0  }
0xdc: {  	[sflag:s21] =	ssyncadd.s32 $0xFFFFB000  }
0xdd: {  	v2 =	vld [tilespmem:$0xA100]  }
0xde: {  	v3 =	vld [tilespmem:$0xA110]  }
0xdf: {  	v56 =	vld [tilespmem:$0xA120]  }
0xe0: {  	v57 =	vld [tilespmem:$0xA170]  }
0xe1: {  	v58 =	vld [tilespmem:$0xA140]  }
0xe2: {  	v59 =	vld [tilespmem:$0xA150];
	v2 =	vadd.s32 v0, v2  }
0xe3: {  	v60 =	vld [tilespmem:$0xA130];
	v3 =	vadd.s32 v0, v3;
	v2 =	vmin.u32 v2, $0x2710  }
0xe4: {  	v61 =	vld [tilespmem:$0xA160];
	[tilespmem:$0xA200] =	vst v2;
	v2 =	vmin.u32 v3, $0x2710;
	v3 =	vadd.s32 v0, v56  }
0xe5: {  	v62 =	vld [tilespmem:$0xA180];
	[tilespmem:$0xA210] =	vst v2;
	v2 =	vmin.u32 v3, $0x2710;
	v3 =	vadd.s32 v0, v57  }
0xe6: {  	v63 =	vld [tilespmem:$0xA190];
	[tilespmem:$0xA220] =	vst v2;
	v2 =	vadd.s32 v0, v58;
	v3 =	vmin.u32 v3, $0x2710  }
0xe7: {  	v7 =	vadd.s32 v0, v59;
	v2 =	vmin.u32 v2, $0x2710;
	[tilespmem:$0xA270] =	vst v3  }
0xe8: {  	v3 =	vadd.s32 v0, v60;
	[tilespmem:$0xA240] =	vst v2;
	v2 =	vmin.u32 v7, $0x2710  }
0xe9: {  	v3 =	vmin.u32 v3, $0x2710;
	[tilespmem:$0xA250] =	vst v2;
	v2 =	vadd.s32 v0, v61  }
0xea: {  	[tilespmem:$0xA230] =	vst v3;
	v3 =	vadd.s32 v0, v62;
	v2 =	vmin.u32 v2, $0x2710  }
0xeb: {  	[tilespmem:$0xA260] =	vst v2;
	v2 =	vmin.u32 v3, $0x2710;
	v3 =	vadd.s32 v0, v63  }
0xec: {  	[tilespmem:$0xA280] =	vst v2;
	v2 =	vmin.u32 v3, $0x2710  }
0xed: {  	[tilespmem:$0xA290] =	vst v2  }
0xee: {  	[spmem:s2] =	stream.indirect.scatter.add.f32 [tilespmem:s17], [sflag:$0x3], $0x80, s20, s19, $0xb8;
	[tilespmem:$0x1E300] =	vst v63  }
0xef: {  	_ =	swait.ge [sflag:s14], $0x5000  }
0xf0: {  	[sflag:s14] =	ssyncset.done $0x0  }
0xf1: {  	s31 =	sshll.u32 s1, $0x6;
	[sflag:s14] =	ssyncadd.s32 $0xFFFFB000  }
0xf2: {  	s0 =	sor.u32 $0x1C03, s31;
	[bflag:$0x0] =	sbarrier.arrive $0xFFFF  }
0xf3: {  	[hbm:s10], [sflag:s0] =	dma.local [spmem:s22], $0x2700  }
0xf4: {  	_ =	swait.ge [sflag:s14], $0x2700  }
0xf5: {  	s24 =	sadd.s32 $0x1, s24;
	[sflag:s14] =	ssyncset.done $0x0  }
0xf6: {  	p1 =	sne.s32 s24, s12;
	[sflag:s14] =	ssyncadd.s32 $0xFFFFD900  }
0xf7: {  	[hbm:s11], [sflag:s0] =	dma.local @!p0 [spmem:s23], $0x100  }
.Ltmp2:
0xf8: {  	_ = 	snop;
	(pc) =	sbr.rel @p1 .LBB2_1-.Ltmp2, $4  }
0xf9: {  	s0 =	simm.s32 @!p0 $0x3  }
0xfa: {  	_ =	swait.ge @!p0 [sflag:s0], $0x100  }
0xfb: {  	[sflag:s0] =	ssyncset.done @!p0 $0x0  }
0xfc: {  	[sflag:s0] =	ssyncadd.s32 @!p0 $0xFFFFFF00  }
0xfd: {  	_ =	sfence.sel $0x180000  }
0xfe: {  	[bflag:$0x0] =	sbarrier.arrive $0xFFFF  }
0xff: {  	_ =	strace $0x90000053  }
0x100: {  	[bflag:$0x2] =	sbarrier.arrive $0xFFFF  }
0x101: {  	p0 =	sne.s32 s1, $0x0;
	s0 =	rddreg [dreg:$0x2]  }
0x102: {  	s0 =	sadd.s32 @!p0 $0x100000, s0  }
0x103: {  	[sflag:s0] =	ssyncadd.tile.s32 @!p0 $0x1;
	_ =	shalt  }
.Lfunc_end2:
_tile_overlayer_lowered:
.L_overlay_start_2:
0x104: {  	(tag) =	ssettag $0x2  }
0x105: {  	s0 =	rddreg [dreg:$0x0];
	s2 =	stileid.u32  }
0x106: {  	s1 =	rddreg [dreg:$0x1];
	p0 =	sne.s32 s2, $0x0  }
0x107: {  	s3 =	rddreg [dreg:$0x2];
	[bflag:$0x3] =	sbarrier.arrive $0xFFFF;
	s2 =	simm.s32 @!p0 $0x1C03  }
0x108: {  	[timem:s3], [sflag:s2] =	dma.local @!p0 [hbm:s0], s1  }
0x109: {  	s0 =	simm.s32 @!p0 $0x3  }
0x10a: {  	_ =	swait.ge @!p0 [sflag:s0], s1  }
0x10b: {  	s1 =	ssub.s32 @!p0 $0x0, s1;
	[sflag:s0] =	ssyncset.done @!p0 $0x0  }
0x10c: {  	[sflag:s0] =	ssyncadd.s32 @!p0 s1  }
0x10d: {  	[bflag:$0x3] =	sbarrier.arrive $0xFFFF  }
0x10e: {  	_ =	shalt  }

</sc_bundles>
